<compile_context>
chip_gen: v7x
topology: tpu7x:2x2x1
jax: 0.10.2.dev20260603
libtpu: 0.0.44.dev20260713+nightly
codegen_flags: <defaults>
</compile_context>

<pallas_src>
import functools

import jax
import jax.numpy as jnp
from jax import lax
from jax.experimental import pallas as pl
from jax.experimental.pallas import tpu as pltpu
from jax.experimental.pallas import tpu_sc as plsc

D = 768
L = 16
CH = 32
HJ = 24

_info = plsc.get_sparse_core_info()
NC = _info.num_cores
NS = _info.num_subcores
NW = NC * NS


@functools.lru_cache(maxsize=None)
def _build(n_tokens, vocab, d):
    assert d == D
    rows_per_w = n_tokens // NW
    ncl = rows_per_w // CH
    assert rows_per_w % CH == 0 and ncl % 2 == 0

    def body(ids2, seg2, wt, tt, out,
             idx2, segi, T_v, Td_v, W0, W1, O0, O1,
             gs0, gs1, ss0, ss1):
        wid = lax.axis_index("s") * NC + lax.axis_index("c")
        chunk0 = wid * ncl
        pltpu.async_copy(ids2.at[pl.ds(chunk0, ncl)], idx2, ss0)
        pltpu.async_copy(seg2.at[pl.ds(chunk0, ncl)], segi, ss1)
        pltpu.async_copy(tt, T_v, ss1)
        pltpu.make_async_copy(ids2.at[pl.ds(chunk0, ncl)], idx2, ss0).wait()

        Ws = (W0, W1)
        Os = (O0, O1)
        gss = (gs0, gs1)
        sss = (ss0, ss1)

        def g_copy(ci, b):
            return pltpu.make_async_copy(wt.at[idx2.at[ci]], Ws[b], gss[b])

        def s_copy(ci, b):
            base = (chunk0 + ci) * CH
            return pltpu.make_async_copy(
                Os[b], out.at[pl.ds(base, CH)], sss[b])

        def compute(ci, b):
            Wb, Ob = Ws[b], Os[b]
            for h in range(3):
                t0 = [T_v[0, pl.ds((16 * h + j) * L, L)] for j in range(16)]
                td = [Td_v[pl.ds((16 * h + j) * L, L)] for j in range(16)]

                def row_body(r2, c):
                    for u in range(2):
                        r = r2 * 2 + u
                        sf = plsc.load_gather(
                            segi, [jnp.full((L,), ci, jnp.int32),
                                   jnp.full((L,), r, jnp.int32)]
                        ).astype(jnp.float32)
                        for j in range(16):
                            col = (16 * h + j) * L
                            Ob[r, pl.ds(col, L)] = (
                                Wb[r, pl.ds(col, L)] + (t0[j] + sf * td[j]))
                    return c
                lax.fori_loop(0, CH // 2, row_body, 0)

        for b in range(2):
            g_copy(b, b).start()

        pltpu.make_async_copy(seg2.at[pl.ds(chunk0, ncl)], segi, ss1).wait()
        pltpu.make_async_copy(tt, T_v, ss1).wait()
        for j in range(D // L):
            Td_v[pl.ds(j * L, L)] = (
                T_v[1, pl.ds(j * L, L)] - T_v[0, pl.ds(j * L, L)])

        def outer(g2, c):
            for b in range(2):
                ci = 2 * g2 + b
                g_copy(ci, b).wait()

                @pl.when(ci >= 2)
                def _():
                    s_copy(ci - 2, b).wait()

                compute(ci, b)
                s_copy(ci, b).start()

                @pl.when(ci + 2 < ncl)
                def _():
                    g_copy(ci + 2, b).start()
            return c
        lax.fori_loop(0, ncl // 2, outer, 0)

        for b in range(2):
            s_copy(ncl - 2 + b, b).wait()

    return pl.kernel(
        body,
        out_type=jax.ShapeDtypeStruct((n_tokens, d), jnp.float32),
        mesh=plsc.VectorSubcoreMesh(core_axis_name="c", subcore_axis_name="s"),
        compiler_params=pltpu.CompilerParams(needs_layout_passes=False),
        scratch_types=[
            pltpu.VMEM((ncl, CH), jnp.int32),
            pltpu.VMEM((ncl, CH), jnp.int32),
            pltpu.VMEM((2, D), jnp.float32),
            pltpu.VMEM((D,), jnp.float32),
            pltpu.VMEM((CH, D), jnp.float32),
            pltpu.VMEM((CH, D), jnp.float32),
            pltpu.VMEM((CH, D), jnp.float32),
            pltpu.VMEM((CH, D), jnp.float32),
            pltpu.SemaphoreType.DMA,
            pltpu.SemaphoreType.DMA,
            pltpu.SemaphoreType.DMA,
            pltpu.SemaphoreType.DMA,
        ],
    )


@jax.jit
def kernel(input_ids, segment_ids, word_table, type_table):
    b, s = input_ids.shape
    n = b * s
    ids2 = input_ids.reshape(n // CH, CH).astype(jnp.int32)
    seg2 = segment_ids.reshape(n // CH, CH).astype(jnp.int32)
    fn = _build(n, word_table.shape[0], word_table.shape[1])
    out = fn(ids2, seg2, word_table, type_table)
    return out.reshape(b, s, word_table.shape[1])

# --- scband reference (transcript-rebuilt; emitter-appended) ---
"""Pipeline reference for scband-embedding-26688926778127 (READ-ONLY COPY).

The authoritative reference and input builder live on the scoring server;
editing this copy changes nothing except your own understanding.
"""

import jax, jax.numpy as jnp
import numpy as np

VOCAB_SIZE = 100000
HIDDEN_SIZE = 768
TYPE_VOCAB_SIZE = 2
BATCH = 4
SEQ_LEN = 8192


def setup_inputs(seed: int = 0) -> dict:
    key = jax.random.key(seed)
    k1, k2, k3, k4 = jax.random.split(key, 4)
    input_ids = jax.random.randint(k1, (BATCH, SEQ_LEN), 0, VOCAB_SIZE, dtype=jnp.int64 if jax.config.jax_enable_x64 else jnp.int32)
    segment_ids = jax.random.randint(k2, (BATCH, SEQ_LEN), 0, TYPE_VOCAB_SIZE, dtype=jnp.int64 if jax.config.jax_enable_x64 else jnp.int32)
    word_table = jax.random.normal(k3, (VOCAB_SIZE, HIDDEN_SIZE), dtype=jnp.float32) * 0.02
    type_table = jax.random.normal(k4, (TYPE_VOCAB_SIZE, HIDDEN_SIZE), dtype=jnp.float32) * 0.02
    return {
        "input_ids": input_ids,
        "segment_ids": segment_ids,
        "word_table": word_table,
        "type_table": type_table,
    }


def reference(input_ids, segment_ids, word_table, type_table):
    # word embedding lookup (gather)
    embedding_output = jnp.take(word_table, input_ids, axis=0)
    # token type embedding lookup (gather) and add
    embedding_output = embedding_output + jnp.take(type_table, segment_ids, axis=0)
    return embedding_output

if __name__ == "__main__":
    import jax
    _d = setup_inputs()
    print(jax.jit(kernel)(*tuple(_d.values())))

</pallas_src>

<mosaic_0001>
#map = affine_map<(d0, d1) -> (0, 0)>
module attributes {stable_mosaic.version = 14 : i64} {
  func.func @body(%arg0: i32, %arg1: i32, %arg2: memref<1024x32xi32, #tpu.memory_space<hbm>>, %arg3: memref<1024x32xi32, #tpu.memory_space<hbm>>, %arg4: memref<100000x768xf32, #tpu.memory_space<hbm>>, %arg5: memref<2x768xf32, #tpu.memory_space<hbm>>, %arg6: memref<32768x768xf32, #tpu.memory_space<hbm>>, %arg7: memref<32x32xi32, #tpu.memory_space<vmem>>, %arg8: memref<32x32xi32, #tpu.memory_space<vmem>>, %arg9: memref<2x768xf32, #tpu.memory_space<vmem>>, %arg10: memref<768xf32, #tpu.memory_space<vmem>>, %arg11: memref<32x768xf32, #tpu.memory_space<vmem>>, %arg12: memref<32x768xf32, #tpu.memory_space<vmem>>, %arg13: memref<32x768xf32, #tpu.memory_space<vmem>>, %arg14: memref<32x768xf32, #tpu.memory_space<vmem>>, %arg15: memref<!tpu.dma_semaphore, #tpu.memory_space<semaphore_mem>>, %arg16: memref<!tpu.dma_semaphore, #tpu.memory_space<semaphore_mem>>, %arg17: memref<!tpu.dma_semaphore, #tpu.memory_space<semaphore_mem>>, %arg18: memref<!tpu.dma_semaphore, #tpu.memory_space<semaphore_mem>>) attributes {dimension_semantics = [#tpu.dimension_semantics<core_parallel>, #tpu.dimension_semantics<subcore_parallel>], iteration_bounds = array<i64: 2, 16>, scalar_prefetch = 0 : i64, scratch_operands = 12 : i64, tpu.core_type = #tpu.core_type<sc_vector_subcore>, window_params = [{transform_indices = #map}, {transform_indices = #map}, {transform_indices = #map}, {transform_indices = #map}, {transform_indices = #map}]} {
    %mul3A = arith.constant 2 : i32
    %mul3A_0 = arith.muli %arg1, %mul3A : i32
    %add3A = arith.addi %mul3A_0, %arg0 : i32
    %mul3A_1 = arith.constant 32 : i32
    %mul3A_2 = arith.muli %add3A, %mul3A_1 : i32
    %dma_start3A = arith.constant 0 : i32
    %dma_start3A_3 = tpu.memref_slice %arg2[%mul3A_2, %dma_start3A] : memref<1024x32xi32, #tpu.memory_space<hbm>> -> memref<32x32xi32, #tpu.memory_space<hbm>>
    %dma_start3A_4 = arith.constant 0 : i32
    %dma_start3A_5 = tpu.memref_slice %arg2[%mul3A_2, %dma_start3A_4] : memref<1024x32xi32, #tpu.memory_space<hbm>> -> memref<32x32xi32, #tpu.memory_space<hbm>>
    tpu.enqueue_dma source(%dma_start3A_5 : memref<32x32xi32, #tpu.memory_space<hbm>>) target(%arg7 : memref<32x32xi32, #tpu.memory_space<vmem>>) target_semaphore(%arg17 : memref<!tpu.dma_semaphore, #tpu.memory_space<semaphore_mem>>)
    %dma_start3A_6 = arith.constant 0 : i32
    %dma_start3A_7 = tpu.memref_slice %arg3[%mul3A_2, %dma_start3A_6] : memref<1024x32xi32, #tpu.memory_space<hbm>> -> memref<32x32xi32, #tpu.memory_space<hbm>>
    %dma_start3A_8 = arith.constant 0 : i32
    %dma_start3A_9 = tpu.memref_slice %arg3[%mul3A_2, %dma_start3A_8] : memref<1024x32xi32, #tpu.memory_space<hbm>> -> memref<32x32xi32, #tpu.memory_space<hbm>>
    tpu.enqueue_dma source(%dma_start3A_9 : memref<32x32xi32, #tpu.memory_space<hbm>>) target(%arg8 : memref<32x32xi32, #tpu.memory_space<vmem>>) target_semaphore(%arg18 : memref<!tpu.dma_semaphore, #tpu.memory_space<semaphore_mem>>)
    tpu.enqueue_dma source(%arg5 : memref<2x768xf32, #tpu.memory_space<hbm>>) target(%arg9 : memref<2x768xf32, #tpu.memory_space<vmem>>) target_semaphore(%arg18 : memref<!tpu.dma_semaphore, #tpu.memory_space<semaphore_mem>>)
    %dma_wait3A = arith.constant 0 : i32
    %dma_wait3A_10 = tpu.memref_slice %arg2[%mul3A_2, %dma_wait3A] : memref<1024x32xi32, #tpu.memory_space<hbm>> -> memref<32x32xi32, #tpu.memory_space<hbm>>
    %dma_wait3A_11 = arith.constant 0 : i32
    %dma_wait3A_12 = tpu.memref_slice %arg2[%mul3A_2, %dma_wait3A_11] : memref<1024x32xi32, #tpu.memory_space<hbm>> -> memref<32x32xi32, #tpu.memory_space<hbm>>
    tpu.wait_dma2 semaphore(%arg17 : memref<!tpu.dma_semaphore, #tpu.memory_space<semaphore_mem>>) src(%dma_wait3A_12 : memref<32x32xi32, #tpu.memory_space<hbm>>) dst(%arg7 : memref<32x32xi32, #tpu.memory_space<vmem>>)
    %dma_start3A_13 = arith.constant 0 : i32
    %dma_start3A_14 = arith.constant 0 : i32
    %dma_start3A_15 = tpu.memref_slice %arg7[%dma_start3A_13, %dma_start3A_14] : memref<32x32xi32, #tpu.memory_space<vmem>> -> memref<1x32xi32, #tpu.memory_space<vmem>>
    %dma_start3A_16 = tpu.memref_squeeze %dma_start3A_15 : memref<1x32xi32, #tpu.memory_space<vmem>> -> memref<32xi32, #tpu.memory_space<vmem>>
    %dma_start3A_17 = arith.constant 0 : i32
    %dma_start3A_18 = arith.constant 0 : i32
    %dma_start3A_19 = tpu.memref_slice %arg4[%dma_start3A_17, %dma_start3A_18] : memref<100000x768xf32, #tpu.memory_space<hbm>> -> memref<100000x768xf32, #tpu.memory_space<hbm>>
    tpu.enqueue_indirect_dma source(%dma_start3A_19 : memref<100000x768xf32, #tpu.memory_space<hbm>>) target(%arg11 : memref<32x768xf32, #tpu.memory_space<vmem>>) offsets(%dma_start3A_16 : memref<32xi32, #tpu.memory_space<vmem>>) semaphore(%arg15 : memref<!tpu.dma_semaphore, #tpu.memory_space<semaphore_mem>>)
    %dma_start3A_20 = arith.constant 1 : i32
    %dma_start3A_21 = arith.constant 0 : i32
    %dma_start3A_22 = tpu.memref_slice %arg7[%dma_start3A_20, %dma_start3A_21] : memref<32x32xi32, #tpu.memory_space<vmem>> -> memref<1x32xi32, #tpu.memory_space<vmem>>
    %dma_start3A_23 = tpu.memref_squeeze %dma_start3A_22 : memref<1x32xi32, #tpu.memory_space<vmem>> -> memref<32xi32, #tpu.memory_space<vmem>>
    %dma_start3A_24 = arith.constant 0 : i32
    %dma_start3A_25 = arith.constant 0 : i32
    %dma_start3A_26 = tpu.memref_slice %arg4[%dma_start3A_24, %dma_start3A_25] : memref<100000x768xf32, #tpu.memory_space<hbm>> -> memref<100000x768xf32, #tpu.memory_space<hbm>>
    tpu.enqueue_indirect_dma source(%dma_start3A_26 : memref<100000x768xf32, #tpu.memory_space<hbm>>) target(%arg12 : memref<32x768xf32, #tpu.memory_space<vmem>>) offsets(%dma_start3A_23 : memref<32xi32, #tpu.memory_space<vmem>>) semaphore(%arg16 : memref<!tpu.dma_semaphore, #tpu.memory_space<semaphore_mem>>)
    %dma_wait3A_27 = arith.constant 0 : i32
    %dma_wait3A_28 = tpu.memref_slice %arg3[%mul3A_2, %dma_wait3A_27] : memref<1024x32xi32, #tpu.memory_space<hbm>> -> memref<32x32xi32, #tpu.memory_space<hbm>>
    %dma_wait3A_29 = arith.constant 0 : i32
    %dma_wait3A_30 = tpu.memref_slice %arg3[%mul3A_2, %dma_wait3A_29] : memref<1024x32xi32, #tpu.memory_space<hbm>> -> memref<32x32xi32, #tpu.memory_space<hbm>>
    tpu.wait_dma2 semaphore(%arg18 : memref<!tpu.dma_semaphore, #tpu.memory_space<semaphore_mem>>) src(%dma_wait3A_30 : memref<32x32xi32, #tpu.memory_space<hbm>>) dst(%arg8 : memref<32x32xi32, #tpu.memory_space<vmem>>)
    tpu.wait_dma2 semaphore(%arg18 : memref<!tpu.dma_semaphore, #tpu.memory_space<semaphore_mem>>) src(%arg5 : memref<2x768xf32, #tpu.memory_space<hbm>>) dst(%arg9 : memref<2x768xf32, #tpu.memory_space<vmem>>)
    %get3A = arith.constant 1 : i32
    %get3A_31 = arith.index_cast %get3A : i32 to index
    %get3A_32 = arith.constant 0 : index
    %get3A_33 = tpu.vector_load %arg9[%get3A_31, %get3A_32] {strides = array<i32>} : memref<2x768xf32, #tpu.memory_space<vmem>>, vector<16xf32>,
    %get3A_34 = arith.constant 0 : i32
    %get3A_35 = arith.index_cast %get3A_34 : i32 to index
    %get3A_36 = arith.constant 0 : index
    %get3A_37 = tpu.vector_load %arg9[%get3A_35, %get3A_36] {strides = array<i32>} : memref<2x768xf32, #tpu.memory_space<vmem>>, vector<16xf32>,
    %sub3A = arith.subf %get3A_33, %get3A_37 : vector<16xf32>
    %swap3A = arith.constant 0 : index
    %swap3A_38 = tpu.vector_load %arg10[%swap3A] {strides = array<i32>} : memref<768xf32, #tpu.memory_space<vmem>>, vector<16xf32>,
    tpu.vector_store %arg10[%swap3A], %sub3A {strides = array<i32>} : memref<768xf32, #tpu.memory_space<vmem>>, vector<16xf32>,
    %get3A_39 = arith.constant 1 : i32
    %get3A_40 = arith.index_cast %get3A_39 : i32 to index
    %get3A_41 = arith.constant 16 : index
    %get3A_42 = tpu.vector_load %arg9[%get3A_40, %get3A_41] {strides = array<i32>} : memref<2x768xf32, #tpu.memory_space<vmem>>, vector<16xf32>,
    %get3A_43 = arith.constant 0 : i32
    %get3A_44 = arith.index_cast %get3A_43 : i32 to index
    %get3A_45 = arith.constant 16 : index
    %get3A_46 = tpu.vector_load %arg9[%get3A_44, %get3A_45] {strides = array<i32>} : memref<2x768xf32, #tpu.memory_space<vmem>>, vector<16xf32>,
    %sub3A_47 = arith.subf %get3A_42, %get3A_46 : vector<16xf32>
    %swap3A_48 = arith.constant 16 : index
    %swap3A_49 = tpu.vector_load %arg10[%swap3A_48] {strides = array<i32>} : memref<768xf32, #tpu.memory_space<vmem>>, vector<16xf32>,
    tpu.vector_store %arg10[%swap3A_48], %sub3A_47 {strides = array<i32>} : memref<768xf32, #tpu.memory_space<vmem>>, vector<16xf32>,
    %get3A_50 = arith.constant 1 : i32
    %get3A_51 = arith.index_cast %get3A_50 : i32 to index
    %get3A_52 = arith.constant 32 : index
    %get3A_53 = tpu.vector_load %arg9[%get3A_51, %get3A_52] {strides = array<i32>} : memref<2x768xf32, #tpu.memory_space<vmem>>, vector<16xf32>,
    %get3A_54 = arith.constant 0 : i32
    %get3A_55 = arith.index_cast %get3A_54 : i32 to index
    %get3A_56 = arith.constant 32 : index
    %get3A_57 = tpu.vector_load %arg9[%get3A_55, %get3A_56] {strides = array<i32>} : memref<2x768xf32, #tpu.memory_space<vmem>>, vector<16xf32>,
    %sub3A_58 = arith.subf %get3A_53, %get3A_57 : vector<16xf32>
    %swap3A_59 = arith.constant 32 : index
    %swap3A_60 = tpu.vector_load %arg10[%swap3A_59] {strides = array<i32>} : memref<768xf32, #tpu.memory_space<vmem>>, vector<16xf32>,
    tpu.vector_store %arg10[%swap3A_59], %sub3A_58 {strides = array<i32>} : memref<768xf32, #tpu.memory_space<vmem>>, vector<16xf32>,
    %get3A_61 = arith.constant 1 : i32
    %get3A_62 = arith.index_cast %get3A_61 : i32 to index
    %get3A_63 = arith.constant 48 : index
    %get3A_64 = tpu.vector_load %arg9[%get3A_62, %get3A_63] {strides = array<i32>} : memref<2x768xf32, #tpu.memory_space<vmem>>, vector<16xf32>,
    %get3A_65 = arith.constant 0 : i32
    %get3A_66 = arith.index_cast %get3A_65 : i32 to index
    %get3A_67 = arith.constant 48 : index
    %get3A_68 = tpu.vector_load %arg9[%get3A_66, %get3A_67] {strides = array<i32>} : memref<2x768xf32, #tpu.memory_space<vmem>>, vector<16xf32>,
    %sub3A_69 = arith.subf %get3A_64, %get3A_68 : vector<16xf32>
    %swap3A_70 = arith.constant 48 : index
    %swap3A_71 = tpu.vector_load %arg10[%swap3A_70] {strides = array<i32>} : memref<768xf32, #tpu.memory_space<vmem>>, vector<16xf32>,
    tpu.vector_store %arg10[%swap3A_70], %sub3A_69 {strides = array<i32>} : memref<768xf32, #tpu.memory_space<vmem>>, vector<16xf32>,
    %get3A_72 = arith.constant 1 : i32
    %get3A_73 = arith.index_cast %get3A_72 : i32 to index
    %get3A_74 = arith.constant 64 : index
    %get3A_75 = tpu.vector_load %arg9[%get3A_73, %get3A_74] {strides = array<i32>} : memref<2x768xf32, #tpu.memory_space<vmem>>, vector<16xf32>,
    %get3A_76 = arith.constant 0 : i32
    %get3A_77 = arith.index_cast %get3A_76 : i32 to index
    %get3A_78 = arith.constant 64 : index
    %get3A_79 = tpu.vector_load %arg9[%get3A_77, %get3A_78] {strides = array<i32>} : memref<2x768xf32, #tpu.memory_space<vmem>>, vector<16xf32>,
    %sub3A_80 = arith.subf %get3A_75, %get3A_79 : vector<16xf32>
    %swap3A_81 = arith.constant 64 : index
    %swap3A_82 = tpu.vector_load %arg10[%swap3A_81] {strides = array<i32>} : memref<768xf32, #tpu.memory_space<vmem>>, vector<16xf32>,
    tpu.vector_store %arg10[%swap3A_81], %sub3A_80 {strides = array<i32>} : memref<768xf32, #tpu.memory_space<vmem>>, vector<16xf32>,
    %get3A_83 = arith.constant 1 : i32
    %get3A_84 = arith.index_cast %get3A_83 : i32 to index
    %get3A_85 = arith.constant 80 : index
    %get3A_86 = tpu.vector_load %arg9[%get3A_84, %get3A_85] {strides = array<i32>} : memref<2x768xf32, #tpu.memory_space<vmem>>, vector<16xf32>,
    %get3A_87 = arith.constant 0 : i32
    %get3A_88 = arith.index_cast %get3A_87 : i32 to index
    %get3A_89 = arith.constant 80 : index
    %get3A_90 = tpu.vector_load %arg9[%get3A_88, %get3A_89] {strides = array<i32>} : memref<2x768xf32, #tpu.memory_space<vmem>>, vector<16xf32>,
    %sub3A_91 = arith.subf %get3A_86, %get3A_90 : vector<16xf32>
    %swap3A_92 = arith.constant 80 : index
    %swap3A_93 = tpu.vector_load %arg10[%swap3A_92] {strides = array<i32>} : memref<768xf32, #tpu.memory_space<vmem>>, vector<16xf32>,
    tpu.vector_store %arg10[%swap3A_92], %sub3A_91 {strides = array<i32>} : memref<768xf32, #tpu.memory_space<vmem>>, vector<16xf32>,
    %get3A_94 = arith.constant 1 : i32
    %get3A_95 = arith.index_cast %get3A_94 : i32 to index
    %get3A_96 = arith.constant 96 : index
    %get3A_97 = tpu.vector_load %arg9[%get3A_95, %get3A_96] {strides = array<i32>} : memref<2x768xf32, #tpu.memory_space<vmem>>, vector<16xf32>,
    %get3A_98 = arith.constant 0 : i32
    %get3A_99 = arith.index_cast %get3A_98 : i32 to index
    %get3A_100 = arith.constant 96 : index
    %get3A_101 = tpu.vector_load %arg9[%get3A_99, %get3A_100] {strides = array<i32>} : memref<2x768xf32, #tpu.memory_space<vmem>>, vector<16xf32>,
    %sub3A_102 = arith.subf %get3A_97, %get3A_101 : vector<16xf32>
    %swap3A_103 = arith.constant 96 : index
    %swap3A_104 = tpu.vector_load %arg10[%swap3A_103] {strides = array<i32>} : memref<768xf32, #tpu.memory_space<vmem>>, vector<16xf32>,
    tpu.vector_store %arg10[%swap3A_103], %sub3A_102 {strides = array<i32>} : memref<768xf32, #tpu.memory_space<vmem>>, vector<16xf32>,
    %get3A_105 = arith.constant 1 : i32
    %get3A_106 = arith.index_cast %get3A_105 : i32 to index
    %get3A_107 = arith.constant 112 : index
    %get3A_108 = tpu.vector_load %arg9[%get3A_106, %get3A_107] {strides = array<i32>} : memref<2x768xf32, #tpu.memory_space<vmem>>, vector<16xf32>,
    %get3A_109 = arith.constant 0 : i32
    %get3A_110 = arith.index_cast %get3A_109 : i32 to index
    %get3A_111 = arith.constant 112 : index
    %get3A_112 = tpu.vector_load %arg9[%get3A_110, %get3A_111] {strides = array<i32>} : memref<2x768xf32, #tpu.memory_space<vmem>>, vector<16xf32>,
    %sub3A_113 = arith.subf %get3A_108, %get3A_112 : vector<16xf32>
    %swap3A_114 = arith.constant 112 : index
    %swap3A_115 = tpu.vector_load %arg10[%swap3A_114] {strides = array<i32>} : memref<768xf32, #tpu.memory_space<vmem>>, vector<16xf32>,
    tpu.vector_store %arg10[%swap3A_114], %sub3A_113 {strides = array<i32>} : memref<768xf32, #tpu.memory_space<vmem>>, vector<16xf32>,
    %get3A_116 = arith.constant 1 : i32
    %get3A_117 = arith.index_cast %get3A_116 : i32 to index
    %get3A_118 = arith.constant 128 : index
    %get3A_119 = tpu.vector_load %arg9[%get3A_117, %get3A_118] {strides = array<i32>} : memref<2x768xf32, #tpu.memory_space<vmem>>, vector<16xf32>,
    %get3A_120 = arith.constant 0 : i32
    %get3A_121 = arith.index_cast %get3A_120 : i32 to index
    %get3A_122 = arith.constant 128 : index
    %get3A_123 = tpu.vector_load %arg9[%get3A_121, %get3A_122] {strides = array<i32>} : memref<2x768xf32, #tpu.memory_space<vmem>>, vector<16xf32>,
    %sub3A_124 = arith.subf %get3A_119, %get3A_123 : vector<16xf32>
    %swap3A_125 = arith.constant 128 : index
    %swap3A_126 = tpu.vector_load %arg10[%swap3A_125] {strides = array<i32>} : memref<768xf32, #tpu.memory_space<vmem>>, vector<16xf32>,
    tpu.vector_store %arg10[%swap3A_125], %sub3A_124 {strides = array<i32>} : memref<768xf32, #tpu.memory_space<vmem>>, vector<16xf32>,
    %get3A_127 = arith.constant 1 : i32
    %get3A_128 = arith.index_cast %get3A_127 : i32 to index
    %get3A_129 = arith.constant 144 : index
    %get3A_130 = tpu.vector_load %arg9[%get3A_128, %get3A_129] {strides = array<i32>} : memref<2x768xf32, #tpu.memory_space<vmem>>, vector<16xf32>,
    %get3A_131 = arith.constant 0 : i32
    %get3A_132 = arith.index_cast %get3A_131 : i32 to index
    %get3A_133 = arith.constant 144 : index
    %get3A_134 = tpu.vector_load %arg9[%get3A_132, %get3A_133] {strides = array<i32>} : memref<2x768xf32, #tpu.memory_space<vmem>>, vector<16xf32>,
    %sub3A_135 = arith.subf %get3A_130, %get3A_134 : vector<16xf32>
    %swap3A_136 = arith.constant 144 : index
    %swap3A_137 = tpu.vector_load %arg10[%swap3A_136] {strides = array<i32>} : memref<768xf32, #tpu.memory_space<vmem>>, vector<16xf32>,
    tpu.vector_store %arg10[%swap3A_136], %sub3A_135 {strides = array<i32>} : memref<768xf32, #tpu.memory_space<vmem>>, vector<16xf32>,
    %get3A_138 = arith.constant 1 : i32
    %get3A_139 = arith.index_cast %get3A_138 : i32 to index
    %get3A_140 = arith.constant 160 : index
    %get3A_141 = tpu.vector_load %arg9[%get3A_139, %get3A_140] {strides = array<i32>} : memref<2x768xf32, #tpu.memory_space<vmem>>, vector<16xf32>,
    %get3A_142 = arith.constant 0 : i32
    %get3A_143 = arith.index_cast %get3A_142 : i32 to index
    %get3A_144 = arith.constant 160 : index
    %get3A_145 = tpu.vector_load %arg9[%get3A_143, %get3A_144] {strides = array<i32>} : memref<2x768xf32, #tpu.memory_space<vmem>>, vector<16xf32>,
    %sub3A_146 = arith.subf %get3A_141, %get3A_145 : vector<16xf32>
    %swap3A_147 = arith.constant 160 : index
    %swap3A_148 = tpu.vector_load %arg10[%swap3A_147] {strides = array<i32>} : memref<768xf32, #tpu.memory_space<vmem>>, vector<16xf32>,
    tpu.vector_store %arg10[%swap3A_147], %sub3A_146 {strides = array<i32>} : memref<768xf32, #tpu.memory_space<vmem>>, vector<16xf32>,
    %get3A_149 = arith.constant 1 : i32
    %get3A_150 = arith.index_cast %get3A_149 : i32 to index
    %get3A_151 = arith.constant 176 : index
    %get3A_152 = tpu.vector_load %arg9[%get3A_150, %get3A_151] {strides = array<i32>} : memref<2x768xf32, #tpu.memory_space<vmem>>, vector<16xf32>,
    %get3A_153 = arith.constant 0 : i32
    %get3A_154 = arith.index_cast %get3A_153 : i32 to index
    %get3A_155 = arith.constant 176 : index
    %get3A_156 = tpu.vector_load %arg9[%get3A_154, %get3A_155] {strides = array<i32>} : memref<2x768xf32, #tpu.memory_space<vmem>>, vector<16xf32>,
    %sub3A_157 = arith.subf %get3A_152, %get3A_156 : vector<16xf32>
    %swap3A_158 = arith.constant 176 : index
    %swap3A_159 = tpu.vector_load %arg10[%swap3A_158] {strides = array<i32>} : memref<768xf32, #tpu.memory_space<vmem>>, vector<16xf32>,
    tpu.vector_store %arg10[%swap3A_158], %sub3A_157 {strides = array<i32>} : memref<768xf32, #tpu.memory_space<vmem>>, vector<16xf32>,
    %get3A_160 = arith.constant 1 : i32
    %get3A_161 = arith.index_cast %get3A_160 : i32 to index
    %get3A_162 = arith.constant 192 : index
    %get3A_163 = tpu.vector_load %arg9[%get3A_161, %get3A_162] {strides = array<i32>} : memref<2x768xf32, #tpu.memory_space<vmem>>, vector<16xf32>,
    %get3A_164 = arith.constant 0 : i32
    %get3A_165 = arith.index_cast %get3A_164 : i32 to index
    %get3A_166 = arith.constant 192 : index
    %get3A_167 = tpu.vector_load %arg9[%get3A_165, %get3A_166] {strides = array<i32>} : memref<2x768xf32, #tpu.memory_space<vmem>>, vector<16xf32>,
    %sub3A_168 = arith.subf %get3A_163, %get3A_167 : vector<16xf32>
    %swap3A_169 = arith.constant 192 : index
    %swap3A_170 = tpu.vector_load %arg10[%swap3A_169] {strides = array<i32>} : memref<768xf32, #tpu.memory_space<vmem>>, vector<16xf32>,
    tpu.vector_store %arg10[%swap3A_169], %sub3A_168 {strides = array<i32>} : memref<768xf32, #tpu.memory_space<vmem>>, vector<16xf32>,
    %get3A_171 = arith.constant 1 : i32
    %get3A_172 = arith.index_cast %get3A_171 : i32 to index
    %get3A_173 = arith.constant 208 : index
    %get3A_174 = tpu.vector_load %arg9[%get3A_172, %get3A_173] {strides = array<i32>} : memref<2x768xf32, #tpu.memory_space<vmem>>, vector<16xf32>,
    %get3A_175 = arith.constant 0 : i32
    %get3A_176 = arith.index_cast %get3A_175 : i32 to index
    %get3A_177 = arith.constant 208 : index
    %get3A_178 = tpu.vector_load %arg9[%get3A_176, %get3A_177] {strides = array<i32>} : memref<2x768xf32, #tpu.memory_space<vmem>>, vector<16xf32>,
    %sub3A_179 = arith.subf %get3A_174, %get3A_178 : vector<16xf32>
    %swap3A_180 = arith.constant 208 : index
    %swap3A_181 = tpu.vector_load %arg10[%swap3A_180] {strides = array<i32>} : memref<768xf32, #tpu.memory_space<vmem>>, vector<16xf32>,
    tpu.vector_store %arg10[%swap3A_180], %sub3A_179 {strides = array<i32>} : memref<768xf32, #tpu.memory_space<vmem>>, vector<16xf32>,
    %get3A_182 = arith.constant 1 : i32
    %get3A_183 = arith.index_cast %get3A_182 : i32 to index
    %get3A_184 = arith.constant 224 : index
    %get3A_185 = tpu.vector_load %arg9[%get3A_183, %get3A_184] {strides = array<i32>} : memref<2x768xf32, #tpu.memory_space<vmem>>, vector<16xf32>,
    %get3A_186 = arith.constant 0 : i32
    %get3A_187 = arith.index_cast %get3A_186 : i32 to index
    %get3A_188 = arith.constant 224 : index
    %get3A_189 = tpu.vector_load %arg9[%get3A_187, %get3A_188] {strides = array<i32>} : memref<2x768xf32, #tpu.memory_space<vmem>>, vector<16xf32>,
    %sub3A_190 = arith.subf %get3A_185, %get3A_189 : vector<16xf32>
    %swap3A_191 = arith.constant 224 : index
    %swap3A_192 = tpu.vector_load %arg10[%swap3A_191] {strides = array<i32>} : memref<768xf32, #tpu.memory_space<vmem>>, vector<16xf32>,
    tpu.vector_store %arg10[%swap3A_191], %sub3A_190 {strides = array<i32>} : memref<768xf32, #tpu.memory_space<vmem>>, vector<16xf32>,
    %get3A_193 = arith.constant 1 : i32
    %get3A_194 = arith.index_cast %get3A_193 : i32 to index
    %get3A_195 = arith.constant 240 : index
    %get3A_196 = tpu.vector_load %arg9[%get3A_194, %get3A_195] {strides = array<i32>} : memref<2x768xf32, #tpu.memory_space<vmem>>, vector<16xf32>,
    %get3A_197 = arith.constant 0 : i32
    %get3A_198 = arith.index_cast %get3A_197 : i32 to index
    %get3A_199 = arith.constant 240 : index
    %get3A_200 = tpu.vector_load %arg9[%get3A_198, %get3A_199] {strides = array<i32>} : memref<2x768xf32, #tpu.memory_space<vmem>>, vector<16xf32>,
    %sub3A_201 = arith.subf %get3A_196, %get3A_200 : vector<16xf32>
    %swap3A_202 = arith.constant 240 : index
    %swap3A_203 = tpu.vector_load %arg10[%swap3A_202] {strides = array<i32>} : memref<768xf32, #tpu.memory_space<vmem>>, vector<16xf32>,
    tpu.vector_store %arg10[%swap3A_202], %sub3A_201 {strides = array<i32>} : memref<768xf32, #tpu.memory_space<vmem>>, vector<16xf32>,
    %get3A_204 = arith.constant 1 : i32
    %get3A_205 = arith.index_cast %get3A_204 : i32 to index
    %get3A_206 = arith.constant 256 : index
    %get3A_207 = tpu.vector_load %arg9[%get3A_205, %get3A_206] {strides = array<i32>} : memref<2x768xf32, #tpu.memory_space<vmem>>, vector<16xf32>,
    %get3A_208 = arith.constant 0 : i32
    %get3A_209 = arith.index_cast %get3A_208 : i32 to index
    %get3A_210 = arith.constant 256 : index
    %get3A_211 = tpu.vector_load %arg9[%get3A_209, %get3A_210] {strides = array<i32>} : memref<2x768xf32, #tpu.memory_space<vmem>>, vector<16xf32>,
    %sub3A_212 = arith.subf %get3A_207, %get3A_211 : vector<16xf32>
    %swap3A_213 = arith.constant 256 : index
    %swap3A_214 = tpu.vector_load %arg10[%swap3A_213] {strides = array<i32>} : memref<768xf32, #tpu.memory_space<vmem>>, vector<16xf32>,
    tpu.vector_store %arg10[%swap3A_213], %sub3A_212 {strides = array<i32>} : memref<768xf32, #tpu.memory_space<vmem>>, vector<16xf32>,
    %get3A_215 = arith.constant 1 : i32
    %get3A_216 = arith.index_cast %get3A_215 : i32 to index
    %get3A_217 = arith.constant 272 : index
    %get3A_218 = tpu.vector_load %arg9[%get3A_216, %get3A_217] {strides = array<i32>} : memref<2x768xf32, #tpu.memory_space<vmem>>, vector<16xf32>,
    %get3A_219 = arith.constant 0 : i32
    %get3A_220 = arith.index_cast %get3A_219 : i32 to index
    %get3A_221 = arith.constant 272 : index
    %get3A_222 = tpu.vector_load %arg9[%get3A_220, %get3A_221] {strides = array<i32>} : memref<2x768xf32, #tpu.memory_space<vmem>>, vector<16xf32>,
    %sub3A_223 = arith.subf %get3A_218, %get3A_222 : vector<16xf32>
    %swap3A_224 = arith.constant 272 : index
    %swap3A_225 = tpu.vector_load %arg10[%swap3A_224] {strides = array<i32>} : memref<768xf32, #tpu.memory_space<vmem>>, vector<16xf32>,
    tpu.vector_store %arg10[%swap3A_224], %sub3A_223 {strides = array<i32>} : memref<768xf32, #tpu.memory_space<vmem>>, vector<16xf32>,
    %get3A_226 = arith.constant 1 : i32
    %get3A_227 = arith.index_cast %get3A_226 : i32 to index
    %get3A_228 = arith.constant 288 : index
    %get3A_229 = tpu.vector_load %arg9[%get3A_227, %get3A_228] {strides = array<i32>} : memref<2x768xf32, #tpu.memory_space<vmem>>, vector<16xf32>,
    %get3A_230 = arith.constant 0 : i32
    %get3A_231 = arith.index_cast %get3A_230 : i32 to index
    %get3A_232 = arith.constant 288 : index
    %get3A_233 = tpu.vector_load %arg9[%get3A_231, %get3A_232] {strides = array<i32>} : memref<2x768xf32, #tpu.memory_space<vmem>>, vector<16xf32>,
    %sub3A_234 = arith.subf %get3A_229, %get3A_233 : vector<16xf32>
    %swap3A_235 = arith.constant 288 : index
    %swap3A_236 = tpu.vector_load %arg10[%swap3A_235] {strides = array<i32>} : memref<768xf32, #tpu.memory_space<vmem>>, vector<16xf32>,
    tpu.vector_store %arg10[%swap3A_235], %sub3A_234 {strides = array<i32>} : memref<768xf32, #tpu.memory_space<vmem>>, vector<16xf32>,
    %get3A_237 = arith.constant 1 : i32
    %get3A_238 = arith.index_cast %get3A_237 : i32 to index
    %get3A_239 = arith.constant 304 : index
    %get3A_240 = tpu.vector_load %arg9[%get3A_238, %get3A_239] {strides = array<i32>} : memref<2x768xf32, #tpu.memory_space<vmem>>, vector<16xf32>,
    %get3A_241 = arith.constant 0 : i32
    %get3A_242 = arith.index_cast %get3A_241 : i32 to index
    %get3A_243 = arith.constant 304 : index
    %get3A_244 = tpu.vector_load %arg9[%get3A_242, %get3A_243] {strides = array<i32>} : memref<2x768xf32, #tpu.memory_space<vmem>>, vector<16xf32>,
    %sub3A_245 = arith.subf %get3A_240, %get3A_244 : vector<16xf32>
    %swap3A_246 = arith.constant 304 : index
    %swap3A_247 = tpu.vector_load %arg10[%swap3A_246] {strides = array<i32>} : memref<768xf32, #tpu.memory_space<vmem>>, vector<16xf32>,
    tpu.vector_store %arg10[%swap3A_246], %sub3A_245 {strides = array<i32>} : memref<768xf32, #tpu.memory_space<vmem>>, vector<16xf32>,
    %get3A_248 = arith.constant 1 : i32
    %get3A_249 = arith.index_cast %get3A_248 : i32 to index
    %get3A_250 = arith.constant 320 : index
    %get3A_251 = tpu.vector_load %arg9[%get3A_249, %get3A_250] {strides = array<i32>} : memref<2x768xf32, #tpu.memory_space<vmem>>, vector<16xf32>,
    %get3A_252 = arith.constant 0 : i32
    %get3A_253 = arith.index_cast %get3A_252 : i32 to index
    %get3A_254 = arith.constant 320 : index
    %get3A_255 = tpu.vector_load %arg9[%get3A_253, %get3A_254] {strides = array<i32>} : memref<2x768xf32, #tpu.memory_space<vmem>>, vector<16xf32>,
    %sub3A_256 = arith.subf %get3A_251, %get3A_255 : vector<16xf32>
    %swap3A_257 = arith.constant 320 : index
    %swap3A_258 = tpu.vector_load %arg10[%swap3A_257] {strides = array<i32>} : memref<768xf32, #tpu.memory_space<vmem>>, vector<16xf32>,
    tpu.vector_store %arg10[%swap3A_257], %sub3A_256 {strides = array<i32>} : memref<768xf32, #tpu.memory_space<vmem>>, vector<16xf32>,
    %get3A_259 = arith.constant 1 : i32
    %get3A_260 = arith.index_cast %get3A_259 : i32 to index
    %get3A_261 = arith.constant 336 : index
    %get3A_262 = tpu.vector_load %arg9[%get3A_260, %get3A_261] {strides = array<i32>} : memref<2x768xf32, #tpu.memory_space<vmem>>, vector<16xf32>,
    %get3A_263 = arith.constant 0 : i32
    %get3A_264 = arith.index_cast %get3A_263 : i32 to index
    %get3A_265 = arith.constant 336 : index
    %get3A_266 = tpu.vector_load %arg9[%get3A_264, %get3A_265] {strides = array<i32>} : memref<2x768xf32, #tpu.memory_space<vmem>>, vector<16xf32>,
    %sub3A_267 = arith.subf %get3A_262, %get3A_266 : vector<16xf32>
    %swap3A_268 = arith.constant 336 : index
    %swap3A_269 = tpu.vector_load %arg10[%swap3A_268] {strides = array<i32>} : memref<768xf32, #tpu.memory_space<vmem>>, vector<16xf32>,
    tpu.vector_store %arg10[%swap3A_268], %sub3A_267 {strides = array<i32>} : memref<768xf32, #tpu.memory_space<vmem>>, vector<16xf32>,
    %get3A_270 = arith.constant 1 : i32
    %get3A_271 = arith.index_cast %get3A_270 : i32 to index
    %get3A_272 = arith.constant 352 : index
    %get3A_273 = tpu.vector_load %arg9[%get3A_271, %get3A_272] {strides = array<i32>} : memref<2x768xf32, #tpu.memory_space<vmem>>, vector<16xf32>,
    %get3A_274 = arith.constant 0 : i32
    %get3A_275 = arith.index_cast %get3A_274 : i32 to index
    %get3A_276 = arith.constant 352 : index
    %get3A_277 = tpu.vector_load %arg9[%get3A_275, %get3A_276] {strides = array<i32>} : memref<2x768xf32, #tpu.memory_space<vmem>>, vector<16xf32>,
    %sub3A_278 = arith.subf %get3A_273, %get3A_277 : vector<16xf32>
    %swap3A_279 = arith.constant 352 : index
    %swap3A_280 = tpu.vector_load %arg10[%swap3A_279] {strides = array<i32>} : memref<768xf32, #tpu.memory_space<vmem>>, vector<16xf32>,
    tpu.vector_store %arg10[%swap3A_279], %sub3A_278 {strides = array<i32>} : memref<768xf32, #tpu.memory_space<vmem>>, vector<16xf32>,
    %get3A_281 = arith.constant 1 : i32
    %get3A_282 = arith.index_cast %get3A_281 : i32 to index
    %get3A_283 = arith.constant 368 : index
    %get3A_284 = tpu.vector_load %arg9[%get3A_282, %get3A_283] {strides = array<i32>} : memref<2x768xf32, #tpu.memory_space<vmem>>, vector<16xf32>,
    %get3A_285 = arith.constant 0 : i32
    %get3A_286 = arith.index_cast %get3A_285 : i32 to index
    %get3A_287 = arith.constant 368 : index
    %get3A_288 = tpu.vector_load %arg9[%get3A_286, %get3A_287] {strides = array<i32>} : memref<2x768xf32, #tpu.memory_space<vmem>>, vector<16xf32>,
    %sub3A_289 = arith.subf %get3A_284, %get3A_288 : vector<16xf32>
    %swap3A_290 = arith.constant 368 : index
    %swap3A_291 = tpu.vector_load %arg10[%swap3A_290] {strides = array<i32>} : memref<768xf32, #tpu.memory_space<vmem>>, vector<16xf32>,
    tpu.vector_store %arg10[%swap3A_290], %sub3A_289 {strides = array<i32>} : memref<768xf32, #tpu.memory_space<vmem>>, vector<16xf32>,
    %get3A_292 = arith.constant 1 : i32
    %get3A_293 = arith.index_cast %get3A_292 : i32 to index
    %get3A_294 = arith.constant 384 : index
    %get3A_295 = tpu.vector_load %arg9[%get3A_293, %get3A_294] {strides = array<i32>} : memref<2x768xf32, #tpu.memory_space<vmem>>, vector<16xf32>,
    %get3A_296 = arith.constant 0 : i32
    %get3A_297 = arith.index_cast %get3A_296 : i32 to index
    %get3A_298 = arith.constant 384 : index
    %get3A_299 = tpu.vector_load %arg9[%get3A_297, %get3A_298] {strides = array<i32>} : memref<2x768xf32, #tpu.memory_space<vmem>>, vector<16xf32>,
    %sub3A_300 = arith.subf %get3A_295, %get3A_299 : vector<16xf32>
    %swap3A_301 = arith.constant 384 : index
    %swap3A_302 = tpu.vector_load %arg10[%swap3A_301] {strides = array<i32>} : memref<768xf32, #tpu.memory_space<vmem>>, vector<16xf32>,
    tpu.vector_store %arg10[%swap3A_301], %sub3A_300 {strides = array<i32>} : memref<768xf32, #tpu.memory_space<vmem>>, vector<16xf32>,
    %get3A_303 = arith.constant 1 : i32
    %get3A_304 = arith.index_cast %get3A_303 : i32 to index
    %get3A_305 = arith.constant 400 : index
    %get3A_306 = tpu.vector_load %arg9[%get3A_304, %get3A_305] {strides = array<i32>} : memref<2x768xf32, #tpu.memory_space<vmem>>, vector<16xf32>,
    %get3A_307 = arith.constant 0 : i32
    %get3A_308 = arith.index_cast %get3A_307 : i32 to index
    %get3A_309 = arith.constant 400 : index
    %get3A_310 = tpu.vector_load %arg9[%get3A_308, %get3A_309] {strides = array<i32>} : memref<2x768xf32, #tpu.memory_space<vmem>>, vector<16xf32>,
    %sub3A_311 = arith.subf %get3A_306, %get3A_310 : vector<16xf32>
    %swap3A_312 = arith.constant 400 : index
    %swap3A_313 = tpu.vector_load %arg10[%swap3A_312] {strides = array<i32>} : memref<768xf32, #tpu.memory_space<vmem>>, vector<16xf32>,
    tpu.vector_store %arg10[%swap3A_312], %sub3A_311 {strides = array<i32>} : memref<768xf32, #tpu.memory_space<vmem>>, vector<16xf32>,
    %get3A_314 = arith.constant 1 : i32
    %get3A_315 = arith.index_cast %get3A_314 : i32 to index
    %get3A_316 = arith.constant 416 : index
    %get3A_317 = tpu.vector_load %arg9[%get3A_315, %get3A_316] {strides = array<i32>} : memref<2x768xf32, #tpu.memory_space<vmem>>, vector<16xf32>,
    %get3A_318 = arith.constant 0 : i32
    %get3A_319 = arith.index_cast %get3A_318 : i32 to index
    %get3A_320 = arith.constant 416 : index
    %get3A_321 = tpu.vector_load %arg9[%get3A_319, %get3A_320] {strides = array<i32>} : memref<2x768xf32, #tpu.memory_space<vmem>>, vector<16xf32>,
    %sub3A_322 = arith.subf %get3A_317, %get3A_321 : vector<16xf32>
    %swap3A_323 = arith.constant 416 : index
    %swap3A_324 = tpu.vector_load %arg10[%swap3A_323] {strides = array<i32>} : memref<768xf32, #tpu.memory_space<vmem>>, vector<16xf32>,
    tpu.vector_store %arg10[%swap3A_323], %sub3A_322 {strides = array<i32>} : memref<768xf32, #tpu.memory_space<vmem>>, vector<16xf32>,
    %get3A_325 = arith.constant 1 : i32
    %get3A_326 = arith.index_cast %get3A_325 : i32 to index
    %get3A_327 = arith.constant 432 : index
    %get3A_328 = tpu.vector_load %arg9[%get3A_326, %get3A_327] {strides = array<i32>} : memref<2x768xf32, #tpu.memory_space<vmem>>, vector<16xf32>,
    %get3A_329 = arith.constant 0 : i32
    %get3A_330 = arith.index_cast %get3A_329 : i32 to index
    %get3A_331 = arith.constant 432 : index
    %get3A_332 = tpu.vector_load %arg9[%get3A_330, %get3A_331] {strides = array<i32>} : memref<2x768xf32, #tpu.memory_space<vmem>>, vector<16xf32>,
    %sub3A_333 = arith.subf %get3A_328, %get3A_332 : vector<16xf32>
    %swap3A_334 = arith.constant 432 : index
    %swap3A_335 = tpu.vector_load %arg10[%swap3A_334] {strides = array<i32>} : memref<768xf32, #tpu.memory_space<vmem>>, vector<16xf32>,
    tpu.vector_store %arg10[%swap3A_334], %sub3A_333 {strides = array<i32>} : memref<768xf32, #tpu.memory_space<vmem>>, vector<16xf32>,
    %get3A_336 = arith.constant 1 : i32
    %get3A_337 = arith.index_cast %get3A_336 : i32 to index
    %get3A_338 = arith.constant 448 : index
    %get3A_339 = tpu.vector_load %arg9[%get3A_337, %get3A_338] {strides = array<i32>} : memref<2x768xf32, #tpu.memory_space<vmem>>, vector<16xf32>,
    %get3A_340 = arith.constant 0 : i32
    %get3A_341 = arith.index_cast %get3A_340 : i32 to index
    %get3A_342 = arith.constant 448 : index
    %get3A_343 = tpu.vector_load %arg9[%get3A_341, %get3A_342] {strides = array<i32>} : memref<2x768xf32, #tpu.memory_space<vmem>>, vector<16xf32>,
    %sub3A_344 = arith.subf %get3A_339, %get3A_343 : vector<16xf32>
    %swap3A_345 = arith.constant 448 : index
    %swap3A_346 = tpu.vector_load %arg10[%swap3A_345] {strides = array<i32>} : memref<768xf32, #tpu.memory_space<vmem>>, vector<16xf32>,
    tpu.vector_store %arg10[%swap3A_345], %sub3A_344 {strides = array<i32>} : memref<768xf32, #tpu.memory_space<vmem>>, vector<16xf32>,
    %get3A_347 = arith.constant 1 : i32
    %get3A_348 = arith.index_cast %get3A_347 : i32 to index
    %get3A_349 = arith.constant 464 : index
    %get3A_350 = tpu.vector_load %arg9[%get3A_348, %get3A_349] {strides = array<i32>} : memref<2x768xf32, #tpu.memory_space<vmem>>, vector<16xf32>,
    %get3A_351 = arith.constant 0 : i32
    %get3A_352 = arith.index_cast %get3A_351 : i32 to index
    %get3A_353 = arith.constant 464 : index
    %get3A_354 = tpu.vector_load %arg9[%get3A_352, %get3A_353] {strides = array<i32>} : memref<2x768xf32, #tpu.memory_space<vmem>>, vector<16xf32>,
    %sub3A_355 = arith.subf %get3A_350, %get3A_354 : vector<16xf32>
    %swap3A_356 = arith.constant 464 : index
    %swap3A_357 = tpu.vector_load %arg10[%swap3A_356] {strides = array<i32>} : memref<768xf32, #tpu.memory_space<vmem>>, vector<16xf32>,
    tpu.vector_store %arg10[%swap3A_356], %sub3A_355 {strides = array<i32>} : memref<768xf32, #tpu.memory_space<vmem>>, vector<16xf32>,
    %get3A_358 = arith.constant 1 : i32
    %get3A_359 = arith.index_cast %get3A_358 : i32 to index
    %get3A_360 = arith.constant 480 : index
    %get3A_361 = tpu.vector_load %arg9[%get3A_359, %get3A_360] {strides = array<i32>} : memref<2x768xf32, #tpu.memory_space<vmem>>, vector<16xf32>,
    %get3A_362 = arith.constant 0 : i32
    %get3A_363 = arith.index_cast %get3A_362 : i32 to index
    %get3A_364 = arith.constant 480 : index
    %get3A_365 = tpu.vector_load %arg9[%get3A_363, %get3A_364] {strides = array<i32>} : memref<2x768xf32, #tpu.memory_space<vmem>>, vector<16xf32>,
    %sub3A_366 = arith.subf %get3A_361, %get3A_365 : vector<16xf32>
    %swap3A_367 = arith.constant 480 : index
    %swap3A_368 = tpu.vector_load %arg10[%swap3A_367] {strides = array<i32>} : memref<768xf32, #tpu.memory_space<vmem>>, vector<16xf32>,
    tpu.vector_store %arg10[%swap3A_367], %sub3A_366 {strides = array<i32>} : memref<768xf32, #tpu.memory_space<vmem>>, vector<16xf32>,
    %get3A_369 = arith.constant 1 : i32
    %get3A_370 = arith.index_cast %get3A_369 : i32 to index
    %get3A_371 = arith.constant 496 : index
    %get3A_372 = tpu.vector_load %arg9[%get3A_370, %get3A_371] {strides = array<i32>} : memref<2x768xf32, #tpu.memory_space<vmem>>, vector<16xf32>,
    %get3A_373 = arith.constant 0 : i32
    %get3A_374 = arith.index_cast %get3A_373 : i32 to index
    %get3A_375 = arith.constant 496 : index
    %get3A_376 = tpu.vector_load %arg9[%get3A_374, %get3A_375] {strides = array<i32>} : memref<2x768xf32, #tpu.memory_space<vmem>>, vector<16xf32>,
    %sub3A_377 = arith.subf %get3A_372, %get3A_376 : vector<16xf32>
    %swap3A_378 = arith.constant 496 : index
    %swap3A_379 = tpu.vector_load %arg10[%swap3A_378] {strides = array<i32>} : memref<768xf32, #tpu.memory_space<vmem>>, vector<16xf32>,
    tpu.vector_store %arg10[%swap3A_378], %sub3A_377 {strides = array<i32>} : memref<768xf32, #tpu.memory_space<vmem>>, vector<16xf32>,
    %get3A_380 = arith.constant 1 : i32
    %get3A_381 = arith.index_cast %get3A_380 : i32 to index
    %get3A_382 = arith.constant 512 : index
    %get3A_383 = tpu.vector_load %arg9[%get3A_381, %get3A_382] {strides = array<i32>} : memref<2x768xf32, #tpu.memory_space<vmem>>, vector<16xf32>,
    %get3A_384 = arith.constant 0 : i32
    %get3A_385 = arith.index_cast %get3A_384 : i32 to index
    %get3A_386 = arith.constant 512 : index
    %get3A_387 = tpu.vector_load %arg9[%get3A_385, %get3A_386] {strides = array<i32>} : memref<2x768xf32, #tpu.memory_space<vmem>>, vector<16xf32>,
    %sub3A_388 = arith.subf %get3A_383, %get3A_387 : vector<16xf32>
    %swap3A_389 = arith.constant 512 : index
    %swap3A_390 = tpu.vector_load %arg10[%swap3A_389] {strides = array<i32>} : memref<768xf32, #tpu.memory_space<vmem>>, vector<16xf32>,
    tpu.vector_store %arg10[%swap3A_389], %sub3A_388 {strides = array<i32>} : memref<768xf32, #tpu.memory_space<vmem>>, vector<16xf32>,
    %get3A_391 = arith.constant 1 : i32
    %get3A_392 = arith.index_cast %get3A_391 : i32 to index
    %get3A_393 = arith.constant 528 : index
    %get3A_394 = tpu.vector_load %arg9[%get3A_392, %get3A_393] {strides = array<i32>} : memref<2x768xf32, #tpu.memory_space<vmem>>, vector<16xf32>,
    %get3A_395 = arith.constant 0 : i32
    %get3A_396 = arith.index_cast %get3A_395 : i32 to index
    %get3A_397 = arith.constant 528 : index
    %get3A_398 = tpu.vector_load %arg9[%get3A_396, %get3A_397] {strides = array<i32>} : memref<2x768xf32, #tpu.memory_space<vmem>>, vector<16xf32>,
    %sub3A_399 = arith.subf %get3A_394, %get3A_398 : vector<16xf32>
    %swap3A_400 = arith.constant 528 : index
    %swap3A_401 = tpu.vector_load %arg10[%swap3A_400] {strides = array<i32>} : memref<768xf32, #tpu.memory_space<vmem>>, vector<16xf32>,
    tpu.vector_store %arg10[%swap3A_400], %sub3A_399 {strides = array<i32>} : memref<768xf32, #tpu.memory_space<vmem>>, vector<16xf32>,
    %get3A_402 = arith.constant 1 : i32
    %get3A_403 = arith.index_cast %get3A_402 : i32 to index
    %get3A_404 = arith.constant 544 : index
    %get3A_405 = tpu.vector_load %arg9[%get3A_403, %get3A_404] {strides = array<i32>} : memref<2x768xf32, #tpu.memory_space<vmem>>, vector<16xf32>,
    %get3A_406 = arith.constant 0 : i32
    %get3A_407 = arith.index_cast %get3A_406 : i32 to index
    %get3A_408 = arith.constant 544 : index
    %get3A_409 = tpu.vector_load %arg9[%get3A_407, %get3A_408] {strides = array<i32>} : memref<2x768xf32, #tpu.memory_space<vmem>>, vector<16xf32>,
    %sub3A_410 = arith.subf %get3A_405, %get3A_409 : vector<16xf32>
    %swap3A_411 = arith.constant 544 : index
    %swap3A_412 = tpu.vector_load %arg10[%swap3A_411] {strides = array<i32>} : memref<768xf32, #tpu.memory_space<vmem>>, vector<16xf32>,
    tpu.vector_store %arg10[%swap3A_411], %sub3A_410 {strides = array<i32>} : memref<768xf32, #tpu.memory_space<vmem>>, vector<16xf32>,
    %get3A_413 = arith.constant 1 : i32
    %get3A_414 = arith.index_cast %get3A_413 : i32 to index
    %get3A_415 = arith.constant 560 : index
    %get3A_416 = tpu.vector_load %arg9[%get3A_414, %get3A_415] {strides = array<i32>} : memref<2x768xf32, #tpu.memory_space<vmem>>, vector<16xf32>,
    %get3A_417 = arith.constant 0 : i32
    %get3A_418 = arith.index_cast %get3A_417 : i32 to index
    %get3A_419 = arith.constant 560 : index
    %get3A_420 = tpu.vector_load %arg9[%get3A_418, %get3A_419] {strides = array<i32>} : memref<2x768xf32, #tpu.memory_space<vmem>>, vector<16xf32>,
    %sub3A_421 = arith.subf %get3A_416, %get3A_420 : vector<16xf32>
    %swap3A_422 = arith.constant 560 : index
    %swap3A_423 = tpu.vector_load %arg10[%swap3A_422] {strides = array<i32>} : memref<768xf32, #tpu.memory_space<vmem>>, vector<16xf32>,
    tpu.vector_store %arg10[%swap3A_422], %sub3A_421 {strides = array<i32>} : memref<768xf32, #tpu.memory_space<vmem>>, vector<16xf32>,
    %get3A_424 = arith.constant 1 : i32
    %get3A_425 = arith.index_cast %get3A_424 : i32 to index
    %get3A_426 = arith.constant 576 : index
    %get3A_427 = tpu.vector_load %arg9[%get3A_425, %get3A_426] {strides = array<i32>} : memref<2x768xf32, #tpu.memory_space<vmem>>, vector<16xf32>,
    %get3A_428 = arith.constant 0 : i32
    %get3A_429 = arith.index_cast %get3A_428 : i32 to index
    %get3A_430 = arith.constant 576 : index
    %get3A_431 = tpu.vector_load %arg9[%get3A_429, %get3A_430] {strides = array<i32>} : memref<2x768xf32, #tpu.memory_space<vmem>>, vector<16xf32>,
    %sub3A_432 = arith.subf %get3A_427, %get3A_431 : vector<16xf32>
    %swap3A_433 = arith.constant 576 : index
    %swap3A_434 = tpu.vector_load %arg10[%swap3A_433] {strides = array<i32>} : memref<768xf32, #tpu.memory_space<vmem>>, vector<16xf32>,
    tpu.vector_store %arg10[%swap3A_433], %sub3A_432 {strides = array<i32>} : memref<768xf32, #tpu.memory_space<vmem>>, vector<16xf32>,
    %get3A_435 = arith.constant 1 : i32
    %get3A_436 = arith.index_cast %get3A_435 : i32 to index
    %get3A_437 = arith.constant 592 : index
    %get3A_438 = tpu.vector_load %arg9[%get3A_436, %get3A_437] {strides = array<i32>} : memref<2x768xf32, #tpu.memory_space<vmem>>, vector<16xf32>,
    %get3A_439 = arith.constant 0 : i32
    %get3A_440 = arith.index_cast %get3A_439 : i32 to index
    %get3A_441 = arith.constant 592 : index
    %get3A_442 = tpu.vector_load %arg9[%get3A_440, %get3A_441] {strides = array<i32>} : memref<2x768xf32, #tpu.memory_space<vmem>>, vector<16xf32>,
    %sub3A_443 = arith.subf %get3A_438, %get3A_442 : vector<16xf32>
    %swap3A_444 = arith.constant 592 : index
    %swap3A_445 = tpu.vector_load %arg10[%swap3A_444] {strides = array<i32>} : memref<768xf32, #tpu.memory_space<vmem>>, vector<16xf32>,
    tpu.vector_store %arg10[%swap3A_444], %sub3A_443 {strides = array<i32>} : memref<768xf32, #tpu.memory_space<vmem>>, vector<16xf32>,
    %get3A_446 = arith.constant 1 : i32
    %get3A_447 = arith.index_cast %get3A_446 : i32 to index
    %get3A_448 = arith.constant 608 : index
    %get3A_449 = tpu.vector_load %arg9[%get3A_447, %get3A_448] {strides = array<i32>} : memref<2x768xf32, #tpu.memory_space<vmem>>, vector<16xf32>,
    %get3A_450 = arith.constant 0 : i32
    %get3A_451 = arith.index_cast %get3A_450 : i32 to index
    %get3A_452 = arith.constant 608 : index
    %get3A_453 = tpu.vector_load %arg9[%get3A_451, %get3A_452] {strides = array<i32>} : memref<2x768xf32, #tpu.memory_space<vmem>>, vector<16xf32>,
    %sub3A_454 = arith.subf %get3A_449, %get3A_453 : vector<16xf32>
    %swap3A_455 = arith.constant 608 : index
    %swap3A_456 = tpu.vector_load %arg10[%swap3A_455] {strides = array<i32>} : memref<768xf32, #tpu.memory_space<vmem>>, vector<16xf32>,
    tpu.vector_store %arg10[%swap3A_455], %sub3A_454 {strides = array<i32>} : memref<768xf32, #tpu.memory_space<vmem>>, vector<16xf32>,
    %get3A_457 = arith.constant 1 : i32
    %get3A_458 = arith.index_cast %get3A_457 : i32 to index
    %get3A_459 = arith.constant 624 : index
    %get3A_460 = tpu.vector_load %arg9[%get3A_458, %get3A_459] {strides = array<i32>} : memref<2x768xf32, #tpu.memory_space<vmem>>, vector<16xf32>,
    %get3A_461 = arith.constant 0 : i32
    %get3A_462 = arith.index_cast %get3A_461 : i32 to index
    %get3A_463 = arith.constant 624 : index
    %get3A_464 = tpu.vector_load %arg9[%get3A_462, %get3A_463] {strides = array<i32>} : memref<2x768xf32, #tpu.memory_space<vmem>>, vector<16xf32>,
    %sub3A_465 = arith.subf %get3A_460, %get3A_464 : vector<16xf32>
    %swap3A_466 = arith.constant 624 : index
    %swap3A_467 = tpu.vector_load %arg10[%swap3A_466] {strides = array<i32>} : memref<768xf32, #tpu.memory_space<vmem>>, vector<16xf32>,
    tpu.vector_store %arg10[%swap3A_466], %sub3A_465 {strides = array<i32>} : memref<768xf32, #tpu.memory_space<vmem>>, vector<16xf32>,
    %get3A_468 = arith.constant 1 : i32
    %get3A_469 = arith.index_cast %get3A_468 : i32 to index
    %get3A_470 = arith.constant 640 : index
    %get3A_471 = tpu.vector_load %arg9[%get3A_469, %get3A_470] {strides = array<i32>} : memref<2x768xf32, #tpu.memory_space<vmem>>, vector<16xf32>,
    %get3A_472 = arith.constant 0 : i32
    %get3A_473 = arith.index_cast %get3A_472 : i32 to index
    %get3A_474 = arith.constant 640 : index
    %get3A_475 = tpu.vector_load %arg9[%get3A_473, %get3A_474] {strides = array<i32>} : memref<2x768xf32, #tpu.memory_space<vmem>>, vector<16xf32>,
    %sub3A_476 = arith.subf %get3A_471, %get3A_475 : vector<16xf32>
    %swap3A_477 = arith.constant 640 : index
    %swap3A_478 = tpu.vector_load %arg10[%swap3A_477] {strides = array<i32>} : memref<768xf32, #tpu.memory_space<vmem>>, vector<16xf32>,
    tpu.vector_store %arg10[%swap3A_477], %sub3A_476 {strides = array<i32>} : memref<768xf32, #tpu.memory_space<vmem>>, vector<16xf32>,
    %get3A_479 = arith.constant 1 : i32
    %get3A_480 = arith.index_cast %get3A_479 : i32 to index
    %get3A_481 = arith.constant 656 : index
    %get3A_482 = tpu.vector_load %arg9[%get3A_480, %get3A_481] {strides = array<i32>} : memref<2x768xf32, #tpu.memory_space<vmem>>, vector<16xf32>,
    %get3A_483 = arith.constant 0 : i32
    %get3A_484 = arith.index_cast %get3A_483 : i32 to index
    %get3A_485 = arith.constant 656 : index
    %get3A_486 = tpu.vector_load %arg9[%get3A_484, %get3A_485] {strides = array<i32>} : memref<2x768xf32, #tpu.memory_space<vmem>>, vector<16xf32>,
    %sub3A_487 = arith.subf %get3A_482, %get3A_486 : vector<16xf32>
    %swap3A_488 = arith.constant 656 : index
    %swap3A_489 = tpu.vector_load %arg10[%swap3A_488] {strides = array<i32>} : memref<768xf32, #tpu.memory_space<vmem>>, vector<16xf32>,
    tpu.vector_store %arg10[%swap3A_488], %sub3A_487 {strides = array<i32>} : memref<768xf32, #tpu.memory_space<vmem>>, vector<16xf32>,
    %get3A_490 = arith.constant 1 : i32
    %get3A_491 = arith.index_cast %get3A_490 : i32 to index
    %get3A_492 = arith.constant 672 : index
    %get3A_493 = tpu.vector_load %arg9[%get3A_491, %get3A_492] {strides = array<i32>} : memref<2x768xf32, #tpu.memory_space<vmem>>, vector<16xf32>,
    %get3A_494 = arith.constant 0 : i32
    %get3A_495 = arith.index_cast %get3A_494 : i32 to index
    %get3A_496 = arith.constant 672 : index
    %get3A_497 = tpu.vector_load %arg9[%get3A_495, %get3A_496] {strides = array<i32>} : memref<2x768xf32, #tpu.memory_space<vmem>>, vector<16xf32>,
    %sub3A_498 = arith.subf %get3A_493, %get3A_497 : vector<16xf32>
    %swap3A_499 = arith.constant 672 : index
    %swap3A_500 = tpu.vector_load %arg10[%swap3A_499] {strides = array<i32>} : memref<768xf32, #tpu.memory_space<vmem>>, vector<16xf32>,
    tpu.vector_store %arg10[%swap3A_499], %sub3A_498 {strides = array<i32>} : memref<768xf32, #tpu.memory_space<vmem>>, vector<16xf32>,
    %get3A_501 = arith.constant 1 : i32
    %get3A_502 = arith.index_cast %get3A_501 : i32 to index
    %get3A_503 = arith.constant 688 : index
    %get3A_504 = tpu.vector_load %arg9[%get3A_502, %get3A_503] {strides = array<i32>} : memref<2x768xf32, #tpu.memory_space<vmem>>, vector<16xf32>,
    %get3A_505 = arith.constant 0 : i32
    %get3A_506 = arith.index_cast %get3A_505 : i32 to index
    %get3A_507 = arith.constant 688 : index
    %get3A_508 = tpu.vector_load %arg9[%get3A_506, %get3A_507] {strides = array<i32>} : memref<2x768xf32, #tpu.memory_space<vmem>>, vector<16xf32>,
    %sub3A_509 = arith.subf %get3A_504, %get3A_508 : vector<16xf32>
    %swap3A_510 = arith.constant 688 : index
    %swap3A_511 = tpu.vector_load %arg10[%swap3A_510] {strides = array<i32>} : memref<768xf32, #tpu.memory_space<vmem>>, vector<16xf32>,
    tpu.vector_store %arg10[%swap3A_510], %sub3A_509 {strides = array<i32>} : memref<768xf32, #tpu.memory_space<vmem>>, vector<16xf32>,
    %get3A_512 = arith.constant 1 : i32
    %get3A_513 = arith.index_cast %get3A_512 : i32 to index
    %get3A_514 = arith.constant 704 : index
    %get3A_515 = tpu.vector_load %arg9[%get3A_513, %get3A_514] {strides = array<i32>} : memref<2x768xf32, #tpu.memory_space<vmem>>, vector<16xf32>,
    %get3A_516 = arith.constant 0 : i32
    %get3A_517 = arith.index_cast %get3A_516 : i32 to index
    %get3A_518 = arith.constant 704 : index
    %get3A_519 = tpu.vector_load %arg9[%get3A_517, %get3A_518] {strides = array<i32>} : memref<2x768xf32, #tpu.memory_space<vmem>>, vector<16xf32>,
    %sub3A_520 = arith.subf %get3A_515, %get3A_519 : vector<16xf32>
    %swap3A_521 = arith.constant 704 : index
    %swap3A_522 = tpu.vector_load %arg10[%swap3A_521] {strides = array<i32>} : memref<768xf32, #tpu.memory_space<vmem>>, vector<16xf32>,
    tpu.vector_store %arg10[%swap3A_521], %sub3A_520 {strides = array<i32>} : memref<768xf32, #tpu.memory_space<vmem>>, vector<16xf32>,
    %get3A_523 = arith.constant 1 : i32
    %get3A_524 = arith.index_cast %get3A_523 : i32 to index
    %get3A_525 = arith.constant 720 : index
    %get3A_526 = tpu.vector_load %arg9[%get3A_524, %get3A_525] {strides = array<i32>} : memref<2x768xf32, #tpu.memory_space<vmem>>, vector<16xf32>,
    %get3A_527 = arith.constant 0 : i32
    %get3A_528 = arith.index_cast %get3A_527 : i32 to index
    %get3A_529 = arith.constant 720 : index
    %get3A_530 = tpu.vector_load %arg9[%get3A_528, %get3A_529] {strides = array<i32>} : memref<2x768xf32, #tpu.memory_space<vmem>>, vector<16xf32>,
    %sub3A_531 = arith.subf %get3A_526, %get3A_530 : vector<16xf32>
    %swap3A_532 = arith.constant 720 : index
    %swap3A_533 = tpu.vector_load %arg10[%swap3A_532] {strides = array<i32>} : memref<768xf32, #tpu.memory_space<vmem>>, vector<16xf32>,
    tpu.vector_store %arg10[%swap3A_532], %sub3A_531 {strides = array<i32>} : memref<768xf32, #tpu.memory_space<vmem>>, vector<16xf32>,
    %get3A_534 = arith.constant 1 : i32
    %get3A_535 = arith.index_cast %get3A_534 : i32 to index
    %get3A_536 = arith.constant 736 : index
    %get3A_537 = tpu.vector_load %arg9[%get3A_535, %get3A_536] {strides = array<i32>} : memref<2x768xf32, #tpu.memory_space<vmem>>, vector<16xf32>,
    %get3A_538 = arith.constant 0 : i32
    %get3A_539 = arith.index_cast %get3A_538 : i32 to index
    %get3A_540 = arith.constant 736 : index
    %get3A_541 = tpu.vector_load %arg9[%get3A_539, %get3A_540] {strides = array<i32>} : memref<2x768xf32, #tpu.memory_space<vmem>>, vector<16xf32>,
    %sub3A_542 = arith.subf %get3A_537, %get3A_541 : vector<16xf32>
    %swap3A_543 = arith.constant 736 : index
    %swap3A_544 = tpu.vector_load %arg10[%swap3A_543] {strides = array<i32>} : memref<768xf32, #tpu.memory_space<vmem>>, vector<16xf32>,
    tpu.vector_store %arg10[%swap3A_543], %sub3A_542 {strides = array<i32>} : memref<768xf32, #tpu.memory_space<vmem>>, vector<16xf32>,
    %get3A_545 = arith.constant 1 : i32
    %get3A_546 = arith.index_cast %get3A_545 : i32 to index
    %get3A_547 = arith.constant 752 : index
    %get3A_548 = tpu.vector_load %arg9[%get3A_546, %get3A_547] {strides = array<i32>} : memref<2x768xf32, #tpu.memory_space<vmem>>, vector<16xf32>,
    %get3A_549 = arith.constant 0 : i32
    %get3A_550 = arith.index_cast %get3A_549 : i32 to index
    %get3A_551 = arith.constant 752 : index
    %get3A_552 = tpu.vector_load %arg9[%get3A_550, %get3A_551] {strides = array<i32>} : memref<2x768xf32, #tpu.memory_space<vmem>>, vector<16xf32>,
    %sub3A_553 = arith.subf %get3A_548, %get3A_552 : vector<16xf32>
    %swap3A_554 = arith.constant 752 : index
    %swap3A_555 = tpu.vector_load %arg10[%swap3A_554] {strides = array<i32>} : memref<768xf32, #tpu.memory_space<vmem>>, vector<16xf32>,
    tpu.vector_store %arg10[%swap3A_554], %sub3A_553 {strides = array<i32>} : memref<768xf32, #tpu.memory_space<vmem>>, vector<16xf32>,
    %scan3A = arith.constant 0 : i32
    %scan3A_556 = arith.constant 0 : i32
    %scan3A_557 = arith.constant 16 : i32
    %scan3A_558 = arith.addi %scan3A_556, %scan3A_557 : i32
    %scan3A_559 = arith.constant 1 : i32
    scf.for %scan3A_577 = %scan3A_556 to %scan3A_558 step %scan3A_559  : i32 {
      %mul3A_578 = arith.constant 2 : i32
      %mul3A_579 = arith.muli %mul3A_578, %scan3A_577 : i32
      %add3A_580 = arith.constant 0 : i32
      %add3A_581 = arith.addi %mul3A_579, %add3A_580 : i32
      %dma_wait3A_582 = arith.constant 0 : i32
      %dma_wait3A_583 = tpu.memref_slice %arg7[%add3A_581, %dma_wait3A_582] : memref<32x32xi32, #tpu.memory_space<vmem>> -> memref<1x32xi32, #tpu.memory_space<vmem>>
      %dma_wait3A_584 = tpu.memref_squeeze %dma_wait3A_583 : memref<1x32xi32, #tpu.memory_space<vmem>> -> memref<32xi32, #tpu.memory_space<vmem>>
      %dma_wait3A_585 = arith.constant 0 : i32
      %dma_wait3A_586 = arith.constant 0 : i32
      %dma_wait3A_587 = tpu.memref_slice %arg4[%dma_wait3A_585, %dma_wait3A_586] : memref<100000x768xf32, #tpu.memory_space<hbm>> -> memref<100000x768xf32, #tpu.memory_space<hbm>>
      tpu.wait_indirect_dma semaphore(%arg15 : memref<!tpu.dma_semaphore, #tpu.memory_space<semaphore_mem>>) src(%dma_wait3A_587 : memref<100000x768xf32, #tpu.memory_space<hbm>>) dst(%arg11 : memref<32x768xf32, #tpu.memory_space<vmem>>)
      %ge3A = arith.constant 2 : i32
      %ge3A_588 = arith.cmpi sge, %add3A_581, %ge3A : i32
      %convert_element_type3A = arith.extui %ge3A_588 : i1 to i32
      %cond3A = arith.constant 0 : i32
      %cond3A_589 = arith.cmpi ne, %convert_element_type3A, %cond3A : i32
      scf.if %cond3A_589 {
        %sub3A_1244 = arith.constant 2 : i32
        %sub3A_1245 = arith.subi %add3A_581, %sub3A_1244 : i32
        %add3A_1246 = arith.addi %mul3A_2, %sub3A_1245 : i32
        %mul3A_1247 = arith.constant 32 : i32
        %mul3A_1248 = arith.muli %add3A_1246, %mul3A_1247 : i32
        %dma_wait3A_1249 = arith.constant 0 : i32
        %dma_wait3A_1250 = tpu.memref_slice %arg6[%mul3A_1248, %dma_wait3A_1249] : memref<32768x768xf32, #tpu.memory_space<hbm>> -> memref<32x768xf32, #tpu.memory_space<hbm>>
        %dma_wait3A_1251 = arith.constant 0 : i32
        %dma_wait3A_1252 = tpu.memref_slice %arg6[%mul3A_1248, %dma_wait3A_1251] : memref<32768x768xf32, #tpu.memory_space<hbm>> -> memref<32x768xf32, #tpu.memory_space<hbm>>
        tpu.wait_dma2 semaphore(%arg17 : memref<!tpu.dma_semaphore, #tpu.memory_space<semaphore_mem>>) src(%arg13 : memref<32x768xf32, #tpu.memory_space<vmem>>) dst(%dma_wait3A_1252 : memref<32x768xf32, #tpu.memory_space<hbm>>)
      } else {
      }
      %get3A_590 = arith.constant 0 : i32
      %get3A_591 = arith.index_cast %get3A_590 : i32 to index
      %get3A_592 = arith.constant 0 : index
      %get3A_593 = tpu.vector_load %arg9[%get3A_591, %get3A_592] {strides = array<i32>} : memref<2x768xf32, #tpu.memory_space<vmem>>, vector<16xf32>,
      %get3A_594 = arith.constant 0 : i32
      %get3A_595 = arith.index_cast %get3A_594 : i32 to index
      %get3A_596 = arith.constant 16 : index
      %get3A_597 = tpu.vector_load %arg9[%get3A_595, %get3A_596] {strides = array<i32>} : memref<2x768xf32, #tpu.memory_space<vmem>>, vector<16xf32>,
      %get3A_598 = arith.constant 0 : i32
      %get3A_599 = arith.index_cast %get3A_598 : i32 to index
      %get3A_600 = arith.constant 32 : index
      %get3A_601 = tpu.vector_load %arg9[%get3A_599, %get3A_600] {strides = array<i32>} : memref<2x768xf32, #tpu.memory_space<vmem>>, vector<16xf32>,
      %get3A_602 = arith.constant 0 : i32
      %get3A_603 = arith.index_cast %get3A_602 : i32 to index
      %get3A_604 = arith.constant 48 : index
      %get3A_605 = tpu.vector_load %arg9[%get3A_603, %get3A_604] {strides = array<i32>} : memref<2x768xf32, #tpu.memory_space<vmem>>, vector<16xf32>,
      %get3A_606 = arith.constant 0 : i32
      %get3A_607 = arith.index_cast %get3A_606 : i32 to index
      %get3A_608 = arith.constant 64 : index
      %get3A_609 = tpu.vector_load %arg9[%get3A_607, %get3A_608] {strides = array<i32>} : memref<2x768xf32, #tpu.memory_space<vmem>>, vector<16xf32>,
      %get3A_610 = arith.constant 0 : i32
      %get3A_611 = arith.index_cast %get3A_610 : i32 to index
      %get3A_612 = arith.constant 80 : index
      %get3A_613 = tpu.vector_load %arg9[%get3A_611, %get3A_612] {strides = array<i32>} : memref<2x768xf32, #tpu.memory_space<vmem>>, vector<16xf32>,
      %get3A_614 = arith.constant 0 : i32
      %get3A_615 = arith.index_cast %get3A_614 : i32 to index
      %get3A_616 = arith.constant 96 : index
      %get3A_617 = tpu.vector_load %arg9[%get3A_615, %get3A_616] {strides = array<i32>} : memref<2x768xf32, #tpu.memory_space<vmem>>, vector<16xf32>,
      %get3A_618 = arith.constant 0 : i32
      %get3A_619 = arith.index_cast %get3A_618 : i32 to index
      %get3A_620 = arith.constant 112 : index
      %get3A_621 = tpu.vector_load %arg9[%get3A_619, %get3A_620] {strides = array<i32>} : memref<2x768xf32, #tpu.memory_space<vmem>>, vector<16xf32>,
      %get3A_622 = arith.constant 0 : i32
      %get3A_623 = arith.index_cast %get3A_622 : i32 to index
      %get3A_624 = arith.constant 128 : index
      %get3A_625 = tpu.vector_load %arg9[%get3A_623, %get3A_624] {strides = array<i32>} : memref<2x768xf32, #tpu.memory_space<vmem>>, vector<16xf32>,
      %get3A_626 = arith.constant 0 : i32
      %get3A_627 = arith.index_cast %get3A_626 : i32 to index
      %get3A_628 = arith.constant 144 : index
      %get3A_629 = tpu.vector_load %arg9[%get3A_627, %get3A_628] {strides = array<i32>} : memref<2x768xf32, #tpu.memory_space<vmem>>, vector<16xf32>,
      %get3A_630 = arith.constant 0 : i32
      %get3A_631 = arith.index_cast %get3A_630 : i32 to index
      %get3A_632 = arith.constant 160 : index
      %get3A_633 = tpu.vector_load %arg9[%get3A_631, %get3A_632] {strides = array<i32>} : memref<2x768xf32, #tpu.memory_space<vmem>>, vector<16xf32>,
      %get3A_634 = arith.constant 0 : i32
      %get3A_635 = arith.index_cast %get3A_634 : i32 to index
      %get3A_636 = arith.constant 176 : index
      %get3A_637 = tpu.vector_load %arg9[%get3A_635, %get3A_636] {strides = array<i32>} : memref<2x768xf32, #tpu.memory_space<vmem>>, vector<16xf32>,
      %get3A_638 = arith.constant 0 : i32
      %get3A_639 = arith.index_cast %get3A_638 : i32 to index
      %get3A_640 = arith.constant 192 : index
      %get3A_641 = tpu.vector_load %arg9[%get3A_639, %get3A_640] {strides = array<i32>} : memref<2x768xf32, #tpu.memory_space<vmem>>, vector<16xf32>,
      %get3A_642 = arith.constant 0 : i32
      %get3A_643 = arith.index_cast %get3A_642 : i32 to index
      %get3A_644 = arith.constant 208 : index
      %get3A_645 = tpu.vector_load %arg9[%get3A_643, %get3A_644] {strides = array<i32>} : memref<2x768xf32, #tpu.memory_space<vmem>>, vector<16xf32>,
      %get3A_646 = arith.constant 0 : i32
      %get3A_647 = arith.index_cast %get3A_646 : i32 to index
      %get3A_648 = arith.constant 224 : index
      %get3A_649 = tpu.vector_load %arg9[%get3A_647, %get3A_648] {strides = array<i32>} : memref<2x768xf32, #tpu.memory_space<vmem>>, vector<16xf32>,
      %get3A_650 = arith.constant 0 : i32
      %get3A_651 = arith.index_cast %get3A_650 : i32 to index
      %get3A_652 = arith.constant 240 : index
      %get3A_653 = tpu.vector_load %arg9[%get3A_651, %get3A_652] {strides = array<i32>} : memref<2x768xf32, #tpu.memory_space<vmem>>, vector<16xf32>,
      %get3A_654 = arith.constant 0 : index
      %get3A_655 = tpu.vector_load %arg10[%get3A_654] {strides = array<i32>} : memref<768xf32, #tpu.memory_space<vmem>>, vector<16xf32>,
      %get3A_656 = arith.constant 16 : index
      %get3A_657 = tpu.vector_load %arg10[%get3A_656] {strides = array<i32>} : memref<768xf32, #tpu.memory_space<vmem>>, vector<16xf32>,
      %get3A_658 = arith.constant 32 : index
      %get3A_659 = tpu.vector_load %arg10[%get3A_658] {strides = array<i32>} : memref<768xf32, #tpu.memory_space<vmem>>, vector<16xf32>,
      %get3A_660 = arith.constant 48 : index
      %get3A_661 = tpu.vector_load %arg10[%get3A_660] {strides = array<i32>} : memref<768xf32, #tpu.memory_space<vmem>>, vector<16xf32>,
      %get3A_662 = arith.constant 64 : index
      %get3A_663 = tpu.vector_load %arg10[%get3A_662] {strides = array<i32>} : memref<768xf32, #tpu.memory_space<vmem>>, vector<16xf32>,
      %get3A_664 = arith.constant 80 : index
      %get3A_665 = tpu.vector_load %arg10[%get3A_664] {strides = array<i32>} : memref<768xf32, #tpu.memory_space<vmem>>, vector<16xf32>,
      %get3A_666 = arith.constant 96 : index
      %get3A_667 = tpu.vector_load %arg10[%get3A_666] {strides = array<i32>} : memref<768xf32, #tpu.memory_space<vmem>>, vector<16xf32>,
      %get3A_668 = arith.constant 112 : index
      %get3A_669 = tpu.vector_load %arg10[%get3A_668] {strides = array<i32>} : memref<768xf32, #tpu.memory_space<vmem>>, vector<16xf32>,
      %get3A_670 = arith.constant 128 : index
      %get3A_671 = tpu.vector_load %arg10[%get3A_670] {strides = array<i32>} : memref<768xf32, #tpu.memory_space<vmem>>, vector<16xf32>,
      %get3A_672 = arith.constant 144 : index
      %get3A_673 = tpu.vector_load %arg10[%get3A_672] {strides = array<i32>} : memref<768xf32, #tpu.memory_space<vmem>>, vector<16xf32>,
      %get3A_674 = arith.constant 160 : index
      %get3A_675 = tpu.vector_load %arg10[%get3A_674] {strides = array<i32>} : memref<768xf32, #tpu.memory_space<vmem>>, vector<16xf32>,
      %get3A_676 = arith.constant 176 : index
      %get3A_677 = tpu.vector_load %arg10[%get3A_676] {strides = array<i32>} : memref<768xf32, #tpu.memory_space<vmem>>, vector<16xf32>,
      %get3A_678 = arith.constant 192 : index
      %get3A_679 = tpu.vector_load %arg10[%get3A_678] {strides = array<i32>} : memref<768xf32, #tpu.memory_space<vmem>>, vector<16xf32>,
      %get3A_680 = arith.constant 208 : index
      %get3A_681 = tpu.vector_load %arg10[%get3A_680] {strides = array<i32>} : memref<768xf32, #tpu.memory_space<vmem>>, vector<16xf32>,
      %get3A_682 = arith.constant 224 : index
      %get3A_683 = tpu.vector_load %arg10[%get3A_682] {strides = array<i32>} : memref<768xf32, #tpu.memory_space<vmem>>, vector<16xf32>,
      %get3A_684 = arith.constant 240 : index
      %get3A_685 = tpu.vector_load %arg10[%get3A_684] {strides = array<i32>} : memref<768xf32, #tpu.memory_space<vmem>>, vector<16xf32>,
      %scan3A_686 = arith.constant 0 : i32
      %scan3A_687 = arith.constant 0 : i32
      %scan3A_688 = arith.constant 16 : i32
      %scan3A_689 = arith.addi %scan3A_687, %scan3A_688 : i32
      %scan3A_690 = arith.constant 1 : i32
      scf.for %scan3A_1244 = %scan3A_687 to %scan3A_689 step %scan3A_690  : i32 {
        %mul3A_1245 = arith.constant 2 : i32
        %mul3A_1246 = arith.muli %scan3A_1244, %mul3A_1245 : i32
        %add3A_1247 = arith.constant 0 : i32
        %add3A_1248 = arith.addi %mul3A_1246, %add3A_1247 : i32
        %broadcast_in_dim3A = vector.broadcast %add3A_581 : i32 to vector<16xi32>
        %broadcast_in_dim3A_1249 = vector.broadcast %add3A_1248 : i32 to vector<16xi32>
        %gather3A = tpu.vector_load_idx %arg8[%broadcast_in_dim3A, %broadcast_in_dim3A_1249] : memref<32x32xi32, #tpu.memory_space<vmem>>[vector<16xi32>, vector<16xi32>], vector<16xi32>,
        %convert_element_type3A_1250 = arith.sitofp %gather3A : vector<16xi32> to vector<16xf32>
        %get3A_1251 = arith.index_cast %add3A_1248 : i32 to index
        %get3A_1252 = arith.constant 0 : index
        %get3A_1253 = tpu.vector_load %arg11[%get3A_1251, %get3A_1252] {strides = array<i32>} : memref<32x768xf32, #tpu.memory_space<vmem>>, vector<16xf32>,
        %mul3A_1254 = arith.mulf %convert_element_type3A_1250, %get3A_655 : vector<16xf32>
        %add3A_1255 = arith.addf %get3A_593, %mul3A_1254 : vector<16xf32>
        %add3A_1256 = arith.addf %get3A_1253, %add3A_1255 : vector<16xf32>
        %swap3A_1257 = arith.index_cast %add3A_1248 : i32 to index
        %swap3A_1258 = arith.constant 0 : index
        %swap3A_1259 = tpu.vector_load %arg13[%swap3A_1257, %swap3A_1258] {strides = array<i32>} : memref<32x768xf32, #tpu.memory_space<vmem>>, vector<16xf32>,
        tpu.vector_store %arg13[%swap3A_1257, %swap3A_1258], %add3A_1256 {strides = array<i32>} : memref<32x768xf32, #tpu.memory_space<vmem>>, vector<16xf32>,
        %get3A_1260 = arith.index_cast %add3A_1248 : i32 to index
        %get3A_1261 = arith.constant 16 : index
        %get3A_1262 = tpu.vector_load %arg11[%get3A_1260, %get3A_1261] {strides = array<i32>} : memref<32x768xf32, #tpu.memory_space<vmem>>, vector<16xf32>,
        %mul3A_1263 = arith.mulf %convert_element_type3A_1250, %get3A_657 : vector<16xf32>
        %add3A_1264 = arith.addf %get3A_597, %mul3A_1263 : vector<16xf32>
        %add3A_1265 = arith.addf %get3A_1262, %add3A_1264 : vector<16xf32>
        %swap3A_1266 = arith.index_cast %add3A_1248 : i32 to index
        %swap3A_1267 = arith.constant 16 : index
        %swap3A_1268 = tpu.vector_load %arg13[%swap3A_1266, %swap3A_1267] {strides = array<i32>} : memref<32x768xf32, #tpu.memory_space<vmem>>, vector<16xf32>,
        tpu.vector_store %arg13[%swap3A_1266, %swap3A_1267], %add3A_1265 {strides = array<i32>} : memref<32x768xf32, #tpu.memory_space<vmem>>, vector<16xf32>,
        %get3A_1269 = arith.index_cast %add3A_1248 : i32 to index
        %get3A_1270 = arith.constant 32 : index
        %get3A_1271 = tpu.vector_load %arg11[%get3A_1269, %get3A_1270] {strides = array<i32>} : memref<32x768xf32, #tpu.memory_space<vmem>>, vector<16xf32>,
        %mul3A_1272 = arith.mulf %convert_element_type3A_1250, %get3A_659 : vector<16xf32>
        %add3A_1273 = arith.addf %get3A_601, %mul3A_1272 : vector<16xf32>
        %add3A_1274 = arith.addf %get3A_1271, %add3A_1273 : vector<16xf32>
        %swap3A_1275 = arith.index_cast %add3A_1248 : i32 to index
        %swap3A_1276 = arith.constant 32 : index
        %swap3A_1277 = tpu.vector_load %arg13[%swap3A_1275, %swap3A_1276] {strides = array<i32>} : memref<32x768xf32, #tpu.memory_space<vmem>>, vector<16xf32>,
        tpu.vector_store %arg13[%swap3A_1275, %swap3A_1276], %add3A_1274 {strides = array<i32>} : memref<32x768xf32, #tpu.memory_space<vmem>>, vector<16xf32>,
        %get3A_1278 = arith.index_cast %add3A_1248 : i32 to index
        %get3A_1279 = arith.constant 48 : index
        %get3A_1280 = tpu.vector_load %arg11[%get3A_1278, %get3A_1279] {strides = array<i32>} : memref<32x768xf32, #tpu.memory_space<vmem>>, vector<16xf32>,
        %mul3A_1281 = arith.mulf %convert_element_type3A_1250, %get3A_661 : vector<16xf32>
        %add3A_1282 = arith.addf %get3A_605, %mul3A_1281 : vector<16xf32>
        %add3A_1283 = arith.addf %get3A_1280, %add3A_1282 : vector<16xf32>
        %swap3A_1284 = arith.index_cast %add3A_1248 : i32 to index
        %swap3A_1285 = arith.constant 48 : index
        %swap3A_1286 = tpu.vector_load %arg13[%swap3A_1284, %swap3A_1285] {strides = array<i32>} : memref<32x768xf32, #tpu.memory_space<vmem>>, vector<16xf32>,
        tpu.vector_store %arg13[%swap3A_1284, %swap3A_1285], %add3A_1283 {strides = array<i32>} : memref<32x768xf32, #tpu.memory_space<vmem>>, vector<16xf32>,
        %get3A_1287 = arith.index_cast %add3A_1248 : i32 to index
        %get3A_1288 = arith.constant 64 : index
        %get3A_1289 = tpu.vector_load %arg11[%get3A_1287, %get3A_1288] {strides = array<i32>} : memref<32x768xf32, #tpu.memory_space<vmem>>, vector<16xf32>,
        %mul3A_1290 = arith.mulf %convert_element_type3A_1250, %get3A_663 : vector<16xf32>
        %add3A_1291 = arith.addf %get3A_609, %mul3A_1290 : vector<16xf32>
        %add3A_1292 = arith.addf %get3A_1289, %add3A_1291 : vector<16xf32>
        %swap3A_1293 = arith.index_cast %add3A_1248 : i32 to index
        %swap3A_1294 = arith.constant 64 : index
        %swap3A_1295 = tpu.vector_load %arg13[%swap3A_1293, %swap3A_1294] {strides = array<i32>} : memref<32x768xf32, #tpu.memory_space<vmem>>, vector<16xf32>,
        tpu.vector_store %arg13[%swap3A_1293, %swap3A_1294], %add3A_1292 {strides = array<i32>} : memref<32x768xf32, #tpu.memory_space<vmem>>, vector<16xf32>,
        %get3A_1296 = arith.index_cast %add3A_1248 : i32 to index
        %get3A_1297 = arith.constant 80 : index
        %get3A_1298 = tpu.vector_load %arg11[%get3A_1296, %get3A_1297] {strides = array<i32>} : memref<32x768xf32, #tpu.memory_space<vmem>>, vector<16xf32>,
        %mul3A_1299 = arith.mulf %convert_element_type3A_1250, %get3A_665 : vector<16xf32>
        %add3A_1300 = arith.addf %get3A_613, %mul3A_1299 : vector<16xf32>
        %add3A_1301 = arith.addf %get3A_1298, %add3A_1300 : vector<16xf32>
        %swap3A_1302 = arith.index_cast %add3A_1248 : i32 to index
        %swap3A_1303 = arith.constant 80 : index
        %swap3A_1304 = tpu.vector_load %arg13[%swap3A_1302, %swap3A_1303] {strides = array<i32>} : memref<32x768xf32, #tpu.memory_space<vmem>>, vector<16xf32>,
        tpu.vector_store %arg13[%swap3A_1302, %swap3A_1303], %add3A_1301 {strides = array<i32>} : memref<32x768xf32, #tpu.memory_space<vmem>>, vector<16xf32>,
        %get3A_1305 = arith.index_cast %add3A_1248 : i32 to index
        %get3A_1306 = arith.constant 96 : index
        %get3A_1307 = tpu.vector_load %arg11[%get3A_1305, %get3A_1306] {strides = array<i32>} : memref<32x768xf32, #tpu.memory_space<vmem>>, vector<16xf32>,
        %mul3A_1308 = arith.mulf %convert_element_type3A_1250, %get3A_667 : vector<16xf32>
        %add3A_1309 = arith.addf %get3A_617, %mul3A_1308 : vector<16xf32>
        %add3A_1310 = arith.addf %get3A_1307, %add3A_1309 : vector<16xf32>
        %swap3A_1311 = arith.index_cast %add3A_1248 : i32 to index
        %swap3A_1312 = arith.constant 96 : index
        %swap3A_1313 = tpu.vector_load %arg13[%swap3A_1311, %swap3A_1312] {strides = array<i32>} : memref<32x768xf32, #tpu.memory_space<vmem>>, vector<16xf32>,
        tpu.vector_store %arg13[%swap3A_1311, %swap3A_1312], %add3A_1310 {strides = array<i32>} : memref<32x768xf32, #tpu.memory_space<vmem>>, vector<16xf32>,
        %get3A_1314 = arith.index_cast %add3A_1248 : i32 to index
        %get3A_1315 = arith.constant 112 : index
        %get3A_1316 = tpu.vector_load %arg11[%get3A_1314, %get3A_1315] {strides = array<i32>} : memref<32x768xf32, #tpu.memory_space<vmem>>, vector<16xf32>,
        %mul3A_1317 = arith.mulf %convert_element_type3A_1250, %get3A_669 : vector<16xf32>
        %add3A_1318 = arith.addf %get3A_621, %mul3A_1317 : vector<16xf32>
        %add3A_1319 = arith.addf %get3A_1316, %add3A_1318 : vector<16xf32>
        %swap3A_1320 = arith.index_cast %add3A_1248 : i32 to index
        %swap3A_1321 = arith.constant 112 : index
        %swap3A_1322 = tpu.vector_load %arg13[%swap3A_1320, %swap3A_1321] {strides = array<i32>} : memref<32x768xf32, #tpu.memory_space<vmem>>, vector<16xf32>,
        tpu.vector_store %arg13[%swap3A_1320, %swap3A_1321], %add3A_1319 {strides = array<i32>} : memref<32x768xf32, #tpu.memory_space<vmem>>, vector<16xf32>,
        %get3A_1323 = arith.index_cast %add3A_1248 : i32 to index
        %get3A_1324 = arith.constant 128 : index
        %get3A_1325 = tpu.vector_load %arg11[%get3A_1323, %get3A_1324] {strides = array<i32>} : memref<32x768xf32, #tpu.memory_space<vmem>>, vector<16xf32>,
        %mul3A_1326 = arith.mulf %convert_element_type3A_1250, %get3A_671 : vector<16xf32>
        %add3A_1327 = arith.addf %get3A_625, %mul3A_1326 : vector<16xf32>
        %add3A_1328 = arith.addf %get3A_1325, %add3A_1327 : vector<16xf32>
        %swap3A_1329 = arith.index_cast %add3A_1248 : i32 to index
        %swap3A_1330 = arith.constant 128 : index
        %swap3A_1331 = tpu.vector_load %arg13[%swap3A_1329, %swap3A_1330] {strides = array<i32>} : memref<32x768xf32, #tpu.memory_space<vmem>>, vector<16xf32>,
        tpu.vector_store %arg13[%swap3A_1329, %swap3A_1330], %add3A_1328 {strides = array<i32>} : memref<32x768xf32, #tpu.memory_space<vmem>>, vector<16xf32>,
        %get3A_1332 = arith.index_cast %add3A_1248 : i32 to index
        %get3A_1333 = arith.constant 144 : index
        %get3A_1334 = tpu.vector_load %arg11[%get3A_1332, %get3A_1333] {strides = array<i32>} : memref<32x768xf32, #tpu.memory_space<vmem>>, vector<16xf32>,
        %mul3A_1335 = arith.mulf %convert_element_type3A_1250, %get3A_673 : vector<16xf32>
        %add3A_1336 = arith.addf %get3A_629, %mul3A_1335 : vector<16xf32>
        %add3A_1337 = arith.addf %get3A_1334, %add3A_1336 : vector<16xf32>
        %swap3A_1338 = arith.index_cast %add3A_1248 : i32 to index
        %swap3A_1339 = arith.constant 144 : index
        %swap3A_1340 = tpu.vector_load %arg13[%swap3A_1338, %swap3A_1339] {strides = array<i32>} : memref<32x768xf32, #tpu.memory_space<vmem>>, vector<16xf32>,
        tpu.vector_store %arg13[%swap3A_1338, %swap3A_1339], %add3A_1337 {strides = array<i32>} : memref<32x768xf32, #tpu.memory_space<vmem>>, vector<16xf32>,
        %get3A_1341 = arith.index_cast %add3A_1248 : i32 to index
        %get3A_1342 = arith.constant 160 : index
        %get3A_1343 = tpu.vector_load %arg11[%get3A_1341, %get3A_1342] {strides = array<i32>} : memref<32x768xf32, #tpu.memory_space<vmem>>, vector<16xf32>,
        %mul3A_1344 = arith.mulf %convert_element_type3A_1250, %get3A_675 : vector<16xf32>
        %add3A_1345 = arith.addf %get3A_633, %mul3A_1344 : vector<16xf32>
        %add3A_1346 = arith.addf %get3A_1343, %add3A_1345 : vector<16xf32>
        %swap3A_1347 = arith.index_cast %add3A_1248 : i32 to index
        %swap3A_1348 = arith.constant 160 : index
        %swap3A_1349 = tpu.vector_load %arg13[%swap3A_1347, %swap3A_1348] {strides = array<i32>} : memref<32x768xf32, #tpu.memory_space<vmem>>, vector<16xf32>,
        tpu.vector_store %arg13[%swap3A_1347, %swap3A_1348], %add3A_1346 {strides = array<i32>} : memref<32x768xf32, #tpu.memory_space<vmem>>, vector<16xf32>,
        %get3A_1350 = arith.index_cast %add3A_1248 : i32 to index
        %get3A_1351 = arith.constant 176 : index
        %get3A_1352 = tpu.vector_load %arg11[%get3A_1350, %get3A_1351] {strides = array<i32>} : memref<32x768xf32, #tpu.memory_space<vmem>>, vector<16xf32>,
        %mul3A_1353 = arith.mulf %convert_element_type3A_1250, %get3A_677 : vector<16xf32>
        %add3A_1354 = arith.addf %get3A_637, %mul3A_1353 : vector<16xf32>
        %add3A_1355 = arith.addf %get3A_1352, %add3A_1354 : vector<16xf32>
        %swap3A_1356 = arith.index_cast %add3A_1248 : i32 to index
        %swap3A_1357 = arith.constant 176 : index
        %swap3A_1358 = tpu.vector_load %arg13[%swap3A_1356, %swap3A_1357] {strides = array<i32>} : memref<32x768xf32, #tpu.memory_space<vmem>>, vector<16xf32>,
        tpu.vector_store %arg13[%swap3A_1356, %swap3A_1357], %add3A_1355 {strides = array<i32>} : memref<32x768xf32, #tpu.memory_space<vmem>>, vector<16xf32>,
        %get3A_1359 = arith.index_cast %add3A_1248 : i32 to index
        %get3A_1360 = arith.constant 192 : index
        %get3A_1361 = tpu.vector_load %arg11[%get3A_1359, %get3A_1360] {strides = array<i32>} : memref<32x768xf32, #tpu.memory_space<vmem>>, vector<16xf32>,
        %mul3A_1362 = arith.mulf %convert_element_type3A_1250, %get3A_679 : vector<16xf32>
        %add3A_1363 = arith.addf %get3A_641, %mul3A_1362 : vector<16xf32>
        %add3A_1364 = arith.addf %get3A_1361, %add3A_1363 : vector<16xf32>
        %swap3A_1365 = arith.index_cast %add3A_1248 : i32 to index
        %swap3A_1366 = arith.constant 192 : index
        %swap3A_1367 = tpu.vector_load %arg13[%swap3A_1365, %swap3A_1366] {strides = array<i32>} : memref<32x768xf32, #tpu.memory_space<vmem>>, vector<16xf32>,
        tpu.vector_store %arg13[%swap3A_1365, %swap3A_1366], %add3A_1364 {strides = array<i32>} : memref<32x768xf32, #tpu.memory_space<vmem>>, vector<16xf32>,
        %get3A_1368 = arith.index_cast %add3A_1248 : i32 to index
        %get3A_1369 = arith.constant 208 : index
        %get3A_1370 = tpu.vector_load %arg11[%get3A_1368, %get3A_1369] {strides = array<i32>} : memref<32x768xf32, #tpu.memory_space<vmem>>, vector<16xf32>,
        %mul3A_1371 = arith.mulf %convert_element_type3A_1250, %get3A_681 : vector<16xf32>
        %add3A_1372 = arith.addf %get3A_645, %mul3A_1371 : vector<16xf32>
        %add3A_1373 = arith.addf %get3A_1370, %add3A_1372 : vector<16xf32>
        %swap3A_1374 = arith.index_cast %add3A_1248 : i32 to index
        %swap3A_1375 = arith.constant 208 : index
        %swap3A_1376 = tpu.vector_load %arg13[%swap3A_1374, %swap3A_1375] {strides = array<i32>} : memref<32x768xf32, #tpu.memory_space<vmem>>, vector<16xf32>,
        tpu.vector_store %arg13[%swap3A_1374, %swap3A_1375], %add3A_1373 {strides = array<i32>} : memref<32x768xf32, #tpu.memory_space<vmem>>, vector<16xf32>,
        %get3A_1377 = arith.index_cast %add3A_1248 : i32 to index
        %get3A_1378 = arith.constant 224 : index
        %get3A_1379 = tpu.vector_load %arg11[%get3A_1377, %get3A_1378] {strides = array<i32>} : memref<32x768xf32, #tpu.memory_space<vmem>>, vector<16xf32>,
        %mul3A_1380 = arith.mulf %convert_element_type3A_1250, %get3A_683 : vector<16xf32>
        %add3A_1381 = arith.addf %get3A_649, %mul3A_1380 : vector<16xf32>
        %add3A_1382 = arith.addf %get3A_1379, %add3A_1381 : vector<16xf32>
        %swap3A_1383 = arith.index_cast %add3A_1248 : i32 to index
        %swap3A_1384 = arith.constant 224 : index
        %swap3A_1385 = tpu.vector_load %arg13[%swap3A_1383, %swap3A_1384] {strides = array<i32>} : memref<32x768xf32, #tpu.memory_space<vmem>>, vector<16xf32>,
        tpu.vector_store %arg13[%swap3A_1383, %swap3A_1384], %add3A_1382 {strides = array<i32>} : memref<32x768xf32, #tpu.memory_space<vmem>>, vector<16xf32>,
        %get3A_1386 = arith.index_cast %add3A_1248 : i32 to index
        %get3A_1387 = arith.constant 240 : index
        %get3A_1388 = tpu.vector_load %arg11[%get3A_1386, %get3A_1387] {strides = array<i32>} : memref<32x768xf32, #tpu.memory_space<vmem>>, vector<16xf32>,
        %mul3A_1389 = arith.mulf %convert_element_type3A_1250, %get3A_685 : vector<16xf32>
        %add3A_1390 = arith.addf %get3A_653, %mul3A_1389 : vector<16xf32>
        %add3A_1391 = arith.addf %get3A_1388, %add3A_1390 : vector<16xf32>
        %swap3A_1392 = arith.index_cast %add3A_1248 : i32 to index
        %swap3A_1393 = arith.constant 240 : index
        %swap3A_1394 = tpu.vector_load %arg13[%swap3A_1392, %swap3A_1393] {strides = array<i32>} : memref<32x768xf32, #tpu.memory_space<vmem>>, vector<16xf32>,
        tpu.vector_store %arg13[%swap3A_1392, %swap3A_1393], %add3A_1391 {strides = array<i32>} : memref<32x768xf32, #tpu.memory_space<vmem>>, vector<16xf32>,
        %mul3A_1395 = arith.constant 2 : i32
        %mul3A_1396 = arith.muli %scan3A_1244, %mul3A_1395 : i32
        %add3A_1397 = arith.constant 1 : i32
        %add3A_1398 = arith.addi %mul3A_1396, %add3A_1397 : i32
        %broadcast_in_dim3A_1399 = vector.broadcast %add3A_581 : i32 to vector<16xi32>
        %broadcast_in_dim3A_1400 = vector.broadcast %add3A_1398 : i32 to vector<16xi32>
        %gather3A_1401 = tpu.vector_load_idx %arg8[%broadcast_in_dim3A_1399, %broadcast_in_dim3A_1400] : memref<32x32xi32, #tpu.memory_space<vmem>>[vector<16xi32>, vector<16xi32>], vector<16xi32>,
        %convert_element_type3A_1402 = arith.sitofp %gather3A_1401 : vector<16xi32> to vector<16xf32>
        %get3A_1403 = arith.index_cast %add3A_1398 : i32 to index
        %get3A_1404 = arith.constant 0 : index
        %get3A_1405 = tpu.vector_load %arg11[%get3A_1403, %get3A_1404] {strides = array<i32>} : memref<32x768xf32, #tpu.memory_space<vmem>>, vector<16xf32>,
        %mul3A_1406 = arith.mulf %convert_element_type3A_1402, %get3A_655 : vector<16xf32>
        %add3A_1407 = arith.addf %get3A_593, %mul3A_1406 : vector<16xf32>
        %add3A_1408 = arith.addf %get3A_1405, %add3A_1407 : vector<16xf32>
        %swap3A_1409 = arith.index_cast %add3A_1398 : i32 to index
        %swap3A_1410 = arith.constant 0 : index
        %swap3A_1411 = tpu.vector_load %arg13[%swap3A_1409, %swap3A_1410] {strides = array<i32>} : memref<32x768xf32, #tpu.memory_space<vmem>>, vector<16xf32>,
        tpu.vector_store %arg13[%swap3A_1409, %swap3A_1410], %add3A_1408 {strides = array<i32>} : memref<32x768xf32, #tpu.memory_space<vmem>>, vector<16xf32>,
        %get3A_1412 = arith.index_cast %add3A_1398 : i32 to index
        %get3A_1413 = arith.constant 16 : index
        %get3A_1414 = tpu.vector_load %arg11[%get3A_1412, %get3A_1413] {strides = array<i32>} : memref<32x768xf32, #tpu.memory_space<vmem>>, vector<16xf32>,
        %mul3A_1415 = arith.mulf %convert_element_type3A_1402, %get3A_657 : vector<16xf32>
        %add3A_1416 = arith.addf %get3A_597, %mul3A_1415 : vector<16xf32>
        %add3A_1417 = arith.addf %get3A_1414, %add3A_1416 : vector<16xf32>
        %swap3A_1418 = arith.index_cast %add3A_1398 : i32 to index
        %swap3A_1419 = arith.constant 16 : index
        %swap3A_1420 = tpu.vector_load %arg13[%swap3A_1418, %swap3A_1419] {strides = array<i32>} : memref<32x768xf32, #tpu.memory_space<vmem>>, vector<16xf32>,
        tpu.vector_store %arg13[%swap3A_1418, %swap3A_1419], %add3A_1417 {strides = array<i32>} : memref<32x768xf32, #tpu.memory_space<vmem>>, vector<16xf32>,
        %get3A_1421 = arith.index_cast %add3A_1398 : i32 to index
        %get3A_1422 = arith.constant 32 : index
        %get3A_1423 = tpu.vector_load %arg11[%get3A_1421, %get3A_1422] {strides = array<i32>} : memref<32x768xf32, #tpu.memory_space<vmem>>, vector<16xf32>,
        %mul3A_1424 = arith.mulf %convert_element_type3A_1402, %get3A_659 : vector<16xf32>
        %add3A_1425 = arith.addf %get3A_601, %mul3A_1424 : vector<16xf32>
        %add3A_1426 = arith.addf %get3A_1423, %add3A_1425 : vector<16xf32>
        %swap3A_1427 = arith.index_cast %add3A_1398 : i32 to index
        %swap3A_1428 = arith.constant 32 : index
        %swap3A_1429 = tpu.vector_load %arg13[%swap3A_1427, %swap3A_1428] {strides = array<i32>} : memref<32x768xf32, #tpu.memory_space<vmem>>, vector<16xf32>,
        tpu.vector_store %arg13[%swap3A_1427, %swap3A_1428], %add3A_1426 {strides = array<i32>} : memref<32x768xf32, #tpu.memory_space<vmem>>, vector<16xf32>,
        %get3A_1430 = arith.index_cast %add3A_1398 : i32 to index
        %get3A_1431 = arith.constant 48 : index
        %get3A_1432 = tpu.vector_load %arg11[%get3A_1430, %get3A_1431] {strides = array<i32>} : memref<32x768xf32, #tpu.memory_space<vmem>>, vector<16xf32>,
        %mul3A_1433 = arith.mulf %convert_element_type3A_1402, %get3A_661 : vector<16xf32>
        %add3A_1434 = arith.addf %get3A_605, %mul3A_1433 : vector<16xf32>
        %add3A_1435 = arith.addf %get3A_1432, %add3A_1434 : vector<16xf32>
        %swap3A_1436 = arith.index_cast %add3A_1398 : i32 to index
        %swap3A_1437 = arith.constant 48 : index
        %swap3A_1438 = tpu.vector_load %arg13[%swap3A_1436, %swap3A_1437] {strides = array<i32>} : memref<32x768xf32, #tpu.memory_space<vmem>>, vector<16xf32>,
        tpu.vector_store %arg13[%swap3A_1436, %swap3A_1437], %add3A_1435 {strides = array<i32>} : memref<32x768xf32, #tpu.memory_space<vmem>>, vector<16xf32>,
        %get3A_1439 = arith.index_cast %add3A_1398 : i32 to index
        %get3A_1440 = arith.constant 64 : index
        %get3A_1441 = tpu.vector_load %arg11[%get3A_1439, %get3A_1440] {strides = array<i32>} : memref<32x768xf32, #tpu.memory_space<vmem>>, vector<16xf32>,
        %mul3A_1442 = arith.mulf %convert_element_type3A_1402, %get3A_663 : vector<16xf32>
        %add3A_1443 = arith.addf %get3A_609, %mul3A_1442 : vector<16xf32>
        %add3A_1444 = arith.addf %get3A_1441, %add3A_1443 : vector<16xf32>
        %swap3A_1445 = arith.index_cast %add3A_1398 : i32 to index
        %swap3A_1446 = arith.constant 64 : index
        %swap3A_1447 = tpu.vector_load %arg13[%swap3A_1445, %swap3A_1446] {strides = array<i32>} : memref<32x768xf32, #tpu.memory_space<vmem>>, vector<16xf32>,
        tpu.vector_store %arg13[%swap3A_1445, %swap3A_1446], %add3A_1444 {strides = array<i32>} : memref<32x768xf32, #tpu.memory_space<vmem>>, vector<16xf32>,
        %get3A_1448 = arith.index_cast %add3A_1398 : i32 to index
        %get3A_1449 = arith.constant 80 : index
        %get3A_1450 = tpu.vector_load %arg11[%get3A_1448, %get3A_1449] {strides = array<i32>} : memref<32x768xf32, #tpu.memory_space<vmem>>, vector<16xf32>,
        %mul3A_1451 = arith.mulf %convert_element_type3A_1402, %get3A_665 : vector<16xf32>
        %add3A_1452 = arith.addf %get3A_613, %mul3A_1451 : vector<16xf32>
        %add3A_1453 = arith.addf %get3A_1450, %add3A_1452 : vector<16xf32>
        %swap3A_1454 = arith.index_cast %add3A_1398 : i32 to index
        %swap3A_1455 = arith.constant 80 : index
        %swap3A_1456 = tpu.vector_load %arg13[%swap3A_1454, %swap3A_1455] {strides = array<i32>} : memref<32x768xf32, #tpu.memory_space<vmem>>, vector<16xf32>,
        tpu.vector_store %arg13[%swap3A_1454, %swap3A_1455], %add3A_1453 {strides = array<i32>} : memref<32x768xf32, #tpu.memory_space<vmem>>, vector<16xf32>,
        %get3A_1457 = arith.index_cast %add3A_1398 : i32 to index
        %get3A_1458 = arith.constant 96 : index
        %get3A_1459 = tpu.vector_load %arg11[%get3A_1457, %get3A_1458] {strides = array<i32>} : memref<32x768xf32, #tpu.memory_space<vmem>>, vector<16xf32>,
        %mul3A_1460 = arith.mulf %convert_element_type3A_1402, %get3A_667 : vector<16xf32>
        %add3A_1461 = arith.addf %get3A_617, %mul3A_1460 : vector<16xf32>
        %add3A_1462 = arith.addf %get3A_1459, %add3A_1461 : vector<16xf32>
        %swap3A_1463 = arith.index_cast %add3A_1398 : i32 to index
        %swap3A_1464 = arith.constant 96 : index
        %swap3A_1465 = tpu.vector_load %arg13[%swap3A_1463, %swap3A_1464] {strides = array<i32>} : memref<32x768xf32, #tpu.memory_space<vmem>>, vector<16xf32>,
        tpu.vector_store %arg13[%swap3A_1463, %swap3A_1464], %add3A_1462 {strides = array<i32>} : memref<32x768xf32, #tpu.memory_space<vmem>>, vector<16xf32>,
        %get3A_1466 = arith.index_cast %add3A_1398 : i32 to index
        %get3A_1467 = arith.constant 112 : index
        %get3A_1468 = tpu.vector_load %arg11[%get3A_1466, %get3A_1467] {strides = array<i32>} : memref<32x768xf32, #tpu.memory_space<vmem>>, vector<16xf32>,
        %mul3A_1469 = arith.mulf %convert_element_type3A_1402, %get3A_669 : vector<16xf32>
        %add3A_1470 = arith.addf %get3A_621, %mul3A_1469 : vector<16xf32>
        %add3A_1471 = arith.addf %get3A_1468, %add3A_1470 : vector<16xf32>
        %swap3A_1472 = arith.index_cast %add3A_1398 : i32 to index
        %swap3A_1473 = arith.constant 112 : index
        %swap3A_1474 = tpu.vector_load %arg13[%swap3A_1472, %swap3A_1473] {strides = array<i32>} : memref<32x768xf32, #tpu.memory_space<vmem>>, vector<16xf32>,
        tpu.vector_store %arg13[%swap3A_1472, %swap3A_1473], %add3A_1471 {strides = array<i32>} : memref<32x768xf32, #tpu.memory_space<vmem>>, vector<16xf32>,
        %get3A_1475 = arith.index_cast %add3A_1398 : i32 to index
        %get3A_1476 = arith.constant 128 : index
        %get3A_1477 = tpu.vector_load %arg11[%get3A_1475, %get3A_1476] {strides = array<i32>} : memref<32x768xf32, #tpu.memory_space<vmem>>, vector<16xf32>,
        %mul3A_1478 = arith.mulf %convert_element_type3A_1402, %get3A_671 : vector<16xf32>
        %add3A_1479 = arith.addf %get3A_625, %mul3A_1478 : vector<16xf32>
        %add3A_1480 = arith.addf %get3A_1477, %add3A_1479 : vector<16xf32>
        %swap3A_1481 = arith.index_cast %add3A_1398 : i32 to index
        %swap3A_1482 = arith.constant 128 : index
        %swap3A_1483 = tpu.vector_load %arg13[%swap3A_1481, %swap3A_1482] {strides = array<i32>} : memref<32x768xf32, #tpu.memory_space<vmem>>, vector<16xf32>,
        tpu.vector_store %arg13[%swap3A_1481, %swap3A_1482], %add3A_1480 {strides = array<i32>} : memref<32x768xf32, #tpu.memory_space<vmem>>, vector<16xf32>,
        %get3A_1484 = arith.index_cast %add3A_1398 : i32 to index
        %get3A_1485 = arith.constant 144 : index
        %get3A_1486 = tpu.vector_load %arg11[%get3A_1484, %get3A_1485] {strides = array<i32>} : memref<32x768xf32, #tpu.memory_space<vmem>>, vector<16xf32>,
        %mul3A_1487 = arith.mulf %convert_element_type3A_1402, %get3A_673 : vector<16xf32>
        %add3A_1488 = arith.addf %get3A_629, %mul3A_1487 : vector<16xf32>
        %add3A_1489 = arith.addf %get3A_1486, %add3A_1488 : vector<16xf32>
        %swap3A_1490 = arith.index_cast %add3A_1398 : i32 to index
        %swap3A_1491 = arith.constant 144 : index
        %swap3A_1492 = tpu.vector_load %arg13[%swap3A_1490, %swap3A_1491] {strides = array<i32>} : memref<32x768xf32, #tpu.memory_space<vmem>>, vector<16xf32>,
        tpu.vector_store %arg13[%swap3A_1490, %swap3A_1491], %add3A_1489 {strides = array<i32>} : memref<32x768xf32, #tpu.memory_space<vmem>>, vector<16xf32>,
        %get3A_1493 = arith.index_cast %add3A_1398 : i32 to index
        %get3A_1494 = arith.constant 160 : index
        %get3A_1495 = tpu.vector_load %arg11[%get3A_1493, %get3A_1494] {strides = array<i32>} : memref<32x768xf32, #tpu.memory_space<vmem>>, vector<16xf32>,
        %mul3A_1496 = arith.mulf %convert_element_type3A_1402, %get3A_675 : vector<16xf32>
        %add3A_1497 = arith.addf %get3A_633, %mul3A_1496 : vector<16xf32>
        %add3A_1498 = arith.addf %get3A_1495, %add3A_1497 : vector<16xf32>
        %swap3A_1499 = arith.index_cast %add3A_1398 : i32 to index
        %swap3A_1500 = arith.constant 160 : index
        %swap3A_1501 = tpu.vector_load %arg13[%swap3A_1499, %swap3A_1500] {strides = array<i32>} : memref<32x768xf32, #tpu.memory_space<vmem>>, vector<16xf32>,
        tpu.vector_store %arg13[%swap3A_1499, %swap3A_1500], %add3A_1498 {strides = array<i32>} : memref<32x768xf32, #tpu.memory_space<vmem>>, vector<16xf32>,
        %get3A_1502 = arith.index_cast %add3A_1398 : i32 to index
        %get3A_1503 = arith.constant 176 : index
        %get3A_1504 = tpu.vector_load %arg11[%get3A_1502, %get3A_1503] {strides = array<i32>} : memref<32x768xf32, #tpu.memory_space<vmem>>, vector<16xf32>,
        %mul3A_1505 = arith.mulf %convert_element_type3A_1402, %get3A_677 : vector<16xf32>
        %add3A_1506 = arith.addf %get3A_637, %mul3A_1505 : vector<16xf32>
        %add3A_1507 = arith.addf %get3A_1504, %add3A_1506 : vector<16xf32>
        %swap3A_1508 = arith.index_cast %add3A_1398 : i32 to index
        %swap3A_1509 = arith.constant 176 : index
        %swap3A_1510 = tpu.vector_load %arg13[%swap3A_1508, %swap3A_1509] {strides = array<i32>} : memref<32x768xf32, #tpu.memory_space<vmem>>, vector<16xf32>,
        tpu.vector_store %arg13[%swap3A_1508, %swap3A_1509], %add3A_1507 {strides = array<i32>} : memref<32x768xf32, #tpu.memory_space<vmem>>, vector<16xf32>,
        %get3A_1511 = arith.index_cast %add3A_1398 : i32 to index
        %get3A_1512 = arith.constant 192 : index
        %get3A_1513 = tpu.vector_load %arg11[%get3A_1511, %get3A_1512] {strides = array<i32>} : memref<32x768xf32, #tpu.memory_space<vmem>>, vector<16xf32>,
        %mul3A_1514 = arith.mulf %convert_element_type3A_1402, %get3A_679 : vector<16xf32>
        %add3A_1515 = arith.addf %get3A_641, %mul3A_1514 : vector<16xf32>
        %add3A_1516 = arith.addf %get3A_1513, %add3A_1515 : vector<16xf32>
        %swap3A_1517 = arith.index_cast %add3A_1398 : i32 to index
        %swap3A_1518 = arith.constant 192 : index
        %swap3A_1519 = tpu.vector_load %arg13[%swap3A_1517, %swap3A_1518] {strides = array<i32>} : memref<32x768xf32, #tpu.memory_space<vmem>>, vector<16xf32>,
        tpu.vector_store %arg13[%swap3A_1517, %swap3A_1518], %add3A_1516 {strides = array<i32>} : memref<32x768xf32, #tpu.memory_space<vmem>>, vector<16xf32>,
        %get3A_1520 = arith.index_cast %add3A_1398 : i32 to index
        %get3A_1521 = arith.constant 208 : index
        %get3A_1522 = tpu.vector_load %arg11[%get3A_1520, %get3A_1521] {strides = array<i32>} : memref<32x768xf32, #tpu.memory_space<vmem>>, vector<16xf32>,
        %mul3A_1523 = arith.mulf %convert_element_type3A_1402, %get3A_681 : vector<16xf32>
        %add3A_1524 = arith.addf %get3A_645, %mul3A_1523 : vector<16xf32>
        %add3A_1525 = arith.addf %get3A_1522, %add3A_1524 : vector<16xf32>
        %swap3A_1526 = arith.index_cast %add3A_1398 : i32 to index
        %swap3A_1527 = arith.constant 208 : index
        %swap3A_1528 = tpu.vector_load %arg13[%swap3A_1526, %swap3A_1527] {strides = array<i32>} : memref<32x768xf32, #tpu.memory_space<vmem>>, vector<16xf32>,
        tpu.vector_store %arg13[%swap3A_1526, %swap3A_1527], %add3A_1525 {strides = array<i32>} : memref<32x768xf32, #tpu.memory_space<vmem>>, vector<16xf32>,
        %get3A_1529 = arith.index_cast %add3A_1398 : i32 to index
        %get3A_1530 = arith.constant 224 : index
        %get3A_1531 = tpu.vector_load %arg11[%get3A_1529, %get3A_1530] {strides = array<i32>} : memref<32x768xf32, #tpu.memory_space<vmem>>, vector<16xf32>,
        %mul3A_1532 = arith.mulf %convert_element_type3A_1402, %get3A_683 : vector<16xf32>
        %add3A_1533 = arith.addf %get3A_649, %mul3A_1532 : vector<16xf32>
        %add3A_1534 = arith.addf %get3A_1531, %add3A_1533 : vector<16xf32>
        %swap3A_1535 = arith.index_cast %add3A_1398 : i32 to index
        %swap3A_1536 = arith.constant 224 : index
        %swap3A_1537 = tpu.vector_load %arg13[%swap3A_1535, %swap3A_1536] {strides = array<i32>} : memref<32x768xf32, #tpu.memory_space<vmem>>, vector<16xf32>,
        tpu.vector_store %arg13[%swap3A_1535, %swap3A_1536], %add3A_1534 {strides = array<i32>} : memref<32x768xf32, #tpu.memory_space<vmem>>, vector<16xf32>,
        %get3A_1538 = arith.index_cast %add3A_1398 : i32 to index
        %get3A_1539 = arith.constant 240 : index
        %get3A_1540 = tpu.vector_load %arg11[%get3A_1538, %get3A_1539] {strides = array<i32>} : memref<32x768xf32, #tpu.memory_space<vmem>>, vector<16xf32>,
        %mul3A_1541 = arith.mulf %convert_element_type3A_1402, %get3A_685 : vector<16xf32>
        %add3A_1542 = arith.addf %get3A_653, %mul3A_1541 : vector<16xf32>
        %add3A_1543 = arith.addf %get3A_1540, %add3A_1542 : vector<16xf32>
        %swap3A_1544 = arith.index_cast %add3A_1398 : i32 to index
        %swap3A_1545 = arith.constant 240 : index
        %swap3A_1546 = tpu.vector_load %arg13[%swap3A_1544, %swap3A_1545] {strides = array<i32>} : memref<32x768xf32, #tpu.memory_space<vmem>>, vector<16xf32>,
        tpu.vector_store %arg13[%swap3A_1544, %swap3A_1545], %add3A_1543 {strides = array<i32>} : memref<32x768xf32, #tpu.memory_space<vmem>>, vector<16xf32>,
      }
      %scan3A_691 = arith.constant 16 : i32
      %get3A_692 = arith.constant 0 : i32
      %get3A_693 = arith.index_cast %get3A_692 : i32 to index
      %get3A_694 = arith.constant 256 : index
      %get3A_695 = tpu.vector_load %arg9[%get3A_693, %get3A_694] {strides = array<i32>} : memref<2x768xf32, #tpu.memory_space<vmem>>, vector<16xf32>,
      %get3A_696 = arith.constant 0 : i32
      %get3A_697 = arith.index_cast %get3A_696 : i32 to index
      %get3A_698 = arith.constant 272 : index
      %get3A_699 = tpu.vector_load %arg9[%get3A_697, %get3A_698] {strides = array<i32>} : memref<2x768xf32, #tpu.memory_space<vmem>>, vector<16xf32>,
      %get3A_700 = arith.constant 0 : i32
      %get3A_701 = arith.index_cast %get3A_700 : i32 to index
      %get3A_702 = arith.constant 288 : index
      %get3A_703 = tpu.vector_load %arg9[%get3A_701, %get3A_702] {strides = array<i32>} : memref<2x768xf32, #tpu.memory_space<vmem>>, vector<16xf32>,
      %get3A_704 = arith.constant 0 : i32
      %get3A_705 = arith.index_cast %get3A_704 : i32 to index
      %get3A_706 = arith.constant 304 : index
      %get3A_707 = tpu.vector_load %arg9[%get3A_705, %get3A_706] {strides = array<i32>} : memref<2x768xf32, #tpu.memory_space<vmem>>, vector<16xf32>,
      %get3A_708 = arith.constant 0 : i32
      %get3A_709 = arith.index_cast %get3A_708 : i32 to index
      %get3A_710 = arith.constant 320 : index
      %get3A_711 = tpu.vector_load %arg9[%get3A_709, %get3A_710] {strides = array<i32>} : memref<2x768xf32, #tpu.memory_space<vmem>>, vector<16xf32>,
      %get3A_712 = arith.constant 0 : i32
      %get3A_713 = arith.index_cast %get3A_712 : i32 to index
      %get3A_714 = arith.constant 336 : index
      %get3A_715 = tpu.vector_load %arg9[%get3A_713, %get3A_714] {strides = array<i32>} : memref<2x768xf32, #tpu.memory_space<vmem>>, vector<16xf32>,
      %get3A_716 = arith.constant 0 : i32
      %get3A_717 = arith.index_cast %get3A_716 : i32 to index
      %get3A_718 = arith.constant 352 : index
      %get3A_719 = tpu.vector_load %arg9[%get3A_717, %get3A_718] {strides = array<i32>} : memref<2x768xf32, #tpu.memory_space<vmem>>, vector<16xf32>,
      %get3A_720 = arith.constant 0 : i32
      %get3A_721 = arith.index_cast %get3A_720 : i32 to index
      %get3A_722 = arith.constant 368 : index
      %get3A_723 = tpu.vector_load %arg9[%get3A_721, %get3A_722] {strides = array<i32>} : memref<2x768xf32, #tpu.memory_space<vmem>>, vector<16xf32>,
      %get3A_724 = arith.constant 0 : i32
      %get3A_725 = arith.index_cast %get3A_724 : i32 to index
      %get3A_726 = arith.constant 384 : index
      %get3A_727 = tpu.vector_load %arg9[%get3A_725, %get3A_726] {strides = array<i32>} : memref<2x768xf32, #tpu.memory_space<vmem>>, vector<16xf32>,
      %get3A_728 = arith.constant 0 : i32
      %get3A_729 = arith.index_cast %get3A_728 : i32 to index
      %get3A_730 = arith.constant 400 : index
      %get3A_731 = tpu.vector_load %arg9[%get3A_729, %get3A_730] {strides = array<i32>} : memref<2x768xf32, #tpu.memory_space<vmem>>, vector<16xf32>,
      %get3A_732 = arith.constant 0 : i32
      %get3A_733 = arith.index_cast %get3A_732 : i32 to index
      %get3A_734 = arith.constant 416 : index
      %get3A_735 = tpu.vector_load %arg9[%get3A_733, %get3A_734] {strides = array<i32>} : memref<2x768xf32, #tpu.memory_space<vmem>>, vector<16xf32>,
      %get3A_736 = arith.constant 0 : i32
      %get3A_737 = arith.index_cast %get3A_736 : i32 to index
      %get3A_738 = arith.constant 432 : index
      %get3A_739 = tpu.vector_load %arg9[%get3A_737, %get3A_738] {strides = array<i32>} : memref<2x768xf32, #tpu.memory_space<vmem>>, vector<16xf32>,
      %get3A_740 = arith.constant 0 : i32
      %get3A_741 = arith.index_cast %get3A_740 : i32 to index
      %get3A_742 = arith.constant 448 : index
      %get3A_743 = tpu.vector_load %arg9[%get3A_741, %get3A_742] {strides = array<i32>} : memref<2x768xf32, #tpu.memory_space<vmem>>, vector<16xf32>,
      %get3A_744 = arith.constant 0 : i32
      %get3A_745 = arith.index_cast %get3A_744 : i32 to index
      %get3A_746 = arith.constant 464 : index
      %get3A_747 = tpu.vector_load %arg9[%get3A_745, %get3A_746] {strides = array<i32>} : memref<2x768xf32, #tpu.memory_space<vmem>>, vector<16xf32>,
      %get3A_748 = arith.constant 0 : i32
      %get3A_749 = arith.index_cast %get3A_748 : i32 to index
      %get3A_750 = arith.constant 480 : index
      %get3A_751 = tpu.vector_load %arg9[%get3A_749, %get3A_750] {strides = array<i32>} : memref<2x768xf32, #tpu.memory_space<vmem>>, vector<16xf32>,
      %get3A_752 = arith.constant 0 : i32
      %get3A_753 = arith.index_cast %get3A_752 : i32 to index
      %get3A_754 = arith.constant 496 : index
      %get3A_755 = tpu.vector_load %arg9[%get3A_753, %get3A_754] {strides = array<i32>} : memref<2x768xf32, #tpu.memory_space<vmem>>, vector<16xf32>,
      %get3A_756 = arith.constant 256 : index
      %get3A_757 = tpu.vector_load %arg10[%get3A_756] {strides = array<i32>} : memref<768xf32, #tpu.memory_space<vmem>>, vector<16xf32>,
      %get3A_758 = arith.constant 272 : index
      %get3A_759 = tpu.vector_load %arg10[%get3A_758] {strides = array<i32>} : memref<768xf32, #tpu.memory_space<vmem>>, vector<16xf32>,
      %get3A_760 = arith.constant 288 : index
      %get3A_761 = tpu.vector_load %arg10[%get3A_760] {strides = array<i32>} : memref<768xf32, #tpu.memory_space<vmem>>, vector<16xf32>,
      %get3A_762 = arith.constant 304 : index
      %get3A_763 = tpu.vector_load %arg10[%get3A_762] {strides = array<i32>} : memref<768xf32, #tpu.memory_space<vmem>>, vector<16xf32>,
      %get3A_764 = arith.constant 320 : index
      %get3A_765 = tpu.vector_load %arg10[%get3A_764] {strides = array<i32>} : memref<768xf32, #tpu.memory_space<vmem>>, vector<16xf32>,
      %get3A_766 = arith.constant 336 : index
      %get3A_767 = tpu.vector_load %arg10[%get3A_766] {strides = array<i32>} : memref<768xf32, #tpu.memory_space<vmem>>, vector<16xf32>,
      %get3A_768 = arith.constant 352 : index
      %get3A_769 = tpu.vector_load %arg10[%get3A_768] {strides = array<i32>} : memref<768xf32, #tpu.memory_space<vmem>>, vector<16xf32>,
      %get3A_770 = arith.constant 368 : index
      %get3A_771 = tpu.vector_load %arg10[%get3A_770] {strides = array<i32>} : memref<768xf32, #tpu.memory_space<vmem>>, vector<16xf32>,
      %get3A_772 = arith.constant 384 : index
      %get3A_773 = tpu.vector_load %arg10[%get3A_772] {strides = array<i32>} : memref<768xf32, #tpu.memory_space<vmem>>, vector<16xf32>,
      %get3A_774 = arith.constant 400 : index
      %get3A_775 = tpu.vector_load %arg10[%get3A_774] {strides = array<i32>} : memref<768xf32, #tpu.memory_space<vmem>>, vector<16xf32>,
      %get3A_776 = arith.constant 416 : index
      %get3A_777 = tpu.vector_load %arg10[%get3A_776] {strides = array<i32>} : memref<768xf32, #tpu.memory_space<vmem>>, vector<16xf32>,
      %get3A_778 = arith.constant 432 : index
      %get3A_779 = tpu.vector_load %arg10[%get3A_778] {strides = array<i32>} : memref<768xf32, #tpu.memory_space<vmem>>, vector<16xf32>,
      %get3A_780 = arith.constant 448 : index
      %get3A_781 = tpu.vector_load %arg10[%get3A_780] {strides = array<i32>} : memref<768xf32, #tpu.memory_space<vmem>>, vector<16xf32>,
      %get3A_782 = arith.constant 464 : index
      %get3A_783 = tpu.vector_load %arg10[%get3A_782] {strides = array<i32>} : memref<768xf32, #tpu.memory_space<vmem>>, vector<16xf32>,
      %get3A_784 = arith.constant 480 : index
      %get3A_785 = tpu.vector_load %arg10[%get3A_784] {strides = array<i32>} : memref<768xf32, #tpu.memory_space<vmem>>, vector<16xf32>,
      %get3A_786 = arith.constant 496 : index
      %get3A_787 = tpu.vector_load %arg10[%get3A_786] {strides = array<i32>} : memref<768xf32, #tpu.memory_space<vmem>>, vector<16xf32>,
      %scan3A_788 = arith.constant 0 : i32
      %scan3A_789 = arith.constant 0 : i32
      %scan3A_790 = arith.constant 16 : i32
      %scan3A_791 = arith.addi %scan3A_789, %scan3A_790 : i32
      %scan3A_792 = arith.constant 1 : i32
      scf.for %scan3A_1244 = %scan3A_789 to %scan3A_791 step %scan3A_792  : i32 {
        %mul3A_1245 = arith.constant 2 : i32
        %mul3A_1246 = arith.muli %scan3A_1244, %mul3A_1245 : i32
        %add3A_1247 = arith.constant 0 : i32
        %add3A_1248 = arith.addi %mul3A_1246, %add3A_1247 : i32
        %broadcast_in_dim3A = vector.broadcast %add3A_581 : i32 to vector<16xi32>
        %broadcast_in_dim3A_1249 = vector.broadcast %add3A_1248 : i32 to vector<16xi32>
        %gather3A = tpu.vector_load_idx %arg8[%broadcast_in_dim3A, %broadcast_in_dim3A_1249] : memref<32x32xi32, #tpu.memory_space<vmem>>[vector<16xi32>, vector<16xi32>], vector<16xi32>,
        %convert_element_type3A_1250 = arith.sitofp %gather3A : vector<16xi32> to vector<16xf32>
        %get3A_1251 = arith.index_cast %add3A_1248 : i32 to index
        %get3A_1252 = arith.constant 256 : index
        %get3A_1253 = tpu.vector_load %arg11[%get3A_1251, %get3A_1252] {strides = array<i32>} : memref<32x768xf32, #tpu.memory_space<vmem>>, vector<16xf32>,
        %mul3A_1254 = arith.mulf %convert_element_type3A_1250, %get3A_757 : vector<16xf32>
        %add3A_1255 = arith.addf %get3A_695, %mul3A_1254 : vector<16xf32>
        %add3A_1256 = arith.addf %get3A_1253, %add3A_1255 : vector<16xf32>
        %swap3A_1257 = arith.index_cast %add3A_1248 : i32 to index
        %swap3A_1258 = arith.constant 256 : index
        %swap3A_1259 = tpu.vector_load %arg13[%swap3A_1257, %swap3A_1258] {strides = array<i32>} : memref<32x768xf32, #tpu.memory_space<vmem>>, vector<16xf32>,
        tpu.vector_store %arg13[%swap3A_1257, %swap3A_1258], %add3A_1256 {strides = array<i32>} : memref<32x768xf32, #tpu.memory_space<vmem>>, vector<16xf32>,
        %get3A_1260 = arith.index_cast %add3A_1248 : i32 to index
        %get3A_1261 = arith.constant 272 : index
        %get3A_1262 = tpu.vector_load %arg11[%get3A_1260, %get3A_1261] {strides = array<i32>} : memref<32x768xf32, #tpu.memory_space<vmem>>, vector<16xf32>,
        %mul3A_1263 = arith.mulf %convert_element_type3A_1250, %get3A_759 : vector<16xf32>
        %add3A_1264 = arith.addf %get3A_699, %mul3A_1263 : vector<16xf32>
        %add3A_1265 = arith.addf %get3A_1262, %add3A_1264 : vector<16xf32>
        %swap3A_1266 = arith.index_cast %add3A_1248 : i32 to index
        %swap3A_1267 = arith.constant 272 : index
        %swap3A_1268 = tpu.vector_load %arg13[%swap3A_1266, %swap3A_1267] {strides = array<i32>} : memref<32x768xf32, #tpu.memory_space<vmem>>, vector<16xf32>,
        tpu.vector_store %arg13[%swap3A_1266, %swap3A_1267], %add3A_1265 {strides = array<i32>} : memref<32x768xf32, #tpu.memory_space<vmem>>, vector<16xf32>,
        %get3A_1269 = arith.index_cast %add3A_1248 : i32 to index
        %get3A_1270 = arith.constant 288 : index
        %get3A_1271 = tpu.vector_load %arg11[%get3A_1269, %get3A_1270] {strides = array<i32>} : memref<32x768xf32, #tpu.memory_space<vmem>>, vector<16xf32>,
        %mul3A_1272 = arith.mulf %convert_element_type3A_1250, %get3A_761 : vector<16xf32>
        %add3A_1273 = arith.addf %get3A_703, %mul3A_1272 : vector<16xf32>
        %add3A_1274 = arith.addf %get3A_1271, %add3A_1273 : vector<16xf32>
        %swap3A_1275 = arith.index_cast %add3A_1248 : i32 to index
        %swap3A_1276 = arith.constant 288 : index
        %swap3A_1277 = tpu.vector_load %arg13[%swap3A_1275, %swap3A_1276] {strides = array<i32>} : memref<32x768xf32, #tpu.memory_space<vmem>>, vector<16xf32>,
        tpu.vector_store %arg13[%swap3A_1275, %swap3A_1276], %add3A_1274 {strides = array<i32>} : memref<32x768xf32, #tpu.memory_space<vmem>>, vector<16xf32>,
        %get3A_1278 = arith.index_cast %add3A_1248 : i32 to index
        %get3A_1279 = arith.constant 304 : index
        %get3A_1280 = tpu.vector_load %arg11[%get3A_1278, %get3A_1279] {strides = array<i32>} : memref<32x768xf32, #tpu.memory_space<vmem>>, vector<16xf32>,
        %mul3A_1281 = arith.mulf %convert_element_type3A_1250, %get3A_763 : vector<16xf32>
        %add3A_1282 = arith.addf %get3A_707, %mul3A_1281 : vector<16xf32>
        %add3A_1283 = arith.addf %get3A_1280, %add3A_1282 : vector<16xf32>
        %swap3A_1284 = arith.index_cast %add3A_1248 : i32 to index
        %swap3A_1285 = arith.constant 304 : index
        %swap3A_1286 = tpu.vector_load %arg13[%swap3A_1284, %swap3A_1285] {strides = array<i32>} : memref<32x768xf32, #tpu.memory_space<vmem>>, vector<16xf32>,
        tpu.vector_store %arg13[%swap3A_1284, %swap3A_1285], %add3A_1283 {strides = array<i32>} : memref<32x768xf32, #tpu.memory_space<vmem>>, vector<16xf32>,
        %get3A_1287 = arith.index_cast %add3A_1248 : i32 to index
        %get3A_1288 = arith.constant 320 : index
        %get3A_1289 = tpu.vector_load %arg11[%get3A_1287, %get3A_1288] {strides = array<i32>} : memref<32x768xf32, #tpu.memory_space<vmem>>, vector<16xf32>,
        %mul3A_1290 = arith.mulf %convert_element_type3A_1250, %get3A_765 : vector<16xf32>
        %add3A_1291 = arith.addf %get3A_711, %mul3A_1290 : vector<16xf32>
        %add3A_1292 = arith.addf %get3A_1289, %add3A_1291 : vector<16xf32>
        %swap3A_1293 = arith.index_cast %add3A_1248 : i32 to index
        %swap3A_1294 = arith.constant 320 : index
        %swap3A_1295 = tpu.vector_load %arg13[%swap3A_1293, %swap3A_1294] {strides = array<i32>} : memref<32x768xf32, #tpu.memory_space<vmem>>, vector<16xf32>,
        tpu.vector_store %arg13[%swap3A_1293, %swap3A_1294], %add3A_1292 {strides = array<i32>} : memref<32x768xf32, #tpu.memory_space<vmem>>, vector<16xf32>,
        %get3A_1296 = arith.index_cast %add3A_1248 : i32 to index
        %get3A_1297 = arith.constant 336 : index
        %get3A_1298 = tpu.vector_load %arg11[%get3A_1296, %get3A_1297] {strides = array<i32>} : memref<32x768xf32, #tpu.memory_space<vmem>>, vector<16xf32>,
        %mul3A_1299 = arith.mulf %convert_element_type3A_1250, %get3A_767 : vector<16xf32>
        %add3A_1300 = arith.addf %get3A_715, %mul3A_1299 : vector<16xf32>
        %add3A_1301 = arith.addf %get3A_1298, %add3A_1300 : vector<16xf32>
        %swap3A_1302 = arith.index_cast %add3A_1248 : i32 to index
        %swap3A_1303 = arith.constant 336 : index
        %swap3A_1304 = tpu.vector_load %arg13[%swap3A_1302, %swap3A_1303] {strides = array<i32>} : memref<32x768xf32, #tpu.memory_space<vmem>>, vector<16xf32>,
        tpu.vector_store %arg13[%swap3A_1302, %swap3A_1303], %add3A_1301 {strides = array<i32>} : memref<32x768xf32, #tpu.memory_space<vmem>>, vector<16xf32>,
        %get3A_1305 = arith.index_cast %add3A_1248 : i32 to index
        %get3A_1306 = arith.constant 352 : index
        %get3A_1307 = tpu.vector_load %arg11[%get3A_1305, %get3A_1306] {strides = array<i32>} : memref<32x768xf32, #tpu.memory_space<vmem>>, vector<16xf32>,
        %mul3A_1308 = arith.mulf %convert_element_type3A_1250, %get3A_769 : vector<16xf32>
        %add3A_1309 = arith.addf %get3A_719, %mul3A_1308 : vector<16xf32>
        %add3A_1310 = arith.addf %get3A_1307, %add3A_1309 : vector<16xf32>
        %swap3A_1311 = arith.index_cast %add3A_1248 : i32 to index
        %swap3A_1312 = arith.constant 352 : index
        %swap3A_1313 = tpu.vector_load %arg13[%swap3A_1311, %swap3A_1312] {strides = array<i32>} : memref<32x768xf32, #tpu.memory_space<vmem>>, vector<16xf32>,
        tpu.vector_store %arg13[%swap3A_1311, %swap3A_1312], %add3A_1310 {strides = array<i32>} : memref<32x768xf32, #tpu.memory_space<vmem>>, vector<16xf32>,
        %get3A_1314 = arith.index_cast %add3A_1248 : i32 to index
        %get3A_1315 = arith.constant 368 : index
        %get3A_1316 = tpu.vector_load %arg11[%get3A_1314, %get3A_1315] {strides = array<i32>} : memref<32x768xf32, #tpu.memory_space<vmem>>, vector<16xf32>,
        %mul3A_1317 = arith.mulf %convert_element_type3A_1250, %get3A_771 : vector<16xf32>
        %add3A_1318 = arith.addf %get3A_723, %mul3A_1317 : vector<16xf32>
        %add3A_1319 = arith.addf %get3A_1316, %add3A_1318 : vector<16xf32>
        %swap3A_1320 = arith.index_cast %add3A_1248 : i32 to index
        %swap3A_1321 = arith.constant 368 : index
        %swap3A_1322 = tpu.vector_load %arg13[%swap3A_1320, %swap3A_1321] {strides = array<i32>} : memref<32x768xf32, #tpu.memory_space<vmem>>, vector<16xf32>,
        tpu.vector_store %arg13[%swap3A_1320, %swap3A_1321], %add3A_1319 {strides = array<i32>} : memref<32x768xf32, #tpu.memory_space<vmem>>, vector<16xf32>,
        %get3A_1323 = arith.index_cast %add3A_1248 : i32 to index
        %get3A_1324 = arith.constant 384 : index
        %get3A_1325 = tpu.vector_load %arg11[%get3A_1323, %get3A_1324] {strides = array<i32>} : memref<32x768xf32, #tpu.memory_space<vmem>>, vector<16xf32>,
        %mul3A_1326 = arith.mulf %convert_element_type3A_1250, %get3A_773 : vector<16xf32>
        %add3A_1327 = arith.addf %get3A_727, %mul3A_1326 : vector<16xf32>
        %add3A_1328 = arith.addf %get3A_1325, %add3A_1327 : vector<16xf32>
        %swap3A_1329 = arith.index_cast %add3A_1248 : i32 to index
        %swap3A_1330 = arith.constant 384 : index
        %swap3A_1331 = tpu.vector_load %arg13[%swap3A_1329, %swap3A_1330] {strides = array<i32>} : memref<32x768xf32, #tpu.memory_space<vmem>>, vector<16xf32>,
        tpu.vector_store %arg13[%swap3A_1329, %swap3A_1330], %add3A_1328 {strides = array<i32>} : memref<32x768xf32, #tpu.memory_space<vmem>>, vector<16xf32>,
        %get3A_1332 = arith.index_cast %add3A_1248 : i32 to index
        %get3A_1333 = arith.constant 400 : index
        %get3A_1334 = tpu.vector_load %arg11[%get3A_1332, %get3A_1333] {strides = array<i32>} : memref<32x768xf32, #tpu.memory_space<vmem>>, vector<16xf32>,
        %mul3A_1335 = arith.mulf %convert_element_type3A_1250, %get3A_775 : vector<16xf32>
        %add3A_1336 = arith.addf %get3A_731, %mul3A_1335 : vector<16xf32>
        %add3A_1337 = arith.addf %get3A_1334, %add3A_1336 : vector<16xf32>
        %swap3A_1338 = arith.index_cast %add3A_1248 : i32 to index
        %swap3A_1339 = arith.constant 400 : index
        %swap3A_1340 = tpu.vector_load %arg13[%swap3A_1338, %swap3A_1339] {strides = array<i32>} : memref<32x768xf32, #tpu.memory_space<vmem>>, vector<16xf32>,
        tpu.vector_store %arg13[%swap3A_1338, %swap3A_1339], %add3A_1337 {strides = array<i32>} : memref<32x768xf32, #tpu.memory_space<vmem>>, vector<16xf32>,
        %get3A_1341 = arith.index_cast %add3A_1248 : i32 to index
        %get3A_1342 = arith.constant 416 : index
        %get3A_1343 = tpu.vector_load %arg11[%get3A_1341, %get3A_1342] {strides = array<i32>} : memref<32x768xf32, #tpu.memory_space<vmem>>, vector<16xf32>,
        %mul3A_1344 = arith.mulf %convert_element_type3A_1250, %get3A_777 : vector<16xf32>
        %add3A_1345 = arith.addf %get3A_735, %mul3A_1344 : vector<16xf32>
        %add3A_1346 = arith.addf %get3A_1343, %add3A_1345 : vector<16xf32>
        %swap3A_1347 = arith.index_cast %add3A_1248 : i32 to index
        %swap3A_1348 = arith.constant 416 : index
        %swap3A_1349 = tpu.vector_load %arg13[%swap3A_1347, %swap3A_1348] {strides = array<i32>} : memref<32x768xf32, #tpu.memory_space<vmem>>, vector<16xf32>,
        tpu.vector_store %arg13[%swap3A_1347, %swap3A_1348], %add3A_1346 {strides = array<i32>} : memref<32x768xf32, #tpu.memory_space<vmem>>, vector<16xf32>,
        %get3A_1350 = arith.index_cast %add3A_1248 : i32 to index
        %get3A_1351 = arith.constant 432 : index
        %get3A_1352 = tpu.vector_load %arg11[%get3A_1350, %get3A_1351] {strides = array<i32>} : memref<32x768xf32, #tpu.memory_space<vmem>>, vector<16xf32>,
        %mul3A_1353 = arith.mulf %convert_element_type3A_1250, %get3A_779 : vector<16xf32>
        %add3A_1354 = arith.addf %get3A_739, %mul3A_1353 : vector<16xf32>
        %add3A_1355 = arith.addf %get3A_1352, %add3A_1354 : vector<16xf32>
        %swap3A_1356 = arith.index_cast %add3A_1248 : i32 to index
        %swap3A_1357 = arith.constant 432 : index
        %swap3A_1358 = tpu.vector_load %arg13[%swap3A_1356, %swap3A_1357] {strides = array<i32>} : memref<32x768xf32, #tpu.memory_space<vmem>>, vector<16xf32>,
        tpu.vector_store %arg13[%swap3A_1356, %swap3A_1357], %add3A_1355 {strides = array<i32>} : memref<32x768xf32, #tpu.memory_space<vmem>>, vector<16xf32>,
        %get3A_1359 = arith.index_cast %add3A_1248 : i32 to index
        %get3A_1360 = arith.constant 448 : index
        %get3A_1361 = tpu.vector_load %arg11[%get3A_1359, %get3A_1360] {strides = array<i32>} : memref<32x768xf32, #tpu.memory_space<vmem>>, vector<16xf32>,
        %mul3A_1362 = arith.mulf %convert_element_type3A_1250, %get3A_781 : vector<16xf32>
        %add3A_1363 = arith.addf %get3A_743, %mul3A_1362 : vector<16xf32>
        %add3A_1364 = arith.addf %get3A_1361, %add3A_1363 : vector<16xf32>
        %swap3A_1365 = arith.index_cast %add3A_1248 : i32 to index
        %swap3A_1366 = arith.constant 448 : index
        %swap3A_1367 = tpu.vector_load %arg13[%swap3A_1365, %swap3A_1366] {strides = array<i32>} : memref<32x768xf32, #tpu.memory_space<vmem>>, vector<16xf32>,
        tpu.vector_store %arg13[%swap3A_1365, %swap3A_1366], %add3A_1364 {strides = array<i32>} : memref<32x768xf32, #tpu.memory_space<vmem>>, vector<16xf32>,
        %get3A_1368 = arith.index_cast %add3A_1248 : i32 to index
        %get3A_1369 = arith.constant 464 : index
        %get3A_1370 = tpu.vector_load %arg11[%get3A_1368, %get3A_1369] {strides = array<i32>} : memref<32x768xf32, #tpu.memory_space<vmem>>, vector<16xf32>,
        %mul3A_1371 = arith.mulf %convert_element_type3A_1250, %get3A_783 : vector<16xf32>
        %add3A_1372 = arith.addf %get3A_747, %mul3A_1371 : vector<16xf32>
        %add3A_1373 = arith.addf %get3A_1370, %add3A_1372 : vector<16xf32>
        %swap3A_1374 = arith.index_cast %add3A_1248 : i32 to index
        %swap3A_1375 = arith.constant 464 : index
        %swap3A_1376 = tpu.vector_load %arg13[%swap3A_1374, %swap3A_1375] {strides = array<i32>} : memref<32x768xf32, #tpu.memory_space<vmem>>, vector<16xf32>,
        tpu.vector_store %arg13[%swap3A_1374, %swap3A_1375], %add3A_1373 {strides = array<i32>} : memref<32x768xf32, #tpu.memory_space<vmem>>, vector<16xf32>,
        %get3A_1377 = arith.index_cast %add3A_1248 : i32 to index
        %get3A_1378 = arith.constant 480 : index
        %get3A_1379 = tpu.vector_load %arg11[%get3A_1377, %get3A_1378] {strides = array<i32>} : memref<32x768xf32, #tpu.memory_space<vmem>>, vector<16xf32>,
        %mul3A_1380 = arith.mulf %convert_element_type3A_1250, %get3A_785 : vector<16xf32>
        %add3A_1381 = arith.addf %get3A_751, %mul3A_1380 : vector<16xf32>
        %add3A_1382 = arith.addf %get3A_1379, %add3A_1381 : vector<16xf32>
        %swap3A_1383 = arith.index_cast %add3A_1248 : i32 to index
        %swap3A_1384 = arith.constant 480 : index
        %swap3A_1385 = tpu.vector_load %arg13[%swap3A_1383, %swap3A_1384] {strides = array<i32>} : memref<32x768xf32, #tpu.memory_space<vmem>>, vector<16xf32>,
        tpu.vector_store %arg13[%swap3A_1383, %swap3A_1384], %add3A_1382 {strides = array<i32>} : memref<32x768xf32, #tpu.memory_space<vmem>>, vector<16xf32>,
        %get3A_1386 = arith.index_cast %add3A_1248 : i32 to index
        %get3A_1387 = arith.constant 496 : index
        %get3A_1388 = tpu.vector_load %arg11[%get3A_1386, %get3A_1387] {strides = array<i32>} : memref<32x768xf32, #tpu.memory_space<vmem>>, vector<16xf32>,
        %mul3A_1389 = arith.mulf %convert_element_type3A_1250, %get3A_787 : vector<16xf32>
        %add3A_1390 = arith.addf %get3A_755, %mul3A_1389 : vector<16xf32>
        %add3A_1391 = arith.addf %get3A_1388, %add3A_1390 : vector<16xf32>
        %swap3A_1392 = arith.index_cast %add3A_1248 : i32 to index
        %swap3A_1393 = arith.constant 496 : index
        %swap3A_1394 = tpu.vector_load %arg13[%swap3A_1392, %swap3A_1393] {strides = array<i32>} : memref<32x768xf32, #tpu.memory_space<vmem>>, vector<16xf32>,
        tpu.vector_store %arg13[%swap3A_1392, %swap3A_1393], %add3A_1391 {strides = array<i32>} : memref<32x768xf32, #tpu.memory_space<vmem>>, vector<16xf32>,
        %mul3A_1395 = arith.constant 2 : i32
        %mul3A_1396 = arith.muli %scan3A_1244, %mul3A_1395 : i32
        %add3A_1397 = arith.constant 1 : i32
        %add3A_1398 = arith.addi %mul3A_1396, %add3A_1397 : i32
        %broadcast_in_dim3A_1399 = vector.broadcast %add3A_581 : i32 to vector<16xi32>
        %broadcast_in_dim3A_1400 = vector.broadcast %add3A_1398 : i32 to vector<16xi32>
        %gather3A_1401 = tpu.vector_load_idx %arg8[%broadcast_in_dim3A_1399, %broadcast_in_dim3A_1400] : memref<32x32xi32, #tpu.memory_space<vmem>>[vector<16xi32>, vector<16xi32>], vector<16xi32>,
        %convert_element_type3A_1402 = arith.sitofp %gather3A_1401 : vector<16xi32> to vector<16xf32>
        %get3A_1403 = arith.index_cast %add3A_1398 : i32 to index
        %get3A_1404 = arith.constant 256 : index
        %get3A_1405 = tpu.vector_load %arg11[%get3A_1403, %get3A_1404] {strides = array<i32>} : memref<32x768xf32, #tpu.memory_space<vmem>>, vector<16xf32>,
        %mul3A_1406 = arith.mulf %convert_element_type3A_1402, %get3A_757 : vector<16xf32>
        %add3A_1407 = arith.addf %get3A_695, %mul3A_1406 : vector<16xf32>
        %add3A_1408 = arith.addf %get3A_1405, %add3A_1407 : vector<16xf32>
        %swap3A_1409 = arith.index_cast %add3A_1398 : i32 to index
        %swap3A_1410 = arith.constant 256 : index
        %swap3A_1411 = tpu.vector_load %arg13[%swap3A_1409, %swap3A_1410] {strides = array<i32>} : memref<32x768xf32, #tpu.memory_space<vmem>>, vector<16xf32>,
        tpu.vector_store %arg13[%swap3A_1409, %swap3A_1410], %add3A_1408 {strides = array<i32>} : memref<32x768xf32, #tpu.memory_space<vmem>>, vector<16xf32>,
        %get3A_1412 = arith.index_cast %add3A_1398 : i32 to index
        %get3A_1413 = arith.constant 272 : index
        %get3A_1414 = tpu.vector_load %arg11[%get3A_1412, %get3A_1413] {strides = array<i32>} : memref<32x768xf32, #tpu.memory_space<vmem>>, vector<16xf32>,
        %mul3A_1415 = arith.mulf %convert_element_type3A_1402, %get3A_759 : vector<16xf32>
        %add3A_1416 = arith.addf %get3A_699, %mul3A_1415 : vector<16xf32>
        %add3A_1417 = arith.addf %get3A_1414, %add3A_1416 : vector<16xf32>
        %swap3A_1418 = arith.index_cast %add3A_1398 : i32 to index
        %swap3A_1419 = arith.constant 272 : index
        %swap3A_1420 = tpu.vector_load %arg13[%swap3A_1418, %swap3A_1419] {strides = array<i32>} : memref<32x768xf32, #tpu.memory_space<vmem>>, vector<16xf32>,
        tpu.vector_store %arg13[%swap3A_1418, %swap3A_1419], %add3A_1417 {strides = array<i32>} : memref<32x768xf32, #tpu.memory_space<vmem>>, vector<16xf32>,
        %get3A_1421 = arith.index_cast %add3A_1398 : i32 to index
        %get3A_1422 = arith.constant 288 : index
        %get3A_1423 = tpu.vector_load %arg11[%get3A_1421, %get3A_1422] {strides = array<i32>} : memref<32x768xf32, #tpu.memory_space<vmem>>, vector<16xf32>,
        %mul3A_1424 = arith.mulf %convert_element_type3A_1402, %get3A_761 : vector<16xf32>
        %add3A_1425 = arith.addf %get3A_703, %mul3A_1424 : vector<16xf32>
        %add3A_1426 = arith.addf %get3A_1423, %add3A_1425 : vector<16xf32>
        %swap3A_1427 = arith.index_cast %add3A_1398 : i32 to index
        %swap3A_1428 = arith.constant 288 : index
        %swap3A_1429 = tpu.vector_load %arg13[%swap3A_1427, %swap3A_1428] {strides = array<i32>} : memref<32x768xf32, #tpu.memory_space<vmem>>, vector<16xf32>,
        tpu.vector_store %arg13[%swap3A_1427, %swap3A_1428], %add3A_1426 {strides = array<i32>} : memref<32x768xf32, #tpu.memory_space<vmem>>, vector<16xf32>,
        %get3A_1430 = arith.index_cast %add3A_1398 : i32 to index
        %get3A_1431 = arith.constant 304 : index
        %get3A_1432 = tpu.vector_load %arg11[%get3A_1430, %get3A_1431] {strides = array<i32>} : memref<32x768xf32, #tpu.memory_space<vmem>>, vector<16xf32>,
        %mul3A_1433 = arith.mulf %convert_element_type3A_1402, %get3A_763 : vector<16xf32>
        %add3A_1434 = arith.addf %get3A_707, %mul3A_1433 : vector<16xf32>
        %add3A_1435 = arith.addf %get3A_1432, %add3A_1434 : vector<16xf32>
        %swap3A_1436 = arith.index_cast %add3A_1398 : i32 to index
        %swap3A_1437 = arith.constant 304 : index
        %swap3A_1438 = tpu.vector_load %arg13[%swap3A_1436, %swap3A_1437] {strides = array<i32>} : memref<32x768xf32, #tpu.memory_space<vmem>>, vector<16xf32>,
        tpu.vector_store %arg13[%swap3A_1436, %swap3A_1437], %add3A_1435 {strides = array<i32>} : memref<32x768xf32, #tpu.memory_space<vmem>>, vector<16xf32>,
        %get3A_1439 = arith.index_cast %add3A_1398 : i32 to index
        %get3A_1440 = arith.constant 320 : index
        %get3A_1441 = tpu.vector_load %arg11[%get3A_1439, %get3A_1440] {strides = array<i32>} : memref<32x768xf32, #tpu.memory_space<vmem>>, vector<16xf32>,
        %mul3A_1442 = arith.mulf %convert_element_type3A_1402, %get3A_765 : vector<16xf32>
        %add3A_1443 = arith.addf %get3A_711, %mul3A_1442 : vector<16xf32>
        %add3A_1444 = arith.addf %get3A_1441, %add3A_1443 : vector<16xf32>
        %swap3A_1445 = arith.index_cast %add3A_1398 : i32 to index
        %swap3A_1446 = arith.constant 320 : index
        %swap3A_1447 = tpu.vector_load %arg13[%swap3A_1445, %swap3A_1446] {strides = array<i32>} : memref<32x768xf32, #tpu.memory_space<vmem>>, vector<16xf32>,
        tpu.vector_store %arg13[%swap3A_1445, %swap3A_1446], %add3A_1444 {strides = array<i32>} : memref<32x768xf32, #tpu.memory_space<vmem>>, vector<16xf32>,
        %get3A_1448 = arith.index_cast %add3A_1398 : i32 to index
        %get3A_1449 = arith.constant 336 : index
        %get3A_1450 = tpu.vector_load %arg11[%get3A_1448, %get3A_1449] {strides = array<i32>} : memref<32x768xf32, #tpu.memory_space<vmem>>, vector<16xf32>,
        %mul3A_1451 = arith.mulf %convert_element_type3A_1402, %get3A_767 : vector<16xf32>
        %add3A_1452 = arith.addf %get3A_715, %mul3A_1451 : vector<16xf32>
        %add3A_1453 = arith.addf %get3A_1450, %add3A_1452 : vector<16xf32>
        %swap3A_1454 = arith.index_cast %add3A_1398 : i32 to index
        %swap3A_1455 = arith.constant 336 : index
        %swap3A_1456 = tpu.vector_load %arg13[%swap3A_1454, %swap3A_1455] {strides = array<i32>} : memref<32x768xf32, #tpu.memory_space<vmem>>, vector<16xf32>,
        tpu.vector_store %arg13[%swap3A_1454, %swap3A_1455], %add3A_1453 {strides = array<i32>} : memref<32x768xf32, #tpu.memory_space<vmem>>, vector<16xf32>,
        %get3A_1457 = arith.index_cast %add3A_1398 : i32 to index
        %get3A_1458 = arith.constant 352 : index
        %get3A_1459 = tpu.vector_load %arg11[%get3A_1457, %get3A_1458] {strides = array<i32>} : memref<32x768xf32, #tpu.memory_space<vmem>>, vector<16xf32>,
        %mul3A_1460 = arith.mulf %convert_element_type3A_1402, %get3A_769 : vector<16xf32>
        %add3A_1461 = arith.addf %get3A_719, %mul3A_1460 : vector<16xf32>
        %add3A_1462 = arith.addf %get3A_1459, %add3A_1461 : vector<16xf32>
        %swap3A_1463 = arith.index_cast %add3A_1398 : i32 to index
        %swap3A_1464 = arith.constant 352 : index
        %swap3A_1465 = tpu.vector_load %arg13[%swap3A_1463, %swap3A_1464] {strides = array<i32>} : memref<32x768xf32, #tpu.memory_space<vmem>>, vector<16xf32>,
        tpu.vector_store %arg13[%swap3A_1463, %swap3A_1464], %add3A_1462 {strides = array<i32>} : memref<32x768xf32, #tpu.memory_space<vmem>>, vector<16xf32>,
        %get3A_1466 = arith.index_cast %add3A_1398 : i32 to index
        %get3A_1467 = arith.constant 368 : index
        %get3A_1468 = tpu.vector_load %arg11[%get3A_1466, %get3A_1467] {strides = array<i32>} : memref<32x768xf32, #tpu.memory_space<vmem>>, vector<16xf32>,
        %mul3A_1469 = arith.mulf %convert_element_type3A_1402, %get3A_771 : vector<16xf32>
        %add3A_1470 = arith.addf %get3A_723, %mul3A_1469 : vector<16xf32>
        %add3A_1471 = arith.addf %get3A_1468, %add3A_1470 : vector<16xf32>
        %swap3A_1472 = arith.index_cast %add3A_1398 : i32 to index
        %swap3A_1473 = arith.constant 368 : index
        %swap3A_1474 = tpu.vector_load %arg13[%swap3A_1472, %swap3A_1473] {strides = array<i32>} : memref<32x768xf32, #tpu.memory_space<vmem>>, vector<16xf32>,
        tpu.vector_store %arg13[%swap3A_1472, %swap3A_1473], %add3A_1471 {strides = array<i32>} : memref<32x768xf32, #tpu.memory_space<vmem>>, vector<16xf32>,
        %get3A_1475 = arith.index_cast %add3A_1398 : i32 to index
        %get3A_1476 = arith.constant 384 : index
        %get3A_1477 = tpu.vector_load %arg11[%get3A_1475, %get3A_1476] {strides = array<i32>} : memref<32x768xf32, #tpu.memory_space<vmem>>, vector<16xf32>,
        %mul3A_1478 = arith.mulf %convert_element_type3A_1402, %get3A_773 : vector<16xf32>
        %add3A_1479 = arith.addf %get3A_727, %mul3A_1478 : vector<16xf32>
        %add3A_1480 = arith.addf %get3A_1477, %add3A_1479 : vector<16xf32>
        %swap3A_1481 = arith.index_cast %add3A_1398 : i32 to index
        %swap3A_1482 = arith.constant 384 : index
        %swap3A_1483 = tpu.vector_load %arg13[%swap3A_1481, %swap3A_1482] {strides = array<i32>} : memref<32x768xf32, #tpu.memory_space<vmem>>, vector<16xf32>,
        tpu.vector_store %arg13[%swap3A_1481, %swap3A_1482], %add3A_1480 {strides = array<i32>} : memref<32x768xf32, #tpu.memory_space<vmem>>, vector<16xf32>,
        %get3A_1484 = arith.index_cast %add3A_1398 : i32 to index
        %get3A_1485 = arith.constant 400 : index
        %get3A_1486 = tpu.vector_load %arg11[%get3A_1484, %get3A_1485] {strides = array<i32>} : memref<32x768xf32, #tpu.memory_space<vmem>>, vector<16xf32>,
        %mul3A_1487 = arith.mulf %convert_element_type3A_1402, %get3A_775 : vector<16xf32>
        %add3A_1488 = arith.addf %get3A_731, %mul3A_1487 : vector<16xf32>
        %add3A_1489 = arith.addf %get3A_1486, %add3A_1488 : vector<16xf32>
        %swap3A_1490 = arith.index_cast %add3A_1398 : i32 to index
        %swap3A_1491 = arith.constant 400 : index
        %swap3A_1492 = tpu.vector_load %arg13[%swap3A_1490, %swap3A_1491] {strides = array<i32>} : memref<32x768xf32, #tpu.memory_space<vmem>>, vector<16xf32>,
        tpu.vector_store %arg13[%swap3A_1490, %swap3A_1491], %add3A_1489 {strides = array<i32>} : memref<32x768xf32, #tpu.memory_space<vmem>>, vector<16xf32>,
        %get3A_1493 = arith.index_cast %add3A_1398 : i32 to index
        %get3A_1494 = arith.constant 416 : index
        %get3A_1495 = tpu.vector_load %arg11[%get3A_1493, %get3A_1494] {strides = array<i32>} : memref<32x768xf32, #tpu.memory_space<vmem>>, vector<16xf32>,
        %mul3A_1496 = arith.mulf %convert_element_type3A_1402, %get3A_777 : vector<16xf32>
        %add3A_1497 = arith.addf %get3A_735, %mul3A_1496 : vector<16xf32>
        %add3A_1498 = arith.addf %get3A_1495, %add3A_1497 : vector<16xf32>
        %swap3A_1499 = arith.index_cast %add3A_1398 : i32 to index
        %swap3A_1500 = arith.constant 416 : index
        %swap3A_1501 = tpu.vector_load %arg13[%swap3A_1499, %swap3A_1500] {strides = array<i32>} : memref<32x768xf32, #tpu.memory_space<vmem>>, vector<16xf32>,
        tpu.vector_store %arg13[%swap3A_1499, %swap3A_1500], %add3A_1498 {strides = array<i32>} : memref<32x768xf32, #tpu.memory_space<vmem>>, vector<16xf32>,
        %get3A_1502 = arith.index_cast %add3A_1398 : i32 to index
        %get3A_1503 = arith.constant 432 : index
        %get3A_1504 = tpu.vector_load %arg11[%get3A_1502, %get3A_1503] {strides = array<i32>} : memref<32x768xf32, #tpu.memory_space<vmem>>, vector<16xf32>,
        %mul3A_1505 = arith.mulf %convert_element_type3A_1402, %get3A_779 : vector<16xf32>
        %add3A_1506 = arith.addf %get3A_739, %mul3A_1505 : vector<16xf32>
        %add3A_1507 = arith.addf %get3A_1504, %add3A_1506 : vector<16xf32>
        %swap3A_1508 = arith.index_cast %add3A_1398 : i32 to index
        %swap3A_1509 = arith.constant 432 : index
        %swap3A_1510 = tpu.vector_load %arg13[%swap3A_1508, %swap3A_1509] {strides = array<i32>} : memref<32x768xf32, #tpu.memory_space<vmem>>, vector<16xf32>,
        tpu.vector_store %arg13[%swap3A_1508, %swap3A_1509], %add3A_1507 {strides = array<i32>} : memref<32x768xf32, #tpu.memory_space<vmem>>, vector<16xf32>,
        %get3A_1511 = arith.index_cast %add3A_1398 : i32 to index
        %get3A_1512 = arith.constant 448 : index
        %get3A_1513 = tpu.vector_load %arg11[%get3A_1511, %get3A_1512] {strides = array<i32>} : memref<32x768xf32, #tpu.memory_space<vmem>>, vector<16xf32>,
        %mul3A_1514 = arith.mulf %convert_element_type3A_1402, %get3A_781 : vector<16xf32>
        %add3A_1515 = arith.addf %get3A_743, %mul3A_1514 : vector<16xf32>
        %add3A_1516 = arith.addf %get3A_1513, %add3A_1515 : vector<16xf32>
        %swap3A_1517 = arith.index_cast %add3A_1398 : i32 to index
        %swap3A_1518 = arith.constant 448 : index
        %swap3A_1519 = tpu.vector_load %arg13[%swap3A_1517, %swap3A_1518] {strides = array<i32>} : memref<32x768xf32, #tpu.memory_space<vmem>>, vector<16xf32>,
        tpu.vector_store %arg13[%swap3A_1517, %swap3A_1518], %add3A_1516 {strides = array<i32>} : memref<32x768xf32, #tpu.memory_space<vmem>>, vector<16xf32>,
        %get3A_1520 = arith.index_cast %add3A_1398 : i32 to index
        %get3A_1521 = arith.constant 464 : index
        %get3A_1522 = tpu.vector_load %arg11[%get3A_1520, %get3A_1521] {strides = array<i32>} : memref<32x768xf32, #tpu.memory_space<vmem>>, vector<16xf32>,
        %mul3A_1523 = arith.mulf %convert_element_type3A_1402, %get3A_783 : vector<16xf32>
        %add3A_1524 = arith.addf %get3A_747, %mul3A_1523 : vector<16xf32>
        %add3A_1525 = arith.addf %get3A_1522, %add3A_1524 : vector<16xf32>
        %swap3A_1526 = arith.index_cast %add3A_1398 : i32 to index
        %swap3A_1527 = arith.constant 464 : index
        %swap3A_1528 = tpu.vector_load %arg13[%swap3A_1526, %swap3A_1527] {strides = array<i32>} : memref<32x768xf32, #tpu.memory_space<vmem>>, vector<16xf32>,
        tpu.vector_store %arg13[%swap3A_1526, %swap3A_1527], %add3A_1525 {strides = array<i32>} : memref<32x768xf32, #tpu.memory_space<vmem>>, vector<16xf32>,
        %get3A_1529 = arith.index_cast %add3A_1398 : i32 to index
        %get3A_1530 = arith.constant 480 : index
        %get3A_1531 = tpu.vector_load %arg11[%get3A_1529, %get3A_1530] {strides = array<i32>} : memref<32x768xf32, #tpu.memory_space<vmem>>, vector<16xf32>,
        %mul3A_1532 = arith.mulf %convert_element_type3A_1402, %get3A_785 : vector<16xf32>
        %add3A_1533 = arith.addf %get3A_751, %mul3A_1532 : vector<16xf32>
        %add3A_1534 = arith.addf %get3A_1531, %add3A_1533 : vector<16xf32>
        %swap3A_1535 = arith.index_cast %add3A_1398 : i32 to index
        %swap3A_1536 = arith.constant 480 : index
        %swap3A_1537 = tpu.vector_load %arg13[%swap3A_1535, %swap3A_1536] {strides = array<i32>} : memref<32x768xf32, #tpu.memory_space<vmem>>, vector<16xf32>,
        tpu.vector_store %arg13[%swap3A_1535, %swap3A_1536], %add3A_1534 {strides = array<i32>} : memref<32x768xf32, #tpu.memory_space<vmem>>, vector<16xf32>,
        %get3A_1538 = arith.index_cast %add3A_1398 : i32 to index
        %get3A_1539 = arith.constant 496 : index
        %get3A_1540 = tpu.vector_load %arg11[%get3A_1538, %get3A_1539] {strides = array<i32>} : memref<32x768xf32, #tpu.memory_space<vmem>>, vector<16xf32>,
        %mul3A_1541 = arith.mulf %convert_element_type3A_1402, %get3A_787 : vector<16xf32>
        %add3A_1542 = arith.addf %get3A_755, %mul3A_1541 : vector<16xf32>
        %add3A_1543 = arith.addf %get3A_1540, %add3A_1542 : vector<16xf32>
        %swap3A_1544 = arith.index_cast %add3A_1398 : i32 to index
        %swap3A_1545 = arith.constant 496 : index
        %swap3A_1546 = tpu.vector_load %arg13[%swap3A_1544, %swap3A_1545] {strides = array<i32>} : memref<32x768xf32, #tpu.memory_space<vmem>>, vector<16xf32>,
        tpu.vector_store %arg13[%swap3A_1544, %swap3A_1545], %add3A_1543 {strides = array<i32>} : memref<32x768xf32, #tpu.memory_space<vmem>>, vector<16xf32>,
      }
      %scan3A_793 = arith.constant 16 : i32
      %get3A_794 = arith.constant 0 : i32
      %get3A_795 = arith.index_cast %get3A_794 : i32 to index
      %get3A_796 = arith.constant 512 : index
      %get3A_797 = tpu.vector_load %arg9[%get3A_795, %get3A_796] {strides = array<i32>} : memref<2x768xf32, #tpu.memory_space<vmem>>, vector<16xf32>,
      %get3A_798 = arith.constant 0 : i32
      %get3A_799 = arith.index_cast %get3A_798 : i32 to index
      %get3A_800 = arith.constant 528 : index
      %get3A_801 = tpu.vector_load %arg9[%get3A_799, %get3A_800] {strides = array<i32>} : memref<2x768xf32, #tpu.memory_space<vmem>>, vector<16xf32>,
      %get3A_802 = arith.constant 0 : i32
      %get3A_803 = arith.index_cast %get3A_802 : i32 to index
      %get3A_804 = arith.constant 544 : index
      %get3A_805 = tpu.vector_load %arg9[%get3A_803, %get3A_804] {strides = array<i32>} : memref<2x768xf32, #tpu.memory_space<vmem>>, vector<16xf32>,
      %get3A_806 = arith.constant 0 : i32
      %get3A_807 = arith.index_cast %get3A_806 : i32 to index
      %get3A_808 = arith.constant 560 : index
      %get3A_809 = tpu.vector_load %arg9[%get3A_807, %get3A_808] {strides = array<i32>} : memref<2x768xf32, #tpu.memory_space<vmem>>, vector<16xf32>,
      %get3A_810 = arith.constant 0 : i32
      %get3A_811 = arith.index_cast %get3A_810 : i32 to index
      %get3A_812 = arith.constant 576 : index
      %get3A_813 = tpu.vector_load %arg9[%get3A_811, %get3A_812] {strides = array<i32>} : memref<2x768xf32, #tpu.memory_space<vmem>>, vector<16xf32>,
      %get3A_814 = arith.constant 0 : i32
      %get3A_815 = arith.index_cast %get3A_814 : i32 to index
      %get3A_816 = arith.constant 592 : index
      %get3A_817 = tpu.vector_load %arg9[%get3A_815, %get3A_816] {strides = array<i32>} : memref<2x768xf32, #tpu.memory_space<vmem>>, vector<16xf32>,
      %get3A_818 = arith.constant 0 : i32
      %get3A_819 = arith.index_cast %get3A_818 : i32 to index
      %get3A_820 = arith.constant 608 : index
      %get3A_821 = tpu.vector_load %arg9[%get3A_819, %get3A_820] {strides = array<i32>} : memref<2x768xf32, #tpu.memory_space<vmem>>, vector<16xf32>,
      %get3A_822 = arith.constant 0 : i32
      %get3A_823 = arith.index_cast %get3A_822 : i32 to index
      %get3A_824 = arith.constant 624 : index
      %get3A_825 = tpu.vector_load %arg9[%get3A_823, %get3A_824] {strides = array<i32>} : memref<2x768xf32, #tpu.memory_space<vmem>>, vector<16xf32>,
      %get3A_826 = arith.constant 0 : i32
      %get3A_827 = arith.index_cast %get3A_826 : i32 to index
      %get3A_828 = arith.constant 640 : index
      %get3A_829 = tpu.vector_load %arg9[%get3A_827, %get3A_828] {strides = array<i32>} : memref<2x768xf32, #tpu.memory_space<vmem>>, vector<16xf32>,
      %get3A_830 = arith.constant 0 : i32
      %get3A_831 = arith.index_cast %get3A_830 : i32 to index
      %get3A_832 = arith.constant 656 : index
      %get3A_833 = tpu.vector_load %arg9[%get3A_831, %get3A_832] {strides = array<i32>} : memref<2x768xf32, #tpu.memory_space<vmem>>, vector<16xf32>,
      %get3A_834 = arith.constant 0 : i32
      %get3A_835 = arith.index_cast %get3A_834 : i32 to index
      %get3A_836 = arith.constant 672 : index
      %get3A_837 = tpu.vector_load %arg9[%get3A_835, %get3A_836] {strides = array<i32>} : memref<2x768xf32, #tpu.memory_space<vmem>>, vector<16xf32>,
      %get3A_838 = arith.constant 0 : i32
      %get3A_839 = arith.index_cast %get3A_838 : i32 to index
      %get3A_840 = arith.constant 688 : index
      %get3A_841 = tpu.vector_load %arg9[%get3A_839, %get3A_840] {strides = array<i32>} : memref<2x768xf32, #tpu.memory_space<vmem>>, vector<16xf32>,
      %get3A_842 = arith.constant 0 : i32
      %get3A_843 = arith.index_cast %get3A_842 : i32 to index
      %get3A_844 = arith.constant 704 : index
      %get3A_845 = tpu.vector_load %arg9[%get3A_843, %get3A_844] {strides = array<i32>} : memref<2x768xf32, #tpu.memory_space<vmem>>, vector<16xf32>,
      %get3A_846 = arith.constant 0 : i32
      %get3A_847 = arith.index_cast %get3A_846 : i32 to index
      %get3A_848 = arith.constant 720 : index
      %get3A_849 = tpu.vector_load %arg9[%get3A_847, %get3A_848] {strides = array<i32>} : memref<2x768xf32, #tpu.memory_space<vmem>>, vector<16xf32>,
      %get3A_850 = arith.constant 0 : i32
      %get3A_851 = arith.index_cast %get3A_850 : i32 to index
      %get3A_852 = arith.constant 736 : index
      %get3A_853 = tpu.vector_load %arg9[%get3A_851, %get3A_852] {strides = array<i32>} : memref<2x768xf32, #tpu.memory_space<vmem>>, vector<16xf32>,
      %get3A_854 = arith.constant 0 : i32
      %get3A_855 = arith.index_cast %get3A_854 : i32 to index
      %get3A_856 = arith.constant 752 : index
      %get3A_857 = tpu.vector_load %arg9[%get3A_855, %get3A_856] {strides = array<i32>} : memref<2x768xf32, #tpu.memory_space<vmem>>, vector<16xf32>,
      %get3A_858 = arith.constant 512 : index
      %get3A_859 = tpu.vector_load %arg10[%get3A_858] {strides = array<i32>} : memref<768xf32, #tpu.memory_space<vmem>>, vector<16xf32>,
      %get3A_860 = arith.constant 528 : index
      %get3A_861 = tpu.vector_load %arg10[%get3A_860] {strides = array<i32>} : memref<768xf32, #tpu.memory_space<vmem>>, vector<16xf32>,
      %get3A_862 = arith.constant 544 : index
      %get3A_863 = tpu.vector_load %arg10[%get3A_862] {strides = array<i32>} : memref<768xf32, #tpu.memory_space<vmem>>, vector<16xf32>,
      %get3A_864 = arith.constant 560 : index
      %get3A_865 = tpu.vector_load %arg10[%get3A_864] {strides = array<i32>} : memref<768xf32, #tpu.memory_space<vmem>>, vector<16xf32>,
      %get3A_866 = arith.constant 576 : index
      %get3A_867 = tpu.vector_load %arg10[%get3A_866] {strides = array<i32>} : memref<768xf32, #tpu.memory_space<vmem>>, vector<16xf32>,
      %get3A_868 = arith.constant 592 : index
      %get3A_869 = tpu.vector_load %arg10[%get3A_868] {strides = array<i32>} : memref<768xf32, #tpu.memory_space<vmem>>, vector<16xf32>,
      %get3A_870 = arith.constant 608 : index
      %get3A_871 = tpu.vector_load %arg10[%get3A_870] {strides = array<i32>} : memref<768xf32, #tpu.memory_space<vmem>>, vector<16xf32>,
      %get3A_872 = arith.constant 624 : index
      %get3A_873 = tpu.vector_load %arg10[%get3A_872] {strides = array<i32>} : memref<768xf32, #tpu.memory_space<vmem>>, vector<16xf32>,
      %get3A_874 = arith.constant 640 : index
      %get3A_875 = tpu.vector_load %arg10[%get3A_874] {strides = array<i32>} : memref<768xf32, #tpu.memory_space<vmem>>, vector<16xf32>,
      %get3A_876 = arith.constant 656 : index
      %get3A_877 = tpu.vector_load %arg10[%get3A_876] {strides = array<i32>} : memref<768xf32, #tpu.memory_space<vmem>>, vector<16xf32>,
      %get3A_878 = arith.constant 672 : index
      %get3A_879 = tpu.vector_load %arg10[%get3A_878] {strides = array<i32>} : memref<768xf32, #tpu.memory_space<vmem>>, vector<16xf32>,
      %get3A_880 = arith.constant 688 : index
      %get3A_881 = tpu.vector_load %arg10[%get3A_880] {strides = array<i32>} : memref<768xf32, #tpu.memory_space<vmem>>, vector<16xf32>,
      %get3A_882 = arith.constant 704 : index
      %get3A_883 = tpu.vector_load %arg10[%get3A_882] {strides = array<i32>} : memref<768xf32, #tpu.memory_space<vmem>>, vector<16xf32>,
      %get3A_884 = arith.constant 720 : index
      %get3A_885 = tpu.vector_load %arg10[%get3A_884] {strides = array<i32>} : memref<768xf32, #tpu.memory_space<vmem>>, vector<16xf32>,
      %get3A_886 = arith.constant 736 : index
      %get3A_887 = tpu.vector_load %arg10[%get3A_886] {strides = array<i32>} : memref<768xf32, #tpu.memory_space<vmem>>, vector<16xf32>,
      %get3A_888 = arith.constant 752 : index
      %get3A_889 = tpu.vector_load %arg10[%get3A_888] {strides = array<i32>} : memref<768xf32, #tpu.memory_space<vmem>>, vector<16xf32>,
      %scan3A_890 = arith.constant 0 : i32
      %scan3A_891 = arith.constant 0 : i32
      %scan3A_892 = arith.constant 16 : i32
      %scan3A_893 = arith.addi %scan3A_891, %scan3A_892 : i32
      %scan3A_894 = arith.constant 1 : i32
      scf.for %scan3A_1244 = %scan3A_891 to %scan3A_893 step %scan3A_894  : i32 {
        %mul3A_1245 = arith.constant 2 : i32
        %mul3A_1246 = arith.muli %scan3A_1244, %mul3A_1245 : i32
        %add3A_1247 = arith.constant 0 : i32
        %add3A_1248 = arith.addi %mul3A_1246, %add3A_1247 : i32
        %broadcast_in_dim3A = vector.broadcast %add3A_581 : i32 to vector<16xi32>
        %broadcast_in_dim3A_1249 = vector.broadcast %add3A_1248 : i32 to vector<16xi32>
        %gather3A = tpu.vector_load_idx %arg8[%broadcast_in_dim3A, %broadcast_in_dim3A_1249] : memref<32x32xi32, #tpu.memory_space<vmem>>[vector<16xi32>, vector<16xi32>], vector<16xi32>,
        %convert_element_type3A_1250 = arith.sitofp %gather3A : vector<16xi32> to vector<16xf32>
        %get3A_1251 = arith.index_cast %add3A_1248 : i32 to index
        %get3A_1252 = arith.constant 512 : index
        %get3A_1253 = tpu.vector_load %arg11[%get3A_1251, %get3A_1252] {strides = array<i32>} : memref<32x768xf32, #tpu.memory_space<vmem>>, vector<16xf32>,
        %mul3A_1254 = arith.mulf %convert_element_type3A_1250, %get3A_859 : vector<16xf32>
        %add3A_1255 = arith.addf %get3A_797, %mul3A_1254 : vector<16xf32>
        %add3A_1256 = arith.addf %get3A_1253, %add3A_1255 : vector<16xf32>
        %swap3A_1257 = arith.index_cast %add3A_1248 : i32 to index
        %swap3A_1258 = arith.constant 512 : index
        %swap3A_1259 = tpu.vector_load %arg13[%swap3A_1257, %swap3A_1258] {strides = array<i32>} : memref<32x768xf32, #tpu.memory_space<vmem>>, vector<16xf32>,
        tpu.vector_store %arg13[%swap3A_1257, %swap3A_1258], %add3A_1256 {strides = array<i32>} : memref<32x768xf32, #tpu.memory_space<vmem>>, vector<16xf32>,
        %get3A_1260 = arith.index_cast %add3A_1248 : i32 to index
        %get3A_1261 = arith.constant 528 : index
        %get3A_1262 = tpu.vector_load %arg11[%get3A_1260, %get3A_1261] {strides = array<i32>} : memref<32x768xf32, #tpu.memory_space<vmem>>, vector<16xf32>,
        %mul3A_1263 = arith.mulf %convert_element_type3A_1250, %get3A_861 : vector<16xf32>
        %add3A_1264 = arith.addf %get3A_801, %mul3A_1263 : vector<16xf32>
        %add3A_1265 = arith.addf %get3A_1262, %add3A_1264 : vector<16xf32>
        %swap3A_1266 = arith.index_cast %add3A_1248 : i32 to index
        %swap3A_1267 = arith.constant 528 : index
        %swap3A_1268 = tpu.vector_load %arg13[%swap3A_1266, %swap3A_1267] {strides = array<i32>} : memref<32x768xf32, #tpu.memory_space<vmem>>, vector<16xf32>,
        tpu.vector_store %arg13[%swap3A_1266, %swap3A_1267], %add3A_1265 {strides = array<i32>} : memref<32x768xf32, #tpu.memory_space<vmem>>, vector<16xf32>,
        %get3A_1269 = arith.index_cast %add3A_1248 : i32 to index
        %get3A_1270 = arith.constant 544 : index
        %get3A_1271 = tpu.vector_load %arg11[%get3A_1269, %get3A_1270] {strides = array<i32>} : memref<32x768xf32, #tpu.memory_space<vmem>>, vector<16xf32>,
        %mul3A_1272 = arith.mulf %convert_element_type3A_1250, %get3A_863 : vector<16xf32>
        %add3A_1273 = arith.addf %get3A_805, %mul3A_1272 : vector<16xf32>
        %add3A_1274 = arith.addf %get3A_1271, %add3A_1273 : vector<16xf32>
        %swap3A_1275 = arith.index_cast %add3A_1248 : i32 to index
        %swap3A_1276 = arith.constant 544 : index
        %swap3A_1277 = tpu.vector_load %arg13[%swap3A_1275, %swap3A_1276] {strides = array<i32>} : memref<32x768xf32, #tpu.memory_space<vmem>>, vector<16xf32>,
        tpu.vector_store %arg13[%swap3A_1275, %swap3A_1276], %add3A_1274 {strides = array<i32>} : memref<32x768xf32, #tpu.memory_space<vmem>>, vector<16xf32>,
        %get3A_1278 = arith.index_cast %add3A_1248 : i32 to index
        %get3A_1279 = arith.constant 560 : index
        %get3A_1280 = tpu.vector_load %arg11[%get3A_1278, %get3A_1279] {strides = array<i32>} : memref<32x768xf32, #tpu.memory_space<vmem>>, vector<16xf32>,
        %mul3A_1281 = arith.mulf %convert_element_type3A_1250, %get3A_865 : vector<16xf32>
        %add3A_1282 = arith.addf %get3A_809, %mul3A_1281 : vector<16xf32>
        %add3A_1283 = arith.addf %get3A_1280, %add3A_1282 : vector<16xf32>
        %swap3A_1284 = arith.index_cast %add3A_1248 : i32 to index
        %swap3A_1285 = arith.constant 560 : index
        %swap3A_1286 = tpu.vector_load %arg13[%swap3A_1284, %swap3A_1285] {strides = array<i32>} : memref<32x768xf32, #tpu.memory_space<vmem>>, vector<16xf32>,
        tpu.vector_store %arg13[%swap3A_1284, %swap3A_1285], %add3A_1283 {strides = array<i32>} : memref<32x768xf32, #tpu.memory_space<vmem>>, vector<16xf32>,
        %get3A_1287 = arith.index_cast %add3A_1248 : i32 to index
        %get3A_1288 = arith.constant 576 : index
        %get3A_1289 = tpu.vector_load %arg11[%get3A_1287, %get3A_1288] {strides = array<i32>} : memref<32x768xf32, #tpu.memory_space<vmem>>, vector<16xf32>,
        %mul3A_1290 = arith.mulf %convert_element_type3A_1250, %get3A_867 : vector<16xf32>
        %add3A_1291 = arith.addf %get3A_813, %mul3A_1290 : vector<16xf32>
        %add3A_1292 = arith.addf %get3A_1289, %add3A_1291 : vector<16xf32>
        %swap3A_1293 = arith.index_cast %add3A_1248 : i32 to index
        %swap3A_1294 = arith.constant 576 : index
        %swap3A_1295 = tpu.vector_load %arg13[%swap3A_1293, %swap3A_1294] {strides = array<i32>} : memref<32x768xf32, #tpu.memory_space<vmem>>, vector<16xf32>,
        tpu.vector_store %arg13[%swap3A_1293, %swap3A_1294], %add3A_1292 {strides = array<i32>} : memref<32x768xf32, #tpu.memory_space<vmem>>, vector<16xf32>,
        %get3A_1296 = arith.index_cast %add3A_1248 : i32 to index
        %get3A_1297 = arith.constant 592 : index
        %get3A_1298 = tpu.vector_load %arg11[%get3A_1296, %get3A_1297] {strides = array<i32>} : memref<32x768xf32, #tpu.memory_space<vmem>>, vector<16xf32>,
        %mul3A_1299 = arith.mulf %convert_element_type3A_1250, %get3A_869 : vector<16xf32>
        %add3A_1300 = arith.addf %get3A_817, %mul3A_1299 : vector<16xf32>
        %add3A_1301 = arith.addf %get3A_1298, %add3A_1300 : vector<16xf32>
        %swap3A_1302 = arith.index_cast %add3A_1248 : i32 to index
        %swap3A_1303 = arith.constant 592 : index
        %swap3A_1304 = tpu.vector_load %arg13[%swap3A_1302, %swap3A_1303] {strides = array<i32>} : memref<32x768xf32, #tpu.memory_space<vmem>>, vector<16xf32>,
        tpu.vector_store %arg13[%swap3A_1302, %swap3A_1303], %add3A_1301 {strides = array<i32>} : memref<32x768xf32, #tpu.memory_space<vmem>>, vector<16xf32>,
        %get3A_1305 = arith.index_cast %add3A_1248 : i32 to index
        %get3A_1306 = arith.constant 608 : index
        %get3A_1307 = tpu.vector_load %arg11[%get3A_1305, %get3A_1306] {strides = array<i32>} : memref<32x768xf32, #tpu.memory_space<vmem>>, vector<16xf32>,
        %mul3A_1308 = arith.mulf %convert_element_type3A_1250, %get3A_871 : vector<16xf32>
        %add3A_1309 = arith.addf %get3A_821, %mul3A_1308 : vector<16xf32>
        %add3A_1310 = arith.addf %get3A_1307, %add3A_1309 : vector<16xf32>
        %swap3A_1311 = arith.index_cast %add3A_1248 : i32 to index
        %swap3A_1312 = arith.constant 608 : index
        %swap3A_1313 = tpu.vector_load %arg13[%swap3A_1311, %swap3A_1312] {strides = array<i32>} : memref<32x768xf32, #tpu.memory_space<vmem>>, vector<16xf32>,
        tpu.vector_store %arg13[%swap3A_1311, %swap3A_1312], %add3A_1310 {strides = array<i32>} : memref<32x768xf32, #tpu.memory_space<vmem>>, vector<16xf32>,
        %get3A_1314 = arith.index_cast %add3A_1248 : i32 to index
        %get3A_1315 = arith.constant 624 : index
        %get3A_1316 = tpu.vector_load %arg11[%get3A_1314, %get3A_1315] {strides = array<i32>} : memref<32x768xf32, #tpu.memory_space<vmem>>, vector<16xf32>,
        %mul3A_1317 = arith.mulf %convert_element_type3A_1250, %get3A_873 : vector<16xf32>
        %add3A_1318 = arith.addf %get3A_825, %mul3A_1317 : vector<16xf32>
        %add3A_1319 = arith.addf %get3A_1316, %add3A_1318 : vector<16xf32>
        %swap3A_1320 = arith.index_cast %add3A_1248 : i32 to index
        %swap3A_1321 = arith.constant 624 : index
        %swap3A_1322 = tpu.vector_load %arg13[%swap3A_1320, %swap3A_1321] {strides = array<i32>} : memref<32x768xf32, #tpu.memory_space<vmem>>, vector<16xf32>,
        tpu.vector_store %arg13[%swap3A_1320, %swap3A_1321], %add3A_1319 {strides = array<i32>} : memref<32x768xf32, #tpu.memory_space<vmem>>, vector<16xf32>,
        %get3A_1323 = arith.index_cast %add3A_1248 : i32 to index
        %get3A_1324 = arith.constant 640 : index
        %get3A_1325 = tpu.vector_load %arg11[%get3A_1323, %get3A_1324] {strides = array<i32>} : memref<32x768xf32, #tpu.memory_space<vmem>>, vector<16xf32>,
        %mul3A_1326 = arith.mulf %convert_element_type3A_1250, %get3A_875 : vector<16xf32>
        %add3A_1327 = arith.addf %get3A_829, %mul3A_1326 : vector<16xf32>
        %add3A_1328 = arith.addf %get3A_1325, %add3A_1327 : vector<16xf32>
        %swap3A_1329 = arith.index_cast %add3A_1248 : i32 to index
        %swap3A_1330 = arith.constant 640 : index
        %swap3A_1331 = tpu.vector_load %arg13[%swap3A_1329, %swap3A_1330] {strides = array<i32>} : memref<32x768xf32, #tpu.memory_space<vmem>>, vector<16xf32>,
        tpu.vector_store %arg13[%swap3A_1329, %swap3A_1330], %add3A_1328 {strides = array<i32>} : memref<32x768xf32, #tpu.memory_space<vmem>>, vector<16xf32>,
        %get3A_1332 = arith.index_cast %add3A_1248 : i32 to index
        %get3A_1333 = arith.constant 656 : index
        %get3A_1334 = tpu.vector_load %arg11[%get3A_1332, %get3A_1333] {strides = array<i32>} : memref<32x768xf32, #tpu.memory_space<vmem>>, vector<16xf32>,
        %mul3A_1335 = arith.mulf %convert_element_type3A_1250, %get3A_877 : vector<16xf32>
        %add3A_1336 = arith.addf %get3A_833, %mul3A_1335 : vector<16xf32>
        %add3A_1337 = arith.addf %get3A_1334, %add3A_1336 : vector<16xf32>
        %swap3A_1338 = arith.index_cast %add3A_1248 : i32 to index
        %swap3A_1339 = arith.constant 656 : index
        %swap3A_1340 = tpu.vector_load %arg13[%swap3A_1338, %swap3A_1339] {strides = array<i32>} : memref<32x768xf32, #tpu.memory_space<vmem>>, vector<16xf32>,
        tpu.vector_store %arg13[%swap3A_1338, %swap3A_1339], %add3A_1337 {strides = array<i32>} : memref<32x768xf32, #tpu.memory_space<vmem>>, vector<16xf32>,
        %get3A_1341 = arith.index_cast %add3A_1248 : i32 to index
        %get3A_1342 = arith.constant 672 : index
        %get3A_1343 = tpu.vector_load %arg11[%get3A_1341, %get3A_1342] {strides = array<i32>} : memref<32x768xf32, #tpu.memory_space<vmem>>, vector<16xf32>,
        %mul3A_1344 = arith.mulf %convert_element_type3A_1250, %get3A_879 : vector<16xf32>
        %add3A_1345 = arith.addf %get3A_837, %mul3A_1344 : vector<16xf32>
        %add3A_1346 = arith.addf %get3A_1343, %add3A_1345 : vector<16xf32>
        %swap3A_1347 = arith.index_cast %add3A_1248 : i32 to index
        %swap3A_1348 = arith.constant 672 : index
        %swap3A_1349 = tpu.vector_load %arg13[%swap3A_1347, %swap3A_1348] {strides = array<i32>} : memref<32x768xf32, #tpu.memory_space<vmem>>, vector<16xf32>,
        tpu.vector_store %arg13[%swap3A_1347, %swap3A_1348], %add3A_1346 {strides = array<i32>} : memref<32x768xf32, #tpu.memory_space<vmem>>, vector<16xf32>,
        %get3A_1350 = arith.index_cast %add3A_1248 : i32 to index
        %get3A_1351 = arith.constant 688 : index
        %get3A_1352 = tpu.vector_load %arg11[%get3A_1350, %get3A_1351] {strides = array<i32>} : memref<32x768xf32, #tpu.memory_space<vmem>>, vector<16xf32>,
        %mul3A_1353 = arith.mulf %convert_element_type3A_1250, %get3A_881 : vector<16xf32>
        %add3A_1354 = arith.addf %get3A_841, %mul3A_1353 : vector<16xf32>
        %add3A_1355 = arith.addf %get3A_1352, %add3A_1354 : vector<16xf32>
        %swap3A_1356 = arith.index_cast %add3A_1248 : i32 to index
        %swap3A_1357 = arith.constant 688 : index
        %swap3A_1358 = tpu.vector_load %arg13[%swap3A_1356, %swap3A_1357] {strides = array<i32>} : memref<32x768xf32, #tpu.memory_space<vmem>>, vector<16xf32>,
        tpu.vector_store %arg13[%swap3A_1356, %swap3A_1357], %add3A_1355 {strides = array<i32>} : memref<32x768xf32, #tpu.memory_space<vmem>>, vector<16xf32>,
        %get3A_1359 = arith.index_cast %add3A_1248 : i32 to index
        %get3A_1360 = arith.constant 704 : index
        %get3A_1361 = tpu.vector_load %arg11[%get3A_1359, %get3A_1360] {strides = array<i32>} : memref<32x768xf32, #tpu.memory_space<vmem>>, vector<16xf32>,
        %mul3A_1362 = arith.mulf %convert_element_type3A_1250, %get3A_883 : vector<16xf32>
        %add3A_1363 = arith.addf %get3A_845, %mul3A_1362 : vector<16xf32>
        %add3A_1364 = arith.addf %get3A_1361, %add3A_1363 : vector<16xf32>
        %swap3A_1365 = arith.index_cast %add3A_1248 : i32 to index
        %swap3A_1366 = arith.constant 704 : index
        %swap3A_1367 = tpu.vector_load %arg13[%swap3A_1365, %swap3A_1366] {strides = array<i32>} : memref<32x768xf32, #tpu.memory_space<vmem>>, vector<16xf32>,
        tpu.vector_store %arg13[%swap3A_1365, %swap3A_1366], %add3A_1364 {strides = array<i32>} : memref<32x768xf32, #tpu.memory_space<vmem>>, vector<16xf32>,
        %get3A_1368 = arith.index_cast %add3A_1248 : i32 to index
        %get3A_1369 = arith.constant 720 : index
        %get3A_1370 = tpu.vector_load %arg11[%get3A_1368, %get3A_1369] {strides = array<i32>} : memref<32x768xf32, #tpu.memory_space<vmem>>, vector<16xf32>,
        %mul3A_1371 = arith.mulf %convert_element_type3A_1250, %get3A_885 : vector<16xf32>
        %add3A_1372 = arith.addf %get3A_849, %mul3A_1371 : vector<16xf32>
        %add3A_1373 = arith.addf %get3A_1370, %add3A_1372 : vector<16xf32>
        %swap3A_1374 = arith.index_cast %add3A_1248 : i32 to index
        %swap3A_1375 = arith.constant 720 : index
        %swap3A_1376 = tpu.vector_load %arg13[%swap3A_1374, %swap3A_1375] {strides = array<i32>} : memref<32x768xf32, #tpu.memory_space<vmem>>, vector<16xf32>,
        tpu.vector_store %arg13[%swap3A_1374, %swap3A_1375], %add3A_1373 {strides = array<i32>} : memref<32x768xf32, #tpu.memory_space<vmem>>, vector<16xf32>,
        %get3A_1377 = arith.index_cast %add3A_1248 : i32 to index
        %get3A_1378 = arith.constant 736 : index
        %get3A_1379 = tpu.vector_load %arg11[%get3A_1377, %get3A_1378] {strides = array<i32>} : memref<32x768xf32, #tpu.memory_space<vmem>>, vector<16xf32>,
        %mul3A_1380 = arith.mulf %convert_element_type3A_1250, %get3A_887 : vector<16xf32>
        %add3A_1381 = arith.addf %get3A_853, %mul3A_1380 : vector<16xf32>
        %add3A_1382 = arith.addf %get3A_1379, %add3A_1381 : vector<16xf32>
        %swap3A_1383 = arith.index_cast %add3A_1248 : i32 to index
        %swap3A_1384 = arith.constant 736 : index
        %swap3A_1385 = tpu.vector_load %arg13[%swap3A_1383, %swap3A_1384] {strides = array<i32>} : memref<32x768xf32, #tpu.memory_space<vmem>>, vector<16xf32>,
        tpu.vector_store %arg13[%swap3A_1383, %swap3A_1384], %add3A_1382 {strides = array<i32>} : memref<32x768xf32, #tpu.memory_space<vmem>>, vector<16xf32>,
        %get3A_1386 = arith.index_cast %add3A_1248 : i32 to index
        %get3A_1387 = arith.constant 752 : index
        %get3A_1388 = tpu.vector_load %arg11[%get3A_1386, %get3A_1387] {strides = array<i32>} : memref<32x768xf32, #tpu.memory_space<vmem>>, vector<16xf32>,
        %mul3A_1389 = arith.mulf %convert_element_type3A_1250, %get3A_889 : vector<16xf32>
        %add3A_1390 = arith.addf %get3A_857, %mul3A_1389 : vector<16xf32>
        %add3A_1391 = arith.addf %get3A_1388, %add3A_1390 : vector<16xf32>
        %swap3A_1392 = arith.index_cast %add3A_1248 : i32 to index
        %swap3A_1393 = arith.constant 752 : index
        %swap3A_1394 = tpu.vector_load %arg13[%swap3A_1392, %swap3A_1393] {strides = array<i32>} : memref<32x768xf32, #tpu.memory_space<vmem>>, vector<16xf32>,
        tpu.vector_store %arg13[%swap3A_1392, %swap3A_1393], %add3A_1391 {strides = array<i32>} : memref<32x768xf32, #tpu.memory_space<vmem>>, vector<16xf32>,
        %mul3A_1395 = arith.constant 2 : i32
        %mul3A_1396 = arith.muli %scan3A_1244, %mul3A_1395 : i32
        %add3A_1397 = arith.constant 1 : i32
        %add3A_1398 = arith.addi %mul3A_1396, %add3A_1397 : i32
        %broadcast_in_dim3A_1399 = vector.broadcast %add3A_581 : i32 to vector<16xi32>
        %broadcast_in_dim3A_1400 = vector.broadcast %add3A_1398 : i32 to vector<16xi32>
        %gather3A_1401 = tpu.vector_load_idx %arg8[%broadcast_in_dim3A_1399, %broadcast_in_dim3A_1400] : memref<32x32xi32, #tpu.memory_space<vmem>>[vector<16xi32>, vector<16xi32>], vector<16xi32>,
        %convert_element_type3A_1402 = arith.sitofp %gather3A_1401 : vector<16xi32> to vector<16xf32>
        %get3A_1403 = arith.index_cast %add3A_1398 : i32 to index
        %get3A_1404 = arith.constant 512 : index
        %get3A_1405 = tpu.vector_load %arg11[%get3A_1403, %get3A_1404] {strides = array<i32>} : memref<32x768xf32, #tpu.memory_space<vmem>>, vector<16xf32>,
        %mul3A_1406 = arith.mulf %convert_element_type3A_1402, %get3A_859 : vector<16xf32>
        %add3A_1407 = arith.addf %get3A_797, %mul3A_1406 : vector<16xf32>
        %add3A_1408 = arith.addf %get3A_1405, %add3A_1407 : vector<16xf32>
        %swap3A_1409 = arith.index_cast %add3A_1398 : i32 to index
        %swap3A_1410 = arith.constant 512 : index
        %swap3A_1411 = tpu.vector_load %arg13[%swap3A_1409, %swap3A_1410] {strides = array<i32>} : memref<32x768xf32, #tpu.memory_space<vmem>>, vector<16xf32>,
        tpu.vector_store %arg13[%swap3A_1409, %swap3A_1410], %add3A_1408 {strides = array<i32>} : memref<32x768xf32, #tpu.memory_space<vmem>>, vector<16xf32>,
        %get3A_1412 = arith.index_cast %add3A_1398 : i32 to index
        %get3A_1413 = arith.constant 528 : index
        %get3A_1414 = tpu.vector_load %arg11[%get3A_1412, %get3A_1413] {strides = array<i32>} : memref<32x768xf32, #tpu.memory_space<vmem>>, vector<16xf32>,
        %mul3A_1415 = arith.mulf %convert_element_type3A_1402, %get3A_861 : vector<16xf32>
        %add3A_1416 = arith.addf %get3A_801, %mul3A_1415 : vector<16xf32>
        %add3A_1417 = arith.addf %get3A_1414, %add3A_1416 : vector<16xf32>
        %swap3A_1418 = arith.index_cast %add3A_1398 : i32 to index
        %swap3A_1419 = arith.constant 528 : index
        %swap3A_1420 = tpu.vector_load %arg13[%swap3A_1418, %swap3A_1419] {strides = array<i32>} : memref<32x768xf32, #tpu.memory_space<vmem>>, vector<16xf32>,
        tpu.vector_store %arg13[%swap3A_1418, %swap3A_1419], %add3A_1417 {strides = array<i32>} : memref<32x768xf32, #tpu.memory_space<vmem>>, vector<16xf32>,
        %get3A_1421 = arith.index_cast %add3A_1398 : i32 to index
        %get3A_1422 = arith.constant 544 : index
        %get3A_1423 = tpu.vector_load %arg11[%get3A_1421, %get3A_1422] {strides = array<i32>} : memref<32x768xf32, #tpu.memory_space<vmem>>, vector<16xf32>,
        %mul3A_1424 = arith.mulf %convert_element_type3A_1402, %get3A_863 : vector<16xf32>
        %add3A_1425 = arith.addf %get3A_805, %mul3A_1424 : vector<16xf32>
        %add3A_1426 = arith.addf %get3A_1423, %add3A_1425 : vector<16xf32>
        %swap3A_1427 = arith.index_cast %add3A_1398 : i32 to index
        %swap3A_1428 = arith.constant 544 : index
        %swap3A_1429 = tpu.vector_load %arg13[%swap3A_1427, %swap3A_1428] {strides = array<i32>} : memref<32x768xf32, #tpu.memory_space<vmem>>, vector<16xf32>,
        tpu.vector_store %arg13[%swap3A_1427, %swap3A_1428], %add3A_1426 {strides = array<i32>} : memref<32x768xf32, #tpu.memory_space<vmem>>, vector<16xf32>,
        %get3A_1430 = arith.index_cast %add3A_1398 : i32 to index
        %get3A_1431 = arith.constant 560 : index
        %get3A_1432 = tpu.vector_load %arg11[%get3A_1430, %get3A_1431] {strides = array<i32>} : memref<32x768xf32, #tpu.memory_space<vmem>>, vector<16xf32>,
        %mul3A_1433 = arith.mulf %convert_element_type3A_1402, %get3A_865 : vector<16xf32>
        %add3A_1434 = arith.addf %get3A_809, %mul3A_1433 : vector<16xf32>
        %add3A_1435 = arith.addf %get3A_1432, %add3A_1434 : vector<16xf32>
        %swap3A_1436 = arith.index_cast %add3A_1398 : i32 to index
        %swap3A_1437 = arith.constant 560 : index
        %swap3A_1438 = tpu.vector_load %arg13[%swap3A_1436, %swap3A_1437] {strides = array<i32>} : memref<32x768xf32, #tpu.memory_space<vmem>>, vector<16xf32>,
        tpu.vector_store %arg13[%swap3A_1436, %swap3A_1437], %add3A_1435 {strides = array<i32>} : memref<32x768xf32, #tpu.memory_space<vmem>>, vector<16xf32>,
        %get3A_1439 = arith.index_cast %add3A_1398 : i32 to index
        %get3A_1440 = arith.constant 576 : index
        %get3A_1441 = tpu.vector_load %arg11[%get3A_1439, %get3A_1440] {strides = array<i32>} : memref<32x768xf32, #tpu.memory_space<vmem>>, vector<16xf32>,
        %mul3A_1442 = arith.mulf %convert_element_type3A_1402, %get3A_867 : vector<16xf32>
        %add3A_1443 = arith.addf %get3A_813, %mul3A_1442 : vector<16xf32>
        %add3A_1444 = arith.addf %get3A_1441, %add3A_1443 : vector<16xf32>
        %swap3A_1445 = arith.index_cast %add3A_1398 : i32 to index
        %swap3A_1446 = arith.constant 576 : index
        %swap3A_1447 = tpu.vector_load %arg13[%swap3A_1445, %swap3A_1446] {strides = array<i32>} : memref<32x768xf32, #tpu.memory_space<vmem>>, vector<16xf32>,
        tpu.vector_store %arg13[%swap3A_1445, %swap3A_1446], %add3A_1444 {strides = array<i32>} : memref<32x768xf32, #tpu.memory_space<vmem>>, vector<16xf32>,
        %get3A_1448 = arith.index_cast %add3A_1398 : i32 to index
        %get3A_1449 = arith.constant 592 : index
        %get3A_1450 = tpu.vector_load %arg11[%get3A_1448, %get3A_1449] {strides = array<i32>} : memref<32x768xf32, #tpu.memory_space<vmem>>, vector<16xf32>,
        %mul3A_1451 = arith.mulf %convert_element_type3A_1402, %get3A_869 : vector<16xf32>
        %add3A_1452 = arith.addf %get3A_817, %mul3A_1451 : vector<16xf32>
        %add3A_1453 = arith.addf %get3A_1450, %add3A_1452 : vector<16xf32>
        %swap3A_1454 = arith.index_cast %add3A_1398 : i32 to index
        %swap3A_1455 = arith.constant 592 : index
        %swap3A_1456 = tpu.vector_load %arg13[%swap3A_1454, %swap3A_1455] {strides = array<i32>} : memref<32x768xf32, #tpu.memory_space<vmem>>, vector<16xf32>,
        tpu.vector_store %arg13[%swap3A_1454, %swap3A_1455], %add3A_1453 {strides = array<i32>} : memref<32x768xf32, #tpu.memory_space<vmem>>, vector<16xf32>,
        %get3A_1457 = arith.index_cast %add3A_1398 : i32 to index
        %get3A_1458 = arith.constant 608 : index
        %get3A_1459 = tpu.vector_load %arg11[%get3A_1457, %get3A_1458] {strides = array<i32>} : memref<32x768xf32, #tpu.memory_space<vmem>>, vector<16xf32>,
        %mul3A_1460 = arith.mulf %convert_element_type3A_1402, %get3A_871 : vector<16xf32>
        %add3A_1461 = arith.addf %get3A_821, %mul3A_1460 : vector<16xf32>
        %add3A_1462 = arith.addf %get3A_1459, %add3A_1461 : vector<16xf32>
        %swap3A_1463 = arith.index_cast %add3A_1398 : i32 to index
        %swap3A_1464 = arith.constant 608 : index
        %swap3A_1465 = tpu.vector_load %arg13[%swap3A_1463, %swap3A_1464] {strides = array<i32>} : memref<32x768xf32, #tpu.memory_space<vmem>>, vector<16xf32>,
        tpu.vector_store %arg13[%swap3A_1463, %swap3A_1464], %add3A_1462 {strides = array<i32>} : memref<32x768xf32, #tpu.memory_space<vmem>>, vector<16xf32>,
        %get3A_1466 = arith.index_cast %add3A_1398 : i32 to index
        %get3A_1467 = arith.constant 624 : index
        %get3A_1468 = tpu.vector_load %arg11[%get3A_1466, %get3A_1467] {strides = array<i32>} : memref<32x768xf32, #tpu.memory_space<vmem>>, vector<16xf32>,
        %mul3A_1469 = arith.mulf %convert_element_type3A_1402, %get3A_873 : vector<16xf32>
        %add3A_1470 = arith.addf %get3A_825, %mul3A_1469 : vector<16xf32>
        %add3A_1471 = arith.addf %get3A_1468, %add3A_1470 : vector<16xf32>
        %swap3A_1472 = arith.index_cast %add3A_1398 : i32 to index
        %swap3A_1473 = arith.constant 624 : index
        %swap3A_1474 = tpu.vector_load %arg13[%swap3A_1472, %swap3A_1473] {strides = array<i32>} : memref<32x768xf32, #tpu.memory_space<vmem>>, vector<16xf32>,
        tpu.vector_store %arg13[%swap3A_1472, %swap3A_1473], %add3A_1471 {strides = array<i32>} : memref<32x768xf32, #tpu.memory_space<vmem>>, vector<16xf32>,
        %get3A_1475 = arith.index_cast %add3A_1398 : i32 to index
        %get3A_1476 = arith.constant 640 : index
        %get3A_1477 = tpu.vector_load %arg11[%get3A_1475, %get3A_1476] {strides = array<i32>} : memref<32x768xf32, #tpu.memory_space<vmem>>, vector<16xf32>,
        %mul3A_1478 = arith.mulf %convert_element_type3A_1402, %get3A_875 : vector<16xf32>
        %add3A_1479 = arith.addf %get3A_829, %mul3A_1478 : vector<16xf32>
        %add3A_1480 = arith.addf %get3A_1477, %add3A_1479 : vector<16xf32>
        %swap3A_1481 = arith.index_cast %add3A_1398 : i32 to index
        %swap3A_1482 = arith.constant 640 : index
        %swap3A_1483 = tpu.vector_load %arg13[%swap3A_1481, %swap3A_1482] {strides = array<i32>} : memref<32x768xf32, #tpu.memory_space<vmem>>, vector<16xf32>,
        tpu.vector_store %arg13[%swap3A_1481, %swap3A_1482], %add3A_1480 {strides = array<i32>} : memref<32x768xf32, #tpu.memory_space<vmem>>, vector<16xf32>,
        %get3A_1484 = arith.index_cast %add3A_1398 : i32 to index
        %get3A_1485 = arith.constant 656 : index
        %get3A_1486 = tpu.vector_load %arg11[%get3A_1484, %get3A_1485] {strides = array<i32>} : memref<32x768xf32, #tpu.memory_space<vmem>>, vector<16xf32>,
        %mul3A_1487 = arith.mulf %convert_element_type3A_1402, %get3A_877 : vector<16xf32>
        %add3A_1488 = arith.addf %get3A_833, %mul3A_1487 : vector<16xf32>
        %add3A_1489 = arith.addf %get3A_1486, %add3A_1488 : vector<16xf32>
        %swap3A_1490 = arith.index_cast %add3A_1398 : i32 to index
        %swap3A_1491 = arith.constant 656 : index
        %swap3A_1492 = tpu.vector_load %arg13[%swap3A_1490, %swap3A_1491] {strides = array<i32>} : memref<32x768xf32, #tpu.memory_space<vmem>>, vector<16xf32>,
        tpu.vector_store %arg13[%swap3A_1490, %swap3A_1491], %add3A_1489 {strides = array<i32>} : memref<32x768xf32, #tpu.memory_space<vmem>>, vector<16xf32>,
        %get3A_1493 = arith.index_cast %add3A_1398 : i32 to index
        %get3A_1494 = arith.constant 672 : index
        %get3A_1495 = tpu.vector_load %arg11[%get3A_1493, %get3A_1494] {strides = array<i32>} : memref<32x768xf32, #tpu.memory_space<vmem>>, vector<16xf32>,
        %mul3A_1496 = arith.mulf %convert_element_type3A_1402, %get3A_879 : vector<16xf32>
        %add3A_1497 = arith.addf %get3A_837, %mul3A_1496 : vector<16xf32>
        %add3A_1498 = arith.addf %get3A_1495, %add3A_1497 : vector<16xf32>
        %swap3A_1499 = arith.index_cast %add3A_1398 : i32 to index
        %swap3A_1500 = arith.constant 672 : index
        %swap3A_1501 = tpu.vector_load %arg13[%swap3A_1499, %swap3A_1500] {strides = array<i32>} : memref<32x768xf32, #tpu.memory_space<vmem>>, vector<16xf32>,
        tpu.vector_store %arg13[%swap3A_1499, %swap3A_1500], %add3A_1498 {strides = array<i32>} : memref<32x768xf32, #tpu.memory_space<vmem>>, vector<16xf32>,
        %get3A_1502 = arith.index_cast %add3A_1398 : i32 to index
        %get3A_1503 = arith.constant 688 : index
        %get3A_1504 = tpu.vector_load %arg11[%get3A_1502, %get3A_1503] {strides = array<i32>} : memref<32x768xf32, #tpu.memory_space<vmem>>, vector<16xf32>,
        %mul3A_1505 = arith.mulf %convert_element_type3A_1402, %get3A_881 : vector<16xf32>
        %add3A_1506 = arith.addf %get3A_841, %mul3A_1505 : vector<16xf32>
        %add3A_1507 = arith.addf %get3A_1504, %add3A_1506 : vector<16xf32>
        %swap3A_1508 = arith.index_cast %add3A_1398 : i32 to index
        %swap3A_1509 = arith.constant 688 : index
        %swap3A_1510 = tpu.vector_load %arg13[%swap3A_1508, %swap3A_1509] {strides = array<i32>} : memref<32x768xf32, #tpu.memory_space<vmem>>, vector<16xf32>,
        tpu.vector_store %arg13[%swap3A_1508, %swap3A_1509], %add3A_1507 {strides = array<i32>} : memref<32x768xf32, #tpu.memory_space<vmem>>, vector<16xf32>,
        %get3A_1511 = arith.index_cast %add3A_1398 : i32 to index
        %get3A_1512 = arith.constant 704 : index
        %get3A_1513 = tpu.vector_load %arg11[%get3A_1511, %get3A_1512] {strides = array<i32>} : memref<32x768xf32, #tpu.memory_space<vmem>>, vector<16xf32>,
        %mul3A_1514 = arith.mulf %convert_element_type3A_1402, %get3A_883 : vector<16xf32>
        %add3A_1515 = arith.addf %get3A_845, %mul3A_1514 : vector<16xf32>
        %add3A_1516 = arith.addf %get3A_1513, %add3A_1515 : vector<16xf32>
        %swap3A_1517 = arith.index_cast %add3A_1398 : i32 to index
        %swap3A_1518 = arith.constant 704 : index
        %swap3A_1519 = tpu.vector_load %arg13[%swap3A_1517, %swap3A_1518] {strides = array<i32>} : memref<32x768xf32, #tpu.memory_space<vmem>>, vector<16xf32>,
        tpu.vector_store %arg13[%swap3A_1517, %swap3A_1518], %add3A_1516 {strides = array<i32>} : memref<32x768xf32, #tpu.memory_space<vmem>>, vector<16xf32>,
        %get3A_1520 = arith.index_cast %add3A_1398 : i32 to index
        %get3A_1521 = arith.constant 720 : index
        %get3A_1522 = tpu.vector_load %arg11[%get3A_1520, %get3A_1521] {strides = array<i32>} : memref<32x768xf32, #tpu.memory_space<vmem>>, vector<16xf32>,
        %mul3A_1523 = arith.mulf %convert_element_type3A_1402, %get3A_885 : vector<16xf32>
        %add3A_1524 = arith.addf %get3A_849, %mul3A_1523 : vector<16xf32>
        %add3A_1525 = arith.addf %get3A_1522, %add3A_1524 : vector<16xf32>
        %swap3A_1526 = arith.index_cast %add3A_1398 : i32 to index
        %swap3A_1527 = arith.constant 720 : index
        %swap3A_1528 = tpu.vector_load %arg13[%swap3A_1526, %swap3A_1527] {strides = array<i32>} : memref<32x768xf32, #tpu.memory_space<vmem>>, vector<16xf32>,
        tpu.vector_store %arg13[%swap3A_1526, %swap3A_1527], %add3A_1525 {strides = array<i32>} : memref<32x768xf32, #tpu.memory_space<vmem>>, vector<16xf32>,
        %get3A_1529 = arith.index_cast %add3A_1398 : i32 to index
        %get3A_1530 = arith.constant 736 : index
        %get3A_1531 = tpu.vector_load %arg11[%get3A_1529, %get3A_1530] {strides = array<i32>} : memref<32x768xf32, #tpu.memory_space<vmem>>, vector<16xf32>,
        %mul3A_1532 = arith.mulf %convert_element_type3A_1402, %get3A_887 : vector<16xf32>
        %add3A_1533 = arith.addf %get3A_853, %mul3A_1532 : vector<16xf32>
        %add3A_1534 = arith.addf %get3A_1531, %add3A_1533 : vector<16xf32>
        %swap3A_1535 = arith.index_cast %add3A_1398 : i32 to index
        %swap3A_1536 = arith.constant 736 : index
        %swap3A_1537 = tpu.vector_load %arg13[%swap3A_1535, %swap3A_1536] {strides = array<i32>} : memref<32x768xf32, #tpu.memory_space<vmem>>, vector<16xf32>,
        tpu.vector_store %arg13[%swap3A_1535, %swap3A_1536], %add3A_1534 {strides = array<i32>} : memref<32x768xf32, #tpu.memory_space<vmem>>, vector<16xf32>,
        %get3A_1538 = arith.index_cast %add3A_1398 : i32 to index
        %get3A_1539 = arith.constant 752 : index
        %get3A_1540 = tpu.vector_load %arg11[%get3A_1538, %get3A_1539] {strides = array<i32>} : memref<32x768xf32, #tpu.memory_space<vmem>>, vector<16xf32>,
        %mul3A_1541 = arith.mulf %convert_element_type3A_1402, %get3A_889 : vector<16xf32>
        %add3A_1542 = arith.addf %get3A_857, %mul3A_1541 : vector<16xf32>
        %add3A_1543 = arith.addf %get3A_1540, %add3A_1542 : vector<16xf32>
        %swap3A_1544 = arith.index_cast %add3A_1398 : i32 to index
        %swap3A_1545 = arith.constant 752 : index
        %swap3A_1546 = tpu.vector_load %arg13[%swap3A_1544, %swap3A_1545] {strides = array<i32>} : memref<32x768xf32, #tpu.memory_space<vmem>>, vector<16xf32>,
        tpu.vector_store %arg13[%swap3A_1544, %swap3A_1545], %add3A_1543 {strides = array<i32>} : memref<32x768xf32, #tpu.memory_space<vmem>>, vector<16xf32>,
      }
      %scan3A_895 = arith.constant 16 : i32
      %add3A_896 = arith.addi %mul3A_2, %add3A_581 : i32
      %mul3A_897 = arith.constant 32 : i32
      %mul3A_898 = arith.muli %add3A_896, %mul3A_897 : i32
      %dma_start3A_899 = arith.constant 0 : i32
      %dma_start3A_900 = tpu.memref_slice %arg6[%mul3A_898, %dma_start3A_899] : memref<32768x768xf32, #tpu.memory_space<hbm>> -> memref<32x768xf32, #tpu.memory_space<hbm>>
      %dma_start3A_901 = arith.constant 0 : i32
      %dma_start3A_902 = tpu.memref_slice %arg6[%mul3A_898, %dma_start3A_901] : memref<32768x768xf32, #tpu.memory_space<hbm>> -> memref<32x768xf32, #tpu.memory_space<hbm>>
      tpu.enqueue_dma source(%arg13 : memref<32x768xf32, #tpu.memory_space<vmem>>) target(%dma_start3A_902 : memref<32x768xf32, #tpu.memory_space<hbm>>) target_semaphore(%arg17 : memref<!tpu.dma_semaphore, #tpu.memory_space<semaphore_mem>>)
      %add3A_903 = arith.constant 2 : i32
      %add3A_904 = arith.addi %add3A_581, %add3A_903 : i32
      %lt3A = arith.constant 32 : i32
      %lt3A_905 = arith.cmpi slt, %add3A_904, %lt3A : i32
      %convert_element_type3A_906 = arith.extui %lt3A_905 : i1 to i32
      %cond3A_907 = arith.constant 0 : i32
      %cond3A_908 = arith.cmpi ne, %convert_element_type3A_906, %cond3A_907 : i32
      scf.if %cond3A_908 {
        %add3A_1244 = arith.constant 2 : i32
        %add3A_1245 = arith.addi %add3A_581, %add3A_1244 : i32
        %dma_start3A_1246 = arith.constant 0 : i32
        %dma_start3A_1247 = tpu.memref_slice %arg7[%add3A_1245, %dma_start3A_1246] : memref<32x32xi32, #tpu.memory_space<vmem>> -> memref<1x32xi32, #tpu.memory_space<vmem>>
        %dma_start3A_1248 = tpu.memref_squeeze %dma_start3A_1247 : memref<1x32xi32, #tpu.memory_space<vmem>> -> memref<32xi32, #tpu.memory_space<vmem>>
        %dma_start3A_1249 = arith.constant 0 : i32
        %dma_start3A_1250 = arith.constant 0 : i32
        %dma_start3A_1251 = tpu.memref_slice %arg4[%dma_start3A_1249, %dma_start3A_1250] : memref<100000x768xf32, #tpu.memory_space<hbm>> -> memref<100000x768xf32, #tpu.memory_space<hbm>>
        tpu.enqueue_indirect_dma source(%dma_start3A_1251 : memref<100000x768xf32, #tpu.memory_space<hbm>>) target(%arg11 : memref<32x768xf32, #tpu.memory_space<vmem>>) offsets(%dma_start3A_1248 : memref<32xi32, #tpu.memory_space<vmem>>) semaphore(%arg15 : memref<!tpu.dma_semaphore, #tpu.memory_space<semaphore_mem>>)
      } else {
      }
      %mul3A_909 = arith.constant 2 : i32
      %mul3A_910 = arith.muli %mul3A_909, %scan3A_577 : i32
      %add3A_911 = arith.constant 1 : i32
      %add3A_912 = arith.addi %mul3A_910, %add3A_911 : i32
      %dma_wait3A_913 = arith.constant 0 : i32
      %dma_wait3A_914 = tpu.memref_slice %arg7[%add3A_912, %dma_wait3A_913] : memref<32x32xi32, #tpu.memory_space<vmem>> -> memref<1x32xi32, #tpu.memory_space<vmem>>
      %dma_wait3A_915 = tpu.memref_squeeze %dma_wait3A_914 : memref<1x32xi32, #tpu.memory_space<vmem>> -> memref<32xi32, #tpu.memory_space<vmem>>
      %dma_wait3A_916 = arith.constant 0 : i32
      %dma_wait3A_917 = arith.constant 0 : i32
      %dma_wait3A_918 = tpu.memref_slice %arg4[%dma_wait3A_916, %dma_wait3A_917] : memref<100000x768xf32, #tpu.memory_space<hbm>> -> memref<100000x768xf32, #tpu.memory_space<hbm>>
      tpu.wait_indirect_dma semaphore(%arg16 : memref<!tpu.dma_semaphore, #tpu.memory_space<semaphore_mem>>) src(%dma_wait3A_918 : memref<100000x768xf32, #tpu.memory_space<hbm>>) dst(%arg12 : memref<32x768xf32, #tpu.memory_space<vmem>>)
      %ge3A_919 = arith.constant 2 : i32
      %ge3A_920 = arith.cmpi sge, %add3A_912, %ge3A_919 : i32
      %convert_element_type3A_921 = arith.extui %ge3A_920 : i1 to i32
      %cond3A_922 = arith.constant 0 : i32
      %cond3A_923 = arith.cmpi ne, %convert_element_type3A_921, %cond3A_922 : i32
      scf.if %cond3A_923 {
        %sub3A_1244 = arith.constant 2 : i32
        %sub3A_1245 = arith.subi %add3A_912, %sub3A_1244 : i32
        %add3A_1246 = arith.addi %mul3A_2, %sub3A_1245 : i32
        %mul3A_1247 = arith.constant 32 : i32
        %mul3A_1248 = arith.muli %add3A_1246, %mul3A_1247 : i32
        %dma_wait3A_1249 = arith.constant 0 : i32
        %dma_wait3A_1250 = tpu.memref_slice %arg6[%mul3A_1248, %dma_wait3A_1249] : memref<32768x768xf32, #tpu.memory_space<hbm>> -> memref<32x768xf32, #tpu.memory_space<hbm>>
        %dma_wait3A_1251 = arith.constant 0 : i32
        %dma_wait3A_1252 = tpu.memref_slice %arg6[%mul3A_1248, %dma_wait3A_1251] : memref<32768x768xf32, #tpu.memory_space<hbm>> -> memref<32x768xf32, #tpu.memory_space<hbm>>
        tpu.wait_dma2 semaphore(%arg18 : memref<!tpu.dma_semaphore, #tpu.memory_space<semaphore_mem>>) src(%arg14 : memref<32x768xf32, #tpu.memory_space<vmem>>) dst(%dma_wait3A_1252 : memref<32x768xf32, #tpu.memory_space<hbm>>)
      } else {
      }
      %get3A_924 = arith.constant 0 : i32
      %get3A_925 = arith.index_cast %get3A_924 : i32 to index
      %get3A_926 = arith.constant 0 : index
      %get3A_927 = tpu.vector_load %arg9[%get3A_925, %get3A_926] {strides = array<i32>} : memref<2x768xf32, #tpu.memory_space<vmem>>, vector<16xf32>,
      %get3A_928 = arith.constant 0 : i32
      %get3A_929 = arith.index_cast %get3A_928 : i32 to index
      %get3A_930 = arith.constant 16 : index
      %get3A_931 = tpu.vector_load %arg9[%get3A_929, %get3A_930] {strides = array<i32>} : memref<2x768xf32, #tpu.memory_space<vmem>>, vector<16xf32>,
      %get3A_932 = arith.constant 0 : i32
      %get3A_933 = arith.index_cast %get3A_932 : i32 to index
      %get3A_934 = arith.constant 32 : index
      %get3A_935 = tpu.vector_load %arg9[%get3A_933, %get3A_934] {strides = array<i32>} : memref<2x768xf32, #tpu.memory_space<vmem>>, vector<16xf32>,
      %get3A_936 = arith.constant 0 : i32
      %get3A_937 = arith.index_cast %get3A_936 : i32 to index
      %get3A_938 = arith.constant 48 : index
      %get3A_939 = tpu.vector_load %arg9[%get3A_937, %get3A_938] {strides = array<i32>} : memref<2x768xf32, #tpu.memory_space<vmem>>, vector<16xf32>,
      %get3A_940 = arith.constant 0 : i32
      %get3A_941 = arith.index_cast %get3A_940 : i32 to index
      %get3A_942 = arith.constant 64 : index
      %get3A_943 = tpu.vector_load %arg9[%get3A_941, %get3A_942] {strides = array<i32>} : memref<2x768xf32, #tpu.memory_space<vmem>>, vector<16xf32>,
      %get3A_944 = arith.constant 0 : i32
      %get3A_945 = arith.index_cast %get3A_944 : i32 to index
      %get3A_946 = arith.constant 80 : index
      %get3A_947 = tpu.vector_load %arg9[%get3A_945, %get3A_946] {strides = array<i32>} : memref<2x768xf32, #tpu.memory_space<vmem>>, vector<16xf32>,
      %get3A_948 = arith.constant 0 : i32
      %get3A_949 = arith.index_cast %get3A_948 : i32 to index
      %get3A_950 = arith.constant 96 : index
      %get3A_951 = tpu.vector_load %arg9[%get3A_949, %get3A_950] {strides = array<i32>} : memref<2x768xf32, #tpu.memory_space<vmem>>, vector<16xf32>,
      %get3A_952 = arith.constant 0 : i32
      %get3A_953 = arith.index_cast %get3A_952 : i32 to index
      %get3A_954 = arith.constant 112 : index
      %get3A_955 = tpu.vector_load %arg9[%get3A_953, %get3A_954] {strides = array<i32>} : memref<2x768xf32, #tpu.memory_space<vmem>>, vector<16xf32>,
      %get3A_956 = arith.constant 0 : i32
      %get3A_957 = arith.index_cast %get3A_956 : i32 to index
      %get3A_958 = arith.constant 128 : index
      %get3A_959 = tpu.vector_load %arg9[%get3A_957, %get3A_958] {strides = array<i32>} : memref<2x768xf32, #tpu.memory_space<vmem>>, vector<16xf32>,
      %get3A_960 = arith.constant 0 : i32
      %get3A_961 = arith.index_cast %get3A_960 : i32 to index
      %get3A_962 = arith.constant 144 : index
      %get3A_963 = tpu.vector_load %arg9[%get3A_961, %get3A_962] {strides = array<i32>} : memref<2x768xf32, #tpu.memory_space<vmem>>, vector<16xf32>,
      %get3A_964 = arith.constant 0 : i32
      %get3A_965 = arith.index_cast %get3A_964 : i32 to index
      %get3A_966 = arith.constant 160 : index
      %get3A_967 = tpu.vector_load %arg9[%get3A_965, %get3A_966] {strides = array<i32>} : memref<2x768xf32, #tpu.memory_space<vmem>>, vector<16xf32>,
      %get3A_968 = arith.constant 0 : i32
      %get3A_969 = arith.index_cast %get3A_968 : i32 to index
      %get3A_970 = arith.constant 176 : index
      %get3A_971 = tpu.vector_load %arg9[%get3A_969, %get3A_970] {strides = array<i32>} : memref<2x768xf32, #tpu.memory_space<vmem>>, vector<16xf32>,
      %get3A_972 = arith.constant 0 : i32
      %get3A_973 = arith.index_cast %get3A_972 : i32 to index
      %get3A_974 = arith.constant 192 : index
      %get3A_975 = tpu.vector_load %arg9[%get3A_973, %get3A_974] {strides = array<i32>} : memref<2x768xf32, #tpu.memory_space<vmem>>, vector<16xf32>,
      %get3A_976 = arith.constant 0 : i32
      %get3A_977 = arith.index_cast %get3A_976 : i32 to index
      %get3A_978 = arith.constant 208 : index
      %get3A_979 = tpu.vector_load %arg9[%get3A_977, %get3A_978] {strides = array<i32>} : memref<2x768xf32, #tpu.memory_space<vmem>>, vector<16xf32>,
      %get3A_980 = arith.constant 0 : i32
      %get3A_981 = arith.index_cast %get3A_980 : i32 to index
      %get3A_982 = arith.constant 224 : index
      %get3A_983 = tpu.vector_load %arg9[%get3A_981, %get3A_982] {strides = array<i32>} : memref<2x768xf32, #tpu.memory_space<vmem>>, vector<16xf32>,
      %get3A_984 = arith.constant 0 : i32
      %get3A_985 = arith.index_cast %get3A_984 : i32 to index
      %get3A_986 = arith.constant 240 : index
      %get3A_987 = tpu.vector_load %arg9[%get3A_985, %get3A_986] {strides = array<i32>} : memref<2x768xf32, #tpu.memory_space<vmem>>, vector<16xf32>,
      %get3A_988 = arith.constant 0 : index
      %get3A_989 = tpu.vector_load %arg10[%get3A_988] {strides = array<i32>} : memref<768xf32, #tpu.memory_space<vmem>>, vector<16xf32>,
      %get3A_990 = arith.constant 16 : index
      %get3A_991 = tpu.vector_load %arg10[%get3A_990] {strides = array<i32>} : memref<768xf32, #tpu.memory_space<vmem>>, vector<16xf32>,
      %get3A_992 = arith.constant 32 : index
      %get3A_993 = tpu.vector_load %arg10[%get3A_992] {strides = array<i32>} : memref<768xf32, #tpu.memory_space<vmem>>, vector<16xf32>,
      %get3A_994 = arith.constant 48 : index
      %get3A_995 = tpu.vector_load %arg10[%get3A_994] {strides = array<i32>} : memref<768xf32, #tpu.memory_space<vmem>>, vector<16xf32>,
      %get3A_996 = arith.constant 64 : index
      %get3A_997 = tpu.vector_load %arg10[%get3A_996] {strides = array<i32>} : memref<768xf32, #tpu.memory_space<vmem>>, vector<16xf32>,
      %get3A_998 = arith.constant 80 : index
      %get3A_999 = tpu.vector_load %arg10[%get3A_998] {strides = array<i32>} : memref<768xf32, #tpu.memory_space<vmem>>, vector<16xf32>,
      %get3A_1000 = arith.constant 96 : index
      %get3A_1001 = tpu.vector_load %arg10[%get3A_1000] {strides = array<i32>} : memref<768xf32, #tpu.memory_space<vmem>>, vector<16xf32>,
      %get3A_1002 = arith.constant 112 : index
      %get3A_1003 = tpu.vector_load %arg10[%get3A_1002] {strides = array<i32>} : memref<768xf32, #tpu.memory_space<vmem>>, vector<16xf32>,
      %get3A_1004 = arith.constant 128 : index
      %get3A_1005 = tpu.vector_load %arg10[%get3A_1004] {strides = array<i32>} : memref<768xf32, #tpu.memory_space<vmem>>, vector<16xf32>,
      %get3A_1006 = arith.constant 144 : index
      %get3A_1007 = tpu.vector_load %arg10[%get3A_1006] {strides = array<i32>} : memref<768xf32, #tpu.memory_space<vmem>>, vector<16xf32>,
      %get3A_1008 = arith.constant 160 : index
      %get3A_1009 = tpu.vector_load %arg10[%get3A_1008] {strides = array<i32>} : memref<768xf32, #tpu.memory_space<vmem>>, vector<16xf32>,
      %get3A_1010 = arith.constant 176 : index
      %get3A_1011 = tpu.vector_load %arg10[%get3A_1010] {strides = array<i32>} : memref<768xf32, #tpu.memory_space<vmem>>, vector<16xf32>,
      %get3A_1012 = arith.constant 192 : index
      %get3A_1013 = tpu.vector_load %arg10[%get3A_1012] {strides = array<i32>} : memref<768xf32, #tpu.memory_space<vmem>>, vector<16xf32>,
      %get3A_1014 = arith.constant 208 : index
      %get3A_1015 = tpu.vector_load %arg10[%get3A_1014] {strides = array<i32>} : memref<768xf32, #tpu.memory_space<vmem>>, vector<16xf32>,
      %get3A_1016 = arith.constant 224 : index
      %get3A_1017 = tpu.vector_load %arg10[%get3A_1016] {strides = array<i32>} : memref<768xf32, #tpu.memory_space<vmem>>, vector<16xf32>,
      %get3A_1018 = arith.constant 240 : index
      %get3A_1019 = tpu.vector_load %arg10[%get3A_1018] {strides = array<i32>} : memref<768xf32, #tpu.memory_space<vmem>>, vector<16xf32>,
      %scan3A_1020 = arith.constant 0 : i32
      %scan3A_1021 = arith.constant 0 : i32
      %scan3A_1022 = arith.constant 16 : i32
      %scan3A_1023 = arith.addi %scan3A_1021, %scan3A_1022 : i32
      %scan3A_1024 = arith.constant 1 : i32
      scf.for %scan3A_1244 = %scan3A_1021 to %scan3A_1023 step %scan3A_1024  : i32 {
        %mul3A_1245 = arith.constant 2 : i32
        %mul3A_1246 = arith.muli %scan3A_1244, %mul3A_1245 : i32
        %add3A_1247 = arith.constant 0 : i32
        %add3A_1248 = arith.addi %mul3A_1246, %add3A_1247 : i32
        %broadcast_in_dim3A = vector.broadcast %add3A_912 : i32 to vector<16xi32>
        %broadcast_in_dim3A_1249 = vector.broadcast %add3A_1248 : i32 to vector<16xi32>
        %gather3A = tpu.vector_load_idx %arg8[%broadcast_in_dim3A, %broadcast_in_dim3A_1249] : memref<32x32xi32, #tpu.memory_space<vmem>>[vector<16xi32>, vector<16xi32>], vector<16xi32>,
        %convert_element_type3A_1250 = arith.sitofp %gather3A : vector<16xi32> to vector<16xf32>
        %get3A_1251 = arith.index_cast %add3A_1248 : i32 to index
        %get3A_1252 = arith.constant 0 : index
        %get3A_1253 = tpu.vector_load %arg12[%get3A_1251, %get3A_1252] {strides = array<i32>} : memref<32x768xf32, #tpu.memory_space<vmem>>, vector<16xf32>,
        %mul3A_1254 = arith.mulf %convert_element_type3A_1250, %get3A_989 : vector<16xf32>
        %add3A_1255 = arith.addf %get3A_927, %mul3A_1254 : vector<16xf32>
        %add3A_1256 = arith.addf %get3A_1253, %add3A_1255 : vector<16xf32>
        %swap3A_1257 = arith.index_cast %add3A_1248 : i32 to index
        %swap3A_1258 = arith.constant 0 : index
        %swap3A_1259 = tpu.vector_load %arg14[%swap3A_1257, %swap3A_1258] {strides = array<i32>} : memref<32x768xf32, #tpu.memory_space<vmem>>, vector<16xf32>,
        tpu.vector_store %arg14[%swap3A_1257, %swap3A_1258], %add3A_1256 {strides = array<i32>} : memref<32x768xf32, #tpu.memory_space<vmem>>, vector<16xf32>,
        %get3A_1260 = arith.index_cast %add3A_1248 : i32 to index
        %get3A_1261 = arith.constant 16 : index
        %get3A_1262 = tpu.vector_load %arg12[%get3A_1260, %get3A_1261] {strides = array<i32>} : memref<32x768xf32, #tpu.memory_space<vmem>>, vector<16xf32>,
        %mul3A_1263 = arith.mulf %convert_element_type3A_1250, %get3A_991 : vector<16xf32>
        %add3A_1264 = arith.addf %get3A_931, %mul3A_1263 : vector<16xf32>
        %add3A_1265 = arith.addf %get3A_1262, %add3A_1264 : vector<16xf32>
        %swap3A_1266 = arith.index_cast %add3A_1248 : i32 to index
        %swap3A_1267 = arith.constant 16 : index
        %swap3A_1268 = tpu.vector_load %arg14[%swap3A_1266, %swap3A_1267] {strides = array<i32>} : memref<32x768xf32, #tpu.memory_space<vmem>>, vector<16xf32>,
        tpu.vector_store %arg14[%swap3A_1266, %swap3A_1267], %add3A_1265 {strides = array<i32>} : memref<32x768xf32, #tpu.memory_space<vmem>>, vector<16xf32>,
        %get3A_1269 = arith.index_cast %add3A_1248 : i32 to index
        %get3A_1270 = arith.constant 32 : index
        %get3A_1271 = tpu.vector_load %arg12[%get3A_1269, %get3A_1270] {strides = array<i32>} : memref<32x768xf32, #tpu.memory_space<vmem>>, vector<16xf32>,
        %mul3A_1272 = arith.mulf %convert_element_type3A_1250, %get3A_993 : vector<16xf32>
        %add3A_1273 = arith.addf %get3A_935, %mul3A_1272 : vector<16xf32>
        %add3A_1274 = arith.addf %get3A_1271, %add3A_1273 : vector<16xf32>
        %swap3A_1275 = arith.index_cast %add3A_1248 : i32 to index
        %swap3A_1276 = arith.constant 32 : index
        %swap3A_1277 = tpu.vector_load %arg14[%swap3A_1275, %swap3A_1276] {strides = array<i32>} : memref<32x768xf32, #tpu.memory_space<vmem>>, vector<16xf32>,
        tpu.vector_store %arg14[%swap3A_1275, %swap3A_1276], %add3A_1274 {strides = array<i32>} : memref<32x768xf32, #tpu.memory_space<vmem>>, vector<16xf32>,
        %get3A_1278 = arith.index_cast %add3A_1248 : i32 to index
        %get3A_1279 = arith.constant 48 : index
        %get3A_1280 = tpu.vector_load %arg12[%get3A_1278, %get3A_1279] {strides = array<i32>} : memref<32x768xf32, #tpu.memory_space<vmem>>, vector<16xf32>,
        %mul3A_1281 = arith.mulf %convert_element_type3A_1250, %get3A_995 : vector<16xf32>
        %add3A_1282 = arith.addf %get3A_939, %mul3A_1281 : vector<16xf32>
        %add3A_1283 = arith.addf %get3A_1280, %add3A_1282 : vector<16xf32>
        %swap3A_1284 = arith.index_cast %add3A_1248 : i32 to index
        %swap3A_1285 = arith.constant 48 : index
        %swap3A_1286 = tpu.vector_load %arg14[%swap3A_1284, %swap3A_1285] {strides = array<i32>} : memref<32x768xf32, #tpu.memory_space<vmem>>, vector<16xf32>,
        tpu.vector_store %arg14[%swap3A_1284, %swap3A_1285], %add3A_1283 {strides = array<i32>} : memref<32x768xf32, #tpu.memory_space<vmem>>, vector<16xf32>,
        %get3A_1287 = arith.index_cast %add3A_1248 : i32 to index
        %get3A_1288 = arith.constant 64 : index
        %get3A_1289 = tpu.vector_load %arg12[%get3A_1287, %get3A_1288] {strides = array<i32>} : memref<32x768xf32, #tpu.memory_space<vmem>>, vector<16xf32>,
        %mul3A_1290 = arith.mulf %convert_element_type3A_1250, %get3A_997 : vector<16xf32>
        %add3A_1291 = arith.addf %get3A_943, %mul3A_1290 : vector<16xf32>
        %add3A_1292 = arith.addf %get3A_1289, %add3A_1291 : vector<16xf32>
        %swap3A_1293 = arith.index_cast %add3A_1248 : i32 to index
        %swap3A_1294 = arith.constant 64 : index
        %swap3A_1295 = tpu.vector_load %arg14[%swap3A_1293, %swap3A_1294] {strides = array<i32>} : memref<32x768xf32, #tpu.memory_space<vmem>>, vector<16xf32>,
        tpu.vector_store %arg14[%swap3A_1293, %swap3A_1294], %add3A_1292 {strides = array<i32>} : memref<32x768xf32, #tpu.memory_space<vmem>>, vector<16xf32>,
        %get3A_1296 = arith.index_cast %add3A_1248 : i32 to index
        %get3A_1297 = arith.constant 80 : index
        %get3A_1298 = tpu.vector_load %arg12[%get3A_1296, %get3A_1297] {strides = array<i32>} : memref<32x768xf32, #tpu.memory_space<vmem>>, vector<16xf32>,
        %mul3A_1299 = arith.mulf %convert_element_type3A_1250, %get3A_999 : vector<16xf32>
        %add3A_1300 = arith.addf %get3A_947, %mul3A_1299 : vector<16xf32>
        %add3A_1301 = arith.addf %get3A_1298, %add3A_1300 : vector<16xf32>
        %swap3A_1302 = arith.index_cast %add3A_1248 : i32 to index
        %swap3A_1303 = arith.constant 80 : index
        %swap3A_1304 = tpu.vector_load %arg14[%swap3A_1302, %swap3A_1303] {strides = array<i32>} : memref<32x768xf32, #tpu.memory_space<vmem>>, vector<16xf32>,
        tpu.vector_store %arg14[%swap3A_1302, %swap3A_1303], %add3A_1301 {strides = array<i32>} : memref<32x768xf32, #tpu.memory_space<vmem>>, vector<16xf32>,
        %get3A_1305 = arith.index_cast %add3A_1248 : i32 to index
        %get3A_1306 = arith.constant 96 : index
        %get3A_1307 = tpu.vector_load %arg12[%get3A_1305, %get3A_1306] {strides = array<i32>} : memref<32x768xf32, #tpu.memory_space<vmem>>, vector<16xf32>,
        %mul3A_1308 = arith.mulf %convert_element_type3A_1250, %get3A_1001 : vector<16xf32>
        %add3A_1309 = arith.addf %get3A_951, %mul3A_1308 : vector<16xf32>
        %add3A_1310 = arith.addf %get3A_1307, %add3A_1309 : vector<16xf32>
        %swap3A_1311 = arith.index_cast %add3A_1248 : i32 to index
        %swap3A_1312 = arith.constant 96 : index
        %swap3A_1313 = tpu.vector_load %arg14[%swap3A_1311, %swap3A_1312] {strides = array<i32>} : memref<32x768xf32, #tpu.memory_space<vmem>>, vector<16xf32>,
        tpu.vector_store %arg14[%swap3A_1311, %swap3A_1312], %add3A_1310 {strides = array<i32>} : memref<32x768xf32, #tpu.memory_space<vmem>>, vector<16xf32>,
        %get3A_1314 = arith.index_cast %add3A_1248 : i32 to index
        %get3A_1315 = arith.constant 112 : index
        %get3A_1316 = tpu.vector_load %arg12[%get3A_1314, %get3A_1315] {strides = array<i32>} : memref<32x768xf32, #tpu.memory_space<vmem>>, vector<16xf32>,
        %mul3A_1317 = arith.mulf %convert_element_type3A_1250, %get3A_1003 : vector<16xf32>
        %add3A_1318 = arith.addf %get3A_955, %mul3A_1317 : vector<16xf32>
        %add3A_1319 = arith.addf %get3A_1316, %add3A_1318 : vector<16xf32>
        %swap3A_1320 = arith.index_cast %add3A_1248 : i32 to index
        %swap3A_1321 = arith.constant 112 : index
        %swap3A_1322 = tpu.vector_load %arg14[%swap3A_1320, %swap3A_1321] {strides = array<i32>} : memref<32x768xf32, #tpu.memory_space<vmem>>, vector<16xf32>,
        tpu.vector_store %arg14[%swap3A_1320, %swap3A_1321], %add3A_1319 {strides = array<i32>} : memref<32x768xf32, #tpu.memory_space<vmem>>, vector<16xf32>,
        %get3A_1323 = arith.index_cast %add3A_1248 : i32 to index
        %get3A_1324 = arith.constant 128 : index
        %get3A_1325 = tpu.vector_load %arg12[%get3A_1323, %get3A_1324] {strides = array<i32>} : memref<32x768xf32, #tpu.memory_space<vmem>>, vector<16xf32>,
        %mul3A_1326 = arith.mulf %convert_element_type3A_1250, %get3A_1005 : vector<16xf32>
        %add3A_1327 = arith.addf %get3A_959, %mul3A_1326 : vector<16xf32>
        %add3A_1328 = arith.addf %get3A_1325, %add3A_1327 : vector<16xf32>
        %swap3A_1329 = arith.index_cast %add3A_1248 : i32 to index
        %swap3A_1330 = arith.constant 128 : index
        %swap3A_1331 = tpu.vector_load %arg14[%swap3A_1329, %swap3A_1330] {strides = array<i32>} : memref<32x768xf32, #tpu.memory_space<vmem>>, vector<16xf32>,
        tpu.vector_store %arg14[%swap3A_1329, %swap3A_1330], %add3A_1328 {strides = array<i32>} : memref<32x768xf32, #tpu.memory_space<vmem>>, vector<16xf32>,
        %get3A_1332 = arith.index_cast %add3A_1248 : i32 to index
        %get3A_1333 = arith.constant 144 : index
        %get3A_1334 = tpu.vector_load %arg12[%get3A_1332, %get3A_1333] {strides = array<i32>} : memref<32x768xf32, #tpu.memory_space<vmem>>, vector<16xf32>,
        %mul3A_1335 = arith.mulf %convert_element_type3A_1250, %get3A_1007 : vector<16xf32>
        %add3A_1336 = arith.addf %get3A_963, %mul3A_1335 : vector<16xf32>
        %add3A_1337 = arith.addf %get3A_1334, %add3A_1336 : vector<16xf32>
        %swap3A_1338 = arith.index_cast %add3A_1248 : i32 to index
        %swap3A_1339 = arith.constant 144 : index
        %swap3A_1340 = tpu.vector_load %arg14[%swap3A_1338, %swap3A_1339] {strides = array<i32>} : memref<32x768xf32, #tpu.memory_space<vmem>>, vector<16xf32>,
        tpu.vector_store %arg14[%swap3A_1338, %swap3A_1339], %add3A_1337 {strides = array<i32>} : memref<32x768xf32, #tpu.memory_space<vmem>>, vector<16xf32>,
        %get3A_1341 = arith.index_cast %add3A_1248 : i32 to index
        %get3A_1342 = arith.constant 160 : index
        %get3A_1343 = tpu.vector_load %arg12[%get3A_1341, %get3A_1342] {strides = array<i32>} : memref<32x768xf32, #tpu.memory_space<vmem>>, vector<16xf32>,
        %mul3A_1344 = arith.mulf %convert_element_type3A_1250, %get3A_1009 : vector<16xf32>
        %add3A_1345 = arith.addf %get3A_967, %mul3A_1344 : vector<16xf32>
        %add3A_1346 = arith.addf %get3A_1343, %add3A_1345 : vector<16xf32>
        %swap3A_1347 = arith.index_cast %add3A_1248 : i32 to index
        %swap3A_1348 = arith.constant 160 : index
        %swap3A_1349 = tpu.vector_load %arg14[%swap3A_1347, %swap3A_1348] {strides = array<i32>} : memref<32x768xf32, #tpu.memory_space<vmem>>, vector<16xf32>,
        tpu.vector_store %arg14[%swap3A_1347, %swap3A_1348], %add3A_1346 {strides = array<i32>} : memref<32x768xf32, #tpu.memory_space<vmem>>, vector<16xf32>,
        %get3A_1350 = arith.index_cast %add3A_1248 : i32 to index
        %get3A_1351 = arith.constant 176 : index
        %get3A_1352 = tpu.vector_load %arg12[%get3A_1350, %get3A_1351] {strides = array<i32>} : memref<32x768xf32, #tpu.memory_space<vmem>>, vector<16xf32>,
        %mul3A_1353 = arith.mulf %convert_element_type3A_1250, %get3A_1011 : vector<16xf32>
        %add3A_1354 = arith.addf %get3A_971, %mul3A_1353 : vector<16xf32>
        %add3A_1355 = arith.addf %get3A_1352, %add3A_1354 : vector<16xf32>
        %swap3A_1356 = arith.index_cast %add3A_1248 : i32 to index
        %swap3A_1357 = arith.constant 176 : index
        %swap3A_1358 = tpu.vector_load %arg14[%swap3A_1356, %swap3A_1357] {strides = array<i32>} : memref<32x768xf32, #tpu.memory_space<vmem>>, vector<16xf32>,
        tpu.vector_store %arg14[%swap3A_1356, %swap3A_1357], %add3A_1355 {strides = array<i32>} : memref<32x768xf32, #tpu.memory_space<vmem>>, vector<16xf32>,
        %get3A_1359 = arith.index_cast %add3A_1248 : i32 to index
        %get3A_1360 = arith.constant 192 : index
        %get3A_1361 = tpu.vector_load %arg12[%get3A_1359, %get3A_1360] {strides = array<i32>} : memref<32x768xf32, #tpu.memory_space<vmem>>, vector<16xf32>,
        %mul3A_1362 = arith.mulf %convert_element_type3A_1250, %get3A_1013 : vector<16xf32>
        %add3A_1363 = arith.addf %get3A_975, %mul3A_1362 : vector<16xf32>
        %add3A_1364 = arith.addf %get3A_1361, %add3A_1363 : vector<16xf32>
        %swap3A_1365 = arith.index_cast %add3A_1248 : i32 to index
        %swap3A_1366 = arith.constant 192 : index
        %swap3A_1367 = tpu.vector_load %arg14[%swap3A_1365, %swap3A_1366] {strides = array<i32>} : memref<32x768xf32, #tpu.memory_space<vmem>>, vector<16xf32>,
        tpu.vector_store %arg14[%swap3A_1365, %swap3A_1366], %add3A_1364 {strides = array<i32>} : memref<32x768xf32, #tpu.memory_space<vmem>>, vector<16xf32>,
        %get3A_1368 = arith.index_cast %add3A_1248 : i32 to index
        %get3A_1369 = arith.constant 208 : index
        %get3A_1370 = tpu.vector_load %arg12[%get3A_1368, %get3A_1369] {strides = array<i32>} : memref<32x768xf32, #tpu.memory_space<vmem>>, vector<16xf32>,
        %mul3A_1371 = arith.mulf %convert_element_type3A_1250, %get3A_1015 : vector<16xf32>
        %add3A_1372 = arith.addf %get3A_979, %mul3A_1371 : vector<16xf32>
        %add3A_1373 = arith.addf %get3A_1370, %add3A_1372 : vector<16xf32>
        %swap3A_1374 = arith.index_cast %add3A_1248 : i32 to index
        %swap3A_1375 = arith.constant 208 : index
        %swap3A_1376 = tpu.vector_load %arg14[%swap3A_1374, %swap3A_1375] {strides = array<i32>} : memref<32x768xf32, #tpu.memory_space<vmem>>, vector<16xf32>,
        tpu.vector_store %arg14[%swap3A_1374, %swap3A_1375], %add3A_1373 {strides = array<i32>} : memref<32x768xf32, #tpu.memory_space<vmem>>, vector<16xf32>,
        %get3A_1377 = arith.index_cast %add3A_1248 : i32 to index
        %get3A_1378 = arith.constant 224 : index
        %get3A_1379 = tpu.vector_load %arg12[%get3A_1377, %get3A_1378] {strides = array<i32>} : memref<32x768xf32, #tpu.memory_space<vmem>>, vector<16xf32>,
        %mul3A_1380 = arith.mulf %convert_element_type3A_1250, %get3A_1017 : vector<16xf32>
        %add3A_1381 = arith.addf %get3A_983, %mul3A_1380 : vector<16xf32>
        %add3A_1382 = arith.addf %get3A_1379, %add3A_1381 : vector<16xf32>
        %swap3A_1383 = arith.index_cast %add3A_1248 : i32 to index
        %swap3A_1384 = arith.constant 224 : index
        %swap3A_1385 = tpu.vector_load %arg14[%swap3A_1383, %swap3A_1384] {strides = array<i32>} : memref<32x768xf32, #tpu.memory_space<vmem>>, vector<16xf32>,
        tpu.vector_store %arg14[%swap3A_1383, %swap3A_1384], %add3A_1382 {strides = array<i32>} : memref<32x768xf32, #tpu.memory_space<vmem>>, vector<16xf32>,
        %get3A_1386 = arith.index_cast %add3A_1248 : i32 to index
        %get3A_1387 = arith.constant 240 : index
        %get3A_1388 = tpu.vector_load %arg12[%get3A_1386, %get3A_1387] {strides = array<i32>} : memref<32x768xf32, #tpu.memory_space<vmem>>, vector<16xf32>,
        %mul3A_1389 = arith.mulf %convert_element_type3A_1250, %get3A_1019 : vector<16xf32>
        %add3A_1390 = arith.addf %get3A_987, %mul3A_1389 : vector<16xf32>
        %add3A_1391 = arith.addf %get3A_1388, %add3A_1390 : vector<16xf32>
        %swap3A_1392 = arith.index_cast %add3A_1248 : i32 to index
        %swap3A_1393 = arith.constant 240 : index
        %swap3A_1394 = tpu.vector_load %arg14[%swap3A_1392, %swap3A_1393] {strides = array<i32>} : memref<32x768xf32, #tpu.memory_space<vmem>>, vector<16xf32>,
        tpu.vector_store %arg14[%swap3A_1392, %swap3A_1393], %add3A_1391 {strides = array<i32>} : memref<32x768xf32, #tpu.memory_space<vmem>>, vector<16xf32>,
        %mul3A_1395 = arith.constant 2 : i32
        %mul3A_1396 = arith.muli %scan3A_1244, %mul3A_1395 : i32
        %add3A_1397 = arith.constant 1 : i32
        %add3A_1398 = arith.addi %mul3A_1396, %add3A_1397 : i32
        %broadcast_in_dim3A_1399 = vector.broadcast %add3A_912 : i32 to vector<16xi32>
        %broadcast_in_dim3A_1400 = vector.broadcast %add3A_1398 : i32 to vector<16xi32>
        %gather3A_1401 = tpu.vector_load_idx %arg8[%broadcast_in_dim3A_1399, %broadcast_in_dim3A_1400] : memref<32x32xi32, #tpu.memory_space<vmem>>[vector<16xi32>, vector<16xi32>], vector<16xi32>,
        %convert_element_type3A_1402 = arith.sitofp %gather3A_1401 : vector<16xi32> to vector<16xf32>
        %get3A_1403 = arith.index_cast %add3A_1398 : i32 to index
        %get3A_1404 = arith.constant 0 : index
        %get3A_1405 = tpu.vector_load %arg12[%get3A_1403, %get3A_1404] {strides = array<i32>} : memref<32x768xf32, #tpu.memory_space<vmem>>, vector<16xf32>,
        %mul3A_1406 = arith.mulf %convert_element_type3A_1402, %get3A_989 : vector<16xf32>
        %add3A_1407 = arith.addf %get3A_927, %mul3A_1406 : vector<16xf32>
        %add3A_1408 = arith.addf %get3A_1405, %add3A_1407 : vector<16xf32>
        %swap3A_1409 = arith.index_cast %add3A_1398 : i32 to index
        %swap3A_1410 = arith.constant 0 : index
        %swap3A_1411 = tpu.vector_load %arg14[%swap3A_1409, %swap3A_1410] {strides = array<i32>} : memref<32x768xf32, #tpu.memory_space<vmem>>, vector<16xf32>,
        tpu.vector_store %arg14[%swap3A_1409, %swap3A_1410], %add3A_1408 {strides = array<i32>} : memref<32x768xf32, #tpu.memory_space<vmem>>, vector<16xf32>,
        %get3A_1412 = arith.index_cast %add3A_1398 : i32 to index
        %get3A_1413 = arith.constant 16 : index
        %get3A_1414 = tpu.vector_load %arg12[%get3A_1412, %get3A_1413] {strides = array<i32>} : memref<32x768xf32, #tpu.memory_space<vmem>>, vector<16xf32>,
        %mul3A_1415 = arith.mulf %convert_element_type3A_1402, %get3A_991 : vector<16xf32>
        %add3A_1416 = arith.addf %get3A_931, %mul3A_1415 : vector<16xf32>
        %add3A_1417 = arith.addf %get3A_1414, %add3A_1416 : vector<16xf32>
        %swap3A_1418 = arith.index_cast %add3A_1398 : i32 to index
        %swap3A_1419 = arith.constant 16 : index
        %swap3A_1420 = tpu.vector_load %arg14[%swap3A_1418, %swap3A_1419] {strides = array<i32>} : memref<32x768xf32, #tpu.memory_space<vmem>>, vector<16xf32>,
        tpu.vector_store %arg14[%swap3A_1418, %swap3A_1419], %add3A_1417 {strides = array<i32>} : memref<32x768xf32, #tpu.memory_space<vmem>>, vector<16xf32>,
        %get3A_1421 = arith.index_cast %add3A_1398 : i32 to index
        %get3A_1422 = arith.constant 32 : index
        %get3A_1423 = tpu.vector_load %arg12[%get3A_1421, %get3A_1422] {strides = array<i32>} : memref<32x768xf32, #tpu.memory_space<vmem>>, vector<16xf32>,
        %mul3A_1424 = arith.mulf %convert_element_type3A_1402, %get3A_993 : vector<16xf32>
        %add3A_1425 = arith.addf %get3A_935, %mul3A_1424 : vector<16xf32>
        %add3A_1426 = arith.addf %get3A_1423, %add3A_1425 : vector<16xf32>
        %swap3A_1427 = arith.index_cast %add3A_1398 : i32 to index
        %swap3A_1428 = arith.constant 32 : index
        %swap3A_1429 = tpu.vector_load %arg14[%swap3A_1427, %swap3A_1428] {strides = array<i32>} : memref<32x768xf32, #tpu.memory_space<vmem>>, vector<16xf32>,
        tpu.vector_store %arg14[%swap3A_1427, %swap3A_1428], %add3A_1426 {strides = array<i32>} : memref<32x768xf32, #tpu.memory_space<vmem>>, vector<16xf32>,
        %get3A_1430 = arith.index_cast %add3A_1398 : i32 to index
        %get3A_1431 = arith.constant 48 : index
        %get3A_1432 = tpu.vector_load %arg12[%get3A_1430, %get3A_1431] {strides = array<i32>} : memref<32x768xf32, #tpu.memory_space<vmem>>, vector<16xf32>,
        %mul3A_1433 = arith.mulf %convert_element_type3A_1402, %get3A_995 : vector<16xf32>
        %add3A_1434 = arith.addf %get3A_939, %mul3A_1433 : vector<16xf32>
        %add3A_1435 = arith.addf %get3A_1432, %add3A_1434 : vector<16xf32>
        %swap3A_1436 = arith.index_cast %add3A_1398 : i32 to index
        %swap3A_1437 = arith.constant 48 : index
        %swap3A_1438 = tpu.vector_load %arg14[%swap3A_1436, %swap3A_1437] {strides = array<i32>} : memref<32x768xf32, #tpu.memory_space<vmem>>, vector<16xf32>,
        tpu.vector_store %arg14[%swap3A_1436, %swap3A_1437], %add3A_1435 {strides = array<i32>} : memref<32x768xf32, #tpu.memory_space<vmem>>, vector<16xf32>,
        %get3A_1439 = arith.index_cast %add3A_1398 : i32 to index
        %get3A_1440 = arith.constant 64 : index
        %get3A_1441 = tpu.vector_load %arg12[%get3A_1439, %get3A_1440] {strides = array<i32>} : memref<32x768xf32, #tpu.memory_space<vmem>>, vector<16xf32>,
        %mul3A_1442 = arith.mulf %convert_element_type3A_1402, %get3A_997 : vector<16xf32>
        %add3A_1443 = arith.addf %get3A_943, %mul3A_1442 : vector<16xf32>
        %add3A_1444 = arith.addf %get3A_1441, %add3A_1443 : vector<16xf32>
        %swap3A_1445 = arith.index_cast %add3A_1398 : i32 to index
        %swap3A_1446 = arith.constant 64 : index
        %swap3A_1447 = tpu.vector_load %arg14[%swap3A_1445, %swap3A_1446] {strides = array<i32>} : memref<32x768xf32, #tpu.memory_space<vmem>>, vector<16xf32>,
        tpu.vector_store %arg14[%swap3A_1445, %swap3A_1446], %add3A_1444 {strides = array<i32>} : memref<32x768xf32, #tpu.memory_space<vmem>>, vector<16xf32>,
        %get3A_1448 = arith.index_cast %add3A_1398 : i32 to index
        %get3A_1449 = arith.constant 80 : index
        %get3A_1450 = tpu.vector_load %arg12[%get3A_1448, %get3A_1449] {strides = array<i32>} : memref<32x768xf32, #tpu.memory_space<vmem>>, vector<16xf32>,
        %mul3A_1451 = arith.mulf %convert_element_type3A_1402, %get3A_999 : vector<16xf32>
        %add3A_1452 = arith.addf %get3A_947, %mul3A_1451 : vector<16xf32>
        %add3A_1453 = arith.addf %get3A_1450, %add3A_1452 : vector<16xf32>
        %swap3A_1454 = arith.index_cast %add3A_1398 : i32 to index
        %swap3A_1455 = arith.constant 80 : index
        %swap3A_1456 = tpu.vector_load %arg14[%swap3A_1454, %swap3A_1455] {strides = array<i32>} : memref<32x768xf32, #tpu.memory_space<vmem>>, vector<16xf32>,
        tpu.vector_store %arg14[%swap3A_1454, %swap3A_1455], %add3A_1453 {strides = array<i32>} : memref<32x768xf32, #tpu.memory_space<vmem>>, vector<16xf32>,
        %get3A_1457 = arith.index_cast %add3A_1398 : i32 to index
        %get3A_1458 = arith.constant 96 : index
        %get3A_1459 = tpu.vector_load %arg12[%get3A_1457, %get3A_1458] {strides = array<i32>} : memref<32x768xf32, #tpu.memory_space<vmem>>, vector<16xf32>,
        %mul3A_1460 = arith.mulf %convert_element_type3A_1402, %get3A_1001 : vector<16xf32>
        %add3A_1461 = arith.addf %get3A_951, %mul3A_1460 : vector<16xf32>
        %add3A_1462 = arith.addf %get3A_1459, %add3A_1461 : vector<16xf32>
        %swap3A_1463 = arith.index_cast %add3A_1398 : i32 to index
        %swap3A_1464 = arith.constant 96 : index
        %swap3A_1465 = tpu.vector_load %arg14[%swap3A_1463, %swap3A_1464] {strides = array<i32>} : memref<32x768xf32, #tpu.memory_space<vmem>>, vector<16xf32>,
        tpu.vector_store %arg14[%swap3A_1463, %swap3A_1464], %add3A_1462 {strides = array<i32>} : memref<32x768xf32, #tpu.memory_space<vmem>>, vector<16xf32>,
        %get3A_1466 = arith.index_cast %add3A_1398 : i32 to index
        %get3A_1467 = arith.constant 112 : index
        %get3A_1468 = tpu.vector_load %arg12[%get3A_1466, %get3A_1467] {strides = array<i32>} : memref<32x768xf32, #tpu.memory_space<vmem>>, vector<16xf32>,
        %mul3A_1469 = arith.mulf %convert_element_type3A_1402, %get3A_1003 : vector<16xf32>
        %add3A_1470 = arith.addf %get3A_955, %mul3A_1469 : vector<16xf32>
        %add3A_1471 = arith.addf %get3A_1468, %add3A_1470 : vector<16xf32>
        %swap3A_1472 = arith.index_cast %add3A_1398 : i32 to index
        %swap3A_1473 = arith.constant 112 : index
        %swap3A_1474 = tpu.vector_load %arg14[%swap3A_1472, %swap3A_1473] {strides = array<i32>} : memref<32x768xf32, #tpu.memory_space<vmem>>, vector<16xf32>,
        tpu.vector_store %arg14[%swap3A_1472, %swap3A_1473], %add3A_1471 {strides = array<i32>} : memref<32x768xf32, #tpu.memory_space<vmem>>, vector<16xf32>,
        %get3A_1475 = arith.index_cast %add3A_1398 : i32 to index
        %get3A_1476 = arith.constant 128 : index
        %get3A_1477 = tpu.vector_load %arg12[%get3A_1475, %get3A_1476] {strides = array<i32>} : memref<32x768xf32, #tpu.memory_space<vmem>>, vector<16xf32>,
        %mul3A_1478 = arith.mulf %convert_element_type3A_1402, %get3A_1005 : vector<16xf32>
        %add3A_1479 = arith.addf %get3A_959, %mul3A_1478 : vector<16xf32>
        %add3A_1480 = arith.addf %get3A_1477, %add3A_1479 : vector<16xf32>
        %swap3A_1481 = arith.index_cast %add3A_1398 : i32 to index
        %swap3A_1482 = arith.constant 128 : index
        %swap3A_1483 = tpu.vector_load %arg14[%swap3A_1481, %swap3A_1482] {strides = array<i32>} : memref<32x768xf32, #tpu.memory_space<vmem>>, vector<16xf32>,
        tpu.vector_store %arg14[%swap3A_1481, %swap3A_1482], %add3A_1480 {strides = array<i32>} : memref<32x768xf32, #tpu.memory_space<vmem>>, vector<16xf32>,
        %get3A_1484 = arith.index_cast %add3A_1398 : i32 to index
        %get3A_1485 = arith.constant 144 : index
        %get3A_1486 = tpu.vector_load %arg12[%get3A_1484, %get3A_1485] {strides = array<i32>} : memref<32x768xf32, #tpu.memory_space<vmem>>, vector<16xf32>,
        %mul3A_1487 = arith.mulf %convert_element_type3A_1402, %get3A_1007 : vector<16xf32>
        %add3A_1488 = arith.addf %get3A_963, %mul3A_1487 : vector<16xf32>
        %add3A_1489 = arith.addf %get3A_1486, %add3A_1488 : vector<16xf32>
        %swap3A_1490 = arith.index_cast %add3A_1398 : i32 to index
        %swap3A_1491 = arith.constant 144 : index
        %swap3A_1492 = tpu.vector_load %arg14[%swap3A_1490, %swap3A_1491] {strides = array<i32>} : memref<32x768xf32, #tpu.memory_space<vmem>>, vector<16xf32>,
        tpu.vector_store %arg14[%swap3A_1490, %swap3A_1491], %add3A_1489 {strides = array<i32>} : memref<32x768xf32, #tpu.memory_space<vmem>>, vector<16xf32>,
        %get3A_1493 = arith.index_cast %add3A_1398 : i32 to index
        %get3A_1494 = arith.constant 160 : index
        %get3A_1495 = tpu.vector_load %arg12[%get3A_1493, %get3A_1494] {strides = array<i32>} : memref<32x768xf32, #tpu.memory_space<vmem>>, vector<16xf32>,
        %mul3A_1496 = arith.mulf %convert_element_type3A_1402, %get3A_1009 : vector<16xf32>
        %add3A_1497 = arith.addf %get3A_967, %mul3A_1496 : vector<16xf32>
        %add3A_1498 = arith.addf %get3A_1495, %add3A_1497 : vector<16xf32>
        %swap3A_1499 = arith.index_cast %add3A_1398 : i32 to index
        %swap3A_1500 = arith.constant 160 : index
        %swap3A_1501 = tpu.vector_load %arg14[%swap3A_1499, %swap3A_1500] {strides = array<i32>} : memref<32x768xf32, #tpu.memory_space<vmem>>, vector<16xf32>,
        tpu.vector_store %arg14[%swap3A_1499, %swap3A_1500], %add3A_1498 {strides = array<i32>} : memref<32x768xf32, #tpu.memory_space<vmem>>, vector<16xf32>,
        %get3A_1502 = arith.index_cast %add3A_1398 : i32 to index
        %get3A_1503 = arith.constant 176 : index
        %get3A_1504 = tpu.vector_load %arg12[%get3A_1502, %get3A_1503] {strides = array<i32>} : memref<32x768xf32, #tpu.memory_space<vmem>>, vector<16xf32>,
        %mul3A_1505 = arith.mulf %convert_element_type3A_1402, %get3A_1011 : vector<16xf32>
        %add3A_1506 = arith.addf %get3A_971, %mul3A_1505 : vector<16xf32>
        %add3A_1507 = arith.addf %get3A_1504, %add3A_1506 : vector<16xf32>
        %swap3A_1508 = arith.index_cast %add3A_1398 : i32 to index
        %swap3A_1509 = arith.constant 176 : index
        %swap3A_1510 = tpu.vector_load %arg14[%swap3A_1508, %swap3A_1509] {strides = array<i32>} : memref<32x768xf32, #tpu.memory_space<vmem>>, vector<16xf32>,
        tpu.vector_store %arg14[%swap3A_1508, %swap3A_1509], %add3A_1507 {strides = array<i32>} : memref<32x768xf32, #tpu.memory_space<vmem>>, vector<16xf32>,
        %get3A_1511 = arith.index_cast %add3A_1398 : i32 to index
        %get3A_1512 = arith.constant 192 : index
        %get3A_1513 = tpu.vector_load %arg12[%get3A_1511, %get3A_1512] {strides = array<i32>} : memref<32x768xf32, #tpu.memory_space<vmem>>, vector<16xf32>,
        %mul3A_1514 = arith.mulf %convert_element_type3A_1402, %get3A_1013 : vector<16xf32>
        %add3A_1515 = arith.addf %get3A_975, %mul3A_1514 : vector<16xf32>
        %add3A_1516 = arith.addf %get3A_1513, %add3A_1515 : vector<16xf32>
        %swap3A_1517 = arith.index_cast %add3A_1398 : i32 to index
        %swap3A_1518 = arith.constant 192 : index
        %swap3A_1519 = tpu.vector_load %arg14[%swap3A_1517, %swap3A_1518] {strides = array<i32>} : memref<32x768xf32, #tpu.memory_space<vmem>>, vector<16xf32>,
        tpu.vector_store %arg14[%swap3A_1517, %swap3A_1518], %add3A_1516 {strides = array<i32>} : memref<32x768xf32, #tpu.memory_space<vmem>>, vector<16xf32>,
        %get3A_1520 = arith.index_cast %add3A_1398 : i32 to index
        %get3A_1521 = arith.constant 208 : index
        %get3A_1522 = tpu.vector_load %arg12[%get3A_1520, %get3A_1521] {strides = array<i32>} : memref<32x768xf32, #tpu.memory_space<vmem>>, vector<16xf32>,
        %mul3A_1523 = arith.mulf %convert_element_type3A_1402, %get3A_1015 : vector<16xf32>
        %add3A_1524 = arith.addf %get3A_979, %mul3A_1523 : vector<16xf32>
        %add3A_1525 = arith.addf %get3A_1522, %add3A_1524 : vector<16xf32>
        %swap3A_1526 = arith.index_cast %add3A_1398 : i32 to index
        %swap3A_1527 = arith.constant 208 : index
        %swap3A_1528 = tpu.vector_load %arg14[%swap3A_1526, %swap3A_1527] {strides = array<i32>} : memref<32x768xf32, #tpu.memory_space<vmem>>, vector<16xf32>,
        tpu.vector_store %arg14[%swap3A_1526, %swap3A_1527], %add3A_1525 {strides = array<i32>} : memref<32x768xf32, #tpu.memory_space<vmem>>, vector<16xf32>,
        %get3A_1529 = arith.index_cast %add3A_1398 : i32 to index
        %get3A_1530 = arith.constant 224 : index
        %get3A_1531 = tpu.vector_load %arg12[%get3A_1529, %get3A_1530] {strides = array<i32>} : memref<32x768xf32, #tpu.memory_space<vmem>>, vector<16xf32>,
        %mul3A_1532 = arith.mulf %convert_element_type3A_1402, %get3A_1017 : vector<16xf32>
        %add3A_1533 = arith.addf %get3A_983, %mul3A_1532 : vector<16xf32>
        %add3A_1534 = arith.addf %get3A_1531, %add3A_1533 : vector<16xf32>
        %swap3A_1535 = arith.index_cast %add3A_1398 : i32 to index
        %swap3A_1536 = arith.constant 224 : index
        %swap3A_1537 = tpu.vector_load %arg14[%swap3A_1535, %swap3A_1536] {strides = array<i32>} : memref<32x768xf32, #tpu.memory_space<vmem>>, vector<16xf32>,
        tpu.vector_store %arg14[%swap3A_1535, %swap3A_1536], %add3A_1534 {strides = array<i32>} : memref<32x768xf32, #tpu.memory_space<vmem>>, vector<16xf32>,
        %get3A_1538 = arith.index_cast %add3A_1398 : i32 to index
        %get3A_1539 = arith.constant 240 : index
        %get3A_1540 = tpu.vector_load %arg12[%get3A_1538, %get3A_1539] {strides = array<i32>} : memref<32x768xf32, #tpu.memory_space<vmem>>, vector<16xf32>,
        %mul3A_1541 = arith.mulf %convert_element_type3A_1402, %get3A_1019 : vector<16xf32>
        %add3A_1542 = arith.addf %get3A_987, %mul3A_1541 : vector<16xf32>
        %add3A_1543 = arith.addf %get3A_1540, %add3A_1542 : vector<16xf32>
        %swap3A_1544 = arith.index_cast %add3A_1398 : i32 to index
        %swap3A_1545 = arith.constant 240 : index
        %swap3A_1546 = tpu.vector_load %arg14[%swap3A_1544, %swap3A_1545] {strides = array<i32>} : memref<32x768xf32, #tpu.memory_space<vmem>>, vector<16xf32>,
        tpu.vector_store %arg14[%swap3A_1544, %swap3A_1545], %add3A_1543 {strides = array<i32>} : memref<32x768xf32, #tpu.memory_space<vmem>>, vector<16xf32>,
      }
      %scan3A_1025 = arith.constant 16 : i32
      %get3A_1026 = arith.constant 0 : i32
      %get3A_1027 = arith.index_cast %get3A_1026 : i32 to index
      %get3A_1028 = arith.constant 256 : index
      %get3A_1029 = tpu.vector_load %arg9[%get3A_1027, %get3A_1028] {strides = array<i32>} : memref<2x768xf32, #tpu.memory_space<vmem>>, vector<16xf32>,
      %get3A_1030 = arith.constant 0 : i32
      %get3A_1031 = arith.index_cast %get3A_1030 : i32 to index
      %get3A_1032 = arith.constant 272 : index
      %get3A_1033 = tpu.vector_load %arg9[%get3A_1031, %get3A_1032] {strides = array<i32>} : memref<2x768xf32, #tpu.memory_space<vmem>>, vector<16xf32>,
      %get3A_1034 = arith.constant 0 : i32
      %get3A_1035 = arith.index_cast %get3A_1034 : i32 to index
      %get3A_1036 = arith.constant 288 : index
      %get3A_1037 = tpu.vector_load %arg9[%get3A_1035, %get3A_1036] {strides = array<i32>} : memref<2x768xf32, #tpu.memory_space<vmem>>, vector<16xf32>,
      %get3A_1038 = arith.constant 0 : i32
      %get3A_1039 = arith.index_cast %get3A_1038 : i32 to index
      %get3A_1040 = arith.constant 304 : index
      %get3A_1041 = tpu.vector_load %arg9[%get3A_1039, %get3A_1040] {strides = array<i32>} : memref<2x768xf32, #tpu.memory_space<vmem>>, vector<16xf32>,
      %get3A_1042 = arith.constant 0 : i32
      %get3A_1043 = arith.index_cast %get3A_1042 : i32 to index
      %get3A_1044 = arith.constant 320 : index
      %get3A_1045 = tpu.vector_load %arg9[%get3A_1043, %get3A_1044] {strides = array<i32>} : memref<2x768xf32, #tpu.memory_space<vmem>>, vector<16xf32>,
      %get3A_1046 = arith.constant 0 : i32
      %get3A_1047 = arith.index_cast %get3A_1046 : i32 to index
      %get3A_1048 = arith.constant 336 : index
      %get3A_1049 = tpu.vector_load %arg9[%get3A_1047, %get3A_1048] {strides = array<i32>} : memref<2x768xf32, #tpu.memory_space<vmem>>, vector<16xf32>,
      %get3A_1050 = arith.constant 0 : i32
      %get3A_1051 = arith.index_cast %get3A_1050 : i32 to index
      %get3A_1052 = arith.constant 352 : index
      %get3A_1053 = tpu.vector_load %arg9[%get3A_1051, %get3A_1052] {strides = array<i32>} : memref<2x768xf32, #tpu.memory_space<vmem>>, vector<16xf32>,
      %get3A_1054 = arith.constant 0 : i32
      %get3A_1055 = arith.index_cast %get3A_1054 : i32 to index
      %get3A_1056 = arith.constant 368 : index
      %get3A_1057 = tpu.vector_load %arg9[%get3A_1055, %get3A_1056] {strides = array<i32>} : memref<2x768xf32, #tpu.memory_space<vmem>>, vector<16xf32>,
      %get3A_1058 = arith.constant 0 : i32
      %get3A_1059 = arith.index_cast %get3A_1058 : i32 to index
      %get3A_1060 = arith.constant 384 : index
      %get3A_1061 = tpu.vector_load %arg9[%get3A_1059, %get3A_1060] {strides = array<i32>} : memref<2x768xf32, #tpu.memory_space<vmem>>, vector<16xf32>,
      %get3A_1062 = arith.constant 0 : i32
      %get3A_1063 = arith.index_cast %get3A_1062 : i32 to index
      %get3A_1064 = arith.constant 400 : index
      %get3A_1065 = tpu.vector_load %arg9[%get3A_1063, %get3A_1064] {strides = array<i32>} : memref<2x768xf32, #tpu.memory_space<vmem>>, vector<16xf32>,
      %get3A_1066 = arith.constant 0 : i32
      %get3A_1067 = arith.index_cast %get3A_1066 : i32 to index
      %get3A_1068 = arith.constant 416 : index
      %get3A_1069 = tpu.vector_load %arg9[%get3A_1067, %get3A_1068] {strides = array<i32>} : memref<2x768xf32, #tpu.memory_space<vmem>>, vector<16xf32>,
      %get3A_1070 = arith.constant 0 : i32
      %get3A_1071 = arith.index_cast %get3A_1070 : i32 to index
      %get3A_1072 = arith.constant 432 : index
      %get3A_1073 = tpu.vector_load %arg9[%get3A_1071, %get3A_1072] {strides = array<i32>} : memref<2x768xf32, #tpu.memory_space<vmem>>, vector<16xf32>,
      %get3A_1074 = arith.constant 0 : i32
      %get3A_1075 = arith.index_cast %get3A_1074 : i32 to index
      %get3A_1076 = arith.constant 448 : index
      %get3A_1077 = tpu.vector_load %arg9[%get3A_1075, %get3A_1076] {strides = array<i32>} : memref<2x768xf32, #tpu.memory_space<vmem>>, vector<16xf32>,
      %get3A_1078 = arith.constant 0 : i32
      %get3A_1079 = arith.index_cast %get3A_1078 : i32 to index
      %get3A_1080 = arith.constant 464 : index
      %get3A_1081 = tpu.vector_load %arg9[%get3A_1079, %get3A_1080] {strides = array<i32>} : memref<2x768xf32, #tpu.memory_space<vmem>>, vector<16xf32>,
      %get3A_1082 = arith.constant 0 : i32
      %get3A_1083 = arith.index_cast %get3A_1082 : i32 to index
      %get3A_1084 = arith.constant 480 : index
      %get3A_1085 = tpu.vector_load %arg9[%get3A_1083, %get3A_1084] {strides = array<i32>} : memref<2x768xf32, #tpu.memory_space<vmem>>, vector<16xf32>,
      %get3A_1086 = arith.constant 0 : i32
      %get3A_1087 = arith.index_cast %get3A_1086 : i32 to index
      %get3A_1088 = arith.constant 496 : index
      %get3A_1089 = tpu.vector_load %arg9[%get3A_1087, %get3A_1088] {strides = array<i32>} : memref<2x768xf32, #tpu.memory_space<vmem>>, vector<16xf32>,
      %get3A_1090 = arith.constant 256 : index
      %get3A_1091 = tpu.vector_load %arg10[%get3A_1090] {strides = array<i32>} : memref<768xf32, #tpu.memory_space<vmem>>, vector<16xf32>,
      %get3A_1092 = arith.constant 272 : index
      %get3A_1093 = tpu.vector_load %arg10[%get3A_1092] {strides = array<i32>} : memref<768xf32, #tpu.memory_space<vmem>>, vector<16xf32>,
      %get3A_1094 = arith.constant 288 : index
      %get3A_1095 = tpu.vector_load %arg10[%get3A_1094] {strides = array<i32>} : memref<768xf32, #tpu.memory_space<vmem>>, vector<16xf32>,
      %get3A_1096 = arith.constant 304 : index
      %get3A_1097 = tpu.vector_load %arg10[%get3A_1096] {strides = array<i32>} : memref<768xf32, #tpu.memory_space<vmem>>, vector<16xf32>,
      %get3A_1098 = arith.constant 320 : index
      %get3A_1099 = tpu.vector_load %arg10[%get3A_1098] {strides = array<i32>} : memref<768xf32, #tpu.memory_space<vmem>>, vector<16xf32>,
      %get3A_1100 = arith.constant 336 : index
      %get3A_1101 = tpu.vector_load %arg10[%get3A_1100] {strides = array<i32>} : memref<768xf32, #tpu.memory_space<vmem>>, vector<16xf32>,
      %get3A_1102 = arith.constant 352 : index
      %get3A_1103 = tpu.vector_load %arg10[%get3A_1102] {strides = array<i32>} : memref<768xf32, #tpu.memory_space<vmem>>, vector<16xf32>,
      %get3A_1104 = arith.constant 368 : index
      %get3A_1105 = tpu.vector_load %arg10[%get3A_1104] {strides = array<i32>} : memref<768xf32, #tpu.memory_space<vmem>>, vector<16xf32>,
      %get3A_1106 = arith.constant 384 : index
      %get3A_1107 = tpu.vector_load %arg10[%get3A_1106] {strides = array<i32>} : memref<768xf32, #tpu.memory_space<vmem>>, vector<16xf32>,
      %get3A_1108 = arith.constant 400 : index
      %get3A_1109 = tpu.vector_load %arg10[%get3A_1108] {strides = array<i32>} : memref<768xf32, #tpu.memory_space<vmem>>, vector<16xf32>,
      %get3A_1110 = arith.constant 416 : index
      %get3A_1111 = tpu.vector_load %arg10[%get3A_1110] {strides = array<i32>} : memref<768xf32, #tpu.memory_space<vmem>>, vector<16xf32>,
      %get3A_1112 = arith.constant 432 : index
      %get3A_1113 = tpu.vector_load %arg10[%get3A_1112] {strides = array<i32>} : memref<768xf32, #tpu.memory_space<vmem>>, vector<16xf32>,
      %get3A_1114 = arith.constant 448 : index
      %get3A_1115 = tpu.vector_load %arg10[%get3A_1114] {strides = array<i32>} : memref<768xf32, #tpu.memory_space<vmem>>, vector<16xf32>,
      %get3A_1116 = arith.constant 464 : index
      %get3A_1117 = tpu.vector_load %arg10[%get3A_1116] {strides = array<i32>} : memref<768xf32, #tpu.memory_space<vmem>>, vector<16xf32>,
      %get3A_1118 = arith.constant 480 : index
      %get3A_1119 = tpu.vector_load %arg10[%get3A_1118] {strides = array<i32>} : memref<768xf32, #tpu.memory_space<vmem>>, vector<16xf32>,
      %get3A_1120 = arith.constant 496 : index
      %get3A_1121 = tpu.vector_load %arg10[%get3A_1120] {strides = array<i32>} : memref<768xf32, #tpu.memory_space<vmem>>, vector<16xf32>,
      %scan3A_1122 = arith.constant 0 : i32
      %scan3A_1123 = arith.constant 0 : i32
      %scan3A_1124 = arith.constant 16 : i32
      %scan3A_1125 = arith.addi %scan3A_1123, %scan3A_1124 : i32
      %scan3A_1126 = arith.constant 1 : i32
      scf.for %scan3A_1244 = %scan3A_1123 to %scan3A_1125 step %scan3A_1126  : i32 {
        %mul3A_1245 = arith.constant 2 : i32
        %mul3A_1246 = arith.muli %scan3A_1244, %mul3A_1245 : i32
        %add3A_1247 = arith.constant 0 : i32
        %add3A_1248 = arith.addi %mul3A_1246, %add3A_1247 : i32
        %broadcast_in_dim3A = vector.broadcast %add3A_912 : i32 to vector<16xi32>
        %broadcast_in_dim3A_1249 = vector.broadcast %add3A_1248 : i32 to vector<16xi32>
        %gather3A = tpu.vector_load_idx %arg8[%broadcast_in_dim3A, %broadcast_in_dim3A_1249] : memref<32x32xi32, #tpu.memory_space<vmem>>[vector<16xi32>, vector<16xi32>], vector<16xi32>,
        %convert_element_type3A_1250 = arith.sitofp %gather3A : vector<16xi32> to vector<16xf32>
        %get3A_1251 = arith.index_cast %add3A_1248 : i32 to index
        %get3A_1252 = arith.constant 256 : index
        %get3A_1253 = tpu.vector_load %arg12[%get3A_1251, %get3A_1252] {strides = array<i32>} : memref<32x768xf32, #tpu.memory_space<vmem>>, vector<16xf32>,
        %mul3A_1254 = arith.mulf %convert_element_type3A_1250, %get3A_1091 : vector<16xf32>
        %add3A_1255 = arith.addf %get3A_1029, %mul3A_1254 : vector<16xf32>
        %add3A_1256 = arith.addf %get3A_1253, %add3A_1255 : vector<16xf32>
        %swap3A_1257 = arith.index_cast %add3A_1248 : i32 to index
        %swap3A_1258 = arith.constant 256 : index
        %swap3A_1259 = tpu.vector_load %arg14[%swap3A_1257, %swap3A_1258] {strides = array<i32>} : memref<32x768xf32, #tpu.memory_space<vmem>>, vector<16xf32>,
        tpu.vector_store %arg14[%swap3A_1257, %swap3A_1258], %add3A_1256 {strides = array<i32>} : memref<32x768xf32, #tpu.memory_space<vmem>>, vector<16xf32>,
        %get3A_1260 = arith.index_cast %add3A_1248 : i32 to index
        %get3A_1261 = arith.constant 272 : index
        %get3A_1262 = tpu.vector_load %arg12[%get3A_1260, %get3A_1261] {strides = array<i32>} : memref<32x768xf32, #tpu.memory_space<vmem>>, vector<16xf32>,
        %mul3A_1263 = arith.mulf %convert_element_type3A_1250, %get3A_1093 : vector<16xf32>
        %add3A_1264 = arith.addf %get3A_1033, %mul3A_1263 : vector<16xf32>
        %add3A_1265 = arith.addf %get3A_1262, %add3A_1264 : vector<16xf32>
        %swap3A_1266 = arith.index_cast %add3A_1248 : i32 to index
        %swap3A_1267 = arith.constant 272 : index
        %swap3A_1268 = tpu.vector_load %arg14[%swap3A_1266, %swap3A_1267] {strides = array<i32>} : memref<32x768xf32, #tpu.memory_space<vmem>>, vector<16xf32>,
        tpu.vector_store %arg14[%swap3A_1266, %swap3A_1267], %add3A_1265 {strides = array<i32>} : memref<32x768xf32, #tpu.memory_space<vmem>>, vector<16xf32>,
        %get3A_1269 = arith.index_cast %add3A_1248 : i32 to index
        %get3A_1270 = arith.constant 288 : index
        %get3A_1271 = tpu.vector_load %arg12[%get3A_1269, %get3A_1270] {strides = array<i32>} : memref<32x768xf32, #tpu.memory_space<vmem>>, vector<16xf32>,
        %mul3A_1272 = arith.mulf %convert_element_type3A_1250, %get3A_1095 : vector<16xf32>
        %add3A_1273 = arith.addf %get3A_1037, %mul3A_1272 : vector<16xf32>
        %add3A_1274 = arith.addf %get3A_1271, %add3A_1273 : vector<16xf32>
        %swap3A_1275 = arith.index_cast %add3A_1248 : i32 to index
        %swap3A_1276 = arith.constant 288 : index
        %swap3A_1277 = tpu.vector_load %arg14[%swap3A_1275, %swap3A_1276] {strides = array<i32>} : memref<32x768xf32, #tpu.memory_space<vmem>>, vector<16xf32>,
        tpu.vector_store %arg14[%swap3A_1275, %swap3A_1276], %add3A_1274 {strides = array<i32>} : memref<32x768xf32, #tpu.memory_space<vmem>>, vector<16xf32>,
        %get3A_1278 = arith.index_cast %add3A_1248 : i32 to index
        %get3A_1279 = arith.constant 304 : index
        %get3A_1280 = tpu.vector_load %arg12[%get3A_1278, %get3A_1279] {strides = array<i32>} : memref<32x768xf32, #tpu.memory_space<vmem>>, vector<16xf32>,
        %mul3A_1281 = arith.mulf %convert_element_type3A_1250, %get3A_1097 : vector<16xf32>
        %add3A_1282 = arith.addf %get3A_1041, %mul3A_1281 : vector<16xf32>
        %add3A_1283 = arith.addf %get3A_1280, %add3A_1282 : vector<16xf32>
        %swap3A_1284 = arith.index_cast %add3A_1248 : i32 to index
        %swap3A_1285 = arith.constant 304 : index
        %swap3A_1286 = tpu.vector_load %arg14[%swap3A_1284, %swap3A_1285] {strides = array<i32>} : memref<32x768xf32, #tpu.memory_space<vmem>>, vector<16xf32>,
        tpu.vector_store %arg14[%swap3A_1284, %swap3A_1285], %add3A_1283 {strides = array<i32>} : memref<32x768xf32, #tpu.memory_space<vmem>>, vector<16xf32>,
        %get3A_1287 = arith.index_cast %add3A_1248 : i32 to index
        %get3A_1288 = arith.constant 320 : index
        %get3A_1289 = tpu.vector_load %arg12[%get3A_1287, %get3A_1288] {strides = array<i32>} : memref<32x768xf32, #tpu.memory_space<vmem>>, vector<16xf32>,
        %mul3A_1290 = arith.mulf %convert_element_type3A_1250, %get3A_1099 : vector<16xf32>
        %add3A_1291 = arith.addf %get3A_1045, %mul3A_1290 : vector<16xf32>
        %add3A_1292 = arith.addf %get3A_1289, %add3A_1291 : vector<16xf32>
        %swap3A_1293 = arith.index_cast %add3A_1248 : i32 to index
        %swap3A_1294 = arith.constant 320 : index
        %swap3A_1295 = tpu.vector_load %arg14[%swap3A_1293, %swap3A_1294] {strides = array<i32>} : memref<32x768xf32, #tpu.memory_space<vmem>>, vector<16xf32>,
        tpu.vector_store %arg14[%swap3A_1293, %swap3A_1294], %add3A_1292 {strides = array<i32>} : memref<32x768xf32, #tpu.memory_space<vmem>>, vector<16xf32>,
        %get3A_1296 = arith.index_cast %add3A_1248 : i32 to index
        %get3A_1297 = arith.constant 336 : index
        %get3A_1298 = tpu.vector_load %arg12[%get3A_1296, %get3A_1297] {strides = array<i32>} : memref<32x768xf32, #tpu.memory_space<vmem>>, vector<16xf32>,
        %mul3A_1299 = arith.mulf %convert_element_type3A_1250, %get3A_1101 : vector<16xf32>
        %add3A_1300 = arith.addf %get3A_1049, %mul3A_1299 : vector<16xf32>
        %add3A_1301 = arith.addf %get3A_1298, %add3A_1300 : vector<16xf32>
        %swap3A_1302 = arith.index_cast %add3A_1248 : i32 to index
        %swap3A_1303 = arith.constant 336 : index
        %swap3A_1304 = tpu.vector_load %arg14[%swap3A_1302, %swap3A_1303] {strides = array<i32>} : memref<32x768xf32, #tpu.memory_space<vmem>>, vector<16xf32>,
        tpu.vector_store %arg14[%swap3A_1302, %swap3A_1303], %add3A_1301 {strides = array<i32>} : memref<32x768xf32, #tpu.memory_space<vmem>>, vector<16xf32>,
        %get3A_1305 = arith.index_cast %add3A_1248 : i32 to index
        %get3A_1306 = arith.constant 352 : index
        %get3A_1307 = tpu.vector_load %arg12[%get3A_1305, %get3A_1306] {strides = array<i32>} : memref<32x768xf32, #tpu.memory_space<vmem>>, vector<16xf32>,
        %mul3A_1308 = arith.mulf %convert_element_type3A_1250, %get3A_1103 : vector<16xf32>
        %add3A_1309 = arith.addf %get3A_1053, %mul3A_1308 : vector<16xf32>
        %add3A_1310 = arith.addf %get3A_1307, %add3A_1309 : vector<16xf32>
        %swap3A_1311 = arith.index_cast %add3A_1248 : i32 to index
        %swap3A_1312 = arith.constant 352 : index
        %swap3A_1313 = tpu.vector_load %arg14[%swap3A_1311, %swap3A_1312] {strides = array<i32>} : memref<32x768xf32, #tpu.memory_space<vmem>>, vector<16xf32>,
        tpu.vector_store %arg14[%swap3A_1311, %swap3A_1312], %add3A_1310 {strides = array<i32>} : memref<32x768xf32, #tpu.memory_space<vmem>>, vector<16xf32>,
        %get3A_1314 = arith.index_cast %add3A_1248 : i32 to index
        %get3A_1315 = arith.constant 368 : index
        %get3A_1316 = tpu.vector_load %arg12[%get3A_1314, %get3A_1315] {strides = array<i32>} : memref<32x768xf32, #tpu.memory_space<vmem>>, vector<16xf32>,
        %mul3A_1317 = arith.mulf %convert_element_type3A_1250, %get3A_1105 : vector<16xf32>
        %add3A_1318 = arith.addf %get3A_1057, %mul3A_1317 : vector<16xf32>
        %add3A_1319 = arith.addf %get3A_1316, %add3A_1318 : vector<16xf32>
        %swap3A_1320 = arith.index_cast %add3A_1248 : i32 to index
        %swap3A_1321 = arith.constant 368 : index
        %swap3A_1322 = tpu.vector_load %arg14[%swap3A_1320, %swap3A_1321] {strides = array<i32>} : memref<32x768xf32, #tpu.memory_space<vmem>>, vector<16xf32>,
        tpu.vector_store %arg14[%swap3A_1320, %swap3A_1321], %add3A_1319 {strides = array<i32>} : memref<32x768xf32, #tpu.memory_space<vmem>>, vector<16xf32>,
        %get3A_1323 = arith.index_cast %add3A_1248 : i32 to index
        %get3A_1324 = arith.constant 384 : index
        %get3A_1325 = tpu.vector_load %arg12[%get3A_1323, %get3A_1324] {strides = array<i32>} : memref<32x768xf32, #tpu.memory_space<vmem>>, vector<16xf32>,
        %mul3A_1326 = arith.mulf %convert_element_type3A_1250, %get3A_1107 : vector<16xf32>
        %add3A_1327 = arith.addf %get3A_1061, %mul3A_1326 : vector<16xf32>
        %add3A_1328 = arith.addf %get3A_1325, %add3A_1327 : vector<16xf32>
        %swap3A_1329 = arith.index_cast %add3A_1248 : i32 to index
        %swap3A_1330 = arith.constant 384 : index
        %swap3A_1331 = tpu.vector_load %arg14[%swap3A_1329, %swap3A_1330] {strides = array<i32>} : memref<32x768xf32, #tpu.memory_space<vmem>>, vector<16xf32>,
        tpu.vector_store %arg14[%swap3A_1329, %swap3A_1330], %add3A_1328 {strides = array<i32>} : memref<32x768xf32, #tpu.memory_space<vmem>>, vector<16xf32>,
        %get3A_1332 = arith.index_cast %add3A_1248 : i32 to index
        %get3A_1333 = arith.constant 400 : index
        %get3A_1334 = tpu.vector_load %arg12[%get3A_1332, %get3A_1333] {strides = array<i32>} : memref<32x768xf32, #tpu.memory_space<vmem>>, vector<16xf32>,
        %mul3A_1335 = arith.mulf %convert_element_type3A_1250, %get3A_1109 : vector<16xf32>
        %add3A_1336 = arith.addf %get3A_1065, %mul3A_1335 : vector<16xf32>
        %add3A_1337 = arith.addf %get3A_1334, %add3A_1336 : vector<16xf32>
        %swap3A_1338 = arith.index_cast %add3A_1248 : i32 to index
        %swap3A_1339 = arith.constant 400 : index
        %swap3A_1340 = tpu.vector_load %arg14[%swap3A_1338, %swap3A_1339] {strides = array<i32>} : memref<32x768xf32, #tpu.memory_space<vmem>>, vector<16xf32>,
        tpu.vector_store %arg14[%swap3A_1338, %swap3A_1339], %add3A_1337 {strides = array<i32>} : memref<32x768xf32, #tpu.memory_space<vmem>>, vector<16xf32>,
        %get3A_1341 = arith.index_cast %add3A_1248 : i32 to index
        %get3A_1342 = arith.constant 416 : index
        %get3A_1343 = tpu.vector_load %arg12[%get3A_1341, %get3A_1342] {strides = array<i32>} : memref<32x768xf32, #tpu.memory_space<vmem>>, vector<16xf32>,
        %mul3A_1344 = arith.mulf %convert_element_type3A_1250, %get3A_1111 : vector<16xf32>
        %add3A_1345 = arith.addf %get3A_1069, %mul3A_1344 : vector<16xf32>
        %add3A_1346 = arith.addf %get3A_1343, %add3A_1345 : vector<16xf32>
        %swap3A_1347 = arith.index_cast %add3A_1248 : i32 to index
        %swap3A_1348 = arith.constant 416 : index
        %swap3A_1349 = tpu.vector_load %arg14[%swap3A_1347, %swap3A_1348] {strides = array<i32>} : memref<32x768xf32, #tpu.memory_space<vmem>>, vector<16xf32>,
        tpu.vector_store %arg14[%swap3A_1347, %swap3A_1348], %add3A_1346 {strides = array<i32>} : memref<32x768xf32, #tpu.memory_space<vmem>>, vector<16xf32>,
        %get3A_1350 = arith.index_cast %add3A_1248 : i32 to index
        %get3A_1351 = arith.constant 432 : index
        %get3A_1352 = tpu.vector_load %arg12[%get3A_1350, %get3A_1351] {strides = array<i32>} : memref<32x768xf32, #tpu.memory_space<vmem>>, vector<16xf32>,
        %mul3A_1353 = arith.mulf %convert_element_type3A_1250, %get3A_1113 : vector<16xf32>
        %add3A_1354 = arith.addf %get3A_1073, %mul3A_1353 : vector<16xf32>
        %add3A_1355 = arith.addf %get3A_1352, %add3A_1354 : vector<16xf32>
        %swap3A_1356 = arith.index_cast %add3A_1248 : i32 to index
        %swap3A_1357 = arith.constant 432 : index
        %swap3A_1358 = tpu.vector_load %arg14[%swap3A_1356, %swap3A_1357] {strides = array<i32>} : memref<32x768xf32, #tpu.memory_space<vmem>>, vector<16xf32>,
        tpu.vector_store %arg14[%swap3A_1356, %swap3A_1357], %add3A_1355 {strides = array<i32>} : memref<32x768xf32, #tpu.memory_space<vmem>>, vector<16xf32>,
        %get3A_1359 = arith.index_cast %add3A_1248 : i32 to index
        %get3A_1360 = arith.constant 448 : index
        %get3A_1361 = tpu.vector_load %arg12[%get3A_1359, %get3A_1360] {strides = array<i32>} : memref<32x768xf32, #tpu.memory_space<vmem>>, vector<16xf32>,
        %mul3A_1362 = arith.mulf %convert_element_type3A_1250, %get3A_1115 : vector<16xf32>
        %add3A_1363 = arith.addf %get3A_1077, %mul3A_1362 : vector<16xf32>
        %add3A_1364 = arith.addf %get3A_1361, %add3A_1363 : vector<16xf32>
        %swap3A_1365 = arith.index_cast %add3A_1248 : i32 to index
        %swap3A_1366 = arith.constant 448 : index
        %swap3A_1367 = tpu.vector_load %arg14[%swap3A_1365, %swap3A_1366] {strides = array<i32>} : memref<32x768xf32, #tpu.memory_space<vmem>>, vector<16xf32>,
        tpu.vector_store %arg14[%swap3A_1365, %swap3A_1366], %add3A_1364 {strides = array<i32>} : memref<32x768xf32, #tpu.memory_space<vmem>>, vector<16xf32>,
        %get3A_1368 = arith.index_cast %add3A_1248 : i32 to index
        %get3A_1369 = arith.constant 464 : index
        %get3A_1370 = tpu.vector_load %arg12[%get3A_1368, %get3A_1369] {strides = array<i32>} : memref<32x768xf32, #tpu.memory_space<vmem>>, vector<16xf32>,
        %mul3A_1371 = arith.mulf %convert_element_type3A_1250, %get3A_1117 : vector<16xf32>
        %add3A_1372 = arith.addf %get3A_1081, %mul3A_1371 : vector<16xf32>
        %add3A_1373 = arith.addf %get3A_1370, %add3A_1372 : vector<16xf32>
        %swap3A_1374 = arith.index_cast %add3A_1248 : i32 to index
        %swap3A_1375 = arith.constant 464 : index
        %swap3A_1376 = tpu.vector_load %arg14[%swap3A_1374, %swap3A_1375] {strides = array<i32>} : memref<32x768xf32, #tpu.memory_space<vmem>>, vector<16xf32>,
        tpu.vector_store %arg14[%swap3A_1374, %swap3A_1375], %add3A_1373 {strides = array<i32>} : memref<32x768xf32, #tpu.memory_space<vmem>>, vector<16xf32>,
        %get3A_1377 = arith.index_cast %add3A_1248 : i32 to index
        %get3A_1378 = arith.constant 480 : index
        %get3A_1379 = tpu.vector_load %arg12[%get3A_1377, %get3A_1378] {strides = array<i32>} : memref<32x768xf32, #tpu.memory_space<vmem>>, vector<16xf32>,
        %mul3A_1380 = arith.mulf %convert_element_type3A_1250, %get3A_1119 : vector<16xf32>
        %add3A_1381 = arith.addf %get3A_1085, %mul3A_1380 : vector<16xf32>
        %add3A_1382 = arith.addf %get3A_1379, %add3A_1381 : vector<16xf32>
        %swap3A_1383 = arith.index_cast %add3A_1248 : i32 to index
        %swap3A_1384 = arith.constant 480 : index
        %swap3A_1385 = tpu.vector_load %arg14[%swap3A_1383, %swap3A_1384] {strides = array<i32>} : memref<32x768xf32, #tpu.memory_space<vmem>>, vector<16xf32>,
        tpu.vector_store %arg14[%swap3A_1383, %swap3A_1384], %add3A_1382 {strides = array<i32>} : memref<32x768xf32, #tpu.memory_space<vmem>>, vector<16xf32>,
        %get3A_1386 = arith.index_cast %add3A_1248 : i32 to index
        %get3A_1387 = arith.constant 496 : index
        %get3A_1388 = tpu.vector_load %arg12[%get3A_1386, %get3A_1387] {strides = array<i32>} : memref<32x768xf32, #tpu.memory_space<vmem>>, vector<16xf32>,
        %mul3A_1389 = arith.mulf %convert_element_type3A_1250, %get3A_1121 : vector<16xf32>
        %add3A_1390 = arith.addf %get3A_1089, %mul3A_1389 : vector<16xf32>
        %add3A_1391 = arith.addf %get3A_1388, %add3A_1390 : vector<16xf32>
        %swap3A_1392 = arith.index_cast %add3A_1248 : i32 to index
        %swap3A_1393 = arith.constant 496 : index
        %swap3A_1394 = tpu.vector_load %arg14[%swap3A_1392, %swap3A_1393] {strides = array<i32>} : memref<32x768xf32, #tpu.memory_space<vmem>>, vector<16xf32>,
        tpu.vector_store %arg14[%swap3A_1392, %swap3A_1393], %add3A_1391 {strides = array<i32>} : memref<32x768xf32, #tpu.memory_space<vmem>>, vector<16xf32>,
        %mul3A_1395 = arith.constant 2 : i32
        %mul3A_1396 = arith.muli %scan3A_1244, %mul3A_1395 : i32
        %add3A_1397 = arith.constant 1 : i32
        %add3A_1398 = arith.addi %mul3A_1396, %add3A_1397 : i32
        %broadcast_in_dim3A_1399 = vector.broadcast %add3A_912 : i32 to vector<16xi32>
        %broadcast_in_dim3A_1400 = vector.broadcast %add3A_1398 : i32 to vector<16xi32>
        %gather3A_1401 = tpu.vector_load_idx %arg8[%broadcast_in_dim3A_1399, %broadcast_in_dim3A_1400] : memref<32x32xi32, #tpu.memory_space<vmem>>[vector<16xi32>, vector<16xi32>], vector<16xi32>,
        %convert_element_type3A_1402 = arith.sitofp %gather3A_1401 : vector<16xi32> to vector<16xf32>
        %get3A_1403 = arith.index_cast %add3A_1398 : i32 to index
        %get3A_1404 = arith.constant 256 : index
        %get3A_1405 = tpu.vector_load %arg12[%get3A_1403, %get3A_1404] {strides = array<i32>} : memref<32x768xf32, #tpu.memory_space<vmem>>, vector<16xf32>,
        %mul3A_1406 = arith.mulf %convert_element_type3A_1402, %get3A_1091 : vector<16xf32>
        %add3A_1407 = arith.addf %get3A_1029, %mul3A_1406 : vector<16xf32>
        %add3A_1408 = arith.addf %get3A_1405, %add3A_1407 : vector<16xf32>
        %swap3A_1409 = arith.index_cast %add3A_1398 : i32 to index
        %swap3A_1410 = arith.constant 256 : index
        %swap3A_1411 = tpu.vector_load %arg14[%swap3A_1409, %swap3A_1410] {strides = array<i32>} : memref<32x768xf32, #tpu.memory_space<vmem>>, vector<16xf32>,
        tpu.vector_store %arg14[%swap3A_1409, %swap3A_1410], %add3A_1408 {strides = array<i32>} : memref<32x768xf32, #tpu.memory_space<vmem>>, vector<16xf32>,
        %get3A_1412 = arith.index_cast %add3A_1398 : i32 to index
        %get3A_1413 = arith.constant 272 : index
        %get3A_1414 = tpu.vector_load %arg12[%get3A_1412, %get3A_1413] {strides = array<i32>} : memref<32x768xf32, #tpu.memory_space<vmem>>, vector<16xf32>,
        %mul3A_1415 = arith.mulf %convert_element_type3A_1402, %get3A_1093 : vector<16xf32>
        %add3A_1416 = arith.addf %get3A_1033, %mul3A_1415 : vector<16xf32>
        %add3A_1417 = arith.addf %get3A_1414, %add3A_1416 : vector<16xf32>
        %swap3A_1418 = arith.index_cast %add3A_1398 : i32 to index
        %swap3A_1419 = arith.constant 272 : index
        %swap3A_1420 = tpu.vector_load %arg14[%swap3A_1418, %swap3A_1419] {strides = array<i32>} : memref<32x768xf32, #tpu.memory_space<vmem>>, vector<16xf32>,
        tpu.vector_store %arg14[%swap3A_1418, %swap3A_1419], %add3A_1417 {strides = array<i32>} : memref<32x768xf32, #tpu.memory_space<vmem>>, vector<16xf32>,
        %get3A_1421 = arith.index_cast %add3A_1398 : i32 to index
        %get3A_1422 = arith.constant 288 : index
        %get3A_1423 = tpu.vector_load %arg12[%get3A_1421, %get3A_1422] {strides = array<i32>} : memref<32x768xf32, #tpu.memory_space<vmem>>, vector<16xf32>,
        %mul3A_1424 = arith.mulf %convert_element_type3A_1402, %get3A_1095 : vector<16xf32>
        %add3A_1425 = arith.addf %get3A_1037, %mul3A_1424 : vector<16xf32>
        %add3A_1426 = arith.addf %get3A_1423, %add3A_1425 : vector<16xf32>
        %swap3A_1427 = arith.index_cast %add3A_1398 : i32 to index
        %swap3A_1428 = arith.constant 288 : index
        %swap3A_1429 = tpu.vector_load %arg14[%swap3A_1427, %swap3A_1428] {strides = array<i32>} : memref<32x768xf32, #tpu.memory_space<vmem>>, vector<16xf32>,
        tpu.vector_store %arg14[%swap3A_1427, %swap3A_1428], %add3A_1426 {strides = array<i32>} : memref<32x768xf32, #tpu.memory_space<vmem>>, vector<16xf32>,
        %get3A_1430 = arith.index_cast %add3A_1398 : i32 to index
        %get3A_1431 = arith.constant 304 : index
        %get3A_1432 = tpu.vector_load %arg12[%get3A_1430, %get3A_1431] {strides = array<i32>} : memref<32x768xf32, #tpu.memory_space<vmem>>, vector<16xf32>,
        %mul3A_1433 = arith.mulf %convert_element_type3A_1402, %get3A_1097 : vector<16xf32>
        %add3A_1434 = arith.addf %get3A_1041, %mul3A_1433 : vector<16xf32>
        %add3A_1435 = arith.addf %get3A_1432, %add3A_1434 : vector<16xf32>
        %swap3A_1436 = arith.index_cast %add3A_1398 : i32 to index
        %swap3A_1437 = arith.constant 304 : index
        %swap3A_1438 = tpu.vector_load %arg14[%swap3A_1436, %swap3A_1437] {strides = array<i32>} : memref<32x768xf32, #tpu.memory_space<vmem>>, vector<16xf32>,
        tpu.vector_store %arg14[%swap3A_1436, %swap3A_1437], %add3A_1435 {strides = array<i32>} : memref<32x768xf32, #tpu.memory_space<vmem>>, vector<16xf32>,
        %get3A_1439 = arith.index_cast %add3A_1398 : i32 to index
        %get3A_1440 = arith.constant 320 : index
        %get3A_1441 = tpu.vector_load %arg12[%get3A_1439, %get3A_1440] {strides = array<i32>} : memref<32x768xf32, #tpu.memory_space<vmem>>, vector<16xf32>,
        %mul3A_1442 = arith.mulf %convert_element_type3A_1402, %get3A_1099 : vector<16xf32>
        %add3A_1443 = arith.addf %get3A_1045, %mul3A_1442 : vector<16xf32>
        %add3A_1444 = arith.addf %get3A_1441, %add3A_1443 : vector<16xf32>
        %swap3A_1445 = arith.index_cast %add3A_1398 : i32 to index
        %swap3A_1446 = arith.constant 320 : index
        %swap3A_1447 = tpu.vector_load %arg14[%swap3A_1445, %swap3A_1446] {strides = array<i32>} : memref<32x768xf32, #tpu.memory_space<vmem>>, vector<16xf32>,
        tpu.vector_store %arg14[%swap3A_1445, %swap3A_1446], %add3A_1444 {strides = array<i32>} : memref<32x768xf32, #tpu.memory_space<vmem>>, vector<16xf32>,
        %get3A_1448 = arith.index_cast %add3A_1398 : i32 to index
        %get3A_1449 = arith.constant 336 : index
        %get3A_1450 = tpu.vector_load %arg12[%get3A_1448, %get3A_1449] {strides = array<i32>} : memref<32x768xf32, #tpu.memory_space<vmem>>, vector<16xf32>,
        %mul3A_1451 = arith.mulf %convert_element_type3A_1402, %get3A_1101 : vector<16xf32>
        %add3A_1452 = arith.addf %get3A_1049, %mul3A_1451 : vector<16xf32>
        %add3A_1453 = arith.addf %get3A_1450, %add3A_1452 : vector<16xf32>
        %swap3A_1454 = arith.index_cast %add3A_1398 : i32 to index
        %swap3A_1455 = arith.constant 336 : index
        %swap3A_1456 = tpu.vector_load %arg14[%swap3A_1454, %swap3A_1455] {strides = array<i32>} : memref<32x768xf32, #tpu.memory_space<vmem>>, vector<16xf32>,
        tpu.vector_store %arg14[%swap3A_1454, %swap3A_1455], %add3A_1453 {strides = array<i32>} : memref<32x768xf32, #tpu.memory_space<vmem>>, vector<16xf32>,
        %get3A_1457 = arith.index_cast %add3A_1398 : i32 to index
        %get3A_1458 = arith.constant 352 : index
        %get3A_1459 = tpu.vector_load %arg12[%get3A_1457, %get3A_1458] {strides = array<i32>} : memref<32x768xf32, #tpu.memory_space<vmem>>, vector<16xf32>,
        %mul3A_1460 = arith.mulf %convert_element_type3A_1402, %get3A_1103 : vector<16xf32>
        %add3A_1461 = arith.addf %get3A_1053, %mul3A_1460 : vector<16xf32>
        %add3A_1462 = arith.addf %get3A_1459, %add3A_1461 : vector<16xf32>
        %swap3A_1463 = arith.index_cast %add3A_1398 : i32 to index
        %swap3A_1464 = arith.constant 352 : index
        %swap3A_1465 = tpu.vector_load %arg14[%swap3A_1463, %swap3A_1464] {strides = array<i32>} : memref<32x768xf32, #tpu.memory_space<vmem>>, vector<16xf32>,
        tpu.vector_store %arg14[%swap3A_1463, %swap3A_1464], %add3A_1462 {strides = array<i32>} : memref<32x768xf32, #tpu.memory_space<vmem>>, vector<16xf32>,
        %get3A_1466 = arith.index_cast %add3A_1398 : i32 to index
        %get3A_1467 = arith.constant 368 : index
        %get3A_1468 = tpu.vector_load %arg12[%get3A_1466, %get3A_1467] {strides = array<i32>} : memref<32x768xf32, #tpu.memory_space<vmem>>, vector<16xf32>,
        %mul3A_1469 = arith.mulf %convert_element_type3A_1402, %get3A_1105 : vector<16xf32>
        %add3A_1470 = arith.addf %get3A_1057, %mul3A_1469 : vector<16xf32>
        %add3A_1471 = arith.addf %get3A_1468, %add3A_1470 : vector<16xf32>
        %swap3A_1472 = arith.index_cast %add3A_1398 : i32 to index
        %swap3A_1473 = arith.constant 368 : index
        %swap3A_1474 = tpu.vector_load %arg14[%swap3A_1472, %swap3A_1473] {strides = array<i32>} : memref<32x768xf32, #tpu.memory_space<vmem>>, vector<16xf32>,
        tpu.vector_store %arg14[%swap3A_1472, %swap3A_1473], %add3A_1471 {strides = array<i32>} : memref<32x768xf32, #tpu.memory_space<vmem>>, vector<16xf32>,
        %get3A_1475 = arith.index_cast %add3A_1398 : i32 to index
        %get3A_1476 = arith.constant 384 : index
        %get3A_1477 = tpu.vector_load %arg12[%get3A_1475, %get3A_1476] {strides = array<i32>} : memref<32x768xf32, #tpu.memory_space<vmem>>, vector<16xf32>,
        %mul3A_1478 = arith.mulf %convert_element_type3A_1402, %get3A_1107 : vector<16xf32>
        %add3A_1479 = arith.addf %get3A_1061, %mul3A_1478 : vector<16xf32>
        %add3A_1480 = arith.addf %get3A_1477, %add3A_1479 : vector<16xf32>
        %swap3A_1481 = arith.index_cast %add3A_1398 : i32 to index
        %swap3A_1482 = arith.constant 384 : index
        %swap3A_1483 = tpu.vector_load %arg14[%swap3A_1481, %swap3A_1482] {strides = array<i32>} : memref<32x768xf32, #tpu.memory_space<vmem>>, vector<16xf32>,
        tpu.vector_store %arg14[%swap3A_1481, %swap3A_1482], %add3A_1480 {strides = array<i32>} : memref<32x768xf32, #tpu.memory_space<vmem>>, vector<16xf32>,
        %get3A_1484 = arith.index_cast %add3A_1398 : i32 to index
        %get3A_1485 = arith.constant 400 : index
        %get3A_1486 = tpu.vector_load %arg12[%get3A_1484, %get3A_1485] {strides = array<i32>} : memref<32x768xf32, #tpu.memory_space<vmem>>, vector<16xf32>,
        %mul3A_1487 = arith.mulf %convert_element_type3A_1402, %get3A_1109 : vector<16xf32>
        %add3A_1488 = arith.addf %get3A_1065, %mul3A_1487 : vector<16xf32>
        %add3A_1489 = arith.addf %get3A_1486, %add3A_1488 : vector<16xf32>
        %swap3A_1490 = arith.index_cast %add3A_1398 : i32 to index
        %swap3A_1491 = arith.constant 400 : index
        %swap3A_1492 = tpu.vector_load %arg14[%swap3A_1490, %swap3A_1491] {strides = array<i32>} : memref<32x768xf32, #tpu.memory_space<vmem>>, vector<16xf32>,
        tpu.vector_store %arg14[%swap3A_1490, %swap3A_1491], %add3A_1489 {strides = array<i32>} : memref<32x768xf32, #tpu.memory_space<vmem>>, vector<16xf32>,
        %get3A_1493 = arith.index_cast %add3A_1398 : i32 to index
        %get3A_1494 = arith.constant 416 : index
        %get3A_1495 = tpu.vector_load %arg12[%get3A_1493, %get3A_1494] {strides = array<i32>} : memref<32x768xf32, #tpu.memory_space<vmem>>, vector<16xf32>,
        %mul3A_1496 = arith.mulf %convert_element_type3A_1402, %get3A_1111 : vector<16xf32>
        %add3A_1497 = arith.addf %get3A_1069, %mul3A_1496 : vector<16xf32>
        %add3A_1498 = arith.addf %get3A_1495, %add3A_1497 : vector<16xf32>
        %swap3A_1499 = arith.index_cast %add3A_1398 : i32 to index
        %swap3A_1500 = arith.constant 416 : index
        %swap3A_1501 = tpu.vector_load %arg14[%swap3A_1499, %swap3A_1500] {strides = array<i32>} : memref<32x768xf32, #tpu.memory_space<vmem>>, vector<16xf32>,
        tpu.vector_store %arg14[%swap3A_1499, %swap3A_1500], %add3A_1498 {strides = array<i32>} : memref<32x768xf32, #tpu.memory_space<vmem>>, vector<16xf32>,
        %get3A_1502 = arith.index_cast %add3A_1398 : i32 to index
        %get3A_1503 = arith.constant 432 : index
        %get3A_1504 = tpu.vector_load %arg12[%get3A_1502, %get3A_1503] {strides = array<i32>} : memref<32x768xf32, #tpu.memory_space<vmem>>, vector<16xf32>,
        %mul3A_1505 = arith.mulf %convert_element_type3A_1402, %get3A_1113 : vector<16xf32>
        %add3A_1506 = arith.addf %get3A_1073, %mul3A_1505 : vector<16xf32>
        %add3A_1507 = arith.addf %get3A_1504, %add3A_1506 : vector<16xf32>
        %swap3A_1508 = arith.index_cast %add3A_1398 : i32 to index
        %swap3A_1509 = arith.constant 432 : index
        %swap3A_1510 = tpu.vector_load %arg14[%swap3A_1508, %swap3A_1509] {strides = array<i32>} : memref<32x768xf32, #tpu.memory_space<vmem>>, vector<16xf32>,
        tpu.vector_store %arg14[%swap3A_1508, %swap3A_1509], %add3A_1507 {strides = array<i32>} : memref<32x768xf32, #tpu.memory_space<vmem>>, vector<16xf32>,
        %get3A_1511 = arith.index_cast %add3A_1398 : i32 to index
        %get3A_1512 = arith.constant 448 : index
        %get3A_1513 = tpu.vector_load %arg12[%get3A_1511, %get3A_1512] {strides = array<i32>} : memref<32x768xf32, #tpu.memory_space<vmem>>, vector<16xf32>,
        %mul3A_1514 = arith.mulf %convert_element_type3A_1402, %get3A_1115 : vector<16xf32>
        %add3A_1515 = arith.addf %get3A_1077, %mul3A_1514 : vector<16xf32>
        %add3A_1516 = arith.addf %get3A_1513, %add3A_1515 : vector<16xf32>
        %swap3A_1517 = arith.index_cast %add3A_1398 : i32 to index
        %swap3A_1518 = arith.constant 448 : index
        %swap3A_1519 = tpu.vector_load %arg14[%swap3A_1517, %swap3A_1518] {strides = array<i32>} : memref<32x768xf32, #tpu.memory_space<vmem>>, vector<16xf32>,
        tpu.vector_store %arg14[%swap3A_1517, %swap3A_1518], %add3A_1516 {strides = array<i32>} : memref<32x768xf32, #tpu.memory_space<vmem>>, vector<16xf32>,
        %get3A_1520 = arith.index_cast %add3A_1398 : i32 to index
        %get3A_1521 = arith.constant 464 : index
        %get3A_1522 = tpu.vector_load %arg12[%get3A_1520, %get3A_1521] {strides = array<i32>} : memref<32x768xf32, #tpu.memory_space<vmem>>, vector<16xf32>,
        %mul3A_1523 = arith.mulf %convert_element_type3A_1402, %get3A_1117 : vector<16xf32>
        %add3A_1524 = arith.addf %get3A_1081, %mul3A_1523 : vector<16xf32>
        %add3A_1525 = arith.addf %get3A_1522, %add3A_1524 : vector<16xf32>
        %swap3A_1526 = arith.index_cast %add3A_1398 : i32 to index
        %swap3A_1527 = arith.constant 464 : index
        %swap3A_1528 = tpu.vector_load %arg14[%swap3A_1526, %swap3A_1527] {strides = array<i32>} : memref<32x768xf32, #tpu.memory_space<vmem>>, vector<16xf32>,
        tpu.vector_store %arg14[%swap3A_1526, %swap3A_1527], %add3A_1525 {strides = array<i32>} : memref<32x768xf32, #tpu.memory_space<vmem>>, vector<16xf32>,
        %get3A_1529 = arith.index_cast %add3A_1398 : i32 to index
        %get3A_1530 = arith.constant 480 : index
        %get3A_1531 = tpu.vector_load %arg12[%get3A_1529, %get3A_1530] {strides = array<i32>} : memref<32x768xf32, #tpu.memory_space<vmem>>, vector<16xf32>,
        %mul3A_1532 = arith.mulf %convert_element_type3A_1402, %get3A_1119 : vector<16xf32>
        %add3A_1533 = arith.addf %get3A_1085, %mul3A_1532 : vector<16xf32>
        %add3A_1534 = arith.addf %get3A_1531, %add3A_1533 : vector<16xf32>
        %swap3A_1535 = arith.index_cast %add3A_1398 : i32 to index
        %swap3A_1536 = arith.constant 480 : index
        %swap3A_1537 = tpu.vector_load %arg14[%swap3A_1535, %swap3A_1536] {strides = array<i32>} : memref<32x768xf32, #tpu.memory_space<vmem>>, vector<16xf32>,
        tpu.vector_store %arg14[%swap3A_1535, %swap3A_1536], %add3A_1534 {strides = array<i32>} : memref<32x768xf32, #tpu.memory_space<vmem>>, vector<16xf32>,
        %get3A_1538 = arith.index_cast %add3A_1398 : i32 to index
        %get3A_1539 = arith.constant 496 : index
        %get3A_1540 = tpu.vector_load %arg12[%get3A_1538, %get3A_1539] {strides = array<i32>} : memref<32x768xf32, #tpu.memory_space<vmem>>, vector<16xf32>,
        %mul3A_1541 = arith.mulf %convert_element_type3A_1402, %get3A_1121 : vector<16xf32>
        %add3A_1542 = arith.addf %get3A_1089, %mul3A_1541 : vector<16xf32>
        %add3A_1543 = arith.addf %get3A_1540, %add3A_1542 : vector<16xf32>
        %swap3A_1544 = arith.index_cast %add3A_1398 : i32 to index
        %swap3A_1545 = arith.constant 496 : index
        %swap3A_1546 = tpu.vector_load %arg14[%swap3A_1544, %swap3A_1545] {strides = array<i32>} : memref<32x768xf32, #tpu.memory_space<vmem>>, vector<16xf32>,
        tpu.vector_store %arg14[%swap3A_1544, %swap3A_1545], %add3A_1543 {strides = array<i32>} : memref<32x768xf32, #tpu.memory_space<vmem>>, vector<16xf32>,
      }
      %scan3A_1127 = arith.constant 16 : i32
      %get3A_1128 = arith.constant 0 : i32
      %get3A_1129 = arith.index_cast %get3A_1128 : i32 to index
      %get3A_1130 = arith.constant 512 : index
      %get3A_1131 = tpu.vector_load %arg9[%get3A_1129, %get3A_1130] {strides = array<i32>} : memref<2x768xf32, #tpu.memory_space<vmem>>, vector<16xf32>,
      %get3A_1132 = arith.constant 0 : i32
      %get3A_1133 = arith.index_cast %get3A_1132 : i32 to index
      %get3A_1134 = arith.constant 528 : index
      %get3A_1135 = tpu.vector_load %arg9[%get3A_1133, %get3A_1134] {strides = array<i32>} : memref<2x768xf32, #tpu.memory_space<vmem>>, vector<16xf32>,
      %get3A_1136 = arith.constant 0 : i32
      %get3A_1137 = arith.index_cast %get3A_1136 : i32 to index
      %get3A_1138 = arith.constant 544 : index
      %get3A_1139 = tpu.vector_load %arg9[%get3A_1137, %get3A_1138] {strides = array<i32>} : memref<2x768xf32, #tpu.memory_space<vmem>>, vector<16xf32>,
      %get3A_1140 = arith.constant 0 : i32
      %get3A_1141 = arith.index_cast %get3A_1140 : i32 to index
      %get3A_1142 = arith.constant 560 : index
      %get3A_1143 = tpu.vector_load %arg9[%get3A_1141, %get3A_1142] {strides = array<i32>} : memref<2x768xf32, #tpu.memory_space<vmem>>, vector<16xf32>,
      %get3A_1144 = arith.constant 0 : i32
      %get3A_1145 = arith.index_cast %get3A_1144 : i32 to index
      %get3A_1146 = arith.constant 576 : index
      %get3A_1147 = tpu.vector_load %arg9[%get3A_1145, %get3A_1146] {strides = array<i32>} : memref<2x768xf32, #tpu.memory_space<vmem>>, vector<16xf32>,
      %get3A_1148 = arith.constant 0 : i32
      %get3A_1149 = arith.index_cast %get3A_1148 : i32 to index
      %get3A_1150 = arith.constant 592 : index
      %get3A_1151 = tpu.vector_load %arg9[%get3A_1149, %get3A_1150] {strides = array<i32>} : memref<2x768xf32, #tpu.memory_space<vmem>>, vector<16xf32>,
      %get3A_1152 = arith.constant 0 : i32
      %get3A_1153 = arith.index_cast %get3A_1152 : i32 to index
      %get3A_1154 = arith.constant 608 : index
      %get3A_1155 = tpu.vector_load %arg9[%get3A_1153, %get3A_1154] {strides = array<i32>} : memref<2x768xf32, #tpu.memory_space<vmem>>, vector<16xf32>,
      %get3A_1156 = arith.constant 0 : i32
      %get3A_1157 = arith.index_cast %get3A_1156 : i32 to index
      %get3A_1158 = arith.constant 624 : index
      %get3A_1159 = tpu.vector_load %arg9[%get3A_1157, %get3A_1158] {strides = array<i32>} : memref<2x768xf32, #tpu.memory_space<vmem>>, vector<16xf32>,
      %get3A_1160 = arith.constant 0 : i32
      %get3A_1161 = arith.index_cast %get3A_1160 : i32 to index
      %get3A_1162 = arith.constant 640 : index
      %get3A_1163 = tpu.vector_load %arg9[%get3A_1161, %get3A_1162] {strides = array<i32>} : memref<2x768xf32, #tpu.memory_space<vmem>>, vector<16xf32>,
      %get3A_1164 = arith.constant 0 : i32
      %get3A_1165 = arith.index_cast %get3A_1164 : i32 to index
      %get3A_1166 = arith.constant 656 : index
      %get3A_1167 = tpu.vector_load %arg9[%get3A_1165, %get3A_1166] {strides = array<i32>} : memref<2x768xf32, #tpu.memory_space<vmem>>, vector<16xf32>,
      %get3A_1168 = arith.constant 0 : i32
      %get3A_1169 = arith.index_cast %get3A_1168 : i32 to index
      %get3A_1170 = arith.constant 672 : index
      %get3A_1171 = tpu.vector_load %arg9[%get3A_1169, %get3A_1170] {strides = array<i32>} : memref<2x768xf32, #tpu.memory_space<vmem>>, vector<16xf32>,
      %get3A_1172 = arith.constant 0 : i32
      %get3A_1173 = arith.index_cast %get3A_1172 : i32 to index
      %get3A_1174 = arith.constant 688 : index
      %get3A_1175 = tpu.vector_load %arg9[%get3A_1173, %get3A_1174] {strides = array<i32>} : memref<2x768xf32, #tpu.memory_space<vmem>>, vector<16xf32>,
      %get3A_1176 = arith.constant 0 : i32
      %get3A_1177 = arith.index_cast %get3A_1176 : i32 to index
      %get3A_1178 = arith.constant 704 : index
      %get3A_1179 = tpu.vector_load %arg9[%get3A_1177, %get3A_1178] {strides = array<i32>} : memref<2x768xf32, #tpu.memory_space<vmem>>, vector<16xf32>,
      %get3A_1180 = arith.constant 0 : i32
      %get3A_1181 = arith.index_cast %get3A_1180 : i32 to index
      %get3A_1182 = arith.constant 720 : index
      %get3A_1183 = tpu.vector_load %arg9[%get3A_1181, %get3A_1182] {strides = array<i32>} : memref<2x768xf32, #tpu.memory_space<vmem>>, vector<16xf32>,
      %get3A_1184 = arith.constant 0 : i32
      %get3A_1185 = arith.index_cast %get3A_1184 : i32 to index
      %get3A_1186 = arith.constant 736 : index
      %get3A_1187 = tpu.vector_load %arg9[%get3A_1185, %get3A_1186] {strides = array<i32>} : memref<2x768xf32, #tpu.memory_space<vmem>>, vector<16xf32>,
      %get3A_1188 = arith.constant 0 : i32
      %get3A_1189 = arith.index_cast %get3A_1188 : i32 to index
      %get3A_1190 = arith.constant 752 : index
      %get3A_1191 = tpu.vector_load %arg9[%get3A_1189, %get3A_1190] {strides = array<i32>} : memref<2x768xf32, #tpu.memory_space<vmem>>, vector<16xf32>,
      %get3A_1192 = arith.constant 512 : index
      %get3A_1193 = tpu.vector_load %arg10[%get3A_1192] {strides = array<i32>} : memref<768xf32, #tpu.memory_space<vmem>>, vector<16xf32>,
      %get3A_1194 = arith.constant 528 : index
      %get3A_1195 = tpu.vector_load %arg10[%get3A_1194] {strides = array<i32>} : memref<768xf32, #tpu.memory_space<vmem>>, vector<16xf32>,
      %get3A_1196 = arith.constant 544 : index
      %get3A_1197 = tpu.vector_load %arg10[%get3A_1196] {strides = array<i32>} : memref<768xf32, #tpu.memory_space<vmem>>, vector<16xf32>,
      %get3A_1198 = arith.constant 560 : index
      %get3A_1199 = tpu.vector_load %arg10[%get3A_1198] {strides = array<i32>} : memref<768xf32, #tpu.memory_space<vmem>>, vector<16xf32>,
      %get3A_1200 = arith.constant 576 : index
      %get3A_1201 = tpu.vector_load %arg10[%get3A_1200] {strides = array<i32>} : memref<768xf32, #tpu.memory_space<vmem>>, vector<16xf32>,
      %get3A_1202 = arith.constant 592 : index
      %get3A_1203 = tpu.vector_load %arg10[%get3A_1202] {strides = array<i32>} : memref<768xf32, #tpu.memory_space<vmem>>, vector<16xf32>,
      %get3A_1204 = arith.constant 608 : index
      %get3A_1205 = tpu.vector_load %arg10[%get3A_1204] {strides = array<i32>} : memref<768xf32, #tpu.memory_space<vmem>>, vector<16xf32>,
      %get3A_1206 = arith.constant 624 : index
      %get3A_1207 = tpu.vector_load %arg10[%get3A_1206] {strides = array<i32>} : memref<768xf32, #tpu.memory_space<vmem>>, vector<16xf32>,
      %get3A_1208 = arith.constant 640 : index
      %get3A_1209 = tpu.vector_load %arg10[%get3A_1208] {strides = array<i32>} : memref<768xf32, #tpu.memory_space<vmem>>, vector<16xf32>,
      %get3A_1210 = arith.constant 656 : index
      %get3A_1211 = tpu.vector_load %arg10[%get3A_1210] {strides = array<i32>} : memref<768xf32, #tpu.memory_space<vmem>>, vector<16xf32>,
      %get3A_1212 = arith.constant 672 : index
      %get3A_1213 = tpu.vector_load %arg10[%get3A_1212] {strides = array<i32>} : memref<768xf32, #tpu.memory_space<vmem>>, vector<16xf32>,
      %get3A_1214 = arith.constant 688 : index
      %get3A_1215 = tpu.vector_load %arg10[%get3A_1214] {strides = array<i32>} : memref<768xf32, #tpu.memory_space<vmem>>, vector<16xf32>,
      %get3A_1216 = arith.constant 704 : index
      %get3A_1217 = tpu.vector_load %arg10[%get3A_1216] {strides = array<i32>} : memref<768xf32, #tpu.memory_space<vmem>>, vector<16xf32>,
      %get3A_1218 = arith.constant 720 : index
      %get3A_1219 = tpu.vector_load %arg10[%get3A_1218] {strides = array<i32>} : memref<768xf32, #tpu.memory_space<vmem>>, vector<16xf32>,
      %get3A_1220 = arith.constant 736 : index
      %get3A_1221 = tpu.vector_load %arg10[%get3A_1220] {strides = array<i32>} : memref<768xf32, #tpu.memory_space<vmem>>, vector<16xf32>,
      %get3A_1222 = arith.constant 752 : index
      %get3A_1223 = tpu.vector_load %arg10[%get3A_1222] {strides = array<i32>} : memref<768xf32, #tpu.memory_space<vmem>>, vector<16xf32>,
      %scan3A_1224 = arith.constant 0 : i32
      %scan3A_1225 = arith.constant 0 : i32
      %scan3A_1226 = arith.constant 16 : i32
      %scan3A_1227 = arith.addi %scan3A_1225, %scan3A_1226 : i32
      %scan3A_1228 = arith.constant 1 : i32
      scf.for %scan3A_1244 = %scan3A_1225 to %scan3A_1227 step %scan3A_1228  : i32 {
        %mul3A_1245 = arith.constant 2 : i32
        %mul3A_1246 = arith.muli %scan3A_1244, %mul3A_1245 : i32
        %add3A_1247 = arith.constant 0 : i32
        %add3A_1248 = arith.addi %mul3A_1246, %add3A_1247 : i32
        %broadcast_in_dim3A = vector.broadcast %add3A_912 : i32 to vector<16xi32>
        %broadcast_in_dim3A_1249 = vector.broadcast %add3A_1248 : i32 to vector<16xi32>
        %gather3A = tpu.vector_load_idx %arg8[%broadcast_in_dim3A, %broadcast_in_dim3A_1249] : memref<32x32xi32, #tpu.memory_space<vmem>>[vector<16xi32>, vector<16xi32>], vector<16xi32>,
        %convert_element_type3A_1250 = arith.sitofp %gather3A : vector<16xi32> to vector<16xf32>
        %get3A_1251 = arith.index_cast %add3A_1248 : i32 to index
        %get3A_1252 = arith.constant 512 : index
        %get3A_1253 = tpu.vector_load %arg12[%get3A_1251, %get3A_1252] {strides = array<i32>} : memref<32x768xf32, #tpu.memory_space<vmem>>, vector<16xf32>,
        %mul3A_1254 = arith.mulf %convert_element_type3A_1250, %get3A_1193 : vector<16xf32>
        %add3A_1255 = arith.addf %get3A_1131, %mul3A_1254 : vector<16xf32>
        %add3A_1256 = arith.addf %get3A_1253, %add3A_1255 : vector<16xf32>
        %swap3A_1257 = arith.index_cast %add3A_1248 : i32 to index
        %swap3A_1258 = arith.constant 512 : index
        %swap3A_1259 = tpu.vector_load %arg14[%swap3A_1257, %swap3A_1258] {strides = array<i32>} : memref<32x768xf32, #tpu.memory_space<vmem>>, vector<16xf32>,
        tpu.vector_store %arg14[%swap3A_1257, %swap3A_1258], %add3A_1256 {strides = array<i32>} : memref<32x768xf32, #tpu.memory_space<vmem>>, vector<16xf32>,
        %get3A_1260 = arith.index_cast %add3A_1248 : i32 to index
        %get3A_1261 = arith.constant 528 : index
        %get3A_1262 = tpu.vector_load %arg12[%get3A_1260, %get3A_1261] {strides = array<i32>} : memref<32x768xf32, #tpu.memory_space<vmem>>, vector<16xf32>,
        %mul3A_1263 = arith.mulf %convert_element_type3A_1250, %get3A_1195 : vector<16xf32>
        %add3A_1264 = arith.addf %get3A_1135, %mul3A_1263 : vector<16xf32>
        %add3A_1265 = arith.addf %get3A_1262, %add3A_1264 : vector<16xf32>
        %swap3A_1266 = arith.index_cast %add3A_1248 : i32 to index
        %swap3A_1267 = arith.constant 528 : index
        %swap3A_1268 = tpu.vector_load %arg14[%swap3A_1266, %swap3A_1267] {strides = array<i32>} : memref<32x768xf32, #tpu.memory_space<vmem>>, vector<16xf32>,
        tpu.vector_store %arg14[%swap3A_1266, %swap3A_1267], %add3A_1265 {strides = array<i32>} : memref<32x768xf32, #tpu.memory_space<vmem>>, vector<16xf32>,
        %get3A_1269 = arith.index_cast %add3A_1248 : i32 to index
        %get3A_1270 = arith.constant 544 : index
        %get3A_1271 = tpu.vector_load %arg12[%get3A_1269, %get3A_1270] {strides = array<i32>} : memref<32x768xf32, #tpu.memory_space<vmem>>, vector<16xf32>,
        %mul3A_1272 = arith.mulf %convert_element_type3A_1250, %get3A_1197 : vector<16xf32>
        %add3A_1273 = arith.addf %get3A_1139, %mul3A_1272 : vector<16xf32>
        %add3A_1274 = arith.addf %get3A_1271, %add3A_1273 : vector<16xf32>
        %swap3A_1275 = arith.index_cast %add3A_1248 : i32 to index
        %swap3A_1276 = arith.constant 544 : index
        %swap3A_1277 = tpu.vector_load %arg14[%swap3A_1275, %swap3A_1276] {strides = array<i32>} : memref<32x768xf32, #tpu.memory_space<vmem>>, vector<16xf32>,
        tpu.vector_store %arg14[%swap3A_1275, %swap3A_1276], %add3A_1274 {strides = array<i32>} : memref<32x768xf32, #tpu.memory_space<vmem>>, vector<16xf32>,
        %get3A_1278 = arith.index_cast %add3A_1248 : i32 to index
        %get3A_1279 = arith.constant 560 : index
        %get3A_1280 = tpu.vector_load %arg12[%get3A_1278, %get3A_1279] {strides = array<i32>} : memref<32x768xf32, #tpu.memory_space<vmem>>, vector<16xf32>,
        %mul3A_1281 = arith.mulf %convert_element_type3A_1250, %get3A_1199 : vector<16xf32>
        %add3A_1282 = arith.addf %get3A_1143, %mul3A_1281 : vector<16xf32>
        %add3A_1283 = arith.addf %get3A_1280, %add3A_1282 : vector<16xf32>
        %swap3A_1284 = arith.index_cast %add3A_1248 : i32 to index
        %swap3A_1285 = arith.constant 560 : index
        %swap3A_1286 = tpu.vector_load %arg14[%swap3A_1284, %swap3A_1285] {strides = array<i32>} : memref<32x768xf32, #tpu.memory_space<vmem>>, vector<16xf32>,
        tpu.vector_store %arg14[%swap3A_1284, %swap3A_1285], %add3A_1283 {strides = array<i32>} : memref<32x768xf32, #tpu.memory_space<vmem>>, vector<16xf32>,
        %get3A_1287 = arith.index_cast %add3A_1248 : i32 to index
        %get3A_1288 = arith.constant 576 : index
        %get3A_1289 = tpu.vector_load %arg12[%get3A_1287, %get3A_1288] {strides = array<i32>} : memref<32x768xf32, #tpu.memory_space<vmem>>, vector<16xf32>,
        %mul3A_1290 = arith.mulf %convert_element_type3A_1250, %get3A_1201 : vector<16xf32>
        %add3A_1291 = arith.addf %get3A_1147, %mul3A_1290 : vector<16xf32>
        %add3A_1292 = arith.addf %get3A_1289, %add3A_1291 : vector<16xf32>
        %swap3A_1293 = arith.index_cast %add3A_1248 : i32 to index
        %swap3A_1294 = arith.constant 576 : index
        %swap3A_1295 = tpu.vector_load %arg14[%swap3A_1293, %swap3A_1294] {strides = array<i32>} : memref<32x768xf32, #tpu.memory_space<vmem>>, vector<16xf32>,
        tpu.vector_store %arg14[%swap3A_1293, %swap3A_1294], %add3A_1292 {strides = array<i32>} : memref<32x768xf32, #tpu.memory_space<vmem>>, vector<16xf32>,
        %get3A_1296 = arith.index_cast %add3A_1248 : i32 to index
        %get3A_1297 = arith.constant 592 : index
        %get3A_1298 = tpu.vector_load %arg12[%get3A_1296, %get3A_1297] {strides = array<i32>} : memref<32x768xf32, #tpu.memory_space<vmem>>, vector<16xf32>,
        %mul3A_1299 = arith.mulf %convert_element_type3A_1250, %get3A_1203 : vector<16xf32>
        %add3A_1300 = arith.addf %get3A_1151, %mul3A_1299 : vector<16xf32>
        %add3A_1301 = arith.addf %get3A_1298, %add3A_1300 : vector<16xf32>
        %swap3A_1302 = arith.index_cast %add3A_1248 : i32 to index
        %swap3A_1303 = arith.constant 592 : index
        %swap3A_1304 = tpu.vector_load %arg14[%swap3A_1302, %swap3A_1303] {strides = array<i32>} : memref<32x768xf32, #tpu.memory_space<vmem>>, vector<16xf32>,
        tpu.vector_store %arg14[%swap3A_1302, %swap3A_1303], %add3A_1301 {strides = array<i32>} : memref<32x768xf32, #tpu.memory_space<vmem>>, vector<16xf32>,
        %get3A_1305 = arith.index_cast %add3A_1248 : i32 to index
        %get3A_1306 = arith.constant 608 : index
        %get3A_1307 = tpu.vector_load %arg12[%get3A_1305, %get3A_1306] {strides = array<i32>} : memref<32x768xf32, #tpu.memory_space<vmem>>, vector<16xf32>,
        %mul3A_1308 = arith.mulf %convert_element_type3A_1250, %get3A_1205 : vector<16xf32>
        %add3A_1309 = arith.addf %get3A_1155, %mul3A_1308 : vector<16xf32>
        %add3A_1310 = arith.addf %get3A_1307, %add3A_1309 : vector<16xf32>
        %swap3A_1311 = arith.index_cast %add3A_1248 : i32 to index
        %swap3A_1312 = arith.constant 608 : index
        %swap3A_1313 = tpu.vector_load %arg14[%swap3A_1311, %swap3A_1312] {strides = array<i32>} : memref<32x768xf32, #tpu.memory_space<vmem>>, vector<16xf32>,
        tpu.vector_store %arg14[%swap3A_1311, %swap3A_1312], %add3A_1310 {strides = array<i32>} : memref<32x768xf32, #tpu.memory_space<vmem>>, vector<16xf32>,
        %get3A_1314 = arith.index_cast %add3A_1248 : i32 to index
        %get3A_1315 = arith.constant 624 : index
        %get3A_1316 = tpu.vector_load %arg12[%get3A_1314, %get3A_1315] {strides = array<i32>} : memref<32x768xf32, #tpu.memory_space<vmem>>, vector<16xf32>,
        %mul3A_1317 = arith.mulf %convert_element_type3A_1250, %get3A_1207 : vector<16xf32>
        %add3A_1318 = arith.addf %get3A_1159, %mul3A_1317 : vector<16xf32>
        %add3A_1319 = arith.addf %get3A_1316, %add3A_1318 : vector<16xf32>
        %swap3A_1320 = arith.index_cast %add3A_1248 : i32 to index
        %swap3A_1321 = arith.constant 624 : index
        %swap3A_1322 = tpu.vector_load %arg14[%swap3A_1320, %swap3A_1321] {strides = array<i32>} : memref<32x768xf32, #tpu.memory_space<vmem>>, vector<16xf32>,
        tpu.vector_store %arg14[%swap3A_1320, %swap3A_1321], %add3A_1319 {strides = array<i32>} : memref<32x768xf32, #tpu.memory_space<vmem>>, vector<16xf32>,
        %get3A_1323 = arith.index_cast %add3A_1248 : i32 to index
        %get3A_1324 = arith.constant 640 : index
        %get3A_1325 = tpu.vector_load %arg12[%get3A_1323, %get3A_1324] {strides = array<i32>} : memref<32x768xf32, #tpu.memory_space<vmem>>, vector<16xf32>,
        %mul3A_1326 = arith.mulf %convert_element_type3A_1250, %get3A_1209 : vector<16xf32>
        %add3A_1327 = arith.addf %get3A_1163, %mul3A_1326 : vector<16xf32>
        %add3A_1328 = arith.addf %get3A_1325, %add3A_1327 : vector<16xf32>
        %swap3A_1329 = arith.index_cast %add3A_1248 : i32 to index
        %swap3A_1330 = arith.constant 640 : index
        %swap3A_1331 = tpu.vector_load %arg14[%swap3A_1329, %swap3A_1330] {strides = array<i32>} : memref<32x768xf32, #tpu.memory_space<vmem>>, vector<16xf32>,
        tpu.vector_store %arg14[%swap3A_1329, %swap3A_1330], %add3A_1328 {strides = array<i32>} : memref<32x768xf32, #tpu.memory_space<vmem>>, vector<16xf32>,
        %get3A_1332 = arith.index_cast %add3A_1248 : i32 to index
        %get3A_1333 = arith.constant 656 : index
        %get3A_1334 = tpu.vector_load %arg12[%get3A_1332, %get3A_1333] {strides = array<i32>} : memref<32x768xf32, #tpu.memory_space<vmem>>, vector<16xf32>,
        %mul3A_1335 = arith.mulf %convert_element_type3A_1250, %get3A_1211 : vector<16xf32>
        %add3A_1336 = arith.addf %get3A_1167, %mul3A_1335 : vector<16xf32>
        %add3A_1337 = arith.addf %get3A_1334, %add3A_1336 : vector<16xf32>
        %swap3A_1338 = arith.index_cast %add3A_1248 : i32 to index
        %swap3A_1339 = arith.constant 656 : index
        %swap3A_1340 = tpu.vector_load %arg14[%swap3A_1338, %swap3A_1339] {strides = array<i32>} : memref<32x768xf32, #tpu.memory_space<vmem>>, vector<16xf32>,
        tpu.vector_store %arg14[%swap3A_1338, %swap3A_1339], %add3A_1337 {strides = array<i32>} : memref<32x768xf32, #tpu.memory_space<vmem>>, vector<16xf32>,
        %get3A_1341 = arith.index_cast %add3A_1248 : i32 to index
        %get3A_1342 = arith.constant 672 : index
        %get3A_1343 = tpu.vector_load %arg12[%get3A_1341, %get3A_1342] {strides = array<i32>} : memref<32x768xf32, #tpu.memory_space<vmem>>, vector<16xf32>,
        %mul3A_1344 = arith.mulf %convert_element_type3A_1250, %get3A_1213 : vector<16xf32>
        %add3A_1345 = arith.addf %get3A_1171, %mul3A_1344 : vector<16xf32>
        %add3A_1346 = arith.addf %get3A_1343, %add3A_1345 : vector<16xf32>
        %swap3A_1347 = arith.index_cast %add3A_1248 : i32 to index
        %swap3A_1348 = arith.constant 672 : index
        %swap3A_1349 = tpu.vector_load %arg14[%swap3A_1347, %swap3A_1348] {strides = array<i32>} : memref<32x768xf32, #tpu.memory_space<vmem>>, vector<16xf32>,
        tpu.vector_store %arg14[%swap3A_1347, %swap3A_1348], %add3A_1346 {strides = array<i32>} : memref<32x768xf32, #tpu.memory_space<vmem>>, vector<16xf32>,
        %get3A_1350 = arith.index_cast %add3A_1248 : i32 to index
        %get3A_1351 = arith.constant 688 : index
        %get3A_1352 = tpu.vector_load %arg12[%get3A_1350, %get3A_1351] {strides = array<i32>} : memref<32x768xf32, #tpu.memory_space<vmem>>, vector<16xf32>,
        %mul3A_1353 = arith.mulf %convert_element_type3A_1250, %get3A_1215 : vector<16xf32>
        %add3A_1354 = arith.addf %get3A_1175, %mul3A_1353 : vector<16xf32>
        %add3A_1355 = arith.addf %get3A_1352, %add3A_1354 : vector<16xf32>
        %swap3A_1356 = arith.index_cast %add3A_1248 : i32 to index
        %swap3A_1357 = arith.constant 688 : index
        %swap3A_1358 = tpu.vector_load %arg14[%swap3A_1356, %swap3A_1357] {strides = array<i32>} : memref<32x768xf32, #tpu.memory_space<vmem>>, vector<16xf32>,
        tpu.vector_store %arg14[%swap3A_1356, %swap3A_1357], %add3A_1355 {strides = array<i32>} : memref<32x768xf32, #tpu.memory_space<vmem>>, vector<16xf32>,
        %get3A_1359 = arith.index_cast %add3A_1248 : i32 to index
        %get3A_1360 = arith.constant 704 : index
        %get3A_1361 = tpu.vector_load %arg12[%get3A_1359, %get3A_1360] {strides = array<i32>} : memref<32x768xf32, #tpu.memory_space<vmem>>, vector<16xf32>,
        %mul3A_1362 = arith.mulf %convert_element_type3A_1250, %get3A_1217 : vector<16xf32>
        %add3A_1363 = arith.addf %get3A_1179, %mul3A_1362 : vector<16xf32>
        %add3A_1364 = arith.addf %get3A_1361, %add3A_1363 : vector<16xf32>
        %swap3A_1365 = arith.index_cast %add3A_1248 : i32 to index
        %swap3A_1366 = arith.constant 704 : index
        %swap3A_1367 = tpu.vector_load %arg14[%swap3A_1365, %swap3A_1366] {strides = array<i32>} : memref<32x768xf32, #tpu.memory_space<vmem>>, vector<16xf32>,
        tpu.vector_store %arg14[%swap3A_1365, %swap3A_1366], %add3A_1364 {strides = array<i32>} : memref<32x768xf32, #tpu.memory_space<vmem>>, vector<16xf32>,
        %get3A_1368 = arith.index_cast %add3A_1248 : i32 to index
        %get3A_1369 = arith.constant 720 : index
        %get3A_1370 = tpu.vector_load %arg12[%get3A_1368, %get3A_1369] {strides = array<i32>} : memref<32x768xf32, #tpu.memory_space<vmem>>, vector<16xf32>,
        %mul3A_1371 = arith.mulf %convert_element_type3A_1250, %get3A_1219 : vector<16xf32>
        %add3A_1372 = arith.addf %get3A_1183, %mul3A_1371 : vector<16xf32>
        %add3A_1373 = arith.addf %get3A_1370, %add3A_1372 : vector<16xf32>
        %swap3A_1374 = arith.index_cast %add3A_1248 : i32 to index
        %swap3A_1375 = arith.constant 720 : index
        %swap3A_1376 = tpu.vector_load %arg14[%swap3A_1374, %swap3A_1375] {strides = array<i32>} : memref<32x768xf32, #tpu.memory_space<vmem>>, vector<16xf32>,
        tpu.vector_store %arg14[%swap3A_1374, %swap3A_1375], %add3A_1373 {strides = array<i32>} : memref<32x768xf32, #tpu.memory_space<vmem>>, vector<16xf32>,
        %get3A_1377 = arith.index_cast %add3A_1248 : i32 to index
        %get3A_1378 = arith.constant 736 : index
        %get3A_1379 = tpu.vector_load %arg12[%get3A_1377, %get3A_1378] {strides = array<i32>} : memref<32x768xf32, #tpu.memory_space<vmem>>, vector<16xf32>,
        %mul3A_1380 = arith.mulf %convert_element_type3A_1250, %get3A_1221 : vector<16xf32>
        %add3A_1381 = arith.addf %get3A_1187, %mul3A_1380 : vector<16xf32>
        %add3A_1382 = arith.addf %get3A_1379, %add3A_1381 : vector<16xf32>
        %swap3A_1383 = arith.index_cast %add3A_1248 : i32 to index
        %swap3A_1384 = arith.constant 736 : index
        %swap3A_1385 = tpu.vector_load %arg14[%swap3A_1383, %swap3A_1384] {strides = array<i32>} : memref<32x768xf32, #tpu.memory_space<vmem>>, vector<16xf32>,
        tpu.vector_store %arg14[%swap3A_1383, %swap3A_1384], %add3A_1382 {strides = array<i32>} : memref<32x768xf32, #tpu.memory_space<vmem>>, vector<16xf32>,
        %get3A_1386 = arith.index_cast %add3A_1248 : i32 to index
        %get3A_1387 = arith.constant 752 : index
        %get3A_1388 = tpu.vector_load %arg12[%get3A_1386, %get3A_1387] {strides = array<i32>} : memref<32x768xf32, #tpu.memory_space<vmem>>, vector<16xf32>,
        %mul3A_1389 = arith.mulf %convert_element_type3A_1250, %get3A_1223 : vector<16xf32>
        %add3A_1390 = arith.addf %get3A_1191, %mul3A_1389 : vector<16xf32>
        %add3A_1391 = arith.addf %get3A_1388, %add3A_1390 : vector<16xf32>
        %swap3A_1392 = arith.index_cast %add3A_1248 : i32 to index
        %swap3A_1393 = arith.constant 752 : index
        %swap3A_1394 = tpu.vector_load %arg14[%swap3A_1392, %swap3A_1393] {strides = array<i32>} : memref<32x768xf32, #tpu.memory_space<vmem>>, vector<16xf32>,
        tpu.vector_store %arg14[%swap3A_1392, %swap3A_1393], %add3A_1391 {strides = array<i32>} : memref<32x768xf32, #tpu.memory_space<vmem>>, vector<16xf32>,
        %mul3A_1395 = arith.constant 2 : i32
        %mul3A_1396 = arith.muli %scan3A_1244, %mul3A_1395 : i32
        %add3A_1397 = arith.constant 1 : i32
        %add3A_1398 = arith.addi %mul3A_1396, %add3A_1397 : i32
        %broadcast_in_dim3A_1399 = vector.broadcast %add3A_912 : i32 to vector<16xi32>
        %broadcast_in_dim3A_1400 = vector.broadcast %add3A_1398 : i32 to vector<16xi32>
        %gather3A_1401 = tpu.vector_load_idx %arg8[%broadcast_in_dim3A_1399, %broadcast_in_dim3A_1400] : memref<32x32xi32, #tpu.memory_space<vmem>>[vector<16xi32>, vector<16xi32>], vector<16xi32>,
        %convert_element_type3A_1402 = arith.sitofp %gather3A_1401 : vector<16xi32> to vector<16xf32>
        %get3A_1403 = arith.index_cast %add3A_1398 : i32 to index
        %get3A_1404 = arith.constant 512 : index
        %get3A_1405 = tpu.vector_load %arg12[%get3A_1403, %get3A_1404] {strides = array<i32>} : memref<32x768xf32, #tpu.memory_space<vmem>>, vector<16xf32>,
        %mul3A_1406 = arith.mulf %convert_element_type3A_1402, %get3A_1193 : vector<16xf32>
        %add3A_1407 = arith.addf %get3A_1131, %mul3A_1406 : vector<16xf32>
        %add3A_1408 = arith.addf %get3A_1405, %add3A_1407 : vector<16xf32>
        %swap3A_1409 = arith.index_cast %add3A_1398 : i32 to index
        %swap3A_1410 = arith.constant 512 : index
        %swap3A_1411 = tpu.vector_load %arg14[%swap3A_1409, %swap3A_1410] {strides = array<i32>} : memref<32x768xf32, #tpu.memory_space<vmem>>, vector<16xf32>,
        tpu.vector_store %arg14[%swap3A_1409, %swap3A_1410], %add3A_1408 {strides = array<i32>} : memref<32x768xf32, #tpu.memory_space<vmem>>, vector<16xf32>,
        %get3A_1412 = arith.index_cast %add3A_1398 : i32 to index
        %get3A_1413 = arith.constant 528 : index
        %get3A_1414 = tpu.vector_load %arg12[%get3A_1412, %get3A_1413] {strides = array<i32>} : memref<32x768xf32, #tpu.memory_space<vmem>>, vector<16xf32>,
        %mul3A_1415 = arith.mulf %convert_element_type3A_1402, %get3A_1195 : vector<16xf32>
        %add3A_1416 = arith.addf %get3A_1135, %mul3A_1415 : vector<16xf32>
        %add3A_1417 = arith.addf %get3A_1414, %add3A_1416 : vector<16xf32>
        %swap3A_1418 = arith.index_cast %add3A_1398 : i32 to index
        %swap3A_1419 = arith.constant 528 : index
        %swap3A_1420 = tpu.vector_load %arg14[%swap3A_1418, %swap3A_1419] {strides = array<i32>} : memref<32x768xf32, #tpu.memory_space<vmem>>, vector<16xf32>,
        tpu.vector_store %arg14[%swap3A_1418, %swap3A_1419], %add3A_1417 {strides = array<i32>} : memref<32x768xf32, #tpu.memory_space<vmem>>, vector<16xf32>,
        %get3A_1421 = arith.index_cast %add3A_1398 : i32 to index
        %get3A_1422 = arith.constant 544 : index
        %get3A_1423 = tpu.vector_load %arg12[%get3A_1421, %get3A_1422] {strides = array<i32>} : memref<32x768xf32, #tpu.memory_space<vmem>>, vector<16xf32>,
        %mul3A_1424 = arith.mulf %convert_element_type3A_1402, %get3A_1197 : vector<16xf32>
        %add3A_1425 = arith.addf %get3A_1139, %mul3A_1424 : vector<16xf32>
        %add3A_1426 = arith.addf %get3A_1423, %add3A_1425 : vector<16xf32>
        %swap3A_1427 = arith.index_cast %add3A_1398 : i32 to index
        %swap3A_1428 = arith.constant 544 : index
        %swap3A_1429 = tpu.vector_load %arg14[%swap3A_1427, %swap3A_1428] {strides = array<i32>} : memref<32x768xf32, #tpu.memory_space<vmem>>, vector<16xf32>,
        tpu.vector_store %arg14[%swap3A_1427, %swap3A_1428], %add3A_1426 {strides = array<i32>} : memref<32x768xf32, #tpu.memory_space<vmem>>, vector<16xf32>,
        %get3A_1430 = arith.index_cast %add3A_1398 : i32 to index
        %get3A_1431 = arith.constant 560 : index
        %get3A_1432 = tpu.vector_load %arg12[%get3A_1430, %get3A_1431] {strides = array<i32>} : memref<32x768xf32, #tpu.memory_space<vmem>>, vector<16xf32>,
        %mul3A_1433 = arith.mulf %convert_element_type3A_1402, %get3A_1199 : vector<16xf32>
        %add3A_1434 = arith.addf %get3A_1143, %mul3A_1433 : vector<16xf32>
        %add3A_1435 = arith.addf %get3A_1432, %add3A_1434 : vector<16xf32>
        %swap3A_1436 = arith.index_cast %add3A_1398 : i32 to index
        %swap3A_1437 = arith.constant 560 : index
        %swap3A_1438 = tpu.vector_load %arg14[%swap3A_1436, %swap3A_1437] {strides = array<i32>} : memref<32x768xf32, #tpu.memory_space<vmem>>, vector<16xf32>,
        tpu.vector_store %arg14[%swap3A_1436, %swap3A_1437], %add3A_1435 {strides = array<i32>} : memref<32x768xf32, #tpu.memory_space<vmem>>, vector<16xf32>,
        %get3A_1439 = arith.index_cast %add3A_1398 : i32 to index
        %get3A_1440 = arith.constant 576 : index
        %get3A_1441 = tpu.vector_load %arg12[%get3A_1439, %get3A_1440] {strides = array<i32>} : memref<32x768xf32, #tpu.memory_space<vmem>>, vector<16xf32>,
        %mul3A_1442 = arith.mulf %convert_element_type3A_1402, %get3A_1201 : vector<16xf32>
        %add3A_1443 = arith.addf %get3A_1147, %mul3A_1442 : vector<16xf32>
        %add3A_1444 = arith.addf %get3A_1441, %add3A_1443 : vector<16xf32>
        %swap3A_1445 = arith.index_cast %add3A_1398 : i32 to index
        %swap3A_1446 = arith.constant 576 : index
        %swap3A_1447 = tpu.vector_load %arg14[%swap3A_1445, %swap3A_1446] {strides = array<i32>} : memref<32x768xf32, #tpu.memory_space<vmem>>, vector<16xf32>,
        tpu.vector_store %arg14[%swap3A_1445, %swap3A_1446], %add3A_1444 {strides = array<i32>} : memref<32x768xf32, #tpu.memory_space<vmem>>, vector<16xf32>,
        %get3A_1448 = arith.index_cast %add3A_1398 : i32 to index
        %get3A_1449 = arith.constant 592 : index
        %get3A_1450 = tpu.vector_load %arg12[%get3A_1448, %get3A_1449] {strides = array<i32>} : memref<32x768xf32, #tpu.memory_space<vmem>>, vector<16xf32>,
        %mul3A_1451 = arith.mulf %convert_element_type3A_1402, %get3A_1203 : vector<16xf32>
        %add3A_1452 = arith.addf %get3A_1151, %mul3A_1451 : vector<16xf32>
        %add3A_1453 = arith.addf %get3A_1450, %add3A_1452 : vector<16xf32>
        %swap3A_1454 = arith.index_cast %add3A_1398 : i32 to index
        %swap3A_1455 = arith.constant 592 : index
        %swap3A_1456 = tpu.vector_load %arg14[%swap3A_1454, %swap3A_1455] {strides = array<i32>} : memref<32x768xf32, #tpu.memory_space<vmem>>, vector<16xf32>,
        tpu.vector_store %arg14[%swap3A_1454, %swap3A_1455], %add3A_1453 {strides = array<i32>} : memref<32x768xf32, #tpu.memory_space<vmem>>, vector<16xf32>,
        %get3A_1457 = arith.index_cast %add3A_1398 : i32 to index
        %get3A_1458 = arith.constant 608 : index
        %get3A_1459 = tpu.vector_load %arg12[%get3A_1457, %get3A_1458] {strides = array<i32>} : memref<32x768xf32, #tpu.memory_space<vmem>>, vector<16xf32>,
        %mul3A_1460 = arith.mulf %convert_element_type3A_1402, %get3A_1205 : vector<16xf32>
        %add3A_1461 = arith.addf %get3A_1155, %mul3A_1460 : vector<16xf32>
        %add3A_1462 = arith.addf %get3A_1459, %add3A_1461 : vector<16xf32>
        %swap3A_1463 = arith.index_cast %add3A_1398 : i32 to index
        %swap3A_1464 = arith.constant 608 : index
        %swap3A_1465 = tpu.vector_load %arg14[%swap3A_1463, %swap3A_1464] {strides = array<i32>} : memref<32x768xf32, #tpu.memory_space<vmem>>, vector<16xf32>,
        tpu.vector_store %arg14[%swap3A_1463, %swap3A_1464], %add3A_1462 {strides = array<i32>} : memref<32x768xf32, #tpu.memory_space<vmem>>, vector<16xf32>,
        %get3A_1466 = arith.index_cast %add3A_1398 : i32 to index
        %get3A_1467 = arith.constant 624 : index
        %get3A_1468 = tpu.vector_load %arg12[%get3A_1466, %get3A_1467] {strides = array<i32>} : memref<32x768xf32, #tpu.memory_space<vmem>>, vector<16xf32>,
        %mul3A_1469 = arith.mulf %convert_element_type3A_1402, %get3A_1207 : vector<16xf32>
        %add3A_1470 = arith.addf %get3A_1159, %mul3A_1469 : vector<16xf32>
        %add3A_1471 = arith.addf %get3A_1468, %add3A_1470 : vector<16xf32>
        %swap3A_1472 = arith.index_cast %add3A_1398 : i32 to index
        %swap3A_1473 = arith.constant 624 : index
        %swap3A_1474 = tpu.vector_load %arg14[%swap3A_1472, %swap3A_1473] {strides = array<i32>} : memref<32x768xf32, #tpu.memory_space<vmem>>, vector<16xf32>,
        tpu.vector_store %arg14[%swap3A_1472, %swap3A_1473], %add3A_1471 {strides = array<i32>} : memref<32x768xf32, #tpu.memory_space<vmem>>, vector<16xf32>,
        %get3A_1475 = arith.index_cast %add3A_1398 : i32 to index
        %get3A_1476 = arith.constant 640 : index
        %get3A_1477 = tpu.vector_load %arg12[%get3A_1475, %get3A_1476] {strides = array<i32>} : memref<32x768xf32, #tpu.memory_space<vmem>>, vector<16xf32>,
        %mul3A_1478 = arith.mulf %convert_element_type3A_1402, %get3A_1209 : vector<16xf32>
        %add3A_1479 = arith.addf %get3A_1163, %mul3A_1478 : vector<16xf32>
        %add3A_1480 = arith.addf %get3A_1477, %add3A_1479 : vector<16xf32>
        %swap3A_1481 = arith.index_cast %add3A_1398 : i32 to index
        %swap3A_1482 = arith.constant 640 : index
        %swap3A_1483 = tpu.vector_load %arg14[%swap3A_1481, %swap3A_1482] {strides = array<i32>} : memref<32x768xf32, #tpu.memory_space<vmem>>, vector<16xf32>,
        tpu.vector_store %arg14[%swap3A_1481, %swap3A_1482], %add3A_1480 {strides = array<i32>} : memref<32x768xf32, #tpu.memory_space<vmem>>, vector<16xf32>,
        %get3A_1484 = arith.index_cast %add3A_1398 : i32 to index
        %get3A_1485 = arith.constant 656 : index
        %get3A_1486 = tpu.vector_load %arg12[%get3A_1484, %get3A_1485] {strides = array<i32>} : memref<32x768xf32, #tpu.memory_space<vmem>>, vector<16xf32>,
        %mul3A_1487 = arith.mulf %convert_element_type3A_1402, %get3A_1211 : vector<16xf32>
        %add3A_1488 = arith.addf %get3A_1167, %mul3A_1487 : vector<16xf32>
        %add3A_1489 = arith.addf %get3A_1486, %add3A_1488 : vector<16xf32>
        %swap3A_1490 = arith.index_cast %add3A_1398 : i32 to index
        %swap3A_1491 = arith.constant 656 : index
        %swap3A_1492 = tpu.vector_load %arg14[%swap3A_1490, %swap3A_1491] {strides = array<i32>} : memref<32x768xf32, #tpu.memory_space<vmem>>, vector<16xf32>,
        tpu.vector_store %arg14[%swap3A_1490, %swap3A_1491], %add3A_1489 {strides = array<i32>} : memref<32x768xf32, #tpu.memory_space<vmem>>, vector<16xf32>,
        %get3A_1493 = arith.index_cast %add3A_1398 : i32 to index
        %get3A_1494 = arith.constant 672 : index
        %get3A_1495 = tpu.vector_load %arg12[%get3A_1493, %get3A_1494] {strides = array<i32>} : memref<32x768xf32, #tpu.memory_space<vmem>>, vector<16xf32>,
        %mul3A_1496 = arith.mulf %convert_element_type3A_1402, %get3A_1213 : vector<16xf32>
        %add3A_1497 = arith.addf %get3A_1171, %mul3A_1496 : vector<16xf32>
        %add3A_1498 = arith.addf %get3A_1495, %add3A_1497 : vector<16xf32>
        %swap3A_1499 = arith.index_cast %add3A_1398 : i32 to index
        %swap3A_1500 = arith.constant 672 : index
        %swap3A_1501 = tpu.vector_load %arg14[%swap3A_1499, %swap3A_1500] {strides = array<i32>} : memref<32x768xf32, #tpu.memory_space<vmem>>, vector<16xf32>,
        tpu.vector_store %arg14[%swap3A_1499, %swap3A_1500], %add3A_1498 {strides = array<i32>} : memref<32x768xf32, #tpu.memory_space<vmem>>, vector<16xf32>,
        %get3A_1502 = arith.index_cast %add3A_1398 : i32 to index
        %get3A_1503 = arith.constant 688 : index
        %get3A_1504 = tpu.vector_load %arg12[%get3A_1502, %get3A_1503] {strides = array<i32>} : memref<32x768xf32, #tpu.memory_space<vmem>>, vector<16xf32>,
        %mul3A_1505 = arith.mulf %convert_element_type3A_1402, %get3A_1215 : vector<16xf32>
        %add3A_1506 = arith.addf %get3A_1175, %mul3A_1505 : vector<16xf32>
        %add3A_1507 = arith.addf %get3A_1504, %add3A_1506 : vector<16xf32>
        %swap3A_1508 = arith.index_cast %add3A_1398 : i32 to index
        %swap3A_1509 = arith.constant 688 : index
        %swap3A_1510 = tpu.vector_load %arg14[%swap3A_1508, %swap3A_1509] {strides = array<i32>} : memref<32x768xf32, #tpu.memory_space<vmem>>, vector<16xf32>,
        tpu.vector_store %arg14[%swap3A_1508, %swap3A_1509], %add3A_1507 {strides = array<i32>} : memref<32x768xf32, #tpu.memory_space<vmem>>, vector<16xf32>,
        %get3A_1511 = arith.index_cast %add3A_1398 : i32 to index
        %get3A_1512 = arith.constant 704 : index
        %get3A_1513 = tpu.vector_load %arg12[%get3A_1511, %get3A_1512] {strides = array<i32>} : memref<32x768xf32, #tpu.memory_space<vmem>>, vector<16xf32>,
        %mul3A_1514 = arith.mulf %convert_element_type3A_1402, %get3A_1217 : vector<16xf32>
        %add3A_1515 = arith.addf %get3A_1179, %mul3A_1514 : vector<16xf32>
        %add3A_1516 = arith.addf %get3A_1513, %add3A_1515 : vector<16xf32>
        %swap3A_1517 = arith.index_cast %add3A_1398 : i32 to index
        %swap3A_1518 = arith.constant 704 : index
        %swap3A_1519 = tpu.vector_load %arg14[%swap3A_1517, %swap3A_1518] {strides = array<i32>} : memref<32x768xf32, #tpu.memory_space<vmem>>, vector<16xf32>,
        tpu.vector_store %arg14[%swap3A_1517, %swap3A_1518], %add3A_1516 {strides = array<i32>} : memref<32x768xf32, #tpu.memory_space<vmem>>, vector<16xf32>,
        %get3A_1520 = arith.index_cast %add3A_1398 : i32 to index
        %get3A_1521 = arith.constant 720 : index
        %get3A_1522 = tpu.vector_load %arg12[%get3A_1520, %get3A_1521] {strides = array<i32>} : memref<32x768xf32, #tpu.memory_space<vmem>>, vector<16xf32>,
        %mul3A_1523 = arith.mulf %convert_element_type3A_1402, %get3A_1219 : vector<16xf32>
        %add3A_1524 = arith.addf %get3A_1183, %mul3A_1523 : vector<16xf32>
        %add3A_1525 = arith.addf %get3A_1522, %add3A_1524 : vector<16xf32>
        %swap3A_1526 = arith.index_cast %add3A_1398 : i32 to index
        %swap3A_1527 = arith.constant 720 : index
        %swap3A_1528 = tpu.vector_load %arg14[%swap3A_1526, %swap3A_1527] {strides = array<i32>} : memref<32x768xf32, #tpu.memory_space<vmem>>, vector<16xf32>,
        tpu.vector_store %arg14[%swap3A_1526, %swap3A_1527], %add3A_1525 {strides = array<i32>} : memref<32x768xf32, #tpu.memory_space<vmem>>, vector<16xf32>,
        %get3A_1529 = arith.index_cast %add3A_1398 : i32 to index
        %get3A_1530 = arith.constant 736 : index
        %get3A_1531 = tpu.vector_load %arg12[%get3A_1529, %get3A_1530] {strides = array<i32>} : memref<32x768xf32, #tpu.memory_space<vmem>>, vector<16xf32>,
        %mul3A_1532 = arith.mulf %convert_element_type3A_1402, %get3A_1221 : vector<16xf32>
        %add3A_1533 = arith.addf %get3A_1187, %mul3A_1532 : vector<16xf32>
        %add3A_1534 = arith.addf %get3A_1531, %add3A_1533 : vector<16xf32>
        %swap3A_1535 = arith.index_cast %add3A_1398 : i32 to index
        %swap3A_1536 = arith.constant 736 : index
        %swap3A_1537 = tpu.vector_load %arg14[%swap3A_1535, %swap3A_1536] {strides = array<i32>} : memref<32x768xf32, #tpu.memory_space<vmem>>, vector<16xf32>,
        tpu.vector_store %arg14[%swap3A_1535, %swap3A_1536], %add3A_1534 {strides = array<i32>} : memref<32x768xf32, #tpu.memory_space<vmem>>, vector<16xf32>,
        %get3A_1538 = arith.index_cast %add3A_1398 : i32 to index
        %get3A_1539 = arith.constant 752 : index
        %get3A_1540 = tpu.vector_load %arg12[%get3A_1538, %get3A_1539] {strides = array<i32>} : memref<32x768xf32, #tpu.memory_space<vmem>>, vector<16xf32>,
        %mul3A_1541 = arith.mulf %convert_element_type3A_1402, %get3A_1223 : vector<16xf32>
        %add3A_1542 = arith.addf %get3A_1191, %mul3A_1541 : vector<16xf32>
        %add3A_1543 = arith.addf %get3A_1540, %add3A_1542 : vector<16xf32>
        %swap3A_1544 = arith.index_cast %add3A_1398 : i32 to index
        %swap3A_1545 = arith.constant 752 : index
        %swap3A_1546 = tpu.vector_load %arg14[%swap3A_1544, %swap3A_1545] {strides = array<i32>} : memref<32x768xf32, #tpu.memory_space<vmem>>, vector<16xf32>,
        tpu.vector_store %arg14[%swap3A_1544, %swap3A_1545], %add3A_1543 {strides = array<i32>} : memref<32x768xf32, #tpu.memory_space<vmem>>, vector<16xf32>,
      }
      %scan3A_1229 = arith.constant 16 : i32
      %add3A_1230 = arith.addi %mul3A_2, %add3A_912 : i32
      %mul3A_1231 = arith.constant 32 : i32
      %mul3A_1232 = arith.muli %add3A_1230, %mul3A_1231 : i32
      %dma_start3A_1233 = arith.constant 0 : i32
      %dma_start3A_1234 = tpu.memref_slice %arg6[%mul3A_1232, %dma_start3A_1233] : memref<32768x768xf32, #tpu.memory_space<hbm>> -> memref<32x768xf32, #tpu.memory_space<hbm>>
      %dma_start3A_1235 = arith.constant 0 : i32
      %dma_start3A_1236 = tpu.memref_slice %arg6[%mul3A_1232, %dma_start3A_1235] : memref<32768x768xf32, #tpu.memory_space<hbm>> -> memref<32x768xf32, #tpu.memory_space<hbm>>
      tpu.enqueue_dma source(%arg14 : memref<32x768xf32, #tpu.memory_space<vmem>>) target(%dma_start3A_1236 : memref<32x768xf32, #tpu.memory_space<hbm>>) target_semaphore(%arg18 : memref<!tpu.dma_semaphore, #tpu.memory_space<semaphore_mem>>)
      %add3A_1237 = arith.constant 2 : i32
      %add3A_1238 = arith.addi %add3A_912, %add3A_1237 : i32
      %lt3A_1239 = arith.constant 32 : i32
      %lt3A_1240 = arith.cmpi slt, %add3A_1238, %lt3A_1239 : i32
      %convert_element_type3A_1241 = arith.extui %lt3A_1240 : i1 to i32
      %cond3A_1242 = arith.constant 0 : i32
      %cond3A_1243 = arith.cmpi ne, %convert_element_type3A_1241, %cond3A_1242 : i32
      scf.if %cond3A_1243 {
        %add3A_1244 = arith.constant 2 : i32
        %add3A_1245 = arith.addi %add3A_912, %add3A_1244 : i32
        %dma_start3A_1246 = arith.constant 0 : i32
        %dma_start3A_1247 = tpu.memref_slice %arg7[%add3A_1245, %dma_start3A_1246] : memref<32x32xi32, #tpu.memory_space<vmem>> -> memref<1x32xi32, #tpu.memory_space<vmem>>
        %dma_start3A_1248 = tpu.memref_squeeze %dma_start3A_1247 : memref<1x32xi32, #tpu.memory_space<vmem>> -> memref<32xi32, #tpu.memory_space<vmem>>
        %dma_start3A_1249 = arith.constant 0 : i32
        %dma_start3A_1250 = arith.constant 0 : i32
        %dma_start3A_1251 = tpu.memref_slice %arg4[%dma_start3A_1249, %dma_start3A_1250] : memref<100000x768xf32, #tpu.memory_space<hbm>> -> memref<100000x768xf32, #tpu.memory_space<hbm>>
        tpu.enqueue_indirect_dma source(%dma_start3A_1251 : memref<100000x768xf32, #tpu.memory_space<hbm>>) target(%arg12 : memref<32x768xf32, #tpu.memory_space<vmem>>) offsets(%dma_start3A_1248 : memref<32xi32, #tpu.memory_space<vmem>>) semaphore(%arg16 : memref<!tpu.dma_semaphore, #tpu.memory_space<semaphore_mem>>)
      } else {
      }
    }
    %scan3A_560 = arith.constant 16 : i32
    %add3A_561 = arith.constant 30 : i32
    %add3A_562 = arith.addi %mul3A_2, %add3A_561 : i32
    %mul3A_563 = arith.constant 32 : i32
    %mul3A_564 = arith.muli %add3A_562, %mul3A_563 : i32
    %dma_wait3A_565 = arith.constant 0 : i32
    %dma_wait3A_566 = tpu.memref_slice %arg6[%mul3A_564, %dma_wait3A_565] : memref<32768x768xf32, #tpu.memory_space<hbm>> -> memref<32x768xf32, #tpu.memory_space<hbm>>
    %dma_wait3A_567 = arith.constant 0 : i32
    %dma_wait3A_568 = tpu.memref_slice %arg6[%mul3A_564, %dma_wait3A_567] : memref<32768x768xf32, #tpu.memory_space<hbm>> -> memref<32x768xf32, #tpu.memory_space<hbm>>
    tpu.wait_dma2 semaphore(%arg17 : memref<!tpu.dma_semaphore, #tpu.memory_space<semaphore_mem>>) src(%arg13 : memref<32x768xf32, #tpu.memory_space<vmem>>) dst(%dma_wait3A_568 : memref<32x768xf32, #tpu.memory_space<hbm>>)
    %add3A_569 = arith.constant 31 : i32
    %add3A_570 = arith.addi %mul3A_2, %add3A_569 : i32
    %mul3A_571 = arith.constant 32 : i32
    %mul3A_572 = arith.muli %add3A_570, %mul3A_571 : i32
    %dma_wait3A_573 = arith.constant 0 : i32
    %dma_wait3A_574 = tpu.memref_slice %arg6[%mul3A_572, %dma_wait3A_573] : memref<32768x768xf32, #tpu.memory_space<hbm>> -> memref<32x768xf32, #tpu.memory_space<hbm>>
    %dma_wait3A_575 = arith.constant 0 : i32
    %dma_wait3A_576 = tpu.memref_slice %arg6[%mul3A_572, %dma_wait3A_575] : memref<32768x768xf32, #tpu.memory_space<hbm>> -> memref<32x768xf32, #tpu.memory_space<hbm>>
    tpu.wait_dma2 semaphore(%arg18 : memref<!tpu.dma_semaphore, #tpu.memory_space<semaphore_mem>>) src(%arg14 : memref<32x768xf32, #tpu.memory_space<vmem>>) dst(%dma_wait3A_576 : memref<32x768xf32, #tpu.memory_space<hbm>>)
    return
  }
}

</mosaic_0001>

<sc_bundles>
// kernel: kernel.3.cloned.1.call-start
scs
__scs_entry_jumppad:
0x0: {  	(pc) =	sbr.rel $0x88, $3  }
0x1: {  	(tag) =	ssettag $0x0;
	lr =	simm.s32 $0x1  }
0x2: {  	[smem:$0x3F9D] =	sst lr;
	_ =	strace $0xD0000000  }
0x3: {  	_ = 	snop  }
0x4: {  	_ = 	snop  }
0x5: {  	_ = 	snop  }
0x6: {  	_ = 	snop  }
0x7: {  	_ = 	snop  }
__scs_overlays_trampoline_lowered:
0x8: {  	[smem:$0x3FAC] =	sst s0  }
0x9: {  	[smem:$0x3FAD] =	sst s1  }
0xa: {  	[smem:$0x3FAE] =	sst s2  }
0xb: {  	[smem:$0x3FAF] =	sst s3  }
0xc: {  	[smem:$0x3FB0] =	sst s4  }
0xd: {  	[smem:$0x3FB1] =	sst s5  }
0xe: {  	[smem:$0x3FB2] =	sst s6  }
0xf: {  	[smem:$0x3FB3] =	sst s7  }
0x10: {  	[smem:$0x3FB4] =	sst s8  }
0x11: {  	[smem:$0x3FB5] =	sst s9;
	s0 =	simm.s32 @!p0 $0x0  }
0x12: {  	s1 =	sld [smem:$0x3F9B];
	s0 =	simm.s32 @p0 $0x1  }
0x13: {  	[smem:$0x3FB6] =	sst s0;
	s0 =	simm.s32 @!p1 $0x0  }
0x14: {  	s2 =	sld [smem:$0x3F9A];
	s0 =	simm.s32 @p1 $0x1  }
0x15: {  	[smem:$0x3FB7] =	sst s0;
	s0 =	simm.s32 @!p2 $0x0  }
0x16: {  	s3 =	sld [smem:$0x3FDB];
	s0 =	simm.s32 @p2 $0x1  }
0x17: {  	s4 =	simm.s32 $0x1BF5;
	[smem:$0x3FB9] =	sst s0  }
0x18: {  	s0 =	sld [smem:$0x3F9C];
	_ =	swait.ge [sflag:s4], $0x0  }
0x19: {  	s7 =	sld [smem:$0x3F9D]  }
0x1a: {  	s8 =	sadd.s32 $0xFFFFE003, lr  }
0x1b: {  	s9 =	sadd.s32 $0xFFFFFEF7, lr;
	s5 =	simm.s32 $0xFFFFFFFF;
	p2 =	slt.u32 s8, $0xFFFFF086  }
0x1c: {  	p1 =	slt.u32 s9, $0xF7A;
	s5 =	simm.s32 @!p2 $0x0  }
0x1d: {  	s5 =	simm.s32 @p1 $0x1;
	p0 =	seq.s32 s7, s2  }
0x1e: {  	s7 =	smul.u32 @!p0 $0xF7A, s2;
	p2 =	seq.s32 @!p0 s5, $0x0  }
0x1f: {  	s9 =	smul.u32 $0xF7A, s1;
	s8 =	simm.s32 @!p0 $0x1BF5;
	p2 =	por !p2, p0  }
0x20: {  	[sflag:s8] =	ssyncset.s32 @!p0 $0xFFFFF086;
	s6 =	sadd.s32 @!p0 s3, s7;
	s7 =	simm.s32 @!p0 $0x108  }
0x21: {  	s3 =	sadd.s32 s3, s9;
	s6 =	sadd.s32 @!p0 $0x88, s6;
	s7 =	simm.s32 @p2 $0x1082  }
0x22: {  	[simem:s7], [sflag:s8] =	dma.local @!p0 [hbm:s6], $0xF7A  }
0x23: {  	s9 =	sor.u32 $0xD0000000, s2;
	s6 =	simm.s32 $0x108;
	_ =	swait.ge @!p0 [sflag:s8], $0x0  }
0x24: {  	s3 =	sadd.s32 $0x88, s3;
	s6 =	simm.s32 @!p1 $0x1082;
	[sflag:s4] =	ssyncset.s32 $0xFFFFF086  }
0x25: {  	[simem:s6], [sflag:s4] =	dma.local [hbm:s3], $0xF7A  }
0x26: {  	[smem:$0x3F9D] =	sst s1;
	(tag) =	ssettag s2;
	_ =	strace s9  }
0x27: {  	s1 =	sld [smem:$0x3FAD]  }
0x28: {  	s2 =	sld [smem:$0x3FAE]  }
0x29: {  	s4 =	sld [smem:$0x3FB0]  }
0x2a: {  	p0 =	seq.s32 s5, $0x0;
	s5 =	sld [smem:$0x3FB1]  }
0x2b: {  	s6 =	sld [smem:$0x3FB2]  }
0x2c: {  	s7 =	sld [smem:$0x3FB3]  }
0x2d: {  	s3 =	simm.s32 $0x108;
	s8 =	sld [smem:$0x3FB4]  }
0x2e: {  	s3 =	simm.s32 @!p0 $0x1082;
	s9 =	sld [smem:$0x3FB5]  }
0x2f: {  	lr =	sadd.s32 s0, s3;
	s0 =	sld [smem:$0x3FAC]  }
0x30: {  	s3 =	sld [smem:$0x3FAF]  }
0x31: {  	[smem:$0x3FB8] =	sst s10  }
0x32: {  	s10 =	sld [smem:$0x3FB6];
	_ =	sdelay $0x3  }
0x33: {  	p0 =	seq.s32 s10, $0x1;
	s10 =	sld [smem:$0x3FB8];
	_ =	sdelay $0x3  }
0x34: {  	[smem:$0x3FB8] =	sst s10  }
0x35: {  	s10 =	sld [smem:$0x3FB7];
	_ =	sdelay $0x3  }
0x36: {  	p1 =	seq.s32 s10, $0x1;
	s10 =	sld [smem:$0x3FB8];
	_ =	sdelay $0x3  }
0x37: {  	[smem:$0x3FB8] =	sst s10  }
0x38: {  	s10 =	sld [smem:$0x3FB9]  }
0x39: {  	_ = 	snop;
	(pc) =	sbr.ind lr, $3  }
0x3a: {  	_ = 	snop  }
0x3b: {  	_ = 	snop  }
0x3c: {  	p2 =	seq.s32 s10, $0x1;
	s10 =	sld [smem:$0x3FB8]  }
0x3d: {  	_ =	shalt  }
0x3e: {  	_ =	shalt  }
0x3f: {  	_ =	shalt  }
0x40: {  	_ =	shalt  }
0x41: {  	_ =	shalt  }
0x42: {  	_ =	shalt  }
0x43: {  	_ =	shalt  }
0x44: {  	_ =	shalt  }
0x45: {  	_ =	shalt  }
0x46: {  	_ =	shalt  }
0x47: {  	_ =	shalt  }
0x48: {  	_ =	shalt  }
0x49: {  	_ =	shalt  }
0x4a: {  	_ =	shalt  }
0x4b: {  	_ =	shalt  }
0x4c: {  	_ =	shalt  }
0x4d: {  	_ =	shalt  }
0x4e: {  	_ =	shalt  }
0x4f: {  	_ =	shalt  }
0x50: {  	_ =	shalt  }
0x51: {  	_ =	shalt  }
0x52: {  	_ =	shalt  }
0x53: {  	_ =	shalt  }
0x54: {  	_ =	shalt  }
0x55: {  	_ =	shalt  }
0x56: {  	_ =	shalt  }
0x57: {  	_ =	shalt  }
0x58: {  	_ =	shalt  }
0x59: {  	_ =	shalt  }
0x5a: {  	_ =	shalt  }
0x5b: {  	_ =	shalt  }
0x5c: {  	_ =	shalt  }
0x5d: {  	_ =	shalt  }
0x5e: {  	_ =	shalt  }
0x5f: {  	_ =	shalt  }
0x60: {  	_ =	shalt  }
0x61: {  	_ =	shalt  }
0x62: {  	_ =	shalt  }
0x63: {  	_ =	shalt  }
0x64: {  	_ =	shalt  }
0x65: {  	_ =	shalt  }
0x66: {  	_ =	shalt  }
0x67: {  	_ =	shalt  }
0x68: {  	_ =	shalt  }
0x69: {  	_ =	shalt  }
0x6a: {  	_ =	shalt  }
0x6b: {  	_ =	shalt  }
0x6c: {  	_ =	shalt  }
0x6d: {  	_ =	shalt  }
0x6e: {  	_ =	shalt  }
0x6f: {  	_ =	shalt  }
0x70: {  	_ =	shalt  }
0x71: {  	_ =	shalt  }
0x72: {  	_ =	shalt  }
0x73: {  	_ =	shalt  }
0x74: {  	_ =	shalt  }
0x75: {  	_ =	shalt  }
0x76: {  	_ =	shalt  }
0x77: {  	_ =	shalt  }
0x78: {  	_ =	shalt  }
0x79: {  	_ =	shalt  }
0x7a: {  	_ =	shalt  }
0x7b: {  	_ =	shalt  }
0x7c: {  	_ =	shalt  }
0x7d: {  	_ =	shalt  }
0x7e: {  	_ =	shalt  }
0x7f: {  	_ =	shalt  }
0x80: {  	_ =	shalt  }
0x81: {  	_ =	shalt  }
0x82: {  	_ =	shalt  }
0x83: {  	_ =	shalt  }
0x84: {  	_ =	shalt  }
0x85: {  	_ =	shalt  }
0x86: {  	_ =	shalt  }
0x87: {  	_ =	shalt  }
.Lfunc_end0:
.L_simem_size_0:
called_computation_lowered:
.L_overlay_start_0:
0x88: {  	s2 =	sld [smem:$0x3FD9]  }
0x89: {  	s3 =	sld [smem:$0x3FFE];
	_ =	sdelay $0x1  }
0x8a: {  	s1 =	srdreg.scid  }
0x8b: {  	s0 =	sand.u32 $0x1, s1  }
0x8c: {  	s17 =	sshll.u32 s0, $0xA;
	s2 =	sadd.s32 s3, s2  }
0x8d: {  	s2 =	sadd.s32 s2, s17  }
0x8e: {  	[smem:$0x3FC4] =	sst s2  }
0x8f: {  	_ = 	snop  }
0x90: {  	s2 =	sld [smem:$0x3FC7]  }
0x91: {  	s18 =	sld [smem:$0x3FC6]  }
0x92: {  	s4 =	sld [smem:$0x3FD0];
	(tm) =	ssettm $0x1  }
0x93: {  	s5 =	sld [smem:$0x3FFB];
	_ =	sdelay $0x3  }
0x94: {  	_ =	strace s5  }
0x95: {  	s5 =	sld [smem:$0x3FFC];
	_ =	sdelay $0x3  }
0x96: {  	_ =	strace s5  }
0x97: {  	s5 =	sld [smem:$0x3FFD];
	_ =	sdelay $0x3  }
0x98: {  	_ =	strace s5  }
0x99: {  	_ =	strace $0x8FFFFFFF  }
0x9a: {  	s19 =	sld [smem:$0x3FDB];
	_ =	sdelay $0x1  }
0x9b: {  	s6 =	simm.s32 $_scs_section_size  }
0x9c: {  	s7 =	simm.s32 $_size__tile_overlayer_lowered;
	s8 =	simm.s32 $_tile_overlayer_lowered  }
0x9d: {  	s22 =	simm.s32 $0x1BFF;
	s21 =	sshll.u32 s8, $0x1;
	s5 =	sadd.s32 s6, s19  }
0x9e: {  	s9 =	simm.s32 $0x0;
	s20 =	sshll.u32 s7, $0x1;
	s7 =	sadd.s32 s21, s5  }
0x9f: {  	[timem:s9], [sflag:s22] =	dma.local [hbm:s7], s20  }
0xa0: {  	_ =	swait.ge [sflag:s22], s20  }
0xa1: {  	s6 =	ssub.s32 $0x0, s20;
	[sflag:s22] =	ssyncset.done $0x0  }
0xa2: {  	[sflag:s22] =	ssyncadd.s32 s6;
	_ =	sdelay $0x1  }
0xa3: {  	s23 =	simm.s32 $0x1B8B  }
0xa4: {  	_ =	swait.ge [sflag:s23], $0x1  }
0xa5: {  	[sflag:s23] =	ssyncset.done $0x0  }
0xa6: {  	s25 =	simm.s32 $0x1B8E;
	s24 =	sld [smem:$0x3FFE];
	[sflag:s23] =	ssyncadd.s32 $0xFFFFFFFF  }
0xa7: {  	s26 =	simm.s32 $execute0_lowered;
	[smem:$0x3FD2] =	sst s25  }
0xa8: {  	s7 =	sshll.u32 s26, $0x1;
	_ =	strace $0x80000046;
	[dreg:$0x1] =	wrdreg $0xFFFFFFFF  }
0xa9: {  	s28 =	simm.s32 $_size_execute0_lowered;
	s5 =	sadd.s32 s5, s7;
	[dreg:$0x0] =	wrdreg $0x0  }
0xaa: {  	s7 =	sshll.u32 s28, $0x1;
	[dreg:$0x2] =	wrdreg s5  }
0xab: {  	[dreg:$0x3] =	wrdreg s7  }
0xac: {  	[dreg:$0x4] =	wrdreg $0xC0  }
0xad: {  	_ =	task [dreg:s9], $0x5FFFF  }
0xae: {  	[dreg:$0x1] =	wrdreg $0xFFFFFFFF  }
0xaf: {  	[dreg:$0x0] =	wrdreg $0x60  }
0xb0: {  	[dreg:$0x2] =	wrdreg s24  }
0xb1: {  	[dreg:$0x3] =	wrdreg s2  }
0xb2: {  	[dreg:$0x4] =	wrdreg s18  }
0xb3: {  	[dreg:$0x5] =	wrdreg s4  }
0xb4: {  	[dreg:$0x6] =	wrdreg $0x9  }
0xb5: {  	_ =	task.clear_ibuf [dreg:s9], $0x7FFFF;
	_ =	strace $0x90000046  }
0xb6: {  	s29 =	simm.s32 $0x9;
	_ =	strace $0x80000048  }
0xb7: {  	_ =	swait.ge [sflag:s29], $0x1  }
0xb8: {  	[sflag:s29] =	ssyncadd.s32 $0xFFFFFFFF  }
0xb9: {  	_ =	strace $0x90000048  }
0xba: {  	_ =	sfence  }
0xbb: {  	s30 =	sld [smem:$0x0];
	_ =	sdelay $0x2  }
0xbc: {  	s31 =	sshll.u32 s1, $0xD;
	s1 =	sshrl.u32 s1, $0x2  }
0xbd: {  	s3 =	sand.u32 $0x4000, s31;
	s1 =	sadd.s32 s1, s30  }
0xbe: {  	s0 =	sor.u32 s3, s0;
	s1 =	sshll.u32 s1, $0x11  }
0xbf: {  	s0 =	sor.u32 s1, s0  }
0xc0: {  	s0 =	sadd.s32 $0x8F2B, s0  }
0xc1: {  	[sflag:s0] =	ssyncadd.remote.s32 $0x1  }
0xc2: {  	_ =	sfence.sel $0xFFFF  }
0xc3: {  	[dreg:$0x0] =	wrdreg $0xFFFFFFFF;
	(pc) =	sbr.abs _section_cstart, $3  }
0xc4: {  	[dreg:$0x1] =	wrdreg $0xFFFFFFFF  }
0xc5: {  	_ =	task.clear_ibuf [dreg:s9], $0x2FFFF;
	_ =	strace $0x9FFFFFFF  }
0xc6: {  	(tm) =	ssettm $0x7FFFFFFF  }
0xc7: {  	_ =	shalt  }
tec
execute0_lowered:
.L_overlay_start_1:
0x0: {  	(tag) =	ssettag $0x1  }
0x1: {  	s0 =	rddreg [dreg:$0x0]  }
0x2: {  	s1 =	rddreg [dreg:$0x1];
	s2 =	srdreg.scid  }
0x3: {  	s3 =	stileid.u32;
	s4 =	rddreg [dreg:$0x3]  }
0x4: {  	s5 =	simm.s32 $0x0;
	s12 =	simm.s32 $0x1000;
	s11 =	simm.s32 $0x3  }
0x5: {  	s30 =	simm.s32 $0x9900;
	s31 =	simm.s32 $0xA100;
	s13 =	simm.s32 $0xC100  }
0x6: {  	s15 =	simm.s32 $0xC900;
	s16 =	simm.s32 $0xD100;
	s17 =	simm.s32 $0xD900  }
0x7: {  	s18 =	simm.s32 $0xE100;
	s14 =	simm.s32 $0x4;
	s20 =	simm.s32 $0x1  }
0x8: {  	s21 =	simm.s32 $0xE900;
	s22 =	simm.s32 $0x2;
	s23 =	simm.s32 $0x14900  }
0x9: {  	s8 =	simm.s32 $0x0;
	s2 =	sand.u32 $0x1, s2;
	s3 =	sshll.u32 s3, $0x6  }
0xa: {  	[smem:$0x7FF] =	sst s5;
	s6 =	sshll.u32 s2, $0x5;
	s2 =	ssub.s32 $0x2, s2  }
0xb: {  	s9 =	sadd.s32 $0x100, s1;
	s6 =	sor.u32 s6, s3;
	s26 =	sshrl.u32 s2, $0x1  }
.Ltmp0:
0xc: {  	s3 =	sshll.u32 s6, $0x4;
	s2 =	ssub.s32 s2, s26;
	(pc) =	sbr.rel .LBB2_1-.Ltmp0, $4  }
0xd: {  	s10 =	sadd.s32 $0x200, s1;
	s0 =	sadd.s32 s3, s0;
	s29 =	smax.u32 s2, $0x1  }
0xe: {  	v2 =	vlaneseq.u32;
	_ =	strace $0x80000047;
	s28 =	sadd.s32 $0x400, s0;
	[dreg:$0x7] =	wrdreg s29  }
0xf: {  	vm0 =	vmmov $0xffff;
	v1 =	vshrl.u32 v2, $0x3;
	s2 =	simm.s32 $0xA900;
	s0 =	sadd.s32 $0x4400, s0;
	[dreg:$0x5] =	wrdreg s28  }
0x10: {  	v0 =	vand.u32 $0x7, v2;
	v2 =	vor.u32 $0x8, v2;
	v1 =	vmul.u32 $0x8, v1;
	s3 =	simm.s32 $0xB900;
	[dreg:$0x6] =	wrdreg s0;
	s0 =	simm.s32 $0xB100  }
.LBB2_16:
0x11: {  	s11 =	simm.s32 $0x3  }
0x12: {  	_ =	swait.ge [sflag:s11], $0x6000  }
0x13: {  	[sflag:s11] =	ssyncset.done $0x0  }
0x14: {  	s14 =	simm.s32 $0x4;
	[sflag:s11] =	ssyncadd.s32 $0xFFFFA000  }
0x15: {  	_ =	swait.ge [sflag:s14], $0x6000  }
0x16: {  	s8 =	rddreg [dreg:$0x8]  }
0x17: {  	s7 =	rddreg [dreg:$0x7];
	s8 =	sadd.s32 $0x1, s8  }
0x18: {  	p0 =	sne.s32 s8, s7  }
.Ltmp1:
0x19: {  	_ = 	snop;
	(pc) =	sbr.rel @!p0 .LBB2_17-.Ltmp1, $3  }
0x1a: {  	_ =	sdelay $0x1  }
0x1b: {  	[sflag:s14] =	ssyncset.done $0x0  }
0x1c: {  	[sflag:s14] =	ssyncadd.s32 $0xFFFFA000  }
.LBB2_1:
0x1d: {  	[dreg:$0x8] =	wrdreg s8  }
0x1e: {  	s7 =	rddreg [dreg:$0x5]  }
0x1f: {  	[tilespmem:s5], [sflag:$0x3] =	stream.linear.gather [hbm4b:s7+s5], $0x1000, $0x38;
	[tilespmem:$0x1A900] =	vst v63  }
0x20: {  	s26 =	rddreg [dreg:$0x6]  }
0x21: {  	[tilespmem:s12], [sflag:$0x4] =	stream.linear.gather [hbm4b:s26+s5], $0x1000, $0x38;
	[tilespmem:$0x1A900] =	vst v63  }
0x22: {  	s28 =	rddreg [dreg:$0x2];
	s29 =	simm.s32 $0x2000  }
0x23: {  	[tilespmem:s29], [sflag:$0x4] =	stream.linear.gather [hbm4b:s28+s5], $0x600, $0x38;
	[tilespmem:$0x1A900] =	vst v63  }
0x24: {  	_ =	swait.ge [sflag:s11], $0x1000  }
0x25: {  	[sflag:s11] =	ssyncset.done $0x0  }
0x26: {  	[sflag:s11] =	ssyncadd.s32 $0xFFFFF000  }
0x27: {  	v3 =	vld [tilespmem:$0x0];
	_ =	sdelay $0x4  }
0x28: {  	v4 =	vshrl.u32 v3, $0x3  }
0x29: {  	v4 =	vmul.u32 $0x30, v4  }
0x2a: {  	v3 =	vand.u32 $0x7, v3  }
0x2b: {  	v3 =	vor.u32 v3, v4  }
0x2c: {  	v4 =	vperm.xlane v3, v0;
	_ =	sdelay $0x1  }
0x2d: {  	v4 =	vadd.s32 v1, v4;
	_ =	sdelay $0x3  }
0x2e: {  	s19 =	simm.s32 $0x2900;
	v3 =	vperm.xlane v3, v2  }
0x2f: {  	[tilespmem:s19], [sflag:$0x1] =	stream.indirect_vreg.gather [hbm4b:s1+s5], $0x80, v4, vm0, $0xb8;
	[tilespmem:$0x1A900] =	vst v63  }
0x30: {  	s24 =	simm.s32 $0x3100;
	v3 =	vadd.s32 v1, v3  }
0x31: {  	[tilespmem:s24], [sflag:$0x1] =	stream.indirect_vreg.gather [hbm4b:s9+s5], $0x80, v4, vm0, $0xb8;
	[tilespmem:$0x1A900] =	vst v63  }
0x32: {  	s25 =	simm.s32 $0x3900  }
0x33: {  	[tilespmem:s25], [sflag:$0x1] =	stream.indirect_vreg.gather [hbm4b:s10+s5], $0x80, v4, vm0, $0xb8;
	[tilespmem:$0x1A900] =	vst v63  }
0x34: {  	s26 =	simm.s32 $0x4100  }
0x35: {  	[tilespmem:s26], [sflag:$0x1] =	stream.indirect_vreg.gather [hbm4b:s1+s5], $0x80, v3, vm0, $0xb8;
	[tilespmem:$0x1A900] =	vst v63  }
0x36: {  	s28 =	simm.s32 $0x4900  }
0x37: {  	[tilespmem:s28], [sflag:$0x1] =	stream.indirect_vreg.gather [hbm4b:s9+s5], $0x80, v3, vm0, $0xb8;
	[tilespmem:$0x1A900] =	vst v63  }
0x38: {  	s29 =	simm.s32 $0x5100  }
0x39: {  	[tilespmem:s29], [sflag:$0x1] =	stream.indirect_vreg.gather [hbm4b:s10+s5], $0x80, v3, vm0, $0xb8;
	[tilespmem:$0x1A900] =	vst v63  }
0x3a: {  	v3 =	vld [tilespmem:$0x10];
	_ =	sdelay $0x4  }
0x3b: {  	v59 =	vshrl.u32 v3, $0x3  }
0x3c: {  	v4 =	vmul.u32 $0x30, v59  }
0x3d: {  	v3 =	vand.u32 $0x7, v3  }
0x3e: {  	v3 =	vor.u32 v3, v4  }
0x3f: {  	v4 =	vperm.xlane v3, v0;
	_ =	sdelay $0x1  }
0x40: {  	v4 =	vadd.s32 v1, v4;
	_ =	sdelay $0x3  }
0x41: {  	s8 =	simm.s32 $0x5900;
	v3 =	vperm.xlane v3, v2  }
0x42: {  	[tilespmem:s8], [sflag:$0x1] =	stream.indirect_vreg.gather [hbm4b:s1+s5], $0x80, v4, vm0, $0xb8;
	[tilespmem:$0x1A900] =	vst v63  }
0x43: {  	s11 =	simm.s32 $0x6100;
	v3 =	vadd.s32 v1, v3  }
0x44: {  	[tilespmem:s11], [sflag:$0x1] =	stream.indirect_vreg.gather [hbm4b:s9+s5], $0x80, v4, vm0, $0xb8;
	[tilespmem:$0x1A900] =	vst v63  }
0x45: {  	s19 =	simm.s32 $0x6900  }
0x46: {  	[tilespmem:s19], [sflag:$0x1] =	stream.indirect_vreg.gather [hbm4b:s10+s5], $0x80, v4, vm0, $0xb8;
	[tilespmem:$0x1A900] =	vst v63  }
0x47: {  	s24 =	simm.s32 $0x7100  }
0x48: {  	[tilespmem:s24], [sflag:$0x1] =	stream.indirect_vreg.gather [hbm4b:s1+s5], $0x80, v3, vm0, $0xb8;
	[tilespmem:$0x1A900] =	vst v63  }
0x49: {  	s25 =	simm.s32 $0x7900  }
0x4a: {  	[tilespmem:s25], [sflag:$0x1] =	stream.indirect_vreg.gather [hbm4b:s9+s5], $0x80, v3, vm0, $0xb8;
	[tilespmem:$0x1A900] =	vst v63  }
0x4b: {  	s26 =	simm.s32 $0x8100  }
0x4c: {  	[tilespmem:s26], [sflag:$0x1] =	stream.indirect_vreg.gather [hbm4b:s10+s5], $0x80, v3, vm0, $0xb8;
	[tilespmem:$0x1A900] =	vst v63  }
0x4d: {  	v3 =	vld [tilespmem:$0x80];
	_ =	sdelay $0x4  }
0x4e: {  	v60 =	vshrl.u32 v3, $0x3  }
0x4f: {  	v4 =	vmul.u32 $0x30, v60  }
0x50: {  	v3 =	vand.u32 $0x7, v3  }
0x51: {  	v3 =	vor.u32 v3, v4  }
0x52: {  	v4 =	vperm.xlane v3, v0;
	_ =	sdelay $0x1  }
0x53: {  	v4 =	vadd.s32 v1, v4;
	_ =	sdelay $0x3  }
0x54: {  	s28 =	simm.s32 $0x8900;
	v3 =	vperm.xlane v3, v2  }
0x55: {  	[tilespmem:s28], [sflag:$0x2] =	stream.indirect_vreg.gather [hbm4b:s1+s5], $0x80, v4, vm0, $0xb8;
	[tilespmem:$0x1A900] =	vst v63  }
0x56: {  	s29 =	simm.s32 $0x9100;
	v3 =	vadd.s32 v1, v3  }
0x57: {  	[tilespmem:s29], [sflag:$0x2] =	stream.indirect_vreg.gather [hbm4b:s9+s5], $0x80, v4, vm0, $0xb8;
	[tilespmem:$0x1A900] =	vst v63  }
0x58: {  	_ = 	snop  }
0x59: {  	[tilespmem:s30], [sflag:$0x2] =	stream.indirect_vreg.gather [hbm4b:s10+s5], $0x80, v4, vm0, $0xb8;
	[tilespmem:$0x1A900] =	vst v63  }
0x5a: {  	_ = 	snop  }
0x5b: {  	[tilespmem:s31], [sflag:$0x2] =	stream.indirect_vreg.gather [hbm4b:s1+s5], $0x80, v3, vm0, $0xb8;
	[tilespmem:$0x1A900] =	vst v63  }
0x5c: {  	_ = 	snop  }
0x5d: {  	[tilespmem:s2], [sflag:$0x2] =	stream.indirect_vreg.gather [hbm4b:s9+s5], $0x80, v3, vm0, $0xb8;
	[tilespmem:$0x1A900] =	vst v63  }
0x5e: {  	_ = 	snop  }
0x5f: {  	[tilespmem:s0], [sflag:$0x2] =	stream.indirect_vreg.gather [hbm4b:s10+s5], $0x80, v3, vm0, $0xb8;
	[tilespmem:$0x1A900] =	vst v63  }
0x60: {  	v3 =	vld [tilespmem:$0x90];
	_ =	sdelay $0x4  }
0x61: {  	v61 =	vshrl.u32 v3, $0x3  }
0x62: {  	v4 =	vmul.u32 $0x30, v61  }
0x63: {  	v3 =	vand.u32 $0x7, v3  }
0x64: {  	v3 =	vor.u32 v3, v4  }
0x65: {  	v4 =	vperm.xlane v3, v0;
	_ =	sdelay $0x1  }
0x66: {  	v4 =	vadd.s32 v1, v4;
	_ =	sdelay $0x3  }
0x67: {  	v3 =	vperm.xlane v3, v2  }
0x68: {  	[tilespmem:s3], [sflag:$0x2] =	stream.indirect_vreg.gather [hbm4b:s1+s5], $0x80, v4, vm0, $0xb8;
	[tilespmem:$0x1A900] =	vst v63  }
0x69: {  	v3 =	vadd.s32 v1, v3  }
0x6a: {  	[tilespmem:s13], [sflag:$0x2] =	stream.indirect_vreg.gather [hbm4b:s9+s5], $0x80, v4, vm0, $0xb8;
	[tilespmem:$0x1A900] =	vst v63  }
0x6b: {  	_ = 	snop  }
0x6c: {  	[tilespmem:s15], [sflag:$0x2] =	stream.indirect_vreg.gather [hbm4b:s10+s5], $0x80, v4, vm0, $0xb8;
	[tilespmem:$0x1A900] =	vst v63  }
0x6d: {  	_ = 	snop  }
0x6e: {  	[tilespmem:s16], [sflag:$0x2] =	stream.indirect_vreg.gather [hbm4b:s1+s5], $0x80, v3, vm0, $0xb8;
	[tilespmem:$0x1A900] =	vst v63  }
0x6f: {  	_ = 	snop  }
0x70: {  	[tilespmem:s17], [sflag:$0x2] =	stream.indirect_vreg.gather [hbm4b:s9+s5], $0x80, v3, vm0, $0xb8;
	[tilespmem:$0x1A900] =	vst v63  }
0x71: {  	_ = 	snop  }
0x72: {  	[tilespmem:s18], [sflag:$0x2] =	stream.indirect_vreg.gather [hbm4b:s10+s5], $0x80, v3, vm0, $0xb8;
	[tilespmem:$0x1A900] =	vst v63  }
0x73: {  	_ =	swait.ge [sflag:s14], $0x1000  }
0x74: {  	[sflag:s14] =	ssyncset.done $0x0  }
0x75: {  	[sflag:s14] =	ssyncadd.s32 $0xFFFFF000  }
0x76: {  	_ =	swait.ge [sflag:s14], $0x600  }
0x77: {  	[sflag:s14] =	ssyncset.done $0x0  }
0x78: {  	[sflag:s14] =	ssyncadd.s32 $0xFFFFFA00  }
0x79: {  	v3 =	vld [tilespmem:$0x2080]  }
0x7a: {  	v62 =	vld [tilespmem:$0x2000]  }
0x7b: {  	v5 =	vld [tilespmem:$0x2090]  }
0x7c: {  	v6 =	vld [tilespmem:$0x2010]  }
0x7d: {  	v7 =	vld [tilespmem:$0x20A0]  }
0x7e: {  	v8 =	vld [tilespmem:$0x2020]  }
0x7f: {  	v9 =	vld [tilespmem:$0x20B0]  }
0x80: {  	v10 =	vld [tilespmem:$0x2030]  }
0x81: {  	v11 =	vld [tilespmem:$0x20C0]  }
0x82: {  	v12 =	vld [tilespmem:$0x2040]  }
0x83: {  	v13 =	vld [tilespmem:$0x20D0]  }
0x84: {  	v14 =	vld [tilespmem:$0x2050]  }
0x85: {  	v15 =	vld [tilespmem:$0x20E0]  }
0x86: {  	v16 =	vld [tilespmem:$0x2060]  }
0x87: {  	v17 =	vld [tilespmem:$0x20F0]  }
0x88: {  	v18 =	vld [tilespmem:$0x2070]  }
0x89: {  	v19 =	vld [tilespmem:$0x2180]  }
0x8a: {  	v20 =	vld [tilespmem:$0x2100]  }
0x8b: {  	v21 =	vld [tilespmem:$0x2190]  }
0x8c: {  	v22 =	vld [tilespmem:$0x2110]  }
0x8d: {  	v23 =	vld [tilespmem:$0x21A0]  }
0x8e: {  	v24 =	vld [tilespmem:$0x2120]  }
0x8f: {  	v25 =	vld [tilespmem:$0x21B0]  }
0x90: {  	v26 =	vld [tilespmem:$0x2130]  }
0x91: {  	v27 =	vld [tilespmem:$0x21C0]  }
0x92: {  	v28 =	vld [tilespmem:$0x2140]  }
0x93: {  	v29 =	vld [tilespmem:$0x21D0]  }
0x94: {  	v30 =	vld [tilespmem:$0x2150]  }
0x95: {  	v31 =	vld [tilespmem:$0x21E0]  }
0x96: {  	v32 =	vld [tilespmem:$0x2160]  }
0x97: {  	v33 =	vld [tilespmem:$0x21F0]  }
0x98: {  	v34 =	vld [tilespmem:$0x2170]  }
0x99: {  	v35 =	vld [tilespmem:$0x2280]  }
0x9a: {  	v36 =	vld [tilespmem:$0x2200]  }
0x9b: {  	v37 =	vld [tilespmem:$0x2290]  }
0x9c: {  	v38 =	vld [tilespmem:$0x2210]  }
0x9d: {  	v39 =	vld [tilespmem:$0x22A0]  }
0x9e: {  	v40 =	vld [tilespmem:$0x2220]  }
0x9f: {  	v41 =	vld [tilespmem:$0x22B0]  }
0xa0: {  	v42 =	vld [tilespmem:$0x2230]  }
0xa1: {  	v43 =	vld [tilespmem:$0x22C0]  }
0xa2: {  	v44 =	vld [tilespmem:$0x2240]  }
0xa3: {  	v45 =	vld [tilespmem:$0x22D0]  }
0xa4: {  	v46 =	vld [tilespmem:$0x2250]  }
0xa5: {  	v47 =	vld [tilespmem:$0x22E0]  }
0xa6: {  	v48 =	vld [tilespmem:$0x2260]  }
0xa7: {  	v49 =	vld [tilespmem:$0x22F0]  }
0xa8: {  	v50 =	vld [tilespmem:$0x2270]  }
0xa9: {  	v51 =	vld [tilespmem:$0x2380]  }
0xaa: {  	v52 =	vld [tilespmem:$0x2300]  }
0xab: {  	v53 =	vld [tilespmem:$0x2390]  }
0xac: {  	v54 =	vld [tilespmem:$0x2310]  }
0xad: {  	v55 =	vld [tilespmem:$0x23A0]  }
0xae: {  	v4 =	vld [tilespmem:$0x2320];
	v3 =	vsub.f32 v3, v62  }
0xaf: {  	v56 =	vld [tilespmem:$0x24B0];
	v5 =	vsub.f32 v5, v6  }
0xb0: {  	v57 =	vld [tilespmem:$0x2430];
	v63 =	vsub.f32 v9, v10;
	[tilespmem:$0x2600] =	vst v3  }
0xb1: {  	v59 =	vld [tilespmem:$0x24C0];
	v3 =	vsub.f32 v7, v8;
	[tilespmem:$0x2610] =	vst v5  }
0xb2: {  	v60 =	vld [tilespmem:$0x2440];
	v14 =	vsub.f32 v13, v14;
	[tilespmem:$0x2630] =	vst v63  }
0xb3: {  	v6 =	vld [tilespmem:$0x23B0];
	[tilespmem:$0x2620] =	vst v3;
	v3 =	vsub.f32 v11, v12  }
0xb4: {  	v9 =	vld [tilespmem:$0x2340];
	v18 =	vsub.f32 v17, v18;
	[tilespmem:$0x2650] =	vst v14  }
0xb5: {  	v10 =	vld [tilespmem:$0x23D0];
	[tilespmem:$0x2640] =	vst v3;
	v3 =	vsub.f32 v15, v16  }
0xb6: {  	v13 =	vld [tilespmem:$0x2360];
	v22 =	vsub.f32 v21, v22;
	[tilespmem:$0x2670] =	vst v18  }
0xb7: {  	v17 =	vld [tilespmem:$0x2400];
	[tilespmem:$0x2660] =	vst v3;
	v3 =	vsub.f32 v19, v20  }
0xb8: {  	v26 =	vsub.f32 v25, v26;
	v21 =	vld [tilespmem:$0x2420];
	[tilespmem:$0x2690] =	vst v22  }
0xb9: {  	v62 =	vld [tilespmem:$0x24D0];
	[tilespmem:$0x2680] =	vst v3;
	v3 =	vsub.f32 v23, v24  }
0xba: {  	v30 =	vsub.f32 v29, v30;
	v34 =	vsub.f32 v33, v34;
	v33 =	vld [tilespmem:$0x24E0];
	[tilespmem:$0x26B0] =	vst v26  }
0xbb: {  	v38 =	vsub.f32 v37, v38;
	v37 =	vld [tilespmem:$0x2470];
	[tilespmem:$0x26A0] =	vst v3;
	v3 =	vsub.f32 v27, v28  }
0xbc: {  	v58 =	vsub.f32 v41, v42;
	v42 =	vld [tilespmem:$0x2590];
	[tilespmem:$0x26D0] =	vst v30  }
0xbd: {  	v61 =	vsub.f32 v45, v46;
	v45 =	vld [tilespmem:$0x25A0];
	[tilespmem:$0x26C0] =	vst v3;
	v3 =	vsub.f32 v31, v32  }
0xbe: {  	v46 =	vld [tilespmem:$0x2520];
	[tilespmem:$0x26F0] =	vst v34  }
0xbf: {  	v7 =	vld [tilespmem:$0x2330];
	[tilespmem:$0x26E0] =	vst v3;
	v3 =	vsub.f32 v35, v36  }
0xc0: {  	v8 =	vld [tilespmem:$0x23C0];
	[tilespmem:$0x2710] =	vst v38  }
0xc1: {  	v11 =	vld [tilespmem:$0x2350];
	[tilespmem:$0x2700] =	vst v3;
	v3 =	vsub.f32 v39, v40  }
0xc2: {  	v14 =	vld [tilespmem:$0x23F0];
	[tilespmem:$0x2730] =	vst v58  }
0xc3: {  	v18 =	vld [tilespmem:$0x2490];
	[tilespmem:$0x2720] =	vst v3;
	v3 =	vsub.f32 v43, v44  }
0xc4: {  	v63 =	vld [tilespmem:$0x2450];
	[tilespmem:$0x2750] =	vst v61;
	v38 =	vsub.f32 v6, v7  }
0xc5: {  	v34 =	vld [tilespmem:$0x2460];
	[tilespmem:$0x2740] =	vst v3;
	v3 =	vsub.f32 v47, v48  }
0xc6: {  	v12 =	vld [tilespmem:$0x23E0];
	[tilespmem:$0x27B0] =	vst v38;
	v41 =	vsub.f32 v10, v11  }
0xc7: {  	v15 =	vld [tilespmem:$0x2370];
	[tilespmem:$0x2760] =	vst v3;
	v3 =	vsub.f32 v51, v52  }
0xc8: {  	v16 =	vld [tilespmem:$0x2480];
	[tilespmem:$0x27D0] =	vst v41;
	v32 =	vsub.f32 v49, v50  }
0xc9: {  	v19 =	vld [tilespmem:$0x2410];
	[tilespmem:$0x2780] =	vst v3;
	v3 =	vsub.f32 v55, v4  }
0xca: {  	v20 =	vld [tilespmem:$0x24A0];
	v50 =	vsub.f32 v56, v57;
	[tilespmem:$0x2770] =	vst v32  }
0xcb: {  	v49 =	vld [tilespmem:$0x2530];
	[tilespmem:$0x27A0] =	vst v3;
	v3 =	vsub.f32 v8, v9  }
0xcc: {  	v56 =	vld [tilespmem:$0x25E0];
	v35 =	vsub.f32 v53, v54;
	[tilespmem:$0x2830] =	vst v50  }
0xcd: {  	v36 =	vld [tilespmem:$0x24F0];
	[tilespmem:$0x27C0] =	vst v3;
	v3 =	vsub.f32 v12, v13  }
0xce: {  	v53 =	vsub.f32 v62, v63;
	v54 =	vld [tilespmem:$0x25D0];
	[tilespmem:$0x2790] =	vst v35  }
0xcf: {  	v43 =	vld [tilespmem:$0x2510];
	[tilespmem:$0x27E0] =	vst v3;
	v3 =	vsub.f32 v16, v17  }
0xd0: {  	v39 =	vld [tilespmem:$0x2580];
	[tilespmem:$0x2850] =	vst v53;
	v44 =	vsub.f32 v14, v15  }
0xd1: {  	v40 =	vld [tilespmem:$0x2500];
	[tilespmem:$0x2800] =	vst v3;
	v3 =	vsub.f32 v20, v21  }
0xd2: {  	[tilespmem:$0x27F0] =	vst v44;
	v47 =	vsub.f32 v18, v19;
	v48 =	vld [tilespmem:$0x25B0]  }
0xd3: {  	v51 =	vld [tilespmem:$0x25C0];
	[tilespmem:$0x2820] =	vst v3;
	v3 =	vsub.f32 v59, v60  }
0xd4: {  	[tilespmem:$0x2810] =	vst v47;
	v52 =	vld [tilespmem:$0x2540];
	v58 =	vsub.f32 v42, v43  }
0xd5: {  	v55 =	vld [tilespmem:$0x2550];
	[tilespmem:$0x2840] =	vst v3;
	v3 =	vsub.f32 v33, v34  }
0xd6: {  	v4 =	vsub.f32 v36, v37;
	[tilespmem:$0x2890] =	vst v58;
	v59 =	vld [tilespmem:$0x25F0]  }
0xd7: {  	v60 =	vld [tilespmem:$0x2570];
	[tilespmem:$0x2860] =	vst v3;
	v3 =	vsub.f32 v39, v40  }
0xd8: {  	v57 =	vld [tilespmem:$0x2560];
	v61 =	vsub.f32 v48, v49;
	[tilespmem:$0x2870] =	vst v4  }
0xd9: {  	[tilespmem:$0x2880] =	vst v3;
	v3 =	vsub.f32 v45, v46  }
0xda: {  	[tilespmem:$0x28B0] =	vst v61;
	v62 =	vsub.f32 v54, v55  }
0xdb: {  	[tilespmem:$0x28A0] =	vst v3;
	v3 =	vsub.f32 v51, v52  }
0xdc: {  	[tilespmem:$0x28D0] =	vst v62;
	v63 =	vsub.f32 v59, v60  }
0xdd: {  	[tilespmem:$0x28C0] =	vst v3;
	v3 =	vsub.f32 v56, v57  }
0xde: {  	[tilespmem:$0x28F0] =	vst v63  }
0xdf: {  	s25 =	simm.s32 $0x0;
	[tilespmem:$0x28E0] =	vst v3  }
.LBB2_2:
0xe0: {  	_ =	swait.ge [sflag:s20], $0x6000  }
0xe1: {  	p0 =	seq.s32 s25, $0x0;
	[sflag:s20] =	ssyncset.done $0x0  }
0xe2: {  	s7 =	simm.s32 @!p0 $0x3;
	[sflag:s20] =	ssyncadd.s32 $0xFFFFA000  }
0xe3: {  	_ =	swait.ge @!p0 [sflag:s7], $0x6000  }
0xe4: {  	[sflag:s7] =	ssyncset.done @!p0 $0x0  }
0xe5: {  	[sflag:s7] =	ssyncadd.s32 @!p0 $0xFFFFA000  }
0xe6: {  	v4 =	vld [tilespmem:$0x2000]  }
0xe7: {  	v5 =	vld [tilespmem:$0x2010]  }
0xe8: {  	v25 =	vld [tilespmem:$0x2020]  }
0xe9: {  	v12 =	vld [tilespmem:$0x2030]  }
0xea: {  	v9 =	vld [tilespmem:$0x2040]  }
0xeb: {  	v8 =	vld [tilespmem:$0x2050]  }
0xec: {  	v7 =	vld [tilespmem:$0x2060]  }
0xed: {  	v26 =	vld [tilespmem:$0x2070]  }
0xee: {  	v23 =	vld [tilespmem:$0x2100]  }
0xef: {  	v22 =	vld [tilespmem:$0x2110]  }
0xf0: {  	v18 =	vld [tilespmem:$0x2120]  }
0xf1: {  	v21 =	vld [tilespmem:$0x2130]  }
0xf2: {  	v20 =	vld [tilespmem:$0x2140]  }
0xf3: {  	v14 =	vld [tilespmem:$0x2150]  }
0xf4: {  	v6 =	vld [tilespmem:$0x2160]  }
0xf5: {  	v13 =	vld [tilespmem:$0x2170]  }
0xf6: {  	v10 =	vld [tilespmem:$0x2600]  }
0xf7: {  	v11 =	vld [tilespmem:$0x2610]  }
0xf8: {  	s26 =	sshll.u32 s25, $0x1;
	s7 =	simm.s32 $0x0;
	v30 =	vld [tilespmem:$0x2620]  }
0xf9: {  	s8 =	sshll.u32 s26, $0x7;
	v24 =	vld [tilespmem:$0x2630];
	v16 =	vmov s7  }
0xfa: {  	v3 =	vmov s8;
	v19 =	vld [tilespmem:$0x2640];
	v16 =	vand.u32 $0x7E, v16  }
0xfb: {  	v17 =	vld [tilespmem:$0x2650];
	v16 =	vor.u32 v3, v16  }
0xfc: {  	v15 =	vld [tilespmem:$0x2660];
	v36 =	vbroadcast v16, $0x0  }
0xfd: {  	v32 =	vld [tilespmem:$0x2670]  }
0xfe: {  	v33 =	vld [tilespmem:$0x2680]  }
0xff: {  	v35 =	vld [tilespmem:$0x2690]  }
0x100: {  	v29 =	vld [tilespmem:$0x26A0]  }
0x101: {  	v34 =	vld [tilespmem:$0x26B0]  }
0x102: {  	v36 =	vld.idx.msk [tilespmem:v36+s12+$0x0], $0xffff  }
0x103: {  	s24 =	simm.s32 $0x0;
	v31 =	vld [tilespmem:$0x26C0]  }
0x104: {  	s19 =	smul.u32 $0x1800, s24;
	v16 =	vld [tilespmem:$0x26E0]  }
0x105: {  	v28 =	vld [tilespmem:$0x26D0];
	s28 =	sand.u32 $0x300, s7  }
0x106: {  	v27 =	vld [tilespmem:$0x26F0];
	s24 =	sor.u32 s28, s19  }
0x107: {  	v37 =	vld [tilespmem:s24+$0x2D60];
	v36 =	vcvt.s32.f32 v36  }
0x108: {  	v38 =	vld [tilespmem:s24+$0x2900]  }
0x109: {  	v39 =	vld [tilespmem:s24+$0x2920];
	v43 =	vmul.f32 v36, v16  }
0x10a: {  	v40 =	vld [tilespmem:s24+$0x2D20];
	v45 =	vmul.f32 v36, v30;
	v48 =	vmul.f32 v36, v10  }
0x10b: {  	v41 =	vld [tilespmem:s24+$0x2D10];
	v50 =	vmul.f32 v36, v35;
	v51 =	vmul.f32 v36, v15  }
0x10c: {  	v46 =	vld [tilespmem:s24+$0x2960];
	v57 =	vmul.f32 v36, v19;
	v43 =	vadd.f32 v43, v6;
	v45 =	vadd.f32 v45, v25  }
0x10d: {  	v47 =	vld [tilespmem:s24+$0x2D50];
	v52 =	vmul.f32 v36, v28;
	v48 =	vadd.f32 v48, v4;
	v58 =	vadd.f32 v50, v22  }
0x10e: {  	v49 =	vld [tilespmem:s24+$0x2D40];
	v60 =	vmul.f32 v36, v31;
	v59 =	vadd.f32 v51, v7;
	v37 =	vadd.f32 v37, v43  }
0x10f: {  	v44 =	vld [tilespmem:s24+$0x2940];
	v61 =	vmul.f32 v36, v11;
	v56 =	vadd.f32 v52, v14;
	v39 =	vadd.f32 v39, v45  }
0x110: {  	v63 =	vmul.f32 v36, v33;
	v52 =	vld [tilespmem:s24+$0x2910];
	v51 =	vadd.f32 v60, v20;
	v38 =	vadd.f32 v48, v38;
	[tilespmem:s24+$0xED60] =	vst v37  }
0x111: {  	v53 =	vmul.f32 v36, v34;
	v43 =	vld [tilespmem:s24+$0x2D00];
	v62 =	vadd.f32 v46, v59;
	[tilespmem:s24+$0xE920] =	vst v39;
	v37 =	vadd.f32 v57, v9  }
0x112: {  	v50 =	vld [tilespmem:s24+$0x2D30];
	v60 =	vmul.f32 v36, v27;
	[tilespmem:s24+$0xE900] =	vst v38;
	v39 =	vadd.f32 v41, v58;
	v58 =	vadd.f32 v47, v56  }
0x113: {  	v42 =	vld [tilespmem:s24+$0x2D70];
	v38 =	vadd.f32 v61, v5;
	[tilespmem:s24+$0xE960] =	vst v62;
	v61 =	vadd.f32 v49, v51;
	v62 =	vmul.f32 v36, v24  }
0x114: {  	v45 =	vld [tilespmem:s24+$0x2970];
	v59 =	vadd.f32 v53, v21;
	v57 =	vadd.f32 v63, v23;
	v63 =	vmul.f32 v36, v32;
	[tilespmem:s24+$0xED50] =	vst v58  }
0x115: {  	v46 =	vld [tilespmem:s24+$0x2930];
	v56 =	vmul.f32 v36, v17;
	v37 =	vadd.f32 v44, v37;
	[tilespmem:s24+$0xED40] =	vst v61;
	v58 =	vadd.f32 v62, v12  }
0x116: {  	s29 =	simm.s32 $0x1;
	v49 =	vld [tilespmem:s24+$0x2950];
	v36 =	vmul.f32 v36, v29;
	[tilespmem:s24+$0xED10] =	vst v39;
	v38 =	vadd.f32 v38, v52;
	v41 =	vadd.f32 v43, v57  }
0x117: {  	v61 =	vmov s29;
	[tilespmem:s24+$0xE940] =	vst v37;
	v37 =	vadd.f32 v50, v59;
	v59 =	vadd.f32 v63, v26  }
0x118: {  	v62 =	vadd.f32 v36, v18;
	v57 =	vadd.f32 v60, v13;
	v43 =	vand.u32 $0x7F, v61;
	[tilespmem:s24+$0xE910] =	vst v38  }
0x119: {  	v60 =	vadd.f32 v56, v8;
	v63 =	vor.u32 v3, v43;
	[tilespmem:s24+$0xED00] =	vst v41;
	v45 =	vadd.f32 v45, v59  }
0x11a: {  	v36 =	vadd.f32 v46, v58;
	v38 =	vbroadcast v63, $0x0;
	[tilespmem:s24+$0xED30] =	vst v37;
	v37 =	vadd.f32 v42, v57  }
0x11b: {  	s11 =	simm.s32 $0x1;
	s14 =	simm.s32 $0x0;
	s8 =	simm.s32 $0x80;
	v40 =	vadd.f32 v40, v62;
	v39 =	vadd.f32 v49, v60;
	[tilespmem:s24+$0xE970] =	vst v45  }
.LBB2_3:
0x11c: {  	p1 =	sne.s32 s11, $0xF;
	[tilespmem:s24+$0xED70] =	vst v37;
	s7 =	sadd.s32 $0x100, s7;
	s14 =	sadd.s32 $0x2, s14  }
0x11d: {  	s28 =	smov.u32 s11;
	s11 =	sadd.s32 $0x1, s11;
	s29 =	sadd.s32 $0x80, s7;
	[tilespmem:s24+$0xED20] =	vst v40  }
0x11e: {  	[tilespmem:s24+$0xE950] =	vst v39  }
0x11f: {  	[tilespmem:s24+$0xE930] =	vst v36;
	s24 =	sand.u32 $0x380, s8;
	s8 =	smov.u32 s29  }
0x120: {  	v36 =	vld.idx.msk [tilespmem:v38+s12+$0x0], $0xffff;
	s19 =	sor.u32 s19, s24  }
0x121: {  	v37 =	vld [tilespmem:s19+$0x2950]  }
0x122: {  	v38 =	vld [tilespmem:s19+$0x2920]  }
0x123: {  	v39 =	vld [tilespmem:s19+$0x2970]  }
0x124: {  	v40 =	vld [tilespmem:s19+$0x2D00]  }
0x125: {  	v41 =	vld [tilespmem:s19+$0x2D10]  }
0x126: {  	v36 =	vcvt.s32.f32 v36;
	v42 =	vld [tilespmem:s19+$0x2940]  }
0x127: {  	v43 =	vld [tilespmem:s19+$0x2D30]  }
0x128: {  	v44 =	vmul.f32 v36, v10;
	v45 =	vmul.f32 v36, v11;
	v46 =	vld [tilespmem:s19+$0x2D60]  }
0x129: {  	v47 =	vmul.f32 v36, v30;
	v48 =	vmul.f32 v36, v24;
	v49 =	vld [tilespmem:s19+$0x2D20]  }
0x12a: {  	v50 =	vmul.f32 v36, v19;
	v51 =	vmul.f32 v36, v17;
	v44 =	vadd.f32 v44, v4;
	v52 =	vld [tilespmem:s19+$0x2D40]  }
0x12b: {  	v54 =	vmul.f32 v36, v15;
	v55 =	vmul.f32 v36, v32;
	v47 =	vadd.f32 v47, v25;
	v53 =	vld [tilespmem:s19+$0x2930]  }
0x12c: {  	v56 =	vmul.f32 v36, v33;
	v57 =	vmul.f32 v36, v35;
	v50 =	vadd.f32 v50, v9;
	v58 =	vld [tilespmem:s19+$0x2D50]  }
0x12d: {  	v38 =	vadd.f32 v38, v47;
	v47 =	vadd.f32 v55, v26;
	v55 =	vmul.f32 v36, v29;
	v59 =	vld [tilespmem:s19+$0x2D70]  }
0x12e: {  	v61 =	vmul.f32 v36, v34;
	v48 =	vadd.f32 v48, v12;
	v56 =	vadd.f32 v56, v23;
	v60 =	vld [tilespmem:s19+$0x2900]  }
0x12f: {  	v62 =	vld [tilespmem:s19+$0x2910];
	[tilespmem:s19+$0xE920] =	vst v38;
	v38 =	vadd.f32 v39, v47;
	v39 =	vadd.f32 v55, v18;
	v47 =	vmul.f32 v36, v31  }
0x130: {  	v40 =	vadd.f32 v40, v56;
	v56 =	vadd.f32 v57, v22;
	v57 =	vmul.f32 v36, v28;
	v55 =	vld [tilespmem:s19+$0x2960]  }
0x131: {  	v63 =	vmul.f32 v36, v16;
	v61 =	vadd.f32 v61, v21;
	v47 =	vadd.f32 v47, v20  }
0x132: {  	v36 =	vmul.f32 v36, v27;
	v39 =	vadd.f32 v49, v39;
	[tilespmem:s19+$0xE970] =	vst v38;
	v38 =	vadd.f32 v41, v56  }
0x133: {  	[tilespmem:s19+$0xED00] =	vst v40;
	v40 =	vadd.f32 v43, v61;
	v41 =	vadd.f32 v52, v47  }
0x134: {  	v43 =	vadd.f32 v53, v48;
	[tilespmem:s19+$0xED10] =	vst v38;
	v38 =	vadd.f32 v57, v14  }
0x135: {  	v36 =	vadd.f32 v36, v13;
	[tilespmem:s19+$0xED30] =	vst v40;
	v40 =	vadd.f32 v63, v6  }
0x136: {  	v45 =	vadd.f32 v45, v5;
	[tilespmem:s19+$0xED40] =	vst v41;
	v38 =	vadd.f32 v58, v38  }
0x137: {  	v36 =	vadd.f32 v59, v36;
	v41 =	vadd.f32 v51, v8;
	[tilespmem:s19+$0xED20] =	vst v39  }
0x138: {  	v39 =	vadd.f32 v44, v60;
	v44 =	vadd.f32 v45, v62;
	[tilespmem:s19+$0xE930] =	vst v43  }
0x139: {  	v42 =	vadd.f32 v42, v50;
	v43 =	vadd.f32 v54, v7;
	[tilespmem:s19+$0xED50] =	vst v38  }
0x13a: {  	v37 =	vadd.f32 v37, v41;
	v38 =	vmov s14;
	[tilespmem:s19+$0xED70] =	vst v36  }
0x13b: {  	v36 =	vand.u32 $0x7E, v38;
	v38 =	vadd.f32 v55, v43;
	[tilespmem:s19+$0xE940] =	vst v42  }
0x13c: {  	v36 =	vor.u32 v3, v36;
	[tilespmem:s19+$0xE950] =	vst v37  }
0x13d: {  	v36 =	vbroadcast v36, $0x0;
	[tilespmem:s19+$0xE960] =	vst v38  }
0x13e: {  	v37 =	vadd.f32 v46, v40;
	[tilespmem:s19+$0xE910] =	vst v44  }
0x13f: {  	[tilespmem:s19+$0xE900] =	vst v39  }
0x140: {  	[tilespmem:s19+$0xED60] =	vst v37;
	_ =	sdelay $0x3  }
0x141: {  	v36 =	vld.idx.msk [tilespmem:v36+s12+$0x0], $0xffff  }
0x142: {  	s19 =	sshrl.u32 s28, $0x2  }
0x143: {  	s19 =	smul.u32 $0x1800, s19  }
0x144: {  	s24 =	sand.u32 $0x300, s7  }
0x145: {  	s24 =	sor.u32 s24, s19  }
0x146: {  	v37 =	vld [tilespmem:s24+$0x2D60]  }
0x147: {  	v36 =	vcvt.s32.f32 v36;
	v38 =	vld [tilespmem:s24+$0x2900]  }
0x148: {  	v39 =	vld [tilespmem:s24+$0x2920]  }
0x149: {  	v40 =	vmul.f32 v36, v10;
	v41 =	vmul.f32 v36, v30;
	v42 =	vld [tilespmem:s24+$0x2D20]  }
0x14a: {  	v44 =	vmul.f32 v36, v31;
	v45 =	vmul.f32 v36, v16;
	v43 =	vld [tilespmem:s24+$0x2D10]  }
0x14b: {  	v46 =	vmul.f32 v36, v35;
	v47 =	vmul.f32 v36, v29;
	v41 =	vadd.f32 v41, v25;
	v48 =	vld [tilespmem:s24+$0x2D70]  }
0x14c: {  	v50 =	vmul.f32 v36, v19;
	v40 =	vadd.f32 v40, v4;
	v45 =	vadd.f32 v45, v6;
	v49 =	vld [tilespmem:s24+$0x2940]  }
0x14d: {  	v51 =	vmul.f32 v36, v11;
	v46 =	vadd.f32 v46, v22;
	v39 =	vadd.f32 v39, v41;
	v41 =	vld [tilespmem:s24+$0x2960]  }
0x14e: {  	v38 =	vadd.f32 v40, v38;
	v40 =	vmul.f32 v36, v15;
	v37 =	vadd.f32 v37, v45;
	v52 =	vld [tilespmem:s24+$0x2D50]  }
0x14f: {  	v45 =	vadd.f32 v50, v9;
	v43 =	vadd.f32 v43, v46;
	v46 =	vmul.f32 v36, v34;
	v50 =	vld [tilespmem:s24+$0x2D40]  }
0x150: {  	v54 =	vmul.f32 v36, v28;
	v44 =	vadd.f32 v44, v20;
	v40 =	vadd.f32 v40, v7;
	v53 =	vld [tilespmem:s24+$0x2D00]  }
0x151: {  	v55 =	vmul.f32 v36, v33;
	v51 =	vadd.f32 v51, v5;
	v45 =	vadd.f32 v49, v45;
	v49 =	vld [tilespmem:s24+$0x2970];
	[tilespmem:s24+$0xED60] =	vst v37  }
0x152: {  	v37 =	vmul.f32 v36, v24;
	[tilespmem:s24+$0xE920] =	vst v39;
	v39 =	vadd.f32 v41, v40;
	v40 =	vld [tilespmem:s24+$0x2D30];
	v41 =	vadd.f32 v54, v14  }
0x153: {  	v46 =	vadd.f32 v46, v21;
	v54 =	vadd.f32 v55, v23;
	v55 =	vmul.f32 v36, v27;
	[tilespmem:s24+$0xE900] =	vst v38;
	v38 =	vld [tilespmem:s24+$0x2930]  }
0x154: {  	v56 =	vld [tilespmem:s24+$0x2910];
	[tilespmem:s24+$0xE960] =	vst v39;
	v39 =	vmul.f32 v36, v32;
	v44 =	vadd.f32 v50, v44;
	v41 =	vadd.f32 v52, v41  }
0x155: {  	v36 =	vmul.f32 v36, v17;
	v52 =	vadd.f32 v55, v13;
	[tilespmem:s24+$0xE940] =	vst v45;
	v45 =	vld [tilespmem:s24+$0x2950];
	v50 =	vadd.f32 v53, v54  }
0x156: {  	v37 =	vadd.f32 v37, v12;
	v39 =	vadd.f32 v39, v26;
	[tilespmem:s24+$0xED50] =	vst v41  }
0x157: {  	s28 =	sadd.s32 $0x1, s14;
	v41 =	vadd.f32 v36, v8;
	v40 =	vadd.f32 v40, v46;
	[tilespmem:s24+$0xED40] =	vst v44  }
.Ltmp2:
0x158: {  	v36 =	vadd.f32 v38, v37;
	[tilespmem:s24+$0xED10] =	vst v43;
	v37 =	vadd.f32 v48, v52;
	v38 =	vmov s28;
	(pc) =	sbr.rel @p1 .LBB2_3-.Ltmp2, $4  }
0x159: {  	v44 =	vadd.f32 v49, v39;
	v43 =	vadd.f32 v51, v56;
	[tilespmem:s24+$0xED30] =	vst v40;
	v38 =	vand.u32 $0x7F, v38  }
0x15a: {  	v40 =	vadd.f32 v47, v18;
	v39 =	vadd.f32 v45, v41;
	[tilespmem:s24+$0xED00] =	vst v50;
	v38 =	vor.u32 v3, v38  }
0x15b: {  	[tilespmem:s24+$0xE910] =	vst v43;
	v38 =	vbroadcast v38, $0x0  }
0x15c: {  	v40 =	vadd.f32 v42, v40;
	[tilespmem:s24+$0xE970] =	vst v44  }
0x15d: {  	[tilespmem:s24+$0xED70] =	vst v37  }
0x15e: {  	[tilespmem:s24+$0xE950] =	vst v39  }
0x15f: {  	[tilespmem:s24+$0xE930] =	vst v36  }
0x160: {  	[tilespmem:s24+$0xED20] =	vst v40  }
0x161: {  	v36 =	vld.idx.msk [tilespmem:v38+s12+$0x0], $0xffff;
	_ =	sdelay $0x3  }
0x162: {  	s7 =	sand.u32 $0x380, s8  }
0x163: {  	s7 =	sor.u32 s19, s7;
	v36 =	vcvt.s32.f32 v36  }
0x164: {  	v37 =	vld [tilespmem:s7+$0x2920]  }
0x165: {  	v50 =	vld [tilespmem:s7+$0x2970];
	v30 =	vmul.f32 v36, v30;
	v32 =	vmul.f32 v36, v32  }
0x166: {  	v40 =	vld [tilespmem:s7+$0x2D10];
	v35 =	vmul.f32 v36, v35;
	v31 =	vmul.f32 v36, v31  }
0x167: {  	v52 =	vld [tilespmem:s7+$0x2D40];
	v29 =	vmul.f32 v36, v29;
	v25 =	vadd.f32 v30, v25;
	v26 =	vadd.f32 v32, v26  }
0x168: {  	v53 =	vld [tilespmem:s7+$0x2D20];
	v24 =	vmul.f32 v36, v24;
	v22 =	vadd.f32 v35, v22;
	v20 =	vadd.f32 v31, v20  }
0x169: {  	v54 =	vld [tilespmem:s7+$0x2930];
	v19 =	vmul.f32 v36, v19;
	v18 =	vadd.f32 v29, v18;
	v25 =	vadd.f32 v37, v25  }
0x16a: {  	v39 =	vld [tilespmem:s7+$0x2D00];
	v30 =	vmul.f32 v36, v33;
	v12 =	vadd.f32 v24, v12;
	v26 =	vadd.f32 v50, v26  }
0x16b: {  	v51 =	vld [tilespmem:s7+$0x2D30];
	v9 =	vadd.f32 v19, v9;
	v22 =	vadd.f32 v40, v22;
	[tilespmem:s7+$0xE920] =	vst v25  }
0x16c: {  	v19 =	vld [tilespmem:s7+$0x2910];
	v23 =	vadd.f32 v30, v23;
	v30 =	vmul.f32 v36, v34;
	v20 =	vadd.f32 v52, v20;
	[tilespmem:s7+$0xE970] =	vst v26  }
0x16d: {  	v11 =	vmul.f32 v36, v11;
	v18 =	vadd.f32 v53, v18;
	v25 =	vld [tilespmem:s7+$0x2D50];
	[tilespmem:s7+$0xED10] =	vst v22  }
0x16e: {  	v28 =	vmul.f32 v36, v28;
	v12 =	vadd.f32 v54, v12;
	v21 =	vadd.f32 v30, v21;
	v26 =	vld [tilespmem:s7+$0x2D70];
	[tilespmem:s7+$0xED40] =	vst v20  }
0x16f: {  	v24 =	vmul.f32 v36, v27;
	v5 =	vadd.f32 v11, v5;
	v23 =	vadd.f32 v39, v23;
	v22 =	vld [tilespmem:s7+$0x2950];
	[tilespmem:s7+$0xED20] =	vst v18  }
0x170: {  	v17 =	vmul.f32 v36, v17;
	v14 =	vadd.f32 v28, v14;
	v18 =	vld [tilespmem:s7+$0x2900];
	[tilespmem:s7+$0xE930] =	vst v12;
	v21 =	vadd.f32 v51, v21  }
0x171: {  	v10 =	vmul.f32 v36, v10;
	v13 =	vadd.f32 v24, v13;
	v5 =	vadd.f32 v5, v19;
	[tilespmem:s7+$0xED00] =	vst v23;
	v23 =	vld [tilespmem:s7+$0x2940]  }
0x172: {  	v8 =	vadd.f32 v17, v8;
	[tilespmem:s7+$0xED30] =	vst v21;
	v21 =	vld [tilespmem:s7+$0x2960];
	v14 =	vadd.f32 v25, v14  }
0x173: {  	v15 =	vmul.f32 v36, v15;
	v4 =	vadd.f32 v10, v4;
	v12 =	vld [tilespmem:s7+$0x2D60];
	[tilespmem:s7+$0xE910] =	vst v5;
	v13 =	vadd.f32 v26, v13  }
0x174: {  	v8 =	vadd.f32 v22, v8;
	[tilespmem:s7+$0xED50] =	vst v14;
	v14 =	vmul.f32 v36, v16  }
0x175: {  	v7 =	vadd.f32 v15, v7;
	v4 =	vadd.f32 v4, v18;
	[tilespmem:s7+$0xED70] =	vst v13  }
0x176: {  	v9 =	vadd.f32 v23, v9;
	[tilespmem:s7+$0xE950] =	vst v8;
	v6 =	vadd.f32 v14, v6  }
0x177: {  	[tilespmem:s7+$0xE900] =	vst v4;
	v7 =	vadd.f32 v21, v7  }
0x178: {  	[tilespmem:s7+$0xE940] =	vst v9;
	v5 =	vadd.f32 v12, v6  }
0x179: {  	[tilespmem:s7+$0xE960] =	vst v7  }
0x17a: {  	[tilespmem:s7+$0xED60] =	vst v5  }
0x17b: {  	v25 =	vld [tilespmem:$0x2200]  }
0x17c: {  	v24 =	vld [tilespmem:$0x2210]  }
0x17d: {  	v17 =	vld [tilespmem:$0x2220]  }
0x17e: {  	v21 =	vld [tilespmem:$0x2230]  }
0x17f: {  	v14 =	vld [tilespmem:$0x2240]  }
0x180: {  	v26 =	vld [tilespmem:$0x2250]  }
0x181: {  	v16 =	vld [tilespmem:$0x2260]  }
0x182: {  	v15 =	vld [tilespmem:$0x2270]  }
0x183: {  	v4 =	vld [tilespmem:$0x2300]  }
0x184: {  	v8 =	vld [tilespmem:$0x2310]  }
0x185: {  	v10 =	vld [tilespmem:$0x2320]  }
0x186: {  	v9 =	vld [tilespmem:$0x2330]  }
0x187: {  	v5 =	vld [tilespmem:$0x2340]  }
0x188: {  	v7 =	vld [tilespmem:$0x2350]  }
0x189: {  	v6 =	vld [tilespmem:$0x2360]  }
0x18a: {  	v11 =	vld [tilespmem:$0x2370]  }
0x18b: {  	v32 =	vld [tilespmem:$0x2700]  }
0x18c: {  	s7 =	simm.s32 $0x0;
	v33 =	vld [tilespmem:$0x2710]  }
0x18d: {  	v30 =	vld [tilespmem:$0x2720];
	v12 =	vmov s7  }
0x18e: {  	v34 =	vld [tilespmem:$0x2730];
	v12 =	vand.u32 $0x7E, v12  }
0x18f: {  	v28 =	vld [tilespmem:$0x2740];
	v12 =	vor.u32 v3, v12  }
0x190: {  	v35 =	vld [tilespmem:$0x2750];
	v13 =	vbroadcast v12, $0x0  }
0x191: {  	v31 =	vld [tilespmem:$0x2760]  }
0x192: {  	v29 =	vld [tilespmem:$0x2770]  }
0x193: {  	v18 =	vld [tilespmem:$0x2790]  }
0x194: {  	v22 =	vld [tilespmem:$0x27A0]  }
0x195: {  	s19 =	simm.s32 $0x0;
	v23 =	vld [tilespmem:$0x27B0]  }
0x196: {  	s8 =	smul.u32 $0x1800, s19;
	v55 =	vld.idx.msk [tilespmem:v13+s12+$0x0], $0xffff  }
0x197: {  	v20 =	vld [tilespmem:$0x27D0]  }
0x198: {  	s11 =	sadd.s32 $0x800, s8;
	v19 =	vld [tilespmem:$0x27E0];
	s14 =	sand.u32 $0x300, s7  }
0x199: {  	v27 =	vld [tilespmem:$0x27F0];
	s24 =	sor.u32 s14, s11  }
0x19a: {  	v56 =	vld [tilespmem:s24+$0x2900]  }
0x19b: {  	v58 =	vld [tilespmem:s24+$0x2920];
	v36 =	vcvt.s32.f32 v55  }
0x19c: {  	v59 =	vld [tilespmem:s24+$0x2910]  }
0x19d: {  	v43 =	vld [tilespmem:s24+$0x2930];
	v57 =	vmul.f32 v36, v32  }
0x19e: {  	v45 =	vld [tilespmem:s24+$0x2940];
	v41 =	vmul.f32 v36, v30  }
0x19f: {  	v46 =	vld [tilespmem:s24+$0x2970];
	v42 =	vmul.f32 v36, v33;
	v38 =	vadd.f32 v57, v25  }
0x1a0: {  	v48 =	vld [tilespmem:s24+$0x2960];
	v44 =	vmul.f32 v36, v34;
	v41 =	vadd.f32 v41, v17  }
0x1a1: {  	v62 =	vld [tilespmem:s24+$0x2950];
	v47 =	vmul.f32 v36, v28;
	v42 =	vadd.f32 v42, v24;
	v37 =	vadd.f32 v38, v56  }
0x1a2: {  	v12 =	vld [tilespmem:$0x2780];
	v49 =	vmul.f32 v36, v31;
	v61 =	vadd.f32 v44, v21;
	v39 =	vadd.f32 v58, v41  }
0x1a3: {  	v13 =	vld [tilespmem:$0x27C0];
	v50 =	vmul.f32 v36, v35;
	v47 =	vadd.f32 v47, v14;
	v63 =	vadd.f32 v42, v59;
	[tilespmem:s24+$0xE900] =	vst v37  }
0x1a4: {  	v60 =	vmul.f32 v36, v29;
	v52 =	vadd.f32 v49, v16;
	v51 =	vadd.f32 v43, v61;
	[tilespmem:s24+$0xE920] =	vst v39  }
0x1a5: {  	v40 =	vadd.f32 v50, v26;
	v53 =	vadd.f32 v45, v47;
	[tilespmem:s24+$0xE910] =	vst v63  }
0x1a6: {  	v38 =	vadd.f32 v60, v15;
	v54 =	vadd.f32 v48, v52;
	[tilespmem:s24+$0xE930] =	vst v51  }
0x1a7: {  	v55 =	vadd.f32 v62, v40;
	[tilespmem:s24+$0xE940] =	vst v53  }
0x1a8: {  	v38 =	vadd.f32 v46, v38;
	[tilespmem:s24+$0xE960] =	vst v54  }
0x1a9: {  	s8 =	sadd.s32 $0xC00, s8;
	[tilespmem:s24+$0xE950] =	vst v55  }
0x1aa: {  	s14 =	sor.u32 s14, s8;
	[tilespmem:s24+$0xE970] =	vst v38  }
0x1ab: {  	v37 =	vld [tilespmem:s14+$0x2910]  }
0x1ac: {  	v56 =	vmul.f32 v36, v18;
	v39 =	vld [tilespmem:s14+$0x2960]  }
0x1ad: {  	v57 =	vmul.f32 v36, v13;
	v58 =	vmul.f32 v36, v19;
	v59 =	vld [tilespmem:s14+$0x2920]  }
0x1ae: {  	v60 =	vmul.f32 v36, v22;
	v38 =	vadd.f32 v56, v8;
	v61 =	vld [tilespmem:s14+$0x2940]  }
0x1af: {  	v44 =	vmul.f32 v36, v12;
	v40 =	vadd.f32 v57, v5;
	v41 =	vadd.f32 v58, v6;
	v52 =	vld [tilespmem:s14+$0x2930]  }
0x1b0: {  	v62 =	vmul.f32 v36, v23;
	v43 =	vadd.f32 v60, v10;
	v54 =	vld [tilespmem:s14+$0x2970];
	v37 =	vadd.f32 v37, v38  }
0x1b1: {  	s28 =	simm.s32 $0x1;
	v63 =	vmul.f32 v36, v20;
	v36 =	vmul.f32 v36, v27;
	v50 =	vld [tilespmem:s14+$0x2900];
	v39 =	vadd.f32 v39, v41  }
0x1b2: {  	v55 =	vmov s28;
	v57 =	vadd.f32 v62, v9;
	v53 =	vld [tilespmem:s14+$0x2950];
	v56 =	vadd.f32 v59, v43;
	[tilespmem:s14+$0xE910] =	vst v37  }
0x1b3: {  	v58 =	vand.u32 $0x7F, v55;
	v36 =	vadd.f32 v36, v11;
	v40 =	vadd.f32 v61, v40;
	[tilespmem:s14+$0xE960] =	vst v39  }
0x1b4: {  	v62 =	vadd.f32 v44, v4;
	v60 =	vor.u32 v3, v58;
	v61 =	vadd.f32 v52, v57;
	[tilespmem:s14+$0xE920] =	vst v56  }
0x1b5: {  	v59 =	vadd.f32 v63, v7;
	v36 =	vadd.f32 v54, v36;
	v39 =	vbroadcast v60, $0x0;
	[tilespmem:s14+$0xE940] =	vst v40  }
0x1b6: {  	v63 =	vadd.f32 v50, v62;
	[tilespmem:s14+$0xE930] =	vst v61  }
0x1b7: {  	s29 =	simm.s32 $0x80;
	v38 =	vadd.f32 v53, v59;
	[tilespmem:s14+$0xE970] =	vst v36  }
0x1b8: {  	s24 =	sand.u32 $0x380, s29;
	[tilespmem:s14+$0xE900] =	vst v63  }
0x1b9: {  	s19 =	sor.u32 s11, s24;
	[tilespmem:s14+$0xE950] =	vst v38  }
0x1ba: {  	v42 =	vld [tilespmem:s19+$0x2900]  }
0x1bb: {  	v36 =	vld.idx.msk [tilespmem:v39+s12+$0x0], $0xffff  }
0x1bc: {  	v41 =	vld [tilespmem:s19+$0x2910]  }
0x1bd: {  	v40 =	vld [tilespmem:s19+$0x2950]  }
0x1be: {  	v38 =	vld [tilespmem:s19+$0x2920]  }
0x1bf: {  	v37 =	vld [tilespmem:s19+$0x2940]  }
0x1c0: {  	s11 =	simm.s32 $0x1;
	s14 =	simm.s32 $0x0;
	v39 =	vld [tilespmem:s19+$0x2930];
	v36 =	vcvt.s32.f32 v36  }
.LBB2_5:
0x1c1: {  	p1 =	sne.s32 s11, $0xF;
	v43 =	vld [tilespmem:s19+$0x2960];
	s7 =	sadd.s32 $0x100, s7;
	s14 =	sadd.s32 $0x2, s14  }
0x1c2: {  	s28 =	smov.u32 s11;
	s11 =	sadd.s32 $0x1, s11;
	v44 =	vmul.f32 v36, v32;
	v45 =	vmul.f32 v36, v35;
	v46 =	vld [tilespmem:s19+$0x2970]  }
0x1c3: {  	v47 =	vmul.f32 v36, v33;
	v48 =	vmul.f32 v36, v34  }
0x1c4: {  	v49 =	vmul.f32 v36, v30;
	v44 =	vadd.f32 v44, v25;
	v45 =	vadd.f32 v45, v26  }
0x1c5: {  	v50 =	vmul.f32 v36, v28;
	v47 =	vadd.f32 v47, v24;
	v48 =	vadd.f32 v48, v21  }
0x1c6: {  	v42 =	vadd.f32 v44, v42;
	v44 =	vadd.f32 v49, v17;
	v49 =	vmul.f32 v36, v31  }
0x1c7: {  	v41 =	vadd.f32 v47, v41;
	v40 =	vadd.f32 v40, v45;
	v45 =	vmul.f32 v36, v29  }
0x1c8: {  	v39 =	vadd.f32 v39, v48;
	[tilespmem:s19+$0xE900] =	vst v42;
	v38 =	vadd.f32 v38, v44;
	v42 =	vmul.f32 v36, v27  }
0x1c9: {  	v47 =	vmul.f32 v36, v18;
	v44 =	vadd.f32 v49, v16;
	[tilespmem:s19+$0xE910] =	vst v41;
	v41 =	vadd.f32 v50, v14  }
0x1ca: {  	v48 =	vmul.f32 v36, v23;
	[tilespmem:s19+$0xE950] =	vst v40;
	v40 =	vadd.f32 v45, v15;
	v45 =	vmul.f32 v36, v22  }
0x1cb: {  	[tilespmem:s19+$0xE930] =	vst v39;
	v37 =	vadd.f32 v37, v41;
	v39 =	vadd.f32 v43, v44;
	v41 =	vmul.f32 v36, v20  }
0x1cc: {  	v43 =	vmul.f32 v36, v19;
	[tilespmem:s19+$0xE920] =	vst v38;
	v38 =	vadd.f32 v46, v40;
	v40 =	vmul.f32 v36, v13  }
0x1cd: {  	v36 =	vmul.f32 v36, v12;
	[tilespmem:s19+$0xE960] =	vst v39  }
0x1ce: {  	[tilespmem:s19+$0xE940] =	vst v37  }
0x1cf: {  	s8 =	sor.u32 s8, s24;
	[tilespmem:s19+$0xE970] =	vst v38  }
0x1d0: {  	v37 =	vld [tilespmem:s8+$0x2970]  }
0x1d1: {  	v38 =	vld [tilespmem:s8+$0x2920]  }
0x1d2: {  	v39 =	vld [tilespmem:s8+$0x2910]  }
0x1d3: {  	v42 =	vadd.f32 v42, v11;
	v44 =	vld [tilespmem:s8+$0x2930]  }
0x1d4: {  	v45 =	vadd.f32 v45, v10;
	v46 =	vld [tilespmem:s8+$0x2950]  }
0x1d5: {  	v47 =	vadd.f32 v47, v8;
	v49 =	vld [tilespmem:s8+$0x2940];
	v37 =	vadd.f32 v37, v42  }
0x1d6: {  	v42 =	vadd.f32 v48, v9;
	v48 =	vld [tilespmem:s8+$0x2960]  }
0x1d7: {  	v38 =	vadd.f32 v38, v45;
	v50 =	vld [tilespmem:s8+$0x2900];
	v39 =	vadd.f32 v39, v47;
	[tilespmem:s8+$0xE970] =	vst v37  }
0x1d8: {  	v41 =	vadd.f32 v41, v7;
	v37 =	vmov s14;
	v42 =	vadd.f32 v44, v42  }
0x1d9: {  	v37 =	vand.u32 $0x7E, v37;
	[tilespmem:s8+$0xE920] =	vst v38;
	v38 =	vadd.f32 v40, v5;
	v40 =	vadd.f32 v43, v6  }
0x1da: {  	v36 =	vadd.f32 v36, v4;
	v37 =	vor.u32 v3, v37;
	v41 =	vadd.f32 v46, v41;
	[tilespmem:s8+$0xE930] =	vst v42  }
0x1db: {  	v37 =	vbroadcast v37, $0x0;
	[tilespmem:s8+$0xE910] =	vst v39;
	v38 =	vadd.f32 v49, v38;
	v39 =	vadd.f32 v48, v40  }
0x1dc: {  	v36 =	vadd.f32 v50, v36;
	[tilespmem:s8+$0xE950] =	vst v41  }
0x1dd: {  	[tilespmem:s8+$0xE960] =	vst v39  }
0x1de: {  	[tilespmem:s8+$0xE900] =	vst v36  }
0x1df: {  	[tilespmem:s8+$0xE940] =	vst v38;
	_ =	sdelay $0x1  }
0x1e0: {  	s8 =	sshrl.u32 s28, $0x2;
	v36 =	vld.idx.msk [tilespmem:v37+s12+$0x0], $0xffff  }
0x1e1: {  	s8 =	smul.u32 $0x1800, s8;
	_ =	sdelay $0x1  }
0x1e2: {  	s24 =	sand.u32 $0x300, s7;
	s19 =	sadd.s32 $0x800, s8;
	s8 =	sadd.s32 $0xC00, s8  }
0x1e3: {  	s28 =	sor.u32 s24, s19  }
0x1e4: {  	v37 =	vld [tilespmem:s28+$0x2970]  }
0x1e5: {  	v36 =	vcvt.s32.f32 v36;
	v38 =	vld [tilespmem:s28+$0x2950]  }
0x1e6: {  	v39 =	vld [tilespmem:s28+$0x2900]  }
0x1e7: {  	v40 =	vmul.f32 v36, v32;
	v42 =	vmul.f32 v36, v29;
	v41 =	vld [tilespmem:s28+$0x2920]  }
0x1e8: {  	v44 =	vmul.f32 v36, v33;
	v45 =	vmul.f32 v36, v30;
	v43 =	vld [tilespmem:s28+$0x2910]  }
0x1e9: {  	v47 =	vmul.f32 v36, v28;
	v40 =	vadd.f32 v40, v25;
	v42 =	vadd.f32 v42, v15;
	v46 =	vld [tilespmem:s28+$0x2930]  }
0x1ea: {  	v48 =	vmul.f32 v36, v34;
	v44 =	vadd.f32 v44, v24;
	v45 =	vadd.f32 v45, v17;
	v49 =	vld [tilespmem:s28+$0x2940]  }
0x1eb: {  	v39 =	vadd.f32 v40, v39;
	v40 =	vadd.f32 v47, v14;
	v47 =	vmul.f32 v36, v35;
	v50 =	vld [tilespmem:s28+$0x2960]  }
0x1ec: {  	v41 =	vadd.f32 v41, v45;
	v45 =	vadd.f32 v48, v21;
	v48 =	vmul.f32 v36, v31  }
0x1ed: {  	[tilespmem:s28+$0xE900] =	vst v39;
	v39 =	vadd.f32 v44, v43;
	v43 =	vadd.f32 v47, v26;
	v44 =	vmul.f32 v36, v18  }
0x1ee: {  	[tilespmem:s28+$0xE920] =	vst v41;
	v41 =	vadd.f32 v46, v45;
	v45 =	vadd.f32 v48, v16;
	v46 =	vmul.f32 v36, v13  }
0x1ef: {  	[tilespmem:s28+$0xE910] =	vst v39;
	v39 =	vadd.f32 v49, v40;
	v38 =	vadd.f32 v38, v43;
	v40 =	vmul.f32 v36, v19  }
0x1f0: {  	v37 =	vadd.f32 v37, v42;
	v42 =	vmul.f32 v36, v22;
	[tilespmem:s28+$0xE930] =	vst v41;
	v41 =	vadd.f32 v50, v45  }
0x1f1: {  	v43 =	vmul.f32 v36, v23;
	[tilespmem:s28+$0xE940] =	vst v39;
	v39 =	vmul.f32 v36, v12  }
0x1f2: {  	[tilespmem:s28+$0xE970] =	vst v37;
	v37 =	vmul.f32 v36, v20;
	v36 =	vmul.f32 v36, v27  }
0x1f3: {  	[tilespmem:s28+$0xE960] =	vst v41  }
0x1f4: {  	s24 =	sor.u32 s24, s8;
	[tilespmem:s28+$0xE950] =	vst v38  }
0x1f5: {  	v38 =	vld [tilespmem:s24+$0x2910]  }
0x1f6: {  	v41 =	vld [tilespmem:s24+$0x2940]  }
0x1f7: {  	v45 =	vld [tilespmem:s24+$0x2960]  }
0x1f8: {  	v47 =	vld [tilespmem:s24+$0x2920]  }
0x1f9: {  	v44 =	vadd.f32 v44, v8;
	v46 =	vadd.f32 v46, v5;
	v48 =	vld [tilespmem:s24+$0x2900]  }
0x1fa: {  	v42 =	vadd.f32 v42, v10;
	v40 =	vadd.f32 v40, v6;
	v49 =	vld [tilespmem:s24+$0x2930]  }
0x1fb: {  	s28 =	sadd.s32 $0x1, s14;
	v38 =	vadd.f32 v38, v44;
	v41 =	vadd.f32 v41, v46;
	v44 =	vld [tilespmem:s24+$0x2950]  }
0x1fc: {  	v39 =	vadd.f32 v39, v4;
	v46 =	vmov s28;
	v40 =	vadd.f32 v45, v40;
	v45 =	vld [tilespmem:s24+$0x2970]  }
0x1fd: {  	[tilespmem:s24+$0xE910] =	vst v38;
	v38 =	vadd.f32 v47, v42;
	v42 =	vadd.f32 v43, v9;
	v43 =	vand.u32 $0x7F, v46  }
0x1fe: {  	v37 =	vadd.f32 v37, v7;
	v39 =	vadd.f32 v48, v39;
	[tilespmem:s24+$0xE960] =	vst v40;
	v40 =	vor.u32 v3, v43  }
0x1ff: {  	v36 =	vadd.f32 v36, v11;
	[tilespmem:s24+$0xE920] =	vst v38;
	v38 =	vadd.f32 v49, v42;
	v40 =	vbroadcast v40, $0x0  }
0x200: {  	[tilespmem:s24+$0xE940] =	vst v41;
	v37 =	vadd.f32 v44, v37  }
0x201: {  	[tilespmem:s24+$0xE930] =	vst v38;
	v36 =	vadd.f32 v45, v36  }
0x202: {  	[tilespmem:s24+$0xE950] =	vst v37  }
0x203: {  	s28 =	sadd.s32 $0x80, s7;
	[tilespmem:s24+$0xE970] =	vst v36  }
0x204: {  	[tilespmem:s24+$0xE900] =	vst v39;
	s24 =	sand.u32 $0x380, s28  }
0x205: {  	v36 =	vld.idx.msk [tilespmem:v40+s12+$0x0], $0xffff;
	s19 =	sor.u32 s19, s24  }
0x206: {  	v42 =	vld [tilespmem:s19+$0x2900]  }
.Ltmp3:
0x207: {  	v41 =	vld [tilespmem:s19+$0x2910];
	(pc) =	sbr.rel @p1 .LBB2_5-.Ltmp3, $4  }
0x208: {  	v40 =	vld [tilespmem:s19+$0x2950]  }
0x209: {  	v38 =	vld [tilespmem:s19+$0x2920]  }
0x20a: {  	v39 =	vld [tilespmem:s19+$0x2930]  }
0x20b: {  	v36 =	vcvt.s32.f32 v36;
	v37 =	vld [tilespmem:s19+$0x2940]  }
0x20c: {  	_ = 	snop  }
0x20d: {  	v32 =	vmul.f32 v36, v32  }
0x20e: {  	v33 =	vmul.f32 v36, v33  }
0x20f: {  	v35 =	vmul.f32 v36, v35;
	v25 =	vadd.f32 v32, v25  }
0x210: {  	v50 =	vmul.f32 v36, v34;
	v24 =	vadd.f32 v33, v24  }
0x211: {  	v51 =	vld [tilespmem:s19+$0x2960];
	v30 =	vmul.f32 v36, v30;
	v26 =	vadd.f32 v35, v26;
	v25 =	vadd.f32 v25, v42  }
0x212: {  	v31 =	vmul.f32 v36, v31;
	v21 =	vadd.f32 v50, v21;
	v24 =	vadd.f32 v24, v41  }
0x213: {  	v52 =	vld [tilespmem:s19+$0x2970];
	v28 =	vmul.f32 v36, v28;
	v17 =	vadd.f32 v30, v17;
	v26 =	vadd.f32 v40, v26;
	[tilespmem:s19+$0xE900] =	vst v25  }
0x214: {  	v16 =	vadd.f32 v31, v16;
	v21 =	vadd.f32 v39, v21;
	v25 =	vmul.f32 v36, v29;
	[tilespmem:s19+$0xE910] =	vst v24  }
0x215: {  	v14 =	vadd.f32 v28, v14;
	v17 =	vadd.f32 v38, v17;
	[tilespmem:s19+$0xE950] =	vst v26  }
0x216: {  	v16 =	vadd.f32 v51, v16;
	[tilespmem:s19+$0xE930] =	vst v21;
	v15 =	vadd.f32 v25, v15  }
0x217: {  	v14 =	vadd.f32 v37, v14;
	[tilespmem:s19+$0xE920] =	vst v17  }
0x218: {  	[tilespmem:s19+$0xE960] =	vst v16;
	v15 =	vadd.f32 v52, v15  }
0x219: {  	[tilespmem:s19+$0xE940] =	vst v14  }
0x21a: {  	s7 =	sor.u32 s8, s24;
	[tilespmem:s19+$0xE970] =	vst v15  }
0x21b: {  	v14 =	vld [tilespmem:s7+$0x2970]  }
0x21c: {  	v15 =	vmul.f32 v36, v27;
	v16 =	vld [tilespmem:s7+$0x2920]  }
0x21d: {  	v17 =	vmul.f32 v36, v22;
	v22 =	vmul.f32 v36, v23;
	v21 =	vld [tilespmem:s7+$0x2930]  }
0x21e: {  	v23 =	vld [tilespmem:s7+$0x2910];
	v11 =	vadd.f32 v15, v11;
	v15 =	vmul.f32 v36, v18  }
0x21f: {  	v10 =	vadd.f32 v17, v10;
	v9 =	vadd.f32 v22, v9;
	v17 =	vld [tilespmem:s7+$0x2950]  }
0x220: {  	v18 =	vmul.f32 v36, v20;
	v8 =	vadd.f32 v15, v8;
	v15 =	vld [tilespmem:s7+$0x2900];
	v11 =	vadd.f32 v14, v11  }
0x221: {  	v12 =	vmul.f32 v36, v12;
	v14 =	vld [tilespmem:s7+$0x2960];
	v10 =	vadd.f32 v16, v10  }
0x222: {  	v19 =	vmul.f32 v36, v19;
	v7 =	vadd.f32 v18, v7;
	v16 =	vld [tilespmem:s7+$0x2940];
	v9 =	vadd.f32 v21, v9;
	[tilespmem:s7+$0xE970] =	vst v11  }
0x223: {  	v4 =	vadd.f32 v12, v4;
	v8 =	vadd.f32 v23, v8;
	v11 =	vmul.f32 v36, v13;
	[tilespmem:s7+$0xE920] =	vst v10  }
0x224: {  	v6 =	vadd.f32 v19, v6;
	v7 =	vadd.f32 v17, v7;
	[tilespmem:s7+$0xE930] =	vst v9  }
0x225: {  	[tilespmem:s7+$0xE910] =	vst v8;
	v4 =	vadd.f32 v15, v4;
	v5 =	vadd.f32 v11, v5  }
0x226: {  	[tilespmem:s7+$0xE950] =	vst v7;
	v6 =	vadd.f32 v14, v6  }
0x227: {  	[tilespmem:s7+$0xE900] =	vst v4;
	v5 =	vadd.f32 v16, v5  }
0x228: {  	[tilespmem:s7+$0xE960] =	vst v6  }
0x229: {  	[tilespmem:s7+$0xE940] =	vst v5  }
0x22a: {  	v25 =	vld [tilespmem:$0x2400]  }
0x22b: {  	v24 =	vld [tilespmem:$0x2410]  }
0x22c: {  	v17 =	vld [tilespmem:$0x2420]  }
0x22d: {  	v21 =	vld [tilespmem:$0x2430]  }
0x22e: {  	v14 =	vld [tilespmem:$0x2440]  }
0x22f: {  	v26 =	vld [tilespmem:$0x2450]  }
0x230: {  	v16 =	vld [tilespmem:$0x2460]  }
0x231: {  	v15 =	vld [tilespmem:$0x2470]  }
0x232: {  	v4 =	vld [tilespmem:$0x2500]  }
0x233: {  	v8 =	vld [tilespmem:$0x2510]  }
0x234: {  	v10 =	vld [tilespmem:$0x2520]  }
0x235: {  	v9 =	vld [tilespmem:$0x2530]  }
0x236: {  	v5 =	vld [tilespmem:$0x2540]  }
0x237: {  	v7 =	vld [tilespmem:$0x2550]  }
0x238: {  	v6 =	vld [tilespmem:$0x2560]  }
0x239: {  	v11 =	vld [tilespmem:$0x2570]  }
0x23a: {  	v32 =	vld [tilespmem:$0x2800]  }
0x23b: {  	s7 =	simm.s32 $0x0;
	v33 =	vld [tilespmem:$0x2810]  }
0x23c: {  	v30 =	vld [tilespmem:$0x2820];
	v12 =	vmov s7  }
0x23d: {  	v34 =	vld [tilespmem:$0x2830];
	v12 =	vand.u32 $0x7E, v12  }
0x23e: {  	v28 =	vld [tilespmem:$0x2840];
	v12 =	vor.u32 v3, v12  }
0x23f: {  	v35 =	vld [tilespmem:$0x2850];
	v13 =	vbroadcast v12, $0x0  }
0x240: {  	v31 =	vld [tilespmem:$0x2860]  }
0x241: {  	v29 =	vld [tilespmem:$0x2870]  }
0x242: {  	v18 =	vld [tilespmem:$0x2890]  }
0x243: {  	v22 =	vld [tilespmem:$0x28A0]  }
0x244: {  	s19 =	simm.s32 $0x0;
	v23 =	vld [tilespmem:$0x28B0]  }
0x245: {  	s8 =	smul.u32 $0x1800, s19;
	v53 =	vld.idx.msk [tilespmem:v13+s12+$0x0], $0xffff  }
0x246: {  	v20 =	vld [tilespmem:$0x28D0]  }
0x247: {  	s11 =	sadd.s32 $0x1000, s8;
	v19 =	vld [tilespmem:$0x28E0];
	s14 =	sand.u32 $0x300, s7  }
0x248: {  	v27 =	vld [tilespmem:$0x28F0];
	s24 =	sor.u32 s14, s11  }
0x249: {  	v54 =	vld [tilespmem:s24+$0x2900]  }
0x24a: {  	v56 =	vld [tilespmem:s24+$0x2920];
	v36 =	vcvt.s32.f32 v53  }
0x24b: {  	v57 =	vld [tilespmem:s24+$0x2910]  }
0x24c: {  	v43 =	vld [tilespmem:s24+$0x2930];
	v55 =	vmul.f32 v36, v32  }
0x24d: {  	v45 =	vld [tilespmem:s24+$0x2940];
	v58 =	vmul.f32 v36, v30  }
0x24e: {  	v46 =	vld [tilespmem:s24+$0x2970];
	v59 =	vmul.f32 v36, v33;
	v38 =	vadd.f32 v55, v25  }
0x24f: {  	v48 =	vld [tilespmem:s24+$0x2960];
	v44 =	vmul.f32 v36, v34;
	v41 =	vadd.f32 v58, v17  }
0x250: {  	v62 =	vld [tilespmem:s24+$0x2950];
	v47 =	vmul.f32 v36, v28;
	v42 =	vadd.f32 v59, v24;
	v37 =	vadd.f32 v38, v54  }
0x251: {  	v12 =	vld [tilespmem:$0x2880];
	v49 =	vmul.f32 v36, v31;
	v61 =	vadd.f32 v44, v21;
	v39 =	vadd.f32 v56, v41  }
0x252: {  	v13 =	vld [tilespmem:$0x28C0];
	v50 =	vmul.f32 v36, v35;
	v47 =	vadd.f32 v47, v14;
	v63 =	vadd.f32 v42, v57;
	[tilespmem:s24+$0xE900] =	vst v37  }
0x253: {  	v60 =	vmul.f32 v36, v29;
	v52 =	vadd.f32 v49, v16;
	v51 =	vadd.f32 v43, v61;
	[tilespmem:s24+$0xE920] =	vst v39  }
0x254: {  	v40 =	vadd.f32 v50, v26;
	v53 =	vadd.f32 v45, v47;
	[tilespmem:s24+$0xE910] =	vst v63  }
0x255: {  	v38 =	vadd.f32 v60, v15;
	v54 =	vadd.f32 v48, v52;
	[tilespmem:s24+$0xE930] =	vst v51  }
0x256: {  	v55 =	vadd.f32 v62, v40;
	[tilespmem:s24+$0xE940] =	vst v53  }
0x257: {  	v38 =	vadd.f32 v46, v38;
	[tilespmem:s24+$0xE960] =	vst v54  }
0x258: {  	s8 =	sadd.s32 $0x1400, s8;
	[tilespmem:s24+$0xE950] =	vst v55  }
0x259: {  	s14 =	sor.u32 s14, s8;
	[tilespmem:s24+$0xE970] =	vst v38  }
0x25a: {  	v37 =	vld [tilespmem:s14+$0x2910]  }
0x25b: {  	v56 =	vmul.f32 v36, v18;
	v39 =	vld [tilespmem:s14+$0x2960]  }
0x25c: {  	v58 =	vmul.f32 v36, v19;
	v59 =	vld [tilespmem:s14+$0x2920]  }
0x25d: {  	v44 =	vmul.f32 v36, v12;
	v60 =	vmul.f32 v36, v22;
	v38 =	vadd.f32 v56, v8;
	v61 =	vld [tilespmem:s14+$0x2940]  }
0x25e: {  	v57 =	vmul.f32 v36, v13;
	v62 =	vmul.f32 v36, v23;
	v41 =	vadd.f32 v58, v6;
	v52 =	vld [tilespmem:s14+$0x2930]  }
0x25f: {  	v63 =	vmul.f32 v36, v20;
	v43 =	vadd.f32 v60, v10;
	v54 =	vld [tilespmem:s14+$0x2970];
	v37 =	vadd.f32 v37, v38  }
0x260: {  	s28 =	simm.s32 $0x1;
	v36 =	vmul.f32 v36, v27;
	v40 =	vadd.f32 v57, v5;
	v50 =	vld [tilespmem:s14+$0x2900];
	v39 =	vadd.f32 v39, v41  }
0x261: {  	v55 =	vmov s28;
	v57 =	vadd.f32 v62, v9;
	v53 =	vld [tilespmem:s14+$0x2950];
	v56 =	vadd.f32 v59, v43;
	[tilespmem:s14+$0xE910] =	vst v37  }
0x262: {  	v58 =	vand.u32 $0x7F, v55;
	v36 =	vadd.f32 v36, v11;
	v40 =	vadd.f32 v61, v40;
	[tilespmem:s14+$0xE960] =	vst v39  }
0x263: {  	v62 =	vadd.f32 v44, v4;
	v60 =	vor.u32 v3, v58;
	v61 =	vadd.f32 v52, v57;
	[tilespmem:s14+$0xE920] =	vst v56  }
0x264: {  	v59 =	vadd.f32 v63, v7;
	v36 =	vadd.f32 v54, v36;
	v39 =	vbroadcast v60, $0x0;
	[tilespmem:s14+$0xE940] =	vst v40  }
0x265: {  	v63 =	vadd.f32 v50, v62;
	[tilespmem:s14+$0xE930] =	vst v61  }
0x266: {  	s29 =	simm.s32 $0x80;
	v38 =	vadd.f32 v53, v59;
	[tilespmem:s14+$0xE970] =	vst v36  }
0x267: {  	s24 =	sand.u32 $0x380, s29;
	[tilespmem:s14+$0xE900] =	vst v63  }
0x268: {  	s19 =	sor.u32 s11, s24;
	[tilespmem:s14+$0xE950] =	vst v38  }
0x269: {  	v42 =	vld [tilespmem:s19+$0x2900]  }
0x26a: {  	v36 =	vld.idx.msk [tilespmem:v39+s12+$0x0], $0xffff  }
0x26b: {  	v41 =	vld [tilespmem:s19+$0x2910]  }
0x26c: {  	v40 =	vld [tilespmem:s19+$0x2950]  }
0x26d: {  	v38 =	vld [tilespmem:s19+$0x2920]  }
0x26e: {  	v37 =	vld [tilespmem:s19+$0x2940]  }
0x26f: {  	s11 =	simm.s32 $0x1;
	s14 =	simm.s32 $0x0;
	v39 =	vld [tilespmem:s19+$0x2930];
	v36 =	vcvt.s32.f32 v36  }
.LBB2_7:
0x270: {  	p1 =	sne.s32 s11, $0xF;
	v43 =	vld [tilespmem:s19+$0x2960];
	s7 =	sadd.s32 $0x100, s7;
	s14 =	sadd.s32 $0x2, s14  }
0x271: {  	s28 =	smov.u32 s11;
	s11 =	sadd.s32 $0x1, s11;
	v44 =	vmul.f32 v36, v32;
	v45 =	vmul.f32 v36, v35;
	v46 =	vld [tilespmem:s19+$0x2970]  }
0x272: {  	v47 =	vmul.f32 v36, v33;
	v48 =	vmul.f32 v36, v34  }
0x273: {  	v49 =	vmul.f32 v36, v30;
	v44 =	vadd.f32 v44, v25;
	v45 =	vadd.f32 v45, v26  }
0x274: {  	v50 =	vmul.f32 v36, v28;
	v47 =	vadd.f32 v47, v24;
	v48 =	vadd.f32 v48, v21  }
0x275: {  	v42 =	vadd.f32 v44, v42;
	v44 =	vadd.f32 v49, v17;
	v49 =	vmul.f32 v36, v31  }
0x276: {  	v41 =	vadd.f32 v47, v41;
	v40 =	vadd.f32 v40, v45;
	v45 =	vmul.f32 v36, v29  }
0x277: {  	v39 =	vadd.f32 v39, v48;
	[tilespmem:s19+$0xE900] =	vst v42;
	v38 =	vadd.f32 v38, v44;
	v42 =	vmul.f32 v36, v27  }
0x278: {  	v47 =	vmul.f32 v36, v18;
	v44 =	vadd.f32 v49, v16;
	[tilespmem:s19+$0xE910] =	vst v41;
	v41 =	vadd.f32 v50, v14  }
0x279: {  	v48 =	vmul.f32 v36, v23;
	[tilespmem:s19+$0xE950] =	vst v40;
	v40 =	vadd.f32 v45, v15;
	v45 =	vmul.f32 v36, v22  }
0x27a: {  	[tilespmem:s19+$0xE930] =	vst v39;
	v37 =	vadd.f32 v37, v41;
	v39 =	vadd.f32 v43, v44;
	v41 =	vmul.f32 v36, v20  }
0x27b: {  	v43 =	vmul.f32 v36, v19;
	[tilespmem:s19+$0xE920] =	vst v38;
	v38 =	vadd.f32 v46, v40;
	v40 =	vmul.f32 v36, v13  }
0x27c: {  	v36 =	vmul.f32 v36, v12;
	[tilespmem:s19+$0xE960] =	vst v39  }
0x27d: {  	[tilespmem:s19+$0xE940] =	vst v37  }
0x27e: {  	s8 =	sor.u32 s8, s24;
	[tilespmem:s19+$0xE970] =	vst v38  }
0x27f: {  	v37 =	vld [tilespmem:s8+$0x2970]  }
0x280: {  	v38 =	vld [tilespmem:s8+$0x2920]  }
0x281: {  	v39 =	vld [tilespmem:s8+$0x2910]  }
0x282: {  	v42 =	vadd.f32 v42, v11;
	v44 =	vld [tilespmem:s8+$0x2930]  }
0x283: {  	v45 =	vadd.f32 v45, v10;
	v46 =	vld [tilespmem:s8+$0x2950]  }
0x284: {  	v47 =	vadd.f32 v47, v8;
	v49 =	vld [tilespmem:s8+$0x2940];
	v37 =	vadd.f32 v37, v42  }
0x285: {  	v42 =	vadd.f32 v48, v9;
	v48 =	vld [tilespmem:s8+$0x2960]  }
0x286: {  	v38 =	vadd.f32 v38, v45;
	v50 =	vld [tilespmem:s8+$0x2900];
	v39 =	vadd.f32 v39, v47;
	[tilespmem:s8+$0xE970] =	vst v37  }
0x287: {  	v41 =	vadd.f32 v41, v7;
	v37 =	vmov s14;
	v42 =	vadd.f32 v44, v42  }
0x288: {  	v37 =	vand.u32 $0x7E, v37;
	[tilespmem:s8+$0xE920] =	vst v38;
	v38 =	vadd.f32 v40, v5;
	v40 =	vadd.f32 v43, v6  }
0x289: {  	v36 =	vadd.f32 v36, v4;
	v37 =	vor.u32 v3, v37;
	v41 =	vadd.f32 v46, v41;
	[tilespmem:s8+$0xE930] =	vst v42  }
0x28a: {  	v37 =	vbroadcast v37, $0x0;
	[tilespmem:s8+$0xE910] =	vst v39;
	v38 =	vadd.f32 v49, v38;
	v39 =	vadd.f32 v48, v40  }
0x28b: {  	v36 =	vadd.f32 v50, v36;
	[tilespmem:s8+$0xE950] =	vst v41  }
0x28c: {  	[tilespmem:s8+$0xE960] =	vst v39  }
0x28d: {  	[tilespmem:s8+$0xE900] =	vst v36  }
0x28e: {  	[tilespmem:s8+$0xE940] =	vst v38;
	_ =	sdelay $0x1  }
0x28f: {  	s8 =	sshrl.u32 s28, $0x2;
	v36 =	vld.idx.msk [tilespmem:v37+s12+$0x0], $0xffff  }
0x290: {  	s8 =	smul.u32 $0x1800, s8;
	_ =	sdelay $0x1  }
0x291: {  	s24 =	sand.u32 $0x300, s7;
	s19 =	sadd.s32 $0x1000, s8;
	s8 =	sadd.s32 $0x1400, s8  }
0x292: {  	s28 =	sor.u32 s24, s19  }
0x293: {  	v37 =	vld [tilespmem:s28+$0x2970]  }
0x294: {  	v36 =	vcvt.s32.f32 v36;
	v38 =	vld [tilespmem:s28+$0x2950]  }
0x295: {  	v39 =	vld [tilespmem:s28+$0x2900]  }
0x296: {  	v40 =	vmul.f32 v36, v32;
	v42 =	vmul.f32 v36, v29;
	v41 =	vld [tilespmem:s28+$0x2920]  }
0x297: {  	v44 =	vmul.f32 v36, v33;
	v45 =	vmul.f32 v36, v30;
	v43 =	vld [tilespmem:s28+$0x2910]  }
0x298: {  	v47 =	vmul.f32 v36, v28;
	v40 =	vadd.f32 v40, v25;
	v42 =	vadd.f32 v42, v15;
	v46 =	vld [tilespmem:s28+$0x2930]  }
0x299: {  	v48 =	vmul.f32 v36, v34;
	v44 =	vadd.f32 v44, v24;
	v45 =	vadd.f32 v45, v17;
	v49 =	vld [tilespmem:s28+$0x2940]  }
0x29a: {  	v39 =	vadd.f32 v40, v39;
	v40 =	vadd.f32 v47, v14;
	v47 =	vmul.f32 v36, v35;
	v50 =	vld [tilespmem:s28+$0x2960]  }
0x29b: {  	v41 =	vadd.f32 v41, v45;
	v45 =	vadd.f32 v48, v21;
	v48 =	vmul.f32 v36, v31  }
0x29c: {  	[tilespmem:s28+$0xE900] =	vst v39;
	v39 =	vadd.f32 v44, v43;
	v43 =	vadd.f32 v47, v26;
	v44 =	vmul.f32 v36, v18  }
0x29d: {  	[tilespmem:s28+$0xE920] =	vst v41;
	v41 =	vadd.f32 v46, v45;
	v45 =	vadd.f32 v48, v16;
	v46 =	vmul.f32 v36, v13  }
0x29e: {  	[tilespmem:s28+$0xE910] =	vst v39;
	v39 =	vadd.f32 v49, v40;
	v38 =	vadd.f32 v38, v43;
	v40 =	vmul.f32 v36, v19  }
0x29f: {  	v37 =	vadd.f32 v37, v42;
	v42 =	vmul.f32 v36, v22;
	[tilespmem:s28+$0xE930] =	vst v41;
	v41 =	vadd.f32 v50, v45  }
0x2a0: {  	v43 =	vmul.f32 v36, v23;
	[tilespmem:s28+$0xE940] =	vst v39;
	v39 =	vmul.f32 v36, v12  }
0x2a1: {  	[tilespmem:s28+$0xE970] =	vst v37;
	v37 =	vmul.f32 v36, v20;
	v36 =	vmul.f32 v36, v27  }
0x2a2: {  	[tilespmem:s28+$0xE960] =	vst v41  }
0x2a3: {  	s24 =	sor.u32 s24, s8;
	[tilespmem:s28+$0xE950] =	vst v38  }
0x2a4: {  	v38 =	vld [tilespmem:s24+$0x2910]  }
0x2a5: {  	v41 =	vld [tilespmem:s24+$0x2940]  }
0x2a6: {  	v45 =	vld [tilespmem:s24+$0x2960]  }
0x2a7: {  	v47 =	vld [tilespmem:s24+$0x2920]  }
0x2a8: {  	v44 =	vadd.f32 v44, v8;
	v46 =	vadd.f32 v46, v5;
	v48 =	vld [tilespmem:s24+$0x2900]  }
0x2a9: {  	v42 =	vadd.f32 v42, v10;
	v40 =	vadd.f32 v40, v6;
	v49 =	vld [tilespmem:s24+$0x2930]  }
0x2aa: {  	s28 =	sadd.s32 $0x1, s14;
	v38 =	vadd.f32 v38, v44;
	v41 =	vadd.f32 v41, v46;
	v44 =	vld [tilespmem:s24+$0x2950]  }
0x2ab: {  	v39 =	vadd.f32 v39, v4;
	v46 =	vmov s28;
	v40 =	vadd.f32 v45, v40;
	v45 =	vld [tilespmem:s24+$0x2970]  }
0x2ac: {  	[tilespmem:s24+$0xE910] =	vst v38;
	v38 =	vadd.f32 v47, v42;
	v42 =	vadd.f32 v43, v9;
	v43 =	vand.u32 $0x7F, v46  }
0x2ad: {  	v37 =	vadd.f32 v37, v7;
	v39 =	vadd.f32 v48, v39;
	[tilespmem:s24+$0xE960] =	vst v40;
	v40 =	vor.u32 v3, v43  }
0x2ae: {  	v36 =	vadd.f32 v36, v11;
	[tilespmem:s24+$0xE920] =	vst v38;
	v38 =	vadd.f32 v49, v42;
	v40 =	vbroadcast v40, $0x0  }
0x2af: {  	[tilespmem:s24+$0xE940] =	vst v41;
	v37 =	vadd.f32 v44, v37  }
0x2b0: {  	[tilespmem:s24+$0xE930] =	vst v38;
	v36 =	vadd.f32 v45, v36  }
0x2b1: {  	[tilespmem:s24+$0xE950] =	vst v37  }
0x2b2: {  	s28 =	sadd.s32 $0x80, s7;
	[tilespmem:s24+$0xE970] =	vst v36  }
0x2b3: {  	[tilespmem:s24+$0xE900] =	vst v39;
	s24 =	sand.u32 $0x380, s28  }
0x2b4: {  	v36 =	vld.idx.msk [tilespmem:v40+s12+$0x0], $0xffff;
	s19 =	sor.u32 s19, s24  }
0x2b5: {  	v42 =	vld [tilespmem:s19+$0x2900]  }
.Ltmp4:
0x2b6: {  	v41 =	vld [tilespmem:s19+$0x2910];
	(pc) =	sbr.rel @p1 .LBB2_7-.Ltmp4, $4  }
0x2b7: {  	v40 =	vld [tilespmem:s19+$0x2950]  }
0x2b8: {  	v38 =	vld [tilespmem:s19+$0x2920]  }
0x2b9: {  	v39 =	vld [tilespmem:s19+$0x2930]  }
0x2ba: {  	v36 =	vcvt.s32.f32 v36;
	v37 =	vld [tilespmem:s19+$0x2940]  }
0x2bb: {  	_ = 	snop  }
0x2bc: {  	v3 =	vmul.f32 v36, v32  }
0x2bd: {  	v48 =	vmul.f32 v36, v33;
	v49 =	vmul.f32 v36, v35  }
0x2be: {  	v30 =	vmul.f32 v36, v30;
	v3 =	vadd.f32 v3, v25  }
0x2bf: {  	v28 =	vmul.f32 v36, v28;
	v24 =	vadd.f32 v48, v24;
	v26 =	vadd.f32 v49, v26  }
0x2c0: {  	v25 =	vmul.f32 v36, v34;
	v17 =	vadd.f32 v30, v17;
	v3 =	vadd.f32 v3, v42  }
0x2c1: {  	v50 =	vld [tilespmem:s19+$0x2960];
	v14 =	vadd.f32 v28, v14;
	v24 =	vadd.f32 v24, v41  }
0x2c2: {  	v51 =	vld [tilespmem:s19+$0x2970];
	v21 =	vadd.f32 v25, v21;
	v25 =	vmul.f32 v36, v31;
	v26 =	vadd.f32 v40, v26;
	[tilespmem:s19+$0xE900] =	vst v3  }
0x2c3: {  	v17 =	vadd.f32 v38, v17;
	v3 =	vmul.f32 v36, v29;
	[tilespmem:s19+$0xE910] =	vst v24  }
0x2c4: {  	v14 =	vadd.f32 v37, v14;
	v16 =	vadd.f32 v25, v16;
	[tilespmem:s19+$0xE950] =	vst v26  }
0x2c5: {  	v21 =	vadd.f32 v39, v21;
	[tilespmem:s19+$0xE920] =	vst v17;
	v3 =	vadd.f32 v3, v15  }
0x2c6: {  	[tilespmem:s19+$0xE940] =	vst v14;
	v15 =	vadd.f32 v50, v16  }
0x2c7: {  	[tilespmem:s19+$0xE930] =	vst v21;
	v3 =	vadd.f32 v51, v3  }
0x2c8: {  	[tilespmem:s19+$0xE960] =	vst v15  }
0x2c9: {  	s7 =	sor.u32 s8, s24;
	[tilespmem:s19+$0xE970] =	vst v3  }
0x2ca: {  	v14 =	vmul.f32 v36, v27;
	v3 =	vld [tilespmem:s7+$0x2970]  }
0x2cb: {  	v15 =	vld [tilespmem:s7+$0x2920]  }
0x2cc: {  	v16 =	vmul.f32 v36, v22;
	v11 =	vadd.f32 v14, v11;
	v14 =	vmul.f32 v36, v18;
	v22 =	vld [tilespmem:s7+$0x2910]  }
0x2cd: {  	v17 =	vld [tilespmem:s7+$0x2930]  }
0x2ce: {  	v21 =	vmul.f32 v36, v23;
	v10 =	vadd.f32 v16, v10;
	v8 =	vadd.f32 v14, v8;
	v14 =	vld [tilespmem:s7+$0x2900]  }
0x2cf: {  	v12 =	vmul.f32 v36, v12;
	v16 =	vld [tilespmem:s7+$0x2950];
	v3 =	vadd.f32 v3, v11  }
0x2d0: {  	v18 =	vmul.f32 v36, v20;
	v9 =	vadd.f32 v21, v9;
	v11 =	vld [tilespmem:s7+$0x2960];
	v10 =	vadd.f32 v15, v10  }
0x2d1: {  	v19 =	vmul.f32 v36, v19;
	v4 =	vadd.f32 v12, v4;
	v15 =	vld [tilespmem:s7+$0x2940];
	v8 =	vadd.f32 v22, v8;
	[tilespmem:s7+$0xE970] =	vst v3  }
0x2d2: {  	v7 =	vadd.f32 v18, v7;
	v3 =	vadd.f32 v17, v9;
	v9 =	vmul.f32 v36, v13;
	[tilespmem:s7+$0xE920] =	vst v10  }
0x2d3: {  	v6 =	vadd.f32 v19, v6;
	v4 =	vadd.f32 v14, v4;
	[tilespmem:s7+$0xE910] =	vst v8  }
0x2d4: {  	[tilespmem:s7+$0xE930] =	vst v3;
	v3 =	vadd.f32 v16, v7;
	v5 =	vadd.f32 v9, v5  }
0x2d5: {  	s11 =	sadd.s32 s6, s26;
	[tilespmem:s7+$0xE900] =	vst v4;
	v6 =	vadd.f32 v11, v6  }
0x2d6: {  	s8 =	smul.u32 $0xC00, s11;
	[tilespmem:s7+$0xE950] =	vst v3;
	v3 =	vadd.f32 v15, v5  }
0x2d7: {  	p1 =	seq.s32 s25, $0xF;
	[tilespmem:s7+$0xE960] =	vst v6  }
0x2d8: {  	s14 =	sadd.s32 s4, s8;
	[tilespmem:s7+$0xE940] =	vst v3;
	s7 =	sshll.u32 @!p1 s25, $0x8  }
0x2d9: {  	[hbm4b:s14+s5] =	stream.linear.scatter [tilespmem:s21], [sflag:$0x3], $0x6000, $0x38;
	[tilespmem:$0x1A900] =	vst v63  }
0x2da: {  	s7 =	sand.u32 @!p1 $0x3FFFFF00, s7  }
0x2db: {  	v3 =	vld @!p1 [tilespmem:s7+$0x100];
	_ =	sdelay $0x4  }
0x2dc: {  	v4 =	vshrl.u32 @!p1 v3, $0x3  }
0x2dd: {  	v4 =	vmul.u32 @!p1 $0x30, v4  }
0x2de: {  	v5 =	vlaneseq.u32 @!p1;
	v3 =	vand.u32 @!p1 $0x7, v3  }
0x2df: {  	v6 =	vshrl.u32 @!p1 v5, $0x3;
	v3 =	vor.u32 @!p1 v3, v4;
	v4 =	vand.u32 @!p1 $0x7, v5  }
0x2e0: {  	v6 =	vmul.u32 @!p1 $0x8, v6;
	v7 =	vperm.xlane @!p1 v3, v4;
	_ =	sdelay $0x1  }
0x2e1: {  	v7 =	vadd.s32 @!p1 v6, v7;
	_ =	sdelay $0x2  }
0x2e2: {  	v5 =	vor.u32 @!p1 $0x8, v5  }
0x2e3: {  	vm1 =	vmmov @!p1 $0xffff;
	s11 =	simm.s32 @!p1 $0x2900;
	s8 =	simm.s32 @!p1 $0x0;
	v3 =	vperm.xlane @!p1 v3, v5  }
0x2e4: {  	[tilespmem:s11], [sflag:$0x1] =	stream.indirect_vreg.gather @!p1 [hbm4b:s1+s8], $0x80, v7, vm1, $0xb8;
	[tilespmem:$0x1A900] =	vst v63  }
0x2e5: {  	v3 =	vadd.s32 @!p1 v6, v3;
	s11 =	simm.s32 @!p1 $0x3100  }
0x2e6: {  	[tilespmem:s11], [sflag:$0x1] =	stream.indirect_vreg.gather @!p1 [hbm4b:s9+s8], $0x80, v7, vm1, $0xb8;
	[tilespmem:$0x1A900] =	vst v63  }
0x2e7: {  	s11 =	simm.s32 @!p1 $0x3900  }
0x2e8: {  	[tilespmem:s11], [sflag:$0x1] =	stream.indirect_vreg.gather @!p1 [hbm4b:s10+s8], $0x80, v7, vm1, $0xb8;
	[tilespmem:$0x1A900] =	vst v63  }
0x2e9: {  	s11 =	simm.s32 @!p1 $0x4100  }
0x2ea: {  	[tilespmem:s11], [sflag:$0x1] =	stream.indirect_vreg.gather @!p1 [hbm4b:s1+s8], $0x80, v3, vm1, $0xb8;
	[tilespmem:$0x1A900] =	vst v63  }
0x2eb: {  	s11 =	simm.s32 @!p1 $0x4900  }
0x2ec: {  	[tilespmem:s11], [sflag:$0x1] =	stream.indirect_vreg.gather @!p1 [hbm4b:s9+s8], $0x80, v3, vm1, $0xb8;
	[tilespmem:$0x1A900] =	vst v63  }
0x2ed: {  	s11 =	simm.s32 @!p1 $0x5100  }
0x2ee: {  	[tilespmem:s11], [sflag:$0x1] =	stream.indirect_vreg.gather @!p1 [hbm4b:s10+s8], $0x80, v3, vm1, $0xb8;
	[tilespmem:$0x1A900] =	vst v63  }
0x2ef: {  	v3 =	vld @!p1 [tilespmem:s7+$0x110];
	_ =	sdelay $0x4  }
0x2f0: {  	v7 =	vshrl.u32 @!p1 v3, $0x3  }
0x2f1: {  	v7 =	vmul.u32 @!p1 $0x30, v7  }
0x2f2: {  	v3 =	vand.u32 @!p1 $0x7, v3  }
0x2f3: {  	v3 =	vor.u32 @!p1 v3, v7  }
0x2f4: {  	v4 =	vperm.xlane @!p1 v3, v4;
	_ =	sdelay $0x1  }
0x2f5: {  	v4 =	vadd.s32 @!p1 v6, v4;
	_ =	sdelay $0x3  }
0x2f6: {  	s7 =	simm.s32 @!p1 $0x5900;
	v3 =	vperm.xlane @!p1 v3, v5  }
0x2f7: {  	[tilespmem:s7], [sflag:$0x1] =	stream.indirect_vreg.gather @!p1 [hbm4b:s1+s8], $0x80, v4, vm1, $0xb8;
	[tilespmem:$0x1A900] =	vst v63  }
0x2f8: {  	v3 =	vadd.s32 @!p1 v6, v3;
	s7 =	simm.s32 @!p1 $0x6100  }
0x2f9: {  	[tilespmem:s7], [sflag:$0x1] =	stream.indirect_vreg.gather @!p1 [hbm4b:s9+s8], $0x80, v4, vm1, $0xb8;
	[tilespmem:$0x1A900] =	vst v63  }
0x2fa: {  	s7 =	simm.s32 @!p1 $0x6900  }
0x2fb: {  	[tilespmem:s7], [sflag:$0x1] =	stream.indirect_vreg.gather @!p1 [hbm4b:s10+s8], $0x80, v4, vm1, $0xb8;
	[tilespmem:$0x1A900] =	vst v63  }
0x2fc: {  	s7 =	simm.s32 @!p1 $0x7100  }
0x2fd: {  	[tilespmem:s7], [sflag:$0x1] =	stream.indirect_vreg.gather @!p1 [hbm4b:s1+s8], $0x80, v3, vm1, $0xb8;
	[tilespmem:$0x1A900] =	vst v63  }
0x2fe: {  	s7 =	simm.s32 @!p1 $0x7900  }
0x2ff: {  	[tilespmem:s7], [sflag:$0x1] =	stream.indirect_vreg.gather @!p1 [hbm4b:s9+s8], $0x80, v3, vm1, $0xb8;
	[tilespmem:$0x1A900] =	vst v63  }
0x300: {  	s7 =	simm.s32 @!p1 $0x8100  }
0x301: {  	[tilespmem:s7], [sflag:$0x1] =	stream.indirect_vreg.gather @!p1 [hbm4b:s10+s8], $0x80, v3, vm1, $0xb8;
	[tilespmem:$0x1A900] =	vst v63  }
0x302: {  	_ =	swait.ge [sflag:s22], $0x6000  }
0x303: {  	[sflag:s22] =	ssyncset.done $0x0  }
0x304: {  	s7 =	simm.s32 @!p0 $0x4;
	[sflag:s22] =	ssyncadd.s32 $0xFFFFA000  }
0x305: {  	_ =	swait.ge @!p0 [sflag:s7], $0x6000  }
0x306: {  	[sflag:s7] =	ssyncset.done @!p0 $0x0  }
0x307: {  	[sflag:s7] =	ssyncadd.s32 @!p0 $0xFFFFA000  }
0x308: {  	v4 =	vld [tilespmem:$0x2000]  }
0x309: {  	v5 =	vld [tilespmem:$0x2010]  }
0x30a: {  	v25 =	vld [tilespmem:$0x2020]  }
0x30b: {  	v12 =	vld [tilespmem:$0x2030]  }
0x30c: {  	v9 =	vld [tilespmem:$0x2040]  }
0x30d: {  	v8 =	vld [tilespmem:$0x2050]  }
0x30e: {  	v7 =	vld [tilespmem:$0x2060]  }
0x30f: {  	v26 =	vld [tilespmem:$0x2070]  }
0x310: {  	v23 =	vld [tilespmem:$0x2100]  }
0x311: {  	v22 =	vld [tilespmem:$0x2110]  }
0x312: {  	v18 =	vld [tilespmem:$0x2120]  }
0x313: {  	v21 =	vld [tilespmem:$0x2130]  }
0x314: {  	v20 =	vld [tilespmem:$0x2140]  }
0x315: {  	v14 =	vld [tilespmem:$0x2150]  }
0x316: {  	v6 =	vld [tilespmem:$0x2160]  }
0x317: {  	v13 =	vld [tilespmem:$0x2170]  }
0x318: {  	v10 =	vld [tilespmem:$0x2600]  }
0x319: {  	v11 =	vld [tilespmem:$0x2610]  }
0x31a: {  	s26 =	sor.u32 $0x1, s26;
	s7 =	simm.s32 $0x0;
	v30 =	vld [tilespmem:$0x2620]  }
0x31b: {  	s19 =	sshll.u32 s26, $0x7;
	v24 =	vld [tilespmem:$0x2630];
	v16 =	vmov s7  }
0x31c: {  	v3 =	vmov s19;
	v19 =	vld [tilespmem:$0x2640];
	v16 =	vand.u32 $0x7E, v16  }
0x31d: {  	v17 =	vld [tilespmem:$0x2650];
	v16 =	vor.u32 v3, v16  }
0x31e: {  	v15 =	vld [tilespmem:$0x2660];
	v52 =	vbroadcast v16, $0x0  }
0x31f: {  	v32 =	vld [tilespmem:$0x2670]  }
0x320: {  	v33 =	vld [tilespmem:$0x2680]  }
0x321: {  	v35 =	vld [tilespmem:$0x2690]  }
0x322: {  	v29 =	vld [tilespmem:$0x26A0]  }
0x323: {  	v34 =	vld [tilespmem:$0x26B0]  }
0x324: {  	v36 =	vld.idx.msk [tilespmem:v52+s12+$0x0], $0xffff  }
0x325: {  	s24 =	simm.s32 $0x0;
	v31 =	vld [tilespmem:$0x26C0]  }
0x326: {  	s19 =	smul.u32 $0x1800, s24;
	v16 =	vld [tilespmem:$0x26E0]  }
0x327: {  	v28 =	vld [tilespmem:$0x26D0];
	s28 =	sand.u32 $0x300, s7  }
0x328: {  	v27 =	vld [tilespmem:$0x26F0];
	s24 =	sor.u32 s28, s19  }
0x329: {  	v53 =	vld [tilespmem:s24+$0x8D60];
	v36 =	vcvt.s32.f32 v36  }
0x32a: {  	v54 =	vld [tilespmem:s24+$0x8900]  }
0x32b: {  	v55 =	vld [tilespmem:s24+$0x8920];
	v43 =	vmul.f32 v36, v16  }
0x32c: {  	v40 =	vld [tilespmem:s24+$0x8D20];
	v45 =	vmul.f32 v36, v30;
	v48 =	vmul.f32 v36, v10  }
0x32d: {  	v46 =	vld [tilespmem:s24+$0x8960];
	v50 =	vmul.f32 v36, v35;
	v51 =	vmul.f32 v36, v15;
	v43 =	vadd.f32 v43, v6  }
0x32e: {  	v56 =	vld [tilespmem:s24+$0x8D10];
	v60 =	vmul.f32 v36, v31;
	v45 =	vadd.f32 v45, v25;
	v48 =	vadd.f32 v48, v4  }
0x32f: {  	v49 =	vld [tilespmem:s24+$0x8D40];
	v57 =	vmul.f32 v36, v19;
	v58 =	vadd.f32 v50, v22;
	v59 =	vadd.f32 v51, v7  }
0x330: {  	v44 =	vld [tilespmem:s24+$0x8940];
	v52 =	vmul.f32 v36, v28;
	v51 =	vadd.f32 v60, v20;
	v37 =	vadd.f32 v53, v43  }
0x331: {  	v47 =	vld [tilespmem:s24+$0x8D50];
	v61 =	vmul.f32 v36, v11;
	v39 =	vadd.f32 v55, v45;
	v38 =	vadd.f32 v48, v54  }
0x332: {  	v63 =	vmul.f32 v36, v33;
	v43 =	vld [tilespmem:s24+$0x8D00];
	v62 =	vadd.f32 v46, v59;
	[tilespmem:s24+$0x14D60] =	vst v37;
	v37 =	vadd.f32 v57, v9  }
0x333: {  	v50 =	vld [tilespmem:s24+$0x8D30];
	v53 =	vmul.f32 v36, v34;
	[tilespmem:s24+$0x14920] =	vst v39;
	v39 =	vadd.f32 v56, v58;
	v56 =	vadd.f32 v52, v14  }
0x334: {  	v42 =	vld [tilespmem:s24+$0x8D70];
	[tilespmem:s24+$0x14900] =	vst v38;
	v38 =	vadd.f32 v61, v5;
	v61 =	vadd.f32 v49, v51  }
0x335: {  	v60 =	vmul.f32 v36, v27;
	v52 =	vld [tilespmem:s24+$0x8910];
	[tilespmem:s24+$0x14960] =	vst v62;
	v57 =	vadd.f32 v63, v23;
	v59 =	vadd.f32 v53, v21  }
0x336: {  	v45 =	vld [tilespmem:s24+$0x8970];
	v62 =	vmul.f32 v36, v24;
	v63 =	vmul.f32 v36, v32;
	v37 =	vadd.f32 v44, v37;
	[tilespmem:s24+$0x14D40] =	vst v61  }
0x337: {  	v46 =	vld [tilespmem:s24+$0x8930];
	v58 =	vadd.f32 v47, v56;
	v56 =	vmul.f32 v36, v17;
	[tilespmem:s24+$0x14D10] =	vst v39;
	v41 =	vadd.f32 v43, v57  }
0x338: {  	s29 =	simm.s32 $0x1;
	v49 =	vld [tilespmem:s24+$0x8950];
	v36 =	vmul.f32 v36, v29;
	v57 =	vadd.f32 v60, v13;
	[tilespmem:s24+$0x14940] =	vst v37;
	v37 =	vadd.f32 v50, v59  }
0x339: {  	v61 =	vmov s29;
	[tilespmem:s24+$0x14D50] =	vst v58;
	v58 =	vadd.f32 v62, v12;
	v59 =	vadd.f32 v63, v26  }
0x33a: {  	v43 =	vand.u32 $0x7F, v61;
	v60 =	vadd.f32 v56, v8;
	v38 =	vadd.f32 v38, v52;
	[tilespmem:s24+$0x14D00] =	vst v41  }
0x33b: {  	v62 =	vadd.f32 v36, v18;
	v63 =	vor.u32 v3, v43;
	[tilespmem:s24+$0x14D30] =	vst v37;
	v45 =	vadd.f32 v45, v59  }
0x33c: {  	v36 =	vadd.f32 v46, v58;
	v37 =	vadd.f32 v42, v57;
	[tilespmem:s24+$0x14910] =	vst v38;
	v38 =	vbroadcast v63, $0x0  }
0x33d: {  	s14 =	simm.s32 $0x0;
	s11 =	simm.s32 $0x1;
	s8 =	simm.s32 $0x80;
	v39 =	vadd.f32 v49, v60;
	v40 =	vadd.f32 v40, v62;
	[tilespmem:s24+$0x14970] =	vst v45  }
.LBB2_9:
0x33e: {  	p0 =	sne.s32 s11, $0xF;
	[tilespmem:s24+$0x14D70] =	vst v37;
	s7 =	sadd.s32 $0x100, s7;
	s14 =	sadd.s32 $0x2, s14  }
0x33f: {  	s28 =	smov.u32 s11;
	s11 =	sadd.s32 $0x1, s11;
	s29 =	sadd.s32 $0x80, s7;
	[tilespmem:s24+$0x14D20] =	vst v40  }
0x340: {  	[tilespmem:s24+$0x14950] =	vst v39  }
0x341: {  	[tilespmem:s24+$0x14930] =	vst v36;
	s24 =	sand.u32 $0x380, s8;
	s8 =	smov.u32 s29  }
0x342: {  	v36 =	vld.idx.msk [tilespmem:v38+s12+$0x0], $0xffff;
	s19 =	sor.u32 s19, s24  }
0x343: {  	v37 =	vld [tilespmem:s19+$0x8950]  }
0x344: {  	v38 =	vld [tilespmem:s19+$0x8920]  }
0x345: {  	v39 =	vld [tilespmem:s19+$0x8970]  }
0x346: {  	v40 =	vld [tilespmem:s19+$0x8D00]  }
0x347: {  	v41 =	vld [tilespmem:s19+$0x8D10]  }
0x348: {  	v36 =	vcvt.s32.f32 v36;
	v42 =	vld [tilespmem:s19+$0x8940]  }
0x349: {  	v43 =	vld [tilespmem:s19+$0x8D30]  }
0x34a: {  	v44 =	vmul.f32 v36, v10;
	v45 =	vmul.f32 v36, v11;
	v46 =	vld [tilespmem:s19+$0x8D60]  }
0x34b: {  	v47 =	vmul.f32 v36, v30;
	v48 =	vmul.f32 v36, v24;
	v49 =	vld [tilespmem:s19+$0x8D20]  }
0x34c: {  	v50 =	vmul.f32 v36, v19;
	v51 =	vmul.f32 v36, v17;
	v44 =	vadd.f32 v44, v4;
	v52 =	vld [tilespmem:s19+$0x8D40]  }
0x34d: {  	v54 =	vmul.f32 v36, v15;
	v55 =	vmul.f32 v36, v32;
	v47 =	vadd.f32 v47, v25;
	v53 =	vld [tilespmem:s19+$0x8930]  }
0x34e: {  	v56 =	vmul.f32 v36, v33;
	v57 =	vmul.f32 v36, v35;
	v50 =	vadd.f32 v50, v9;
	v58 =	vld [tilespmem:s19+$0x8D50]  }
0x34f: {  	v38 =	vadd.f32 v38, v47;
	v47 =	vadd.f32 v55, v26;
	v55 =	vmul.f32 v36, v29;
	v59 =	vld [tilespmem:s19+$0x8D70]  }
0x350: {  	v61 =	vmul.f32 v36, v34;
	v48 =	vadd.f32 v48, v12;
	v56 =	vadd.f32 v56, v23;
	v60 =	vld [tilespmem:s19+$0x8900]  }
0x351: {  	v62 =	vld [tilespmem:s19+$0x8910];
	[tilespmem:s19+$0x14920] =	vst v38;
	v38 =	vadd.f32 v39, v47;
	v39 =	vadd.f32 v55, v18;
	v47 =	vmul.f32 v36, v31  }
0x352: {  	v40 =	vadd.f32 v40, v56;
	v56 =	vadd.f32 v57, v22;
	v57 =	vmul.f32 v36, v28;
	v55 =	vld [tilespmem:s19+$0x8960]  }
0x353: {  	v63 =	vmul.f32 v36, v16;
	v61 =	vadd.f32 v61, v21;
	v47 =	vadd.f32 v47, v20  }
0x354: {  	v36 =	vmul.f32 v36, v27;
	v39 =	vadd.f32 v49, v39;
	[tilespmem:s19+$0x14970] =	vst v38;
	v38 =	vadd.f32 v41, v56  }
0x355: {  	[tilespmem:s19+$0x14D00] =	vst v40;
	v40 =	vadd.f32 v43, v61;
	v41 =	vadd.f32 v52, v47  }
0x356: {  	v43 =	vadd.f32 v53, v48;
	[tilespmem:s19+$0x14D10] =	vst v38;
	v38 =	vadd.f32 v57, v14  }
0x357: {  	v36 =	vadd.f32 v36, v13;
	[tilespmem:s19+$0x14D30] =	vst v40;
	v40 =	vadd.f32 v63, v6  }
0x358: {  	v45 =	vadd.f32 v45, v5;
	[tilespmem:s19+$0x14D40] =	vst v41;
	v38 =	vadd.f32 v58, v38  }
0x359: {  	v36 =	vadd.f32 v59, v36;
	v41 =	vadd.f32 v51, v8;
	[tilespmem:s19+$0x14D20] =	vst v39  }
0x35a: {  	v39 =	vadd.f32 v44, v60;
	v44 =	vadd.f32 v45, v62;
	[tilespmem:s19+$0x14930] =	vst v43  }
0x35b: {  	v42 =	vadd.f32 v42, v50;
	v43 =	vadd.f32 v54, v7;
	[tilespmem:s19+$0x14D50] =	vst v38  }
0x35c: {  	v37 =	vadd.f32 v37, v41;
	v38 =	vmov s14;
	[tilespmem:s19+$0x14D70] =	vst v36  }
0x35d: {  	v36 =	vand.u32 $0x7E, v38;
	v38 =	vadd.f32 v55, v43;
	[tilespmem:s19+$0x14940] =	vst v42  }
0x35e: {  	v36 =	vor.u32 v3, v36;
	[tilespmem:s19+$0x14950] =	vst v37  }
0x35f: {  	v36 =	vbroadcast v36, $0x0;
	[tilespmem:s19+$0x14960] =	vst v38  }
0x360: {  	v37 =	vadd.f32 v46, v40;
	[tilespmem:s19+$0x14910] =	vst v44  }
0x361: {  	[tilespmem:s19+$0x14900] =	vst v39  }
0x362: {  	[tilespmem:s19+$0x14D60] =	vst v37;
	_ =	sdelay $0x3  }
0x363: {  	v36 =	vld.idx.msk [tilespmem:v36+s12+$0x0], $0xffff  }
0x364: {  	s19 =	sshrl.u32 s28, $0x2  }
0x365: {  	s19 =	smul.u32 $0x1800, s19  }
0x366: {  	s24 =	sand.u32 $0x300, s7  }
0x367: {  	s24 =	sor.u32 s24, s19  }
0x368: {  	v37 =	vld [tilespmem:s24+$0x8D60]  }
0x369: {  	v36 =	vcvt.s32.f32 v36;
	v38 =	vld [tilespmem:s24+$0x8900]  }
0x36a: {  	v39 =	vld [tilespmem:s24+$0x8920]  }
0x36b: {  	v40 =	vmul.f32 v36, v10;
	v41 =	vmul.f32 v36, v30;
	v42 =	vld [tilespmem:s24+$0x8D20]  }
0x36c: {  	v44 =	vmul.f32 v36, v31;
	v45 =	vmul.f32 v36, v16;
	v43 =	vld [tilespmem:s24+$0x8D10]  }
0x36d: {  	v46 =	vmul.f32 v36, v35;
	v47 =	vmul.f32 v36, v29;
	v41 =	vadd.f32 v41, v25;
	v48 =	vld [tilespmem:s24+$0x8D70]  }
0x36e: {  	v50 =	vmul.f32 v36, v19;
	v40 =	vadd.f32 v40, v4;
	v45 =	vadd.f32 v45, v6;
	v49 =	vld [tilespmem:s24+$0x8940]  }
0x36f: {  	v51 =	vmul.f32 v36, v11;
	v46 =	vadd.f32 v46, v22;
	v39 =	vadd.f32 v39, v41;
	v41 =	vld [tilespmem:s24+$0x8960]  }
0x370: {  	v38 =	vadd.f32 v40, v38;
	v40 =	vmul.f32 v36, v15;
	v37 =	vadd.f32 v37, v45;
	v52 =	vld [tilespmem:s24+$0x8D50]  }
0x371: {  	v45 =	vadd.f32 v50, v9;
	v43 =	vadd.f32 v43, v46;
	v46 =	vmul.f32 v36, v34;
	v50 =	vld [tilespmem:s24+$0x8D40]  }
0x372: {  	v54 =	vmul.f32 v36, v28;
	v44 =	vadd.f32 v44, v20;
	v40 =	vadd.f32 v40, v7;
	v53 =	vld [tilespmem:s24+$0x8D00]  }
0x373: {  	v55 =	vmul.f32 v36, v33;
	v51 =	vadd.f32 v51, v5;
	v45 =	vadd.f32 v49, v45;
	v49 =	vld [tilespmem:s24+$0x8970];
	[tilespmem:s24+$0x14D60] =	vst v37  }
0x374: {  	v37 =	vmul.f32 v36, v24;
	[tilespmem:s24+$0x14920] =	vst v39;
	v39 =	vadd.f32 v41, v40;
	v40 =	vld [tilespmem:s24+$0x8D30];
	v41 =	vadd.f32 v54, v14  }
0x375: {  	v46 =	vadd.f32 v46, v21;
	v54 =	vadd.f32 v55, v23;
	v55 =	vmul.f32 v36, v27;
	[tilespmem:s24+$0x14900] =	vst v38;
	v38 =	vld [tilespmem:s24+$0x8930]  }
0x376: {  	v56 =	vld [tilespmem:s24+$0x8910];
	[tilespmem:s24+$0x14960] =	vst v39;
	v39 =	vmul.f32 v36, v32;
	v44 =	vadd.f32 v50, v44;
	v41 =	vadd.f32 v52, v41  }
0x377: {  	v36 =	vmul.f32 v36, v17;
	v52 =	vadd.f32 v55, v13;
	[tilespmem:s24+$0x14940] =	vst v45;
	v45 =	vld [tilespmem:s24+$0x8950];
	v50 =	vadd.f32 v53, v54  }
0x378: {  	v37 =	vadd.f32 v37, v12;
	v39 =	vadd.f32 v39, v26;
	[tilespmem:s24+$0x14D50] =	vst v41  }
0x379: {  	s28 =	sadd.s32 $0x1, s14;
	v41 =	vadd.f32 v36, v8;
	v40 =	vadd.f32 v40, v46;
	[tilespmem:s24+$0x14D40] =	vst v44  }
.Ltmp5:
0x37a: {  	v36 =	vadd.f32 v38, v37;
	[tilespmem:s24+$0x14D10] =	vst v43;
	v37 =	vadd.f32 v48, v52;
	v38 =	vmov s28;
	(pc) =	sbr.rel @p0 .LBB2_9-.Ltmp5, $4  }
0x37b: {  	v44 =	vadd.f32 v49, v39;
	v43 =	vadd.f32 v51, v56;
	[tilespmem:s24+$0x14D30] =	vst v40;
	v38 =	vand.u32 $0x7F, v38  }
0x37c: {  	v40 =	vadd.f32 v47, v18;
	v39 =	vadd.f32 v45, v41;
	[tilespmem:s24+$0x14D00] =	vst v50;
	v38 =	vor.u32 v3, v38  }
0x37d: {  	[tilespmem:s24+$0x14910] =	vst v43;
	v38 =	vbroadcast v38, $0x0  }
0x37e: {  	v40 =	vadd.f32 v42, v40;
	[tilespmem:s24+$0x14970] =	vst v44  }
0x37f: {  	[tilespmem:s24+$0x14D70] =	vst v37  }
0x380: {  	[tilespmem:s24+$0x14950] =	vst v39  }
0x381: {  	[tilespmem:s24+$0x14930] =	vst v36  }
0x382: {  	[tilespmem:s24+$0x14D20] =	vst v40  }
0x383: {  	v36 =	vld.idx.msk [tilespmem:v38+s12+$0x0], $0xffff;
	_ =	sdelay $0x3  }
0x384: {  	s7 =	sand.u32 $0x380, s8  }
0x385: {  	s7 =	sor.u32 s19, s7;
	v36 =	vcvt.s32.f32 v36  }
0x386: {  	v37 =	vld [tilespmem:s7+$0x8920]  }
0x387: {  	v50 =	vld [tilespmem:s7+$0x8970];
	v30 =	vmul.f32 v36, v30;
	v32 =	vmul.f32 v36, v32  }
0x388: {  	v40 =	vld [tilespmem:s7+$0x8D10];
	v35 =	vmul.f32 v36, v35;
	v31 =	vmul.f32 v36, v31  }
0x389: {  	v52 =	vld [tilespmem:s7+$0x8D40];
	v29 =	vmul.f32 v36, v29;
	v25 =	vadd.f32 v30, v25;
	v26 =	vadd.f32 v32, v26  }
0x38a: {  	v53 =	vld [tilespmem:s7+$0x8D20];
	v24 =	vmul.f32 v36, v24;
	v22 =	vadd.f32 v35, v22;
	v20 =	vadd.f32 v31, v20  }
0x38b: {  	v54 =	vld [tilespmem:s7+$0x8930];
	v19 =	vmul.f32 v36, v19;
	v18 =	vadd.f32 v29, v18;
	v25 =	vadd.f32 v37, v25  }
0x38c: {  	v39 =	vld [tilespmem:s7+$0x8D00];
	v30 =	vmul.f32 v36, v33;
	v12 =	vadd.f32 v24, v12;
	v26 =	vadd.f32 v50, v26  }
0x38d: {  	v51 =	vld [tilespmem:s7+$0x8D30];
	v9 =	vadd.f32 v19, v9;
	v22 =	vadd.f32 v40, v22;
	[tilespmem:s7+$0x14920] =	vst v25  }
0x38e: {  	v19 =	vld [tilespmem:s7+$0x8910];
	v23 =	vadd.f32 v30, v23;
	v30 =	vmul.f32 v36, v34;
	v20 =	vadd.f32 v52, v20;
	[tilespmem:s7+$0x14970] =	vst v26  }
0x38f: {  	v11 =	vmul.f32 v36, v11;
	v18 =	vadd.f32 v53, v18;
	v25 =	vld [tilespmem:s7+$0x8D50];
	[tilespmem:s7+$0x14D10] =	vst v22  }
0x390: {  	v28 =	vmul.f32 v36, v28;
	v12 =	vadd.f32 v54, v12;
	v21 =	vadd.f32 v30, v21;
	v26 =	vld [tilespmem:s7+$0x8D70];
	[tilespmem:s7+$0x14D40] =	vst v20  }
0x391: {  	v24 =	vmul.f32 v36, v27;
	v5 =	vadd.f32 v11, v5;
	v23 =	vadd.f32 v39, v23;
	v22 =	vld [tilespmem:s7+$0x8950];
	[tilespmem:s7+$0x14D20] =	vst v18  }
0x392: {  	v17 =	vmul.f32 v36, v17;
	v14 =	vadd.f32 v28, v14;
	v18 =	vld [tilespmem:s7+$0x8900];
	[tilespmem:s7+$0x14930] =	vst v12;
	v21 =	vadd.f32 v51, v21  }
0x393: {  	v10 =	vmul.f32 v36, v10;
	v13 =	vadd.f32 v24, v13;
	v5 =	vadd.f32 v5, v19;
	[tilespmem:s7+$0x14D00] =	vst v23;
	v23 =	vld [tilespmem:s7+$0x8940]  }
0x394: {  	v8 =	vadd.f32 v17, v8;
	[tilespmem:s7+$0x14D30] =	vst v21;
	v21 =	vld [tilespmem:s7+$0x8960];
	v14 =	vadd.f32 v25, v14  }
0x395: {  	v15 =	vmul.f32 v36, v15;
	v4 =	vadd.f32 v10, v4;
	v12 =	vld [tilespmem:s7+$0x8D60];
	[tilespmem:s7+$0x14910] =	vst v5;
	v13 =	vadd.f32 v26, v13  }
0x396: {  	v8 =	vadd.f32 v22, v8;
	[tilespmem:s7+$0x14D50] =	vst v14;
	v14 =	vmul.f32 v36, v16  }
0x397: {  	v7 =	vadd.f32 v15, v7;
	v4 =	vadd.f32 v4, v18;
	[tilespmem:s7+$0x14D70] =	vst v13  }
0x398: {  	v9 =	vadd.f32 v23, v9;
	[tilespmem:s7+$0x14950] =	vst v8;
	v6 =	vadd.f32 v14, v6  }
0x399: {  	[tilespmem:s7+$0x14900] =	vst v4;
	v7 =	vadd.f32 v21, v7  }
0x39a: {  	[tilespmem:s7+$0x14940] =	vst v9;
	v5 =	vadd.f32 v12, v6  }
0x39b: {  	[tilespmem:s7+$0x14960] =	vst v7  }
0x39c: {  	[tilespmem:s7+$0x14D60] =	vst v5  }
0x39d: {  	v25 =	vld [tilespmem:$0x2200]  }
0x39e: {  	v24 =	vld [tilespmem:$0x2210]  }
0x39f: {  	v17 =	vld [tilespmem:$0x2220]  }
0x3a0: {  	v21 =	vld [tilespmem:$0x2230]  }
0x3a1: {  	v14 =	vld [tilespmem:$0x2240]  }
0x3a2: {  	v26 =	vld [tilespmem:$0x2250]  }
0x3a3: {  	v16 =	vld [tilespmem:$0x2260]  }
0x3a4: {  	v15 =	vld [tilespmem:$0x2270]  }
0x3a5: {  	v4 =	vld [tilespmem:$0x2300]  }
0x3a6: {  	v8 =	vld [tilespmem:$0x2310]  }
0x3a7: {  	v10 =	vld [tilespmem:$0x2320]  }
0x3a8: {  	v9 =	vld [tilespmem:$0x2330]  }
0x3a9: {  	v5 =	vld [tilespmem:$0x2340]  }
0x3aa: {  	v7 =	vld [tilespmem:$0x2350]  }
0x3ab: {  	v6 =	vld [tilespmem:$0x2360]  }
0x3ac: {  	v11 =	vld [tilespmem:$0x2370]  }
0x3ad: {  	v32 =	vld [tilespmem:$0x2700]  }
0x3ae: {  	s7 =	simm.s32 $0x0;
	v33 =	vld [tilespmem:$0x2710]  }
0x3af: {  	v30 =	vld [tilespmem:$0x2720];
	v12 =	vmov s7  }
0x3b0: {  	v34 =	vld [tilespmem:$0x2730];
	v12 =	vand.u32 $0x7E, v12  }
0x3b1: {  	v28 =	vld [tilespmem:$0x2740];
	v12 =	vor.u32 v3, v12  }
0x3b2: {  	v35 =	vld [tilespmem:$0x2750];
	v13 =	vbroadcast v12, $0x0  }
0x3b3: {  	v31 =	vld [tilespmem:$0x2760]  }
0x3b4: {  	v29 =	vld [tilespmem:$0x2770]  }
0x3b5: {  	v18 =	vld [tilespmem:$0x2790]  }
0x3b6: {  	v22 =	vld [tilespmem:$0x27A0]  }
0x3b7: {  	s19 =	simm.s32 $0x0;
	v23 =	vld [tilespmem:$0x27B0]  }
0x3b8: {  	s8 =	smul.u32 $0x1800, s19;
	v55 =	vld.idx.msk [tilespmem:v13+s12+$0x0], $0xffff  }
0x3b9: {  	v20 =	vld [tilespmem:$0x27D0]  }
0x3ba: {  	s11 =	sadd.s32 $0x800, s8;
	v19 =	vld [tilespmem:$0x27E0];
	s14 =	sand.u32 $0x300, s7  }
0x3bb: {  	v27 =	vld [tilespmem:$0x27F0];
	s24 =	sor.u32 s14, s11  }
0x3bc: {  	v56 =	vld [tilespmem:s24+$0x8900]  }
0x3bd: {  	v58 =	vld [tilespmem:s24+$0x8920];
	v36 =	vcvt.s32.f32 v55  }
0x3be: {  	v59 =	vld [tilespmem:s24+$0x8910]  }
0x3bf: {  	v43 =	vld [tilespmem:s24+$0x8930];
	v57 =	vmul.f32 v36, v32  }
0x3c0: {  	v45 =	vld [tilespmem:s24+$0x8940];
	v41 =	vmul.f32 v36, v30  }
0x3c1: {  	v46 =	vld [tilespmem:s24+$0x8970];
	v42 =	vmul.f32 v36, v33;
	v38 =	vadd.f32 v57, v25  }
0x3c2: {  	v48 =	vld [tilespmem:s24+$0x8960];
	v44 =	vmul.f32 v36, v34;
	v41 =	vadd.f32 v41, v17  }
0x3c3: {  	v62 =	vld [tilespmem:s24+$0x8950];
	v47 =	vmul.f32 v36, v28;
	v42 =	vadd.f32 v42, v24;
	v37 =	vadd.f32 v38, v56  }
0x3c4: {  	v12 =	vld [tilespmem:$0x2780];
	v49 =	vmul.f32 v36, v31;
	v61 =	vadd.f32 v44, v21;
	v39 =	vadd.f32 v58, v41  }
0x3c5: {  	v13 =	vld [tilespmem:$0x27C0];
	v50 =	vmul.f32 v36, v35;
	v47 =	vadd.f32 v47, v14;
	v63 =	vadd.f32 v42, v59;
	[tilespmem:s24+$0x14900] =	vst v37  }
0x3c6: {  	v60 =	vmul.f32 v36, v29;
	v52 =	vadd.f32 v49, v16;
	v51 =	vadd.f32 v43, v61;
	[tilespmem:s24+$0x14920] =	vst v39  }
0x3c7: {  	v40 =	vadd.f32 v50, v26;
	v53 =	vadd.f32 v45, v47;
	[tilespmem:s24+$0x14910] =	vst v63  }
0x3c8: {  	v38 =	vadd.f32 v60, v15;
	v54 =	vadd.f32 v48, v52;
	[tilespmem:s24+$0x14930] =	vst v51  }
0x3c9: {  	v55 =	vadd.f32 v62, v40;
	[tilespmem:s24+$0x14940] =	vst v53  }
0x3ca: {  	v38 =	vadd.f32 v46, v38;
	[tilespmem:s24+$0x14960] =	vst v54  }
0x3cb: {  	s8 =	sadd.s32 $0xC00, s8;
	[tilespmem:s24+$0x14950] =	vst v55  }
0x3cc: {  	s14 =	sor.u32 s14, s8;
	[tilespmem:s24+$0x14970] =	vst v38  }
0x3cd: {  	v37 =	vld [tilespmem:s14+$0x8910]  }
0x3ce: {  	v56 =	vmul.f32 v36, v18;
	v39 =	vld [tilespmem:s14+$0x8960]  }
0x3cf: {  	v57 =	vmul.f32 v36, v13;
	v58 =	vmul.f32 v36, v19;
	v59 =	vld [tilespmem:s14+$0x8920]  }
0x3d0: {  	v60 =	vmul.f32 v36, v22;
	v38 =	vadd.f32 v56, v8;
	v61 =	vld [tilespmem:s14+$0x8940]  }
0x3d1: {  	v44 =	vmul.f32 v36, v12;
	v40 =	vadd.f32 v57, v5;
	v41 =	vadd.f32 v58, v6;
	v52 =	vld [tilespmem:s14+$0x8930]  }
0x3d2: {  	v62 =	vmul.f32 v36, v23;
	v43 =	vadd.f32 v60, v10;
	v54 =	vld [tilespmem:s14+$0x8970];
	v37 =	vadd.f32 v37, v38  }
0x3d3: {  	s28 =	simm.s32 $0x1;
	v63 =	vmul.f32 v36, v20;
	v36 =	vmul.f32 v36, v27;
	v50 =	vld [tilespmem:s14+$0x8900];
	v39 =	vadd.f32 v39, v41  }
0x3d4: {  	v55 =	vmov s28;
	v57 =	vadd.f32 v62, v9;
	v53 =	vld [tilespmem:s14+$0x8950];
	v56 =	vadd.f32 v59, v43;
	[tilespmem:s14+$0x14910] =	vst v37  }
0x3d5: {  	v58 =	vand.u32 $0x7F, v55;
	v36 =	vadd.f32 v36, v11;
	v40 =	vadd.f32 v61, v40;
	[tilespmem:s14+$0x14960] =	vst v39  }
0x3d6: {  	v62 =	vadd.f32 v44, v4;
	v60 =	vor.u32 v3, v58;
	v61 =	vadd.f32 v52, v57;
	[tilespmem:s14+$0x14920] =	vst v56  }
0x3d7: {  	v59 =	vadd.f32 v63, v7;
	v36 =	vadd.f32 v54, v36;
	v39 =	vbroadcast v60, $0x0;
	[tilespmem:s14+$0x14940] =	vst v40  }
0x3d8: {  	v63 =	vadd.f32 v50, v62;
	[tilespmem:s14+$0x14930] =	vst v61  }
0x3d9: {  	s29 =	simm.s32 $0x80;
	v38 =	vadd.f32 v53, v59;
	[tilespmem:s14+$0x14970] =	vst v36  }
0x3da: {  	s24 =	sand.u32 $0x380, s29;
	[tilespmem:s14+$0x14900] =	vst v63  }
0x3db: {  	s19 =	sor.u32 s11, s24;
	[tilespmem:s14+$0x14950] =	vst v38  }
0x3dc: {  	v42 =	vld [tilespmem:s19+$0x8900]  }
0x3dd: {  	v36 =	vld.idx.msk [tilespmem:v39+s12+$0x0], $0xffff  }
0x3de: {  	v41 =	vld [tilespmem:s19+$0x8910]  }
0x3df: {  	v40 =	vld [tilespmem:s19+$0x8950]  }
0x3e0: {  	v38 =	vld [tilespmem:s19+$0x8920]  }
0x3e1: {  	v37 =	vld [tilespmem:s19+$0x8940]  }
0x3e2: {  	s11 =	simm.s32 $0x1;
	s14 =	simm.s32 $0x0;
	v39 =	vld [tilespmem:s19+$0x8930];
	v36 =	vcvt.s32.f32 v36  }
.LBB2_11:
0x3e3: {  	p0 =	sne.s32 s11, $0xF;
	v43 =	vld [tilespmem:s19+$0x8960];
	s7 =	sadd.s32 $0x100, s7;
	s14 =	sadd.s32 $0x2, s14  }
0x3e4: {  	s28 =	smov.u32 s11;
	s11 =	sadd.s32 $0x1, s11;
	v44 =	vmul.f32 v36, v32;
	v45 =	vmul.f32 v36, v35;
	v46 =	vld [tilespmem:s19+$0x8970]  }
0x3e5: {  	v47 =	vmul.f32 v36, v33;
	v48 =	vmul.f32 v36, v34  }
0x3e6: {  	v49 =	vmul.f32 v36, v30;
	v44 =	vadd.f32 v44, v25;
	v45 =	vadd.f32 v45, v26  }
0x3e7: {  	v50 =	vmul.f32 v36, v28;
	v47 =	vadd.f32 v47, v24;
	v48 =	vadd.f32 v48, v21  }
0x3e8: {  	v42 =	vadd.f32 v44, v42;
	v44 =	vadd.f32 v49, v17;
	v49 =	vmul.f32 v36, v31  }
0x3e9: {  	v41 =	vadd.f32 v47, v41;
	v40 =	vadd.f32 v40, v45;
	v45 =	vmul.f32 v36, v29  }
0x3ea: {  	v39 =	vadd.f32 v39, v48;
	[tilespmem:s19+$0x14900] =	vst v42;
	v38 =	vadd.f32 v38, v44;
	v42 =	vmul.f32 v36, v27  }
0x3eb: {  	v47 =	vmul.f32 v36, v18;
	v44 =	vadd.f32 v49, v16;
	[tilespmem:s19+$0x14910] =	vst v41;
	v41 =	vadd.f32 v50, v14  }
0x3ec: {  	v48 =	vmul.f32 v36, v23;
	[tilespmem:s19+$0x14950] =	vst v40;
	v40 =	vadd.f32 v45, v15;
	v45 =	vmul.f32 v36, v22  }
0x3ed: {  	[tilespmem:s19+$0x14930] =	vst v39;
	v37 =	vadd.f32 v37, v41;
	v39 =	vadd.f32 v43, v44;
	v41 =	vmul.f32 v36, v20  }
0x3ee: {  	v43 =	vmul.f32 v36, v19;
	[tilespmem:s19+$0x14920] =	vst v38;
	v38 =	vadd.f32 v46, v40;
	v40 =	vmul.f32 v36, v13  }
0x3ef: {  	v36 =	vmul.f32 v36, v12;
	[tilespmem:s19+$0x14960] =	vst v39  }
0x3f0: {  	[tilespmem:s19+$0x14940] =	vst v37  }
0x3f1: {  	s8 =	sor.u32 s8, s24;
	[tilespmem:s19+$0x14970] =	vst v38  }
0x3f2: {  	v37 =	vld [tilespmem:s8+$0x8970]  }
0x3f3: {  	v38 =	vld [tilespmem:s8+$0x8920]  }
0x3f4: {  	v39 =	vld [tilespmem:s8+$0x8910]  }
0x3f5: {  	v42 =	vadd.f32 v42, v11;
	v44 =	vld [tilespmem:s8+$0x8930]  }
0x3f6: {  	v45 =	vadd.f32 v45, v10;
	v46 =	vld [tilespmem:s8+$0x8950]  }
0x3f7: {  	v47 =	vadd.f32 v47, v8;
	v49 =	vld [tilespmem:s8+$0x8940];
	v37 =	vadd.f32 v37, v42  }
0x3f8: {  	v42 =	vadd.f32 v48, v9;
	v48 =	vld [tilespmem:s8+$0x8960]  }
0x3f9: {  	v38 =	vadd.f32 v38, v45;
	v50 =	vld [tilespmem:s8+$0x8900];
	v39 =	vadd.f32 v39, v47;
	[tilespmem:s8+$0x14970] =	vst v37  }
0x3fa: {  	v41 =	vadd.f32 v41, v7;
	v37 =	vmov s14;
	v42 =	vadd.f32 v44, v42  }
0x3fb: {  	v37 =	vand.u32 $0x7E, v37;
	[tilespmem:s8+$0x14920] =	vst v38;
	v38 =	vadd.f32 v40, v5;
	v40 =	vadd.f32 v43, v6  }
0x3fc: {  	v36 =	vadd.f32 v36, v4;
	v37 =	vor.u32 v3, v37;
	v41 =	vadd.f32 v46, v41;
	[tilespmem:s8+$0x14930] =	vst v42  }
0x3fd: {  	v37 =	vbroadcast v37, $0x0;
	[tilespmem:s8+$0x14910] =	vst v39;
	v38 =	vadd.f32 v49, v38;
	v39 =	vadd.f32 v48, v40  }
0x3fe: {  	v36 =	vadd.f32 v50, v36;
	[tilespmem:s8+$0x14950] =	vst v41  }
0x3ff: {  	[tilespmem:s8+$0x14960] =	vst v39  }
0x400: {  	[tilespmem:s8+$0x14900] =	vst v36  }
0x401: {  	[tilespmem:s8+$0x14940] =	vst v38;
	_ =	sdelay $0x1  }
0x402: {  	s8 =	sshrl.u32 s28, $0x2;
	v36 =	vld.idx.msk [tilespmem:v37+s12+$0x0], $0xffff  }
0x403: {  	s8 =	smul.u32 $0x1800, s8;
	_ =	sdelay $0x1  }
0x404: {  	s24 =	sand.u32 $0x300, s7;
	s19 =	sadd.s32 $0x800, s8;
	s8 =	sadd.s32 $0xC00, s8  }
0x405: {  	s28 =	sor.u32 s24, s19  }
0x406: {  	v37 =	vld [tilespmem:s28+$0x8970]  }
0x407: {  	v36 =	vcvt.s32.f32 v36;
	v38 =	vld [tilespmem:s28+$0x8950]  }
0x408: {  	v39 =	vld [tilespmem:s28+$0x8900]  }
0x409: {  	v40 =	vmul.f32 v36, v32;
	v42 =	vmul.f32 v36, v29;
	v41 =	vld [tilespmem:s28+$0x8920]  }
0x40a: {  	v44 =	vmul.f32 v36, v33;
	v45 =	vmul.f32 v36, v30;
	v43 =	vld [tilespmem:s28+$0x8910]  }
0x40b: {  	v47 =	vmul.f32 v36, v28;
	v40 =	vadd.f32 v40, v25;
	v42 =	vadd.f32 v42, v15;
	v46 =	vld [tilespmem:s28+$0x8930]  }
0x40c: {  	v48 =	vmul.f32 v36, v34;
	v44 =	vadd.f32 v44, v24;
	v45 =	vadd.f32 v45, v17;
	v49 =	vld [tilespmem:s28+$0x8940]  }
0x40d: {  	v39 =	vadd.f32 v40, v39;
	v40 =	vadd.f32 v47, v14;
	v47 =	vmul.f32 v36, v35;
	v50 =	vld [tilespmem:s28+$0x8960]  }
0x40e: {  	v41 =	vadd.f32 v41, v45;
	v45 =	vadd.f32 v48, v21;
	v48 =	vmul.f32 v36, v31  }
0x40f: {  	[tilespmem:s28+$0x14900] =	vst v39;
	v39 =	vadd.f32 v44, v43;
	v43 =	vadd.f32 v47, v26;
	v44 =	vmul.f32 v36, v18  }
0x410: {  	[tilespmem:s28+$0x14920] =	vst v41;
	v41 =	vadd.f32 v46, v45;
	v45 =	vadd.f32 v48, v16;
	v46 =	vmul.f32 v36, v13  }
0x411: {  	[tilespmem:s28+$0x14910] =	vst v39;
	v39 =	vadd.f32 v49, v40;
	v38 =	vadd.f32 v38, v43;
	v40 =	vmul.f32 v36, v19  }
0x412: {  	v37 =	vadd.f32 v37, v42;
	v42 =	vmul.f32 v36, v22;
	[tilespmem:s28+$0x14930] =	vst v41;
	v41 =	vadd.f32 v50, v45  }
0x413: {  	v43 =	vmul.f32 v36, v23;
	[tilespmem:s28+$0x14940] =	vst v39;
	v39 =	vmul.f32 v36, v12  }
0x414: {  	[tilespmem:s28+$0x14970] =	vst v37;
	v37 =	vmul.f32 v36, v20;
	v36 =	vmul.f32 v36, v27  }
0x415: {  	[tilespmem:s28+$0x14960] =	vst v41  }
0x416: {  	s24 =	sor.u32 s24, s8;
	[tilespmem:s28+$0x14950] =	vst v38  }
0x417: {  	v38 =	vld [tilespmem:s24+$0x8910]  }
0x418: {  	v41 =	vld [tilespmem:s24+$0x8940]  }
0x419: {  	v45 =	vld [tilespmem:s24+$0x8960]  }
0x41a: {  	v47 =	vld [tilespmem:s24+$0x8920]  }
0x41b: {  	v44 =	vadd.f32 v44, v8;
	v46 =	vadd.f32 v46, v5;
	v48 =	vld [tilespmem:s24+$0x8900]  }
0x41c: {  	v42 =	vadd.f32 v42, v10;
	v40 =	vadd.f32 v40, v6;
	v49 =	vld [tilespmem:s24+$0x8930]  }
0x41d: {  	s28 =	sadd.s32 $0x1, s14;
	v38 =	vadd.f32 v38, v44;
	v41 =	vadd.f32 v41, v46;
	v44 =	vld [tilespmem:s24+$0x8950]  }
0x41e: {  	v39 =	vadd.f32 v39, v4;
	v46 =	vmov s28;
	v40 =	vadd.f32 v45, v40;
	v45 =	vld [tilespmem:s24+$0x8970]  }
0x41f: {  	[tilespmem:s24+$0x14910] =	vst v38;
	v38 =	vadd.f32 v47, v42;
	v42 =	vadd.f32 v43, v9;
	v43 =	vand.u32 $0x7F, v46  }
0x420: {  	v37 =	vadd.f32 v37, v7;
	v39 =	vadd.f32 v48, v39;
	[tilespmem:s24+$0x14960] =	vst v40;
	v40 =	vor.u32 v3, v43  }
0x421: {  	v36 =	vadd.f32 v36, v11;
	[tilespmem:s24+$0x14920] =	vst v38;
	v38 =	vadd.f32 v49, v42;
	v40 =	vbroadcast v40, $0x0  }
0x422: {  	[tilespmem:s24+$0x14940] =	vst v41;
	v37 =	vadd.f32 v44, v37  }
0x423: {  	[tilespmem:s24+$0x14930] =	vst v38;
	v36 =	vadd.f32 v45, v36  }
0x424: {  	[tilespmem:s24+$0x14950] =	vst v37  }
0x425: {  	s28 =	sadd.s32 $0x80, s7;
	[tilespmem:s24+$0x14970] =	vst v36  }
0x426: {  	[tilespmem:s24+$0x14900] =	vst v39;
	s24 =	sand.u32 $0x380, s28  }
0x427: {  	v36 =	vld.idx.msk [tilespmem:v40+s12+$0x0], $0xffff;
	s19 =	sor.u32 s19, s24  }
0x428: {  	v42 =	vld [tilespmem:s19+$0x8900]  }
.Ltmp6:
0x429: {  	v41 =	vld [tilespmem:s19+$0x8910];
	(pc) =	sbr.rel @p0 .LBB2_11-.Ltmp6, $4  }
0x42a: {  	v40 =	vld [tilespmem:s19+$0x8950]  }
0x42b: {  	v38 =	vld [tilespmem:s19+$0x8920]  }
0x42c: {  	v39 =	vld [tilespmem:s19+$0x8930]  }
0x42d: {  	v36 =	vcvt.s32.f32 v36;
	v37 =	vld [tilespmem:s19+$0x8940]  }
0x42e: {  	_ = 	snop  }
0x42f: {  	v32 =	vmul.f32 v36, v32  }
0x430: {  	v33 =	vmul.f32 v36, v33  }
0x431: {  	v35 =	vmul.f32 v36, v35;
	v25 =	vadd.f32 v32, v25  }
0x432: {  	v50 =	vmul.f32 v36, v34;
	v24 =	vadd.f32 v33, v24  }
0x433: {  	v51 =	vld [tilespmem:s19+$0x8960];
	v30 =	vmul.f32 v36, v30;
	v26 =	vadd.f32 v35, v26;
	v25 =	vadd.f32 v25, v42  }
0x434: {  	v31 =	vmul.f32 v36, v31;
	v21 =	vadd.f32 v50, v21;
	v24 =	vadd.f32 v24, v41  }
0x435: {  	v52 =	vld [tilespmem:s19+$0x8970];
	v28 =	vmul.f32 v36, v28;
	v17 =	vadd.f32 v30, v17;
	v26 =	vadd.f32 v40, v26;
	[tilespmem:s19+$0x14900] =	vst v25  }
0x436: {  	v16 =	vadd.f32 v31, v16;
	v21 =	vadd.f32 v39, v21;
	v25 =	vmul.f32 v36, v29;
	[tilespmem:s19+$0x14910] =	vst v24  }
0x437: {  	v14 =	vadd.f32 v28, v14;
	v17 =	vadd.f32 v38, v17;
	[tilespmem:s19+$0x14950] =	vst v26  }
0x438: {  	v16 =	vadd.f32 v51, v16;
	[tilespmem:s19+$0x14930] =	vst v21;
	v15 =	vadd.f32 v25, v15  }
0x439: {  	v14 =	vadd.f32 v37, v14;
	[tilespmem:s19+$0x14920] =	vst v17  }
0x43a: {  	[tilespmem:s19+$0x14960] =	vst v16;
	v15 =	vadd.f32 v52, v15  }
0x43b: {  	[tilespmem:s19+$0x14940] =	vst v14  }
0x43c: {  	s7 =	sor.u32 s8, s24;
	[tilespmem:s19+$0x14970] =	vst v15  }
0x43d: {  	v14 =	vld [tilespmem:s7+$0x8970]  }
0x43e: {  	v15 =	vmul.f32 v36, v27;
	v16 =	vld [tilespmem:s7+$0x8920]  }
0x43f: {  	v17 =	vmul.f32 v36, v22;
	v22 =	vmul.f32 v36, v23;
	v21 =	vld [tilespmem:s7+$0x8930]  }
0x440: {  	v23 =	vld [tilespmem:s7+$0x8910];
	v11 =	vadd.f32 v15, v11;
	v15 =	vmul.f32 v36, v18  }
0x441: {  	v10 =	vadd.f32 v17, v10;
	v9 =	vadd.f32 v22, v9;
	v17 =	vld [tilespmem:s7+$0x8950]  }
0x442: {  	v18 =	vmul.f32 v36, v20;
	v8 =	vadd.f32 v15, v8;
	v15 =	vld [tilespmem:s7+$0x8900];
	v11 =	vadd.f32 v14, v11  }
0x443: {  	v12 =	vmul.f32 v36, v12;
	v14 =	vld [tilespmem:s7+$0x8960];
	v10 =	vadd.f32 v16, v10  }
0x444: {  	v19 =	vmul.f32 v36, v19;
	v7 =	vadd.f32 v18, v7;
	v16 =	vld [tilespmem:s7+$0x8940];
	v9 =	vadd.f32 v21, v9;
	[tilespmem:s7+$0x14970] =	vst v11  }
0x445: {  	v4 =	vadd.f32 v12, v4;
	v8 =	vadd.f32 v23, v8;
	v11 =	vmul.f32 v36, v13;
	[tilespmem:s7+$0x14920] =	vst v10  }
0x446: {  	v6 =	vadd.f32 v19, v6;
	v7 =	vadd.f32 v17, v7;
	[tilespmem:s7+$0x14930] =	vst v9  }
0x447: {  	[tilespmem:s7+$0x14910] =	vst v8;
	v4 =	vadd.f32 v15, v4;
	v5 =	vadd.f32 v11, v5  }
0x448: {  	[tilespmem:s7+$0x14950] =	vst v7;
	v6 =	vadd.f32 v14, v6  }
0x449: {  	[tilespmem:s7+$0x14900] =	vst v4;
	v5 =	vadd.f32 v16, v5  }
0x44a: {  	[tilespmem:s7+$0x14960] =	vst v6  }
0x44b: {  	[tilespmem:s7+$0x14940] =	vst v5  }
0x44c: {  	v25 =	vld [tilespmem:$0x2400]  }
0x44d: {  	v24 =	vld [tilespmem:$0x2410]  }
0x44e: {  	v17 =	vld [tilespmem:$0x2420]  }
0x44f: {  	v21 =	vld [tilespmem:$0x2430]  }
0x450: {  	v14 =	vld [tilespmem:$0x2440]  }
0x451: {  	v26 =	vld [tilespmem:$0x2450]  }
0x452: {  	v16 =	vld [tilespmem:$0x2460]  }
0x453: {  	v15 =	vld [tilespmem:$0x2470]  }
0x454: {  	v4 =	vld [tilespmem:$0x2500]  }
0x455: {  	v8 =	vld [tilespmem:$0x2510]  }
0x456: {  	v10 =	vld [tilespmem:$0x2520]  }
0x457: {  	v9 =	vld [tilespmem:$0x2530]  }
0x458: {  	v5 =	vld [tilespmem:$0x2540]  }
0x459: {  	v7 =	vld [tilespmem:$0x2550]  }
0x45a: {  	v6 =	vld [tilespmem:$0x2560]  }
0x45b: {  	v11 =	vld [tilespmem:$0x2570]  }
0x45c: {  	v32 =	vld [tilespmem:$0x2800]  }
0x45d: {  	s7 =	simm.s32 $0x0;
	v33 =	vld [tilespmem:$0x2810]  }
0x45e: {  	v30 =	vld [tilespmem:$0x2820];
	v12 =	vmov s7  }
0x45f: {  	v34 =	vld [tilespmem:$0x2830];
	v12 =	vand.u32 $0x7E, v12  }
0x460: {  	v28 =	vld [tilespmem:$0x2840];
	v12 =	vor.u32 v3, v12  }
0x461: {  	v35 =	vld [tilespmem:$0x2850];
	v13 =	vbroadcast v12, $0x0  }
0x462: {  	v31 =	vld [tilespmem:$0x2860]  }
0x463: {  	v29 =	vld [tilespmem:$0x2870]  }
0x464: {  	v18 =	vld [tilespmem:$0x2890]  }
0x465: {  	v22 =	vld [tilespmem:$0x28A0]  }
0x466: {  	s19 =	simm.s32 $0x0;
	v23 =	vld [tilespmem:$0x28B0]  }
0x467: {  	s8 =	smul.u32 $0x1800, s19;
	v53 =	vld.idx.msk [tilespmem:v13+s12+$0x0], $0xffff  }
0x468: {  	v20 =	vld [tilespmem:$0x28D0]  }
0x469: {  	s11 =	sadd.s32 $0x1000, s8;
	v19 =	vld [tilespmem:$0x28E0];
	s14 =	sand.u32 $0x300, s7  }
0x46a: {  	v27 =	vld [tilespmem:$0x28F0];
	s24 =	sor.u32 s14, s11  }
0x46b: {  	v54 =	vld [tilespmem:s24+$0x8900]  }
0x46c: {  	v56 =	vld [tilespmem:s24+$0x8920];
	v36 =	vcvt.s32.f32 v53  }
0x46d: {  	v57 =	vld [tilespmem:s24+$0x8910]  }
0x46e: {  	v43 =	vld [tilespmem:s24+$0x8930];
	v55 =	vmul.f32 v36, v32  }
0x46f: {  	v45 =	vld [tilespmem:s24+$0x8940];
	v58 =	vmul.f32 v36, v30  }
0x470: {  	v46 =	vld [tilespmem:s24+$0x8970];
	v59 =	vmul.f32 v36, v33;
	v38 =	vadd.f32 v55, v25  }
0x471: {  	v48 =	vld [tilespmem:s24+$0x8960];
	v44 =	vmul.f32 v36, v34;
	v41 =	vadd.f32 v58, v17  }
0x472: {  	v62 =	vld [tilespmem:s24+$0x8950];
	v47 =	vmul.f32 v36, v28;
	v42 =	vadd.f32 v59, v24;
	v37 =	vadd.f32 v38, v54  }
0x473: {  	v12 =	vld [tilespmem:$0x2880];
	v49 =	vmul.f32 v36, v31;
	v61 =	vadd.f32 v44, v21;
	v39 =	vadd.f32 v56, v41  }
0x474: {  	v13 =	vld [tilespmem:$0x28C0];
	v50 =	vmul.f32 v36, v35;
	v47 =	vadd.f32 v47, v14;
	v63 =	vadd.f32 v42, v57;
	[tilespmem:s24+$0x14900] =	vst v37  }
0x475: {  	v60 =	vmul.f32 v36, v29;
	v52 =	vadd.f32 v49, v16;
	v51 =	vadd.f32 v43, v61;
	[tilespmem:s24+$0x14920] =	vst v39  }
0x476: {  	v40 =	vadd.f32 v50, v26;
	v53 =	vadd.f32 v45, v47;
	[tilespmem:s24+$0x14910] =	vst v63  }
0x477: {  	v38 =	vadd.f32 v60, v15;
	v54 =	vadd.f32 v48, v52;
	[tilespmem:s24+$0x14930] =	vst v51  }
0x478: {  	v55 =	vadd.f32 v62, v40;
	[tilespmem:s24+$0x14940] =	vst v53  }
0x479: {  	v38 =	vadd.f32 v46, v38;
	[tilespmem:s24+$0x14960] =	vst v54  }
0x47a: {  	s8 =	sadd.s32 $0x1400, s8;
	[tilespmem:s24+$0x14950] =	vst v55  }
0x47b: {  	s14 =	sor.u32 s14, s8;
	[tilespmem:s24+$0x14970] =	vst v38  }
0x47c: {  	v37 =	vld [tilespmem:s14+$0x8910]  }
0x47d: {  	v56 =	vmul.f32 v36, v18;
	v39 =	vld [tilespmem:s14+$0x8960]  }
0x47e: {  	v58 =	vmul.f32 v36, v19;
	v59 =	vld [tilespmem:s14+$0x8920]  }
0x47f: {  	v44 =	vmul.f32 v36, v12;
	v60 =	vmul.f32 v36, v22;
	v38 =	vadd.f32 v56, v8;
	v61 =	vld [tilespmem:s14+$0x8940]  }
0x480: {  	v57 =	vmul.f32 v36, v13;
	v62 =	vmul.f32 v36, v23;
	v41 =	vadd.f32 v58, v6;
	v52 =	vld [tilespmem:s14+$0x8930]  }
0x481: {  	v63 =	vmul.f32 v36, v20;
	v43 =	vadd.f32 v60, v10;
	v54 =	vld [tilespmem:s14+$0x8970];
	v37 =	vadd.f32 v37, v38  }
0x482: {  	s28 =	simm.s32 $0x1;
	v36 =	vmul.f32 v36, v27;
	v40 =	vadd.f32 v57, v5;
	v50 =	vld [tilespmem:s14+$0x8900];
	v39 =	vadd.f32 v39, v41  }
0x483: {  	v55 =	vmov s28;
	v57 =	vadd.f32 v62, v9;
	v53 =	vld [tilespmem:s14+$0x8950];
	v56 =	vadd.f32 v59, v43;
	[tilespmem:s14+$0x14910] =	vst v37  }
0x484: {  	v58 =	vand.u32 $0x7F, v55;
	v36 =	vadd.f32 v36, v11;
	v40 =	vadd.f32 v61, v40;
	[tilespmem:s14+$0x14960] =	vst v39  }
0x485: {  	v62 =	vadd.f32 v44, v4;
	v60 =	vor.u32 v3, v58;
	v61 =	vadd.f32 v52, v57;
	[tilespmem:s14+$0x14920] =	vst v56  }
0x486: {  	v59 =	vadd.f32 v63, v7;
	v36 =	vadd.f32 v54, v36;
	v39 =	vbroadcast v60, $0x0;
	[tilespmem:s14+$0x14940] =	vst v40  }
0x487: {  	v63 =	vadd.f32 v50, v62;
	[tilespmem:s14+$0x14930] =	vst v61  }
0x488: {  	s29 =	simm.s32 $0x80;
	v38 =	vadd.f32 v53, v59;
	[tilespmem:s14+$0x14970] =	vst v36  }
0x489: {  	s24 =	sand.u32 $0x380, s29;
	[tilespmem:s14+$0x14900] =	vst v63  }
0x48a: {  	s19 =	sor.u32 s11, s24;
	[tilespmem:s14+$0x14950] =	vst v38  }
0x48b: {  	v42 =	vld [tilespmem:s19+$0x8900]  }
0x48c: {  	v36 =	vld.idx.msk [tilespmem:v39+s12+$0x0], $0xffff  }
0x48d: {  	v41 =	vld [tilespmem:s19+$0x8910]  }
0x48e: {  	v40 =	vld [tilespmem:s19+$0x8950]  }
0x48f: {  	v38 =	vld [tilespmem:s19+$0x8920]  }
0x490: {  	v37 =	vld [tilespmem:s19+$0x8940]  }
0x491: {  	s11 =	simm.s32 $0x1;
	s14 =	simm.s32 $0x0;
	v39 =	vld [tilespmem:s19+$0x8930];
	v36 =	vcvt.s32.f32 v36  }
.LBB2_13:
0x492: {  	p0 =	sne.s32 s11, $0xF;
	v43 =	vld [tilespmem:s19+$0x8960];
	s7 =	sadd.s32 $0x100, s7;
	s14 =	sadd.s32 $0x2, s14  }
0x493: {  	s28 =	smov.u32 s11;
	s11 =	sadd.s32 $0x1, s11;
	v44 =	vmul.f32 v36, v32;
	v45 =	vmul.f32 v36, v35;
	v46 =	vld [tilespmem:s19+$0x8970]  }
0x494: {  	v47 =	vmul.f32 v36, v33;
	v48 =	vmul.f32 v36, v34  }
0x495: {  	v49 =	vmul.f32 v36, v30;
	v44 =	vadd.f32 v44, v25;
	v45 =	vadd.f32 v45, v26  }
0x496: {  	v50 =	vmul.f32 v36, v28;
	v47 =	vadd.f32 v47, v24;
	v48 =	vadd.f32 v48, v21  }
0x497: {  	v42 =	vadd.f32 v44, v42;
	v44 =	vadd.f32 v49, v17;
	v49 =	vmul.f32 v36, v31  }
0x498: {  	v41 =	vadd.f32 v47, v41;
	v40 =	vadd.f32 v40, v45;
	v45 =	vmul.f32 v36, v29  }
0x499: {  	v39 =	vadd.f32 v39, v48;
	[tilespmem:s19+$0x14900] =	vst v42;
	v38 =	vadd.f32 v38, v44;
	v42 =	vmul.f32 v36, v27  }
0x49a: {  	v47 =	vmul.f32 v36, v18;
	v44 =	vadd.f32 v49, v16;
	[tilespmem:s19+$0x14910] =	vst v41;
	v41 =	vadd.f32 v50, v14  }
0x49b: {  	v48 =	vmul.f32 v36, v23;
	[tilespmem:s19+$0x14950] =	vst v40;
	v40 =	vadd.f32 v45, v15;
	v45 =	vmul.f32 v36, v22  }
0x49c: {  	[tilespmem:s19+$0x14930] =	vst v39;
	v37 =	vadd.f32 v37, v41;
	v39 =	vadd.f32 v43, v44;
	v41 =	vmul.f32 v36, v20  }
0x49d: {  	v43 =	vmul.f32 v36, v19;
	[tilespmem:s19+$0x14920] =	vst v38;
	v38 =	vadd.f32 v46, v40;
	v40 =	vmul.f32 v36, v13  }
0x49e: {  	v36 =	vmul.f32 v36, v12;
	[tilespmem:s19+$0x14960] =	vst v39  }
0x49f: {  	[tilespmem:s19+$0x14940] =	vst v37  }
0x4a0: {  	s8 =	sor.u32 s8, s24;
	[tilespmem:s19+$0x14970] =	vst v38  }
0x4a1: {  	v37 =	vld [tilespmem:s8+$0x8970]  }
0x4a2: {  	v38 =	vld [tilespmem:s8+$0x8920]  }
0x4a3: {  	v39 =	vld [tilespmem:s8+$0x8910]  }
0x4a4: {  	v42 =	vadd.f32 v42, v11;
	v44 =	vld [tilespmem:s8+$0x8930]  }
0x4a5: {  	v45 =	vadd.f32 v45, v10;
	v46 =	vld [tilespmem:s8+$0x8950]  }
0x4a6: {  	v47 =	vadd.f32 v47, v8;
	v49 =	vld [tilespmem:s8+$0x8940];
	v37 =	vadd.f32 v37, v42  }
0x4a7: {  	v42 =	vadd.f32 v48, v9;
	v48 =	vld [tilespmem:s8+$0x8960]  }
0x4a8: {  	v38 =	vadd.f32 v38, v45;
	v50 =	vld [tilespmem:s8+$0x8900];
	v39 =	vadd.f32 v39, v47;
	[tilespmem:s8+$0x14970] =	vst v37  }
0x4a9: {  	v41 =	vadd.f32 v41, v7;
	v37 =	vmov s14;
	v42 =	vadd.f32 v44, v42  }
0x4aa: {  	v37 =	vand.u32 $0x7E, v37;
	[tilespmem:s8+$0x14920] =	vst v38;
	v38 =	vadd.f32 v40, v5;
	v40 =	vadd.f32 v43, v6  }
0x4ab: {  	v36 =	vadd.f32 v36, v4;
	v37 =	vor.u32 v3, v37;
	v41 =	vadd.f32 v46, v41;
	[tilespmem:s8+$0x14930] =	vst v42  }
0x4ac: {  	v37 =	vbroadcast v37, $0x0;
	[tilespmem:s8+$0x14910] =	vst v39;
	v38 =	vadd.f32 v49, v38;
	v39 =	vadd.f32 v48, v40  }
0x4ad: {  	v36 =	vadd.f32 v50, v36;
	[tilespmem:s8+$0x14950] =	vst v41  }
0x4ae: {  	[tilespmem:s8+$0x14960] =	vst v39  }
0x4af: {  	[tilespmem:s8+$0x14900] =	vst v36  }
0x4b0: {  	[tilespmem:s8+$0x14940] =	vst v38;
	_ =	sdelay $0x1  }
0x4b1: {  	s8 =	sshrl.u32 s28, $0x2;
	v36 =	vld.idx.msk [tilespmem:v37+s12+$0x0], $0xffff  }
0x4b2: {  	s8 =	smul.u32 $0x1800, s8;
	_ =	sdelay $0x1  }
0x4b3: {  	s24 =	sand.u32 $0x300, s7;
	s19 =	sadd.s32 $0x1000, s8;
	s8 =	sadd.s32 $0x1400, s8  }
0x4b4: {  	s28 =	sor.u32 s24, s19  }
0x4b5: {  	v37 =	vld [tilespmem:s28+$0x8970]  }
0x4b6: {  	v36 =	vcvt.s32.f32 v36;
	v38 =	vld [tilespmem:s28+$0x8950]  }
0x4b7: {  	v39 =	vld [tilespmem:s28+$0x8900]  }
0x4b8: {  	v40 =	vmul.f32 v36, v32;
	v42 =	vmul.f32 v36, v29;
	v41 =	vld [tilespmem:s28+$0x8920]  }
0x4b9: {  	v44 =	vmul.f32 v36, v33;
	v45 =	vmul.f32 v36, v30;
	v43 =	vld [tilespmem:s28+$0x8910]  }
0x4ba: {  	v47 =	vmul.f32 v36, v28;
	v40 =	vadd.f32 v40, v25;
	v42 =	vadd.f32 v42, v15;
	v46 =	vld [tilespmem:s28+$0x8930]  }
0x4bb: {  	v48 =	vmul.f32 v36, v34;
	v44 =	vadd.f32 v44, v24;
	v45 =	vadd.f32 v45, v17;
	v49 =	vld [tilespmem:s28+$0x8940]  }
0x4bc: {  	v39 =	vadd.f32 v40, v39;
	v40 =	vadd.f32 v47, v14;
	v47 =	vmul.f32 v36, v35;
	v50 =	vld [tilespmem:s28+$0x8960]  }
0x4bd: {  	v41 =	vadd.f32 v41, v45;
	v45 =	vadd.f32 v48, v21;
	v48 =	vmul.f32 v36, v31  }
0x4be: {  	[tilespmem:s28+$0x14900] =	vst v39;
	v39 =	vadd.f32 v44, v43;
	v43 =	vadd.f32 v47, v26;
	v44 =	vmul.f32 v36, v18  }
0x4bf: {  	[tilespmem:s28+$0x14920] =	vst v41;
	v41 =	vadd.f32 v46, v45;
	v45 =	vadd.f32 v48, v16;
	v46 =	vmul.f32 v36, v13  }
0x4c0: {  	[tilespmem:s28+$0x14910] =	vst v39;
	v39 =	vadd.f32 v49, v40;
	v38 =	vadd.f32 v38, v43;
	v40 =	vmul.f32 v36, v19  }
0x4c1: {  	v37 =	vadd.f32 v37, v42;
	v42 =	vmul.f32 v36, v22;
	[tilespmem:s28+$0x14930] =	vst v41;
	v41 =	vadd.f32 v50, v45  }
0x4c2: {  	v43 =	vmul.f32 v36, v23;
	[tilespmem:s28+$0x14940] =	vst v39;
	v39 =	vmul.f32 v36, v12  }
0x4c3: {  	[tilespmem:s28+$0x14970] =	vst v37;
	v37 =	vmul.f32 v36, v20;
	v36 =	vmul.f32 v36, v27  }
0x4c4: {  	[tilespmem:s28+$0x14960] =	vst v41  }
0x4c5: {  	s24 =	sor.u32 s24, s8;
	[tilespmem:s28+$0x14950] =	vst v38  }
0x4c6: {  	v38 =	vld [tilespmem:s24+$0x8910]  }
0x4c7: {  	v41 =	vld [tilespmem:s24+$0x8940]  }
0x4c8: {  	v45 =	vld [tilespmem:s24+$0x8960]  }
0x4c9: {  	v47 =	vld [tilespmem:s24+$0x8920]  }
0x4ca: {  	v44 =	vadd.f32 v44, v8;
	v46 =	vadd.f32 v46, v5;
	v48 =	vld [tilespmem:s24+$0x8900]  }
0x4cb: {  	v42 =	vadd.f32 v42, v10;
	v40 =	vadd.f32 v40, v6;
	v49 =	vld [tilespmem:s24+$0x8930]  }
0x4cc: {  	s28 =	sadd.s32 $0x1, s14;
	v38 =	vadd.f32 v38, v44;
	v41 =	vadd.f32 v41, v46;
	v44 =	vld [tilespmem:s24+$0x8950]  }
0x4cd: {  	v39 =	vadd.f32 v39, v4;
	v46 =	vmov s28;
	v40 =	vadd.f32 v45, v40;
	v45 =	vld [tilespmem:s24+$0x8970]  }
0x4ce: {  	[tilespmem:s24+$0x14910] =	vst v38;
	v38 =	vadd.f32 v47, v42;
	v42 =	vadd.f32 v43, v9;
	v43 =	vand.u32 $0x7F, v46  }
0x4cf: {  	v37 =	vadd.f32 v37, v7;
	v39 =	vadd.f32 v48, v39;
	[tilespmem:s24+$0x14960] =	vst v40;
	v40 =	vor.u32 v3, v43  }
0x4d0: {  	v36 =	vadd.f32 v36, v11;
	[tilespmem:s24+$0x14920] =	vst v38;
	v38 =	vadd.f32 v49, v42;
	v40 =	vbroadcast v40, $0x0  }
0x4d1: {  	[tilespmem:s24+$0x14940] =	vst v41;
	v37 =	vadd.f32 v44, v37  }
0x4d2: {  	[tilespmem:s24+$0x14930] =	vst v38;
	v36 =	vadd.f32 v45, v36  }
0x4d3: {  	[tilespmem:s24+$0x14950] =	vst v37  }
0x4d4: {  	s28 =	sadd.s32 $0x80, s7;
	[tilespmem:s24+$0x14970] =	vst v36  }
0x4d5: {  	[tilespmem:s24+$0x14900] =	vst v39;
	s24 =	sand.u32 $0x380, s28  }
0x4d6: {  	v36 =	vld.idx.msk [tilespmem:v40+s12+$0x0], $0xffff;
	s19 =	sor.u32 s19, s24  }
0x4d7: {  	v42 =	vld [tilespmem:s19+$0x8900]  }
.Ltmp7:
0x4d8: {  	v41 =	vld [tilespmem:s19+$0x8910];
	(pc) =	sbr.rel @p0 .LBB2_13-.Ltmp7, $4  }
0x4d9: {  	v40 =	vld [tilespmem:s19+$0x8950]  }
0x4da: {  	v38 =	vld [tilespmem:s19+$0x8920]  }
0x4db: {  	v39 =	vld [tilespmem:s19+$0x8930]  }
0x4dc: {  	v36 =	vcvt.s32.f32 v36;
	v37 =	vld [tilespmem:s19+$0x8940]  }
0x4dd: {  	_ = 	snop  }
0x4de: {  	v3 =	vmul.f32 v36, v32  }
0x4df: {  	v46 =	vmul.f32 v36, v33  }
0x4e0: {  	v47 =	vmul.f32 v36, v35;
	v3 =	vadd.f32 v3, v25  }
0x4e1: {  	v48 =	vmul.f32 v36, v34;
	v24 =	vadd.f32 v46, v24  }
0x4e2: {  	v49 =	vld [tilespmem:s19+$0x8960];
	v30 =	vmul.f32 v36, v30;
	v26 =	vadd.f32 v47, v26;
	v3 =	vadd.f32 v3, v42  }
0x4e3: {  	v51 =	vmul.f32 v36, v31;
	v21 =	vadd.f32 v48, v21;
	v24 =	vadd.f32 v24, v41  }
0x4e4: {  	v50 =	vld [tilespmem:s19+$0x8970];
	v28 =	vmul.f32 v36, v28;
	v17 =	vadd.f32 v30, v17;
	v26 =	vadd.f32 v40, v26;
	[tilespmem:s19+$0x14900] =	vst v3  }
0x4e5: {  	v16 =	vadd.f32 v51, v16;
	v21 =	vadd.f32 v39, v21;
	v3 =	vmul.f32 v36, v29;
	[tilespmem:s19+$0x14910] =	vst v24  }
0x4e6: {  	v14 =	vadd.f32 v28, v14;
	v17 =	vadd.f32 v38, v17;
	[tilespmem:s19+$0x14950] =	vst v26  }
0x4e7: {  	v52 =	vadd.f32 v49, v16;
	[tilespmem:s19+$0x14930] =	vst v21;
	v3 =	vadd.f32 v3, v15  }
0x4e8: {  	v14 =	vadd.f32 v37, v14;
	[tilespmem:s19+$0x14920] =	vst v17  }
0x4e9: {  	[tilespmem:s19+$0x14960] =	vst v52;
	v3 =	vadd.f32 v50, v3  }
0x4ea: {  	[tilespmem:s19+$0x14940] =	vst v14  }
0x4eb: {  	s7 =	sor.u32 s8, s24;
	[tilespmem:s19+$0x14970] =	vst v3  }
0x4ec: {  	v3 =	vld [tilespmem:s7+$0x8970]  }
0x4ed: {  	v53 =	vmul.f32 v36, v27;
	v15 =	vld [tilespmem:s7+$0x8920]  }
0x4ee: {  	v54 =	vmul.f32 v36, v22;
	v56 =	vld [tilespmem:s7+$0x8910]  }
0x4ef: {  	v57 =	vmul.f32 v36, v18;
	v11 =	vadd.f32 v53, v11;
	v17 =	vld [tilespmem:s7+$0x8930]  }
0x4f0: {  	v55 =	vmul.f32 v36, v23;
	v10 =	vadd.f32 v54, v10;
	v60 =	vld [tilespmem:s7+$0x8960]  }
0x4f1: {  	v19 =	vmul.f32 v36, v19;
	v8 =	vadd.f32 v57, v8;
	v58 =	vld [tilespmem:s7+$0x8950];
	v3 =	vadd.f32 v3, v11  }
0x4f2: {  	v59 =	vmul.f32 v36, v20;
	v9 =	vadd.f32 v55, v9;
	v61 =	vld [tilespmem:s7+$0x8900];
	v10 =	vadd.f32 v15, v10  }
0x4f3: {  	v12 =	vmul.f32 v36, v12;
	v6 =	vadd.f32 v19, v6;
	v62 =	vld [tilespmem:s7+$0x8940];
	v8 =	vadd.f32 v56, v8;
	[tilespmem:s7+$0x14970] =	vst v3  }
0x4f4: {  	v63 =	vmul.f32 v36, v13;
	v7 =	vadd.f32 v59, v7;
	v3 =	vadd.f32 v17, v9;
	[tilespmem:s7+$0x14920] =	vst v10  }
0x4f5: {  	v4 =	vadd.f32 v12, v4;
	v6 =	vadd.f32 v60, v6;
	[tilespmem:s7+$0x14910] =	vst v8  }
0x4f6: {  	v5 =	vadd.f32 v63, v5;
	[tilespmem:s7+$0x14930] =	vst v3;
	v3 =	vadd.f32 v58, v7  }
.Ltmp8:
0x4f7: {  	s28 =	sadd.s32 s6, s26;
	v4 =	vadd.f32 v61, v4;
	[tilespmem:s7+$0x14960] =	vst v6;
	(pc) =	sbr.rel @p1 .LBB2_16-.Ltmp8, $4  }
0x4f8: {  	s8 =	smul.u32 $0xC00, s28;
	[tilespmem:s7+$0x14950] =	vst v3;
	v3 =	vadd.f32 v62, v5  }
0x4f9: {  	[tilespmem:s7+$0x14900] =	vst v4  }
0x4fa: {  	s29 =	sadd.s32 s4, s8;
	[tilespmem:s7+$0x14940] =	vst v3  }
0x4fb: {  	[hbm4b:s29+s5] =	stream.linear.scatter [tilespmem:s23], [sflag:$0x4], $0x6000, $0x38;
	[tilespmem:$0x1A900] =	vst v63  }
0x4fc: {  	s7 =	sshll.u32 s25, $0x8  }
0x4fd: {  	s7 =	sand.u32 $0x3FFFFF00, s7  }
0x4fe: {  	v3 =	vld [tilespmem:s7+$0x180];
	_ =	sdelay $0x4  }
0x4ff: {  	v4 =	vshrl.u32 v3, $0x3  }
0x500: {  	v4 =	vmul.u32 $0x30, v4  }
0x501: {  	v3 =	vand.u32 $0x7, v3  }
0x502: {  	v3 =	vor.u32 v3, v4  }
0x503: {  	v4 =	vperm.xlane v3, v0;
	_ =	sdelay $0x1  }
0x504: {  	v4 =	vadd.s32 v1, v4;
	_ =	sdelay $0x3  }
0x505: {  	s8 =	simm.s32 $0x8900;
	v3 =	vperm.xlane v3, v2  }
0x506: {  	[tilespmem:s8], [sflag:$0x2] =	stream.indirect_vreg.gather [hbm4b:s1+s5], $0x80, v4, vm0, $0xb8;
	[tilespmem:$0x1A900] =	vst v63  }
0x507: {  	s29 =	simm.s32 $0x9100;
	v3 =	vadd.s32 v1, v3  }
0x508: {  	[tilespmem:s29], [sflag:$0x2] =	stream.indirect_vreg.gather [hbm4b:s9+s5], $0x80, v4, vm0, $0xb8;
	[tilespmem:$0x1A900] =	vst v63  }
0x509: {  	_ = 	snop  }
0x50a: {  	[tilespmem:s30], [sflag:$0x2] =	stream.indirect_vreg.gather [hbm4b:s10+s5], $0x80, v4, vm0, $0xb8;
	[tilespmem:$0x1A900] =	vst v63  }
0x50b: {  	_ = 	snop  }
0x50c: {  	[tilespmem:s31], [sflag:$0x2] =	stream.indirect_vreg.gather [hbm4b:s1+s5], $0x80, v3, vm0, $0xb8;
	[tilespmem:$0x1A900] =	vst v63  }
0x50d: {  	_ = 	snop  }
0x50e: {  	[tilespmem:s2], [sflag:$0x2] =	stream.indirect_vreg.gather [hbm4b:s9+s5], $0x80, v3, vm0, $0xb8;
	[tilespmem:$0x1A900] =	vst v63  }
0x50f: {  	_ = 	snop  }
0x510: {  	[tilespmem:s0], [sflag:$0x2] =	stream.indirect_vreg.gather [hbm4b:s10+s5], $0x80, v3, vm0, $0xb8;
	[tilespmem:$0x1A900] =	vst v63  }
0x511: {  	v3 =	vld [tilespmem:s7+$0x190];
	_ =	sdelay $0x4  }
0x512: {  	v63 =	vshrl.u32 v3, $0x3  }
0x513: {  	v4 =	vmul.u32 $0x30, v63  }
0x514: {  	v3 =	vand.u32 $0x7, v3  }
0x515: {  	v3 =	vor.u32 v3, v4  }
0x516: {  	v4 =	vperm.xlane v3, v0;
	_ =	sdelay $0x1  }
0x517: {  	v4 =	vadd.s32 v1, v4;
	_ =	sdelay $0x3  }
0x518: {  	v3 =	vperm.xlane v3, v2  }
0x519: {  	[tilespmem:s3], [sflag:$0x2] =	stream.indirect_vreg.gather [hbm4b:s1+s5], $0x80, v4, vm0, $0xb8;
	[tilespmem:$0x1A900] =	vst v63  }
0x51a: {  	v3 =	vadd.s32 v1, v3  }
0x51b: {  	[tilespmem:s13], [sflag:$0x2] =	stream.indirect_vreg.gather [hbm4b:s9+s5], $0x80, v4, vm0, $0xb8;
	[tilespmem:$0x1A900] =	vst v63  }
0x51c: {  	_ = 	snop  }
0x51d: {  	[tilespmem:s15], [sflag:$0x2] =	stream.indirect_vreg.gather [hbm4b:s10+s5], $0x80, v4, vm0, $0xb8;
	[tilespmem:$0x1A900] =	vst v63  }
0x51e: {  	_ = 	snop  }
0x51f: {  	[tilespmem:s16], [sflag:$0x2] =	stream.indirect_vreg.gather [hbm4b:s1+s5], $0x80, v3, vm0, $0xb8;
	[tilespmem:$0x1A900] =	vst v63  }
.Ltmp9:
0x520: {  	_ = 	snop;
	(pc) =	sbr.rel .LBB2_2-.Ltmp9, $4  }
0x521: {  	_ = 	snop  }
0x522: {  	[tilespmem:s17], [sflag:$0x2] =	stream.indirect_vreg.gather [hbm4b:s9+s5], $0x80, v3, vm0, $0xb8;
	[tilespmem:$0x1A900] =	vst v63  }
0x523: {  	s25 =	sadd.s32 $0x1, s25  }
0x524: {  	[tilespmem:s18], [sflag:$0x2] =	stream.indirect_vreg.gather [hbm4b:s10+s5], $0x80, v3, vm0, $0xb8;
	[tilespmem:$0x1A900] =	vst v63  }
.LBB2_17:
0x525: {  	_ =	sfence.sel $0x180000  }
0x526: {  	[bflag:$0x0] =	sbarrier.arrive $0xFFFF  }
0x527: {  	_ =	strace $0x90000047  }
0x528: {  	s0 =	stileid.u32;
	[bflag:$0x2] =	sbarrier.arrive $0xFFFF  }
0x529: {  	p0 =	sne.s32 s0, $0x0;
	s0 =	rddreg [dreg:$0x4]  }
0x52a: {  	s0 =	sadd.s32 @!p0 $0x100000, s0  }
0x52b: {  	[sflag:s0] =	ssyncadd.tile.s32 @!p0 $0x1;
	_ =	shalt  }
.Lfunc_end2:
_tile_overlayer_lowered:
.L_overlay_start_2:
0x52c: {  	(tag) =	ssettag $0x2  }
0x52d: {  	s0 =	rddreg [dreg:$0x0];
	s2 =	stileid.u32  }
0x52e: {  	s1 =	rddreg [dreg:$0x1];
	p0 =	sne.s32 s2, $0x0  }
0x52f: {  	s3 =	rddreg [dreg:$0x2];
	[bflag:$0x3] =	sbarrier.arrive $0xFFFF;
	s2 =	simm.s32 @!p0 $0x1C05  }
0x530: {  	[timem:s3], [sflag:s2] =	dma.local @!p0 [hbm:s0], s1  }
0x531: {  	s0 =	simm.s32 @!p0 $0x5  }
0x532: {  	_ =	swait.ge @!p0 [sflag:s0], s1  }
0x533: {  	s1 =	ssub.s32 @!p0 $0x0, s1;
	[sflag:s0] =	ssyncset.done @!p0 $0x0  }
0x534: {  	[sflag:s0] =	ssyncadd.s32 @!p0 s1  }
0x535: {  	[bflag:$0x3] =	sbarrier.arrive $0xFFFF  }
0x536: {  	_ =	shalt  }

</sc_bundles>
